<compile_context>
chip_gen: v7x
topology: tpu7x:2x2x1
jax: 0.10.2.dev20260603
libtpu: 0.0.44.dev20260713+nightly
codegen_flags: <defaults>
</compile_context>

<pallas_src>
import functools

import jax
import jax.numpy as jnp
from jax import lax
from jax.experimental import pallas as pl
from jax.experimental.pallas import tpu as pltpu, tpu_sc as plsc

N = 10000
C = 128
NS = 16
C4 = C // 4

NC = 2
NSUB = 16
NW = NC * NSUB
NPAD = 10240
NODES_PER_TILE = NPAD // NW
ROWS_PER_TILE = NODES_PER_TILE * NS
GCH = 128
NCH = ROWS_PER_TILE // GCH

_mesh = plsc.VectorSubcoreMesh(core_axis_name="c", subcore_axis_name="s")
_sc_params = pltpu.CompilerParams(needs_layout_passes=False)


def _worker_id():
    return lax.axis_index("s") * NC + lax.axis_index("c")


def _xc_body(x_ref, w_ref, o_ref):
    o_ref[...] = jnp.dot(x_ref[...], w_ref[...], preferred_element_type=jnp.float32)


def _xc_call(x_pad, wbig_t):
    return pl.pallas_call(
        _xc_body,
        grid=(NPAD // 256,),
        in_specs=[
            pl.BlockSpec((256, C), lambda i: (i, 0)),
            pl.BlockSpec((C, C), lambda i: (0, 0)),
        ],
        out_specs=pl.BlockSpec((256, C), lambda i: (i, 0)),
        out_shape=jax.ShapeDtypeStruct((NPAD, C), jnp.float32),
    )(x_pad, wbig_t)


@functools.partial(
    pl.kernel,
    mesh=_mesh,
    out_type=jax.ShapeDtypeStruct((6, NPAD * NS), jnp.float32),
    scratch_types=[
        pltpu.VMEM((NPAD * 3,), jnp.float32),
        pltpu.VMEM((NPAD * 3,), jnp.float32),
        pltpu.VMEM((ROWS_PER_TILE,), jnp.int32),
        pltpu.VMEM((6 * ROWS_PER_TILE,), jnp.float32),
    ],
    compiler_params=_sc_params,
)
def _geo_kernel(p_hbm, n_hbm, idx_hbm, geo_hbm, p_v, n_v, idx_v, geo_v):
    wid = _worker_id()
    base = wid * NODES_PER_TILE
    pltpu.sync_copy(p_hbm, p_v)
    pltpu.sync_copy(n_hbm, n_v)
    pltpu.sync_copy(idx_hbm.at[pl.ds(base * NS, ROWS_PER_TILE)], idx_v)

    def body(li, carry):
        gi = base + li
        gvec = jnp.full((NS,), 3 * gi, jnp.int32)
        nbr = idx_v[pl.ds(li * NS, NS)] * 3
        px = plsc.load_gather(p_v, [nbr])
        py = plsc.load_gather(p_v, [nbr + 1])
        pz = plsc.load_gather(p_v, [nbr + 2])
        ngx = plsc.load_gather(n_v, [nbr])
        ngy = plsc.load_gather(n_v, [nbr + 1])
        ngz = plsc.load_gather(n_v, [nbr + 2])
        pix = plsc.load_gather(p_v, [gvec])
        piy = plsc.load_gather(p_v, [gvec + 1])
        piz = plsc.load_gather(p_v, [gvec + 2])
        nix = plsc.load_gather(n_v, [gvec])
        niy = plsc.load_gather(n_v, [gvec + 1])
        niz = plsc.load_gather(n_v, [gvec + 2])
        dx = px - pix
        dy = py - piy
        dz = pz - piz
        off = li * NS
        geo_v[pl.ds(off, NS)] = dx * dx + dy * dy + dz * dz
        geo_v[pl.ds(off + ROWS_PER_TILE, NS)] = nix * dx + niy * dy + niz * dz
        geo_v[pl.ds(off + 2 * ROWS_PER_TILE, NS)] = ngx * dx + ngy * dy + ngz * dz
        geo_v[pl.ds(off + 3 * ROWS_PER_TILE, NS)] = (
            nix * ngx + niy * ngy + niz * ngz)
        geo_v[pl.ds(off + 4 * ROWS_PER_TILE, NS)] = (
            ngx * ngx + ngy * ngy + ngz * ngz)
        geo_v[pl.ds(off + 5 * ROWS_PER_TILE, NS)] = (
            nix * nix + niy * niy + niz * niz)
        return carry

    lax.fori_loop(0, NODES_PER_TILE, body, 0)
    for f in range(6):
        pltpu.sync_copy(
            geo_v.at[pl.ds(f * ROWS_PER_TILE, ROWS_PER_TILE)],
            geo_hbm.at[f, pl.ds(base * NS, ROWS_PER_TILE)])


@functools.partial(
    pl.kernel,
    mesh=_mesh,
    out_type=jax.ShapeDtypeStruct((NPAD * NS, C), jnp.float32),
    scratch_types=[
        pltpu.VMEM((NCH, GCH), jnp.int32),
        pltpu.VMEM((GCH, C), jnp.float32),
        pltpu.VMEM((GCH, C), jnp.float32),
        pltpu.SemaphoreType.DMA,
        pltpu.SemaphoreType.DMA,
    ],
    compiler_params=_sc_params,
)
def _gather_kernel(xc_hbm, idx_hbm, out_hbm, idx_v, buf_a, buf_b, sem_a, sem_b):
    wid = _worker_id()
    row_base = wid * ROWS_PER_TILE
    pltpu.sync_copy(idx_hbm.at[pl.ds(wid * NCH, NCH)], idx_v)
    bufs = (buf_a, buf_b)
    sems = (sem_a, sem_b)
    copies = [None, None]
    copies[0] = pltpu.async_copy(xc_hbm.at[idx_v.at[0]], bufs[0], sems[0])
    for c in range(NCH):
        cur = c % 2
        nxt = (c + 1) % 2
        if c + 1 < NCH:
            copies[nxt] = pltpu.async_copy(
                xc_hbm.at[idx_v.at[c + 1]], bufs[nxt], sems[nxt])
        copies[cur].wait()
        pltpu.sync_copy(bufs[cur], out_hbm.at[pl.ds(row_base + c * GCH, GCH)])


BLK = 256
RWS = BLK * NS


def _dense_body(dd_ref, n1d_ref, ngd_ref, n1ng_ref, ngng_ref, nn_ref,
                xg_ref, x_ref, we1_ref, geg_ref, geb_ref, we2pt_ref,
                w1t_ref, l1g_ref, l1b_ref, w2t_ref, l2g_ref, l2b_ref,
                wpt_ref, bp_ref, o_ref):
    eps = 1e-8
    dd = dd_ref[...]
    n1d = n1d_ref[...]
    ngd = ngd_ref[...]
    n1ng = n1ng_ref[...]
    ngng = ngng_ref[...]
    nn = nn_ref[...]

    def ang(num, aa, bb):
        cos = num / (jnp.sqrt(aa * bb) + eps)
        cos = jnp.clip(cos, -1.0 + 1e-6, 1.0 - 1e-6)
        return jnp.arctan2(jnp.sqrt((1.0 + cos) * (1.0 - cos)), cos)

    a1 = ang(n1d, nn, dd)
    a2 = ang(ngd, ngng, dd)
    a3 = ang(n1ng, nn, ngng)
    len_d = jnp.sqrt(dd + 1e-8)

    pe = (a1[:, :, None] * we1_ref[0][None, None, :]
          + a2[:, :, None] * we1_ref[1][None, None, :]
          + a3[:, :, None] * we1_ref[2][None, None, :]
          + len_d[:, :, None] * we1_ref[3][None, None, :])
    m = jnp.mean(pe, axis=-1, keepdims=True)
    v = jnp.mean((pe - m) ** 2, axis=-1, keepdims=True)
    h = (pe - m) * lax.rsqrt(v + 1e-5) * geg_ref[0][None, None, :] \
        + geb_ref[0][None, None, :]
    h = jnp.where(h > 0, h, 0.1 * h)
    h = h.reshape(RWS, C)
    pec = jnp.dot(h, we2pt_ref[...], preferred_element_type=jnp.float32)
    hc = (xg_ref[...] + pec).reshape(BLK, NS, C)
    hm = jnp.max(hc, axis=1)

    def ln(t, g, b):
        mm = jnp.mean(t, axis=-1, keepdims=True)
        vv = jnp.mean((t - mm) ** 2, axis=-1, keepdims=True)
        return (t - mm) * lax.rsqrt(vv + 1e-5) * g + b

    t = ln(jnp.dot(hm, w1t_ref[...], preferred_element_type=jnp.float32),
           l1g_ref[...], l1b_ref[...])
    t = jnp.where(t > 0, t, 0.1 * t)
    t = ln(jnp.dot(t, w2t_ref[...], preferred_element_type=jnp.float32),
           l2g_ref[...], l2b_ref[...])
    t = jnp.maximum(t + x_ref[...], 0.0)
    o_ref[...] = jnp.dot(t, wpt_ref[...], preferred_element_type=jnp.float32) \
        + bp_ref[...]


def _dense_call(geos, xg, x_pad, we1_eff, ge_g, ge_b, we2pt, w1t, l1g, l1b,
                w2t, l2g, l2b, wpt, bp):
    full = lambda shape: pl.BlockSpec(shape, lambda i: tuple(0 for _ in shape))
    geo_spec = pl.BlockSpec((BLK, NS), lambda i: (i, 0))
    return pl.pallas_call(
        _dense_body,
        grid=(NPAD // BLK,),
        in_specs=[
            geo_spec, geo_spec, geo_spec, geo_spec, geo_spec, geo_spec,
            pl.BlockSpec((RWS, C), lambda i: (i, 0)),
            pl.BlockSpec((BLK, C), lambda i: (i, 0)),
            full((8, C)),
            full((1, C)),
            full((1, C)),
            full((C, C)),
            full((C, 4 * C)),
            full((1, 4 * C)),
            full((1, 4 * C)),
            full((4 * C, C)),
            full((1, C)),
            full((1, C)),
            full((C, C)),
            full((1, C)),
        ],
        out_specs=pl.BlockSpec((BLK, C), lambda i: (i, 0)),
        out_shape=jax.ShapeDtypeStruct((NPAD, C), jnp.float32),
    )(*geos, xg, x_pad, we1_eff, ge_g, ge_b, we2pt, w1t, l1g, l1b,
      w2t, l2g, l2b, wpt, bp)


def kernel(p, x, o, n, idx, ppf_r, down_idx, xpp, r, W_proj, b_proj, W_conv,
           We1, ge_g, ge_b, We2, W1, ln1_g, ln1_b, W2, ln2_g, ln2_b):
    f32 = jnp.float32
    pad_n = NPAD - N
    p_pad = jnp.pad(p.astype(f32), ((0, pad_n), (0, 0)))
    n_pad = jnp.pad(n.astype(f32), ((0, pad_n), (0, 0)))
    x_pad = jnp.pad(x.astype(f32), ((0, pad_n), (0, 0)))
    g16 = jnp.pad(idx[:, :NS].astype(jnp.int32), ((0, pad_n), (0, 0)))
    gflat2d = g16.reshape(NPAD * NS // GCH, GCH)

    wbig = jnp.zeros((C, C), f32).at[:C4, :C4].set(W_conv)
    wbig = wbig.at[C4:, C4:].set(jnp.eye(C - C4, dtype=f32))
    we2p_t = (wbig @ We2).T
    w3_eff = We1[:, 3] + We1[:, 4] / (r[0] + 1e-8)
    we1_eff = jnp.zeros((8, C), f32)
    we1_eff = we1_eff.at[0].set(We1[:, 0]).at[1].set(We1[:, 1])
    we1_eff = we1_eff.at[2].set(We1[:, 2]).at[3].set(w3_eff)

    xc = _xc_call(x_pad, wbig.T)
    geo = _geo_kernel(p_pad.reshape(-1), n_pad.reshape(-1), g16.reshape(-1))
    xg = _gather_kernel(xc, gflat2d)
    geo3 = geo.reshape(6, NPAD, NS)
    geos = [geo3[f] for f in range(6)]
    out = _dense_call(
        geos, xg, x_pad, we1_eff,
        ge_g.reshape(1, C), ge_b.reshape(1, C), we2p_t,
        W1.T, ln1_g.reshape(1, 4 * C), ln1_b.reshape(1, 4 * C),
        W2.T, ln2_g.reshape(1, C), ln2_b.reshape(1, C),
        W_proj.T, b_proj.reshape(1, C))
    return out[:N]

# --- scband reference (transcript-rebuilt; emitter-appended) ---
"""Pipeline reference for scband-fusionblock-72567767433473 (READ-ONLY COPY).

The authoritative reference and input builder live on the scoring server;
editing this copy changes nothing except your own understanding.
"""

import jax, jax.numpy as jnp
import numpy as np

N = 10000
C = 128
NS = 16
K = 2 * NS

def _layer_norm(h, g, b, eps=1e-5):
    m = jnp.mean(h, axis=-1, keepdims=True)
    v = jnp.var(h, axis=-1, keepdims=True)
    return (h - m) / jnp.sqrt(v + eps) * g + b

def _leaky(h):
    return jnp.where(h > 0, h, 0.1 * h)

def _angle(a, b, eps=1e-8):
    cos = jnp.sum(a * b, -1) / (jnp.linalg.norm(a, axis=-1) * jnp.linalg.norm(b, axis=-1) + eps)
    return jnp.arccos(jnp.clip(cos, -1.0 + 1e-6, 1.0 - 1e-6))

def _calc_ppf(p, n, pg, ng):
    d = pg - p[:, None, :]
    len_d = jnp.sqrt(jnp.sum(d * d, -1) + 1e-8)
    nb = jnp.broadcast_to(n[:, None, :], ng.shape)
    return jnp.stack([_angle(nb, d), _angle(ng, d), _angle(nb, ng), len_d], -1)

def _cart2sphere(p, pg, r):
    d = pg - p[:, None, :]
    dist = jnp.sqrt(jnp.sum(d * d, -1) + 1e-8)
    return (dist / (r + 1e-8))[..., None]

def setup_inputs(seed: int = 0):
    key = jax.random.key(seed)
    ks = jax.random.split(key, 16)
    c4 = C // 4
    inp = {}
    inp['p'] = jax.random.normal(ks[0], (N, 3), jnp.float32)
    inp['x'] = jax.random.normal(ks[1], (N, C), jnp.float32)
    inp['o'] = jnp.zeros((1,), jnp.int32)
    inp['n'] = jax.random.normal(ks[2], (N, 3), jnp.float32)
    inp['idx'] = jax.random.randint(ks[3], (N, K), 0, N).astype(jnp.int64)
    inp['ppf_r'] = jnp.zeros((N, K, 4), jnp.float32)
    inp['down_idx'] = jnp.zeros((1,), jnp.int64)
    inp['xpp'] = jax.random.normal(ks[4], (N, 3), jnp.float32)
    inp['r'] = jnp.ones((1,), jnp.float32)
    inp['W_proj'] = jax.random.normal(ks[5], (C, C), jnp.float32) * 0.02
    inp['b_proj'] = jnp.zeros((C,), jnp.float32)
    inp['W_conv'] = jax.random.normal(ks[6], (c4, c4), jnp.float32) * 0.05
    inp['We1'] = jax.random.normal(ks[7], (C, 5), jnp.float32) * 0.1
    inp['ge_g'] = jnp.ones((C,), jnp.float32)
    inp['ge_b'] = jnp.zeros((C,), jnp.float32)
    inp['We2'] = jax.random.normal(ks[8], (C, C), jnp.float32) * 0.02
    inp['W1'] = jax.random.normal(ks[9], (4 * C, C), jnp.float32) * 0.02
    inp['ln1_g'] = jnp.ones((4 * C,), jnp.float32)
    inp['ln1_b'] = jnp.zeros((4 * C,), jnp.float32)
    inp['W2'] = jax.random.normal(ks[10], (C, 4 * C), jnp.float32) * 0.02
    inp['ln2_g'] = jnp.ones((C,), jnp.float32)
    inp['ln2_b'] = jnp.zeros((C,), jnp.float32)
    return inp

def reference(p, x, o, n, idx, ppf_r, down_idx, xpp, r, W_proj, b_proj, W_conv, We1, ge_g, ge_b, We2, W1, ln1_g, ln1_b, W2, ln2_g, ln2_b):
    # fusionblock.forward with idx is not None (no pointops query needed)
    gidx = idx
    ppf = _calc_ppf(p, n, p[gidx], n[gidx])          # [N, 2*NS, 4]
    # MLP_layer on first NS neighbors
    g16 = gidx[:, :NS]
    ppf16 = ppf[:, :NS]
    csph = _cart2sphere(p, p[g16], r)                 # [N, NS, 1]
    feat5 = jnp.concatenate([ppf16, csph], axis=-1)   # [N, NS, 5]
    pe = _leaky(_layer_norm(feat5 @ We1.T, ge_g, ge_b)) @ We2.T
    h = x[g16] + pe                                   # [N, NS, C]
    h = jnp.transpose(h, (0, 2, 1))                   # [N, C, NS]
    c4 = C // 4
    h1 = jnp.einsum('oc,nck->nok', W_conv, h[:, :c4, :])  # Partial_conv3 split_cat (1x1 conv)
    h = jnp.concatenate([h1, h[:, c4:, :]], axis=1)
    h = jnp.max(h, axis=-1)                           # pool over neighbors -> [N, C]
    h = _leaky(_layer_norm(h @ W1.T, ln1_g, ln1_b))
    h = _layer_norm(h @ W2.T, ln2_g, ln2_b)
    h = jax.nn.relu(h + x)                            # residual + relu
    out = h @ W_proj.T + b_proj                       # proj_mlp; trans_block is empty (blocks=1)
    return out

if __name__ == "__main__":
    import jax
    _d = setup_inputs()
    print(jax.jit(kernel)(*tuple(_d.values())))

</pallas_src>

<mosaic_0001>
#map = affine_map<(d0, d1) -> (0, 0)>
module attributes {stable_mosaic.version = 14 : i64} {
  func.func @_gather_kernel(%arg0: i32, %arg1: i32, %arg2: memref<10240x128xf32, #tpu.memory_space<hbm>>, %arg3: memref<1280x128xi32, #tpu.memory_space<hbm>>, %arg4: memref<163840x128xf32, #tpu.memory_space<hbm>>, %arg5: memref<40x128xi32, #tpu.memory_space<vmem>>, %arg6: memref<128x128xf32, #tpu.memory_space<vmem>>, %arg7: memref<128x128xf32, #tpu.memory_space<vmem>>, %arg8: memref<!tpu.dma_semaphore, #tpu.memory_space<semaphore_mem>>, %arg9: memref<!tpu.dma_semaphore, #tpu.memory_space<semaphore_mem>>) attributes {dimension_semantics = [#tpu.dimension_semantics<core_parallel>, #tpu.dimension_semantics<subcore_parallel>], iteration_bounds = array<i64: 2, 16>, scalar_prefetch = 0 : i64, scratch_operands = 5 : i64, tpu.core_type = #tpu.core_type<sc_vector_subcore>, window_params = [{transform_indices = #map}, {transform_indices = #map}, {transform_indices = #map}]} {
    %mul3A = arith.constant 2 : i32
    %mul3A_0 = arith.muli %arg1, %mul3A : i32
    %add3A = arith.addi %mul3A_0, %arg0 : i32
    %mul3A_1 = arith.constant 5120 : i32
    %mul3A_2 = arith.muli %add3A, %mul3A_1 : i32
    %mul3A_3 = arith.constant 40 : i32
    %mul3A_4 = arith.muli %add3A, %mul3A_3 : i32
    "tpu.region"() ({
      %run_scoped3A = tpu.sem_alloc : memref<!tpu.dma_semaphore, #tpu.memory_space<semaphore_mem>>
      %dma_start3A_643 = arith.constant 0 : i32
      %dma_start3A_644 = tpu.memref_slice %arg3[%mul3A_4, %dma_start3A_643] : memref<1280x128xi32, #tpu.memory_space<hbm>> -> memref<40x128xi32, #tpu.memory_space<hbm>>
      %dma_start3A_645 = arith.constant 0 : i32
      %dma_start3A_646 = tpu.memref_slice %arg3[%mul3A_4, %dma_start3A_645] : memref<1280x128xi32, #tpu.memory_space<hbm>> -> memref<40x128xi32, #tpu.memory_space<hbm>>
      tpu.enqueue_dma source(%dma_start3A_646 : memref<40x128xi32, #tpu.memory_space<hbm>>) target(%arg5 : memref<40x128xi32, #tpu.memory_space<vmem>>) target_semaphore(%run_scoped3A : memref<!tpu.dma_semaphore, #tpu.memory_space<semaphore_mem>>)
      %dma_wait3A_647 = arith.constant 0 : i32
      %dma_wait3A_648 = tpu.memref_slice %arg3[%mul3A_4, %dma_wait3A_647] : memref<1280x128xi32, #tpu.memory_space<hbm>> -> memref<40x128xi32, #tpu.memory_space<hbm>>
      %dma_wait3A_649 = arith.constant 0 : i32
      %dma_wait3A_650 = tpu.memref_slice %arg3[%mul3A_4, %dma_wait3A_649] : memref<1280x128xi32, #tpu.memory_space<hbm>> -> memref<40x128xi32, #tpu.memory_space<hbm>>
      tpu.wait_dma2 semaphore(%run_scoped3A : memref<!tpu.dma_semaphore, #tpu.memory_space<semaphore_mem>>) src(%dma_wait3A_650 : memref<40x128xi32, #tpu.memory_space<hbm>>) dst(%arg5 : memref<40x128xi32, #tpu.memory_space<vmem>>)
      tpu.yield
    }) : () -> ()
    %dma_start3A = arith.constant 0 : i32
    %dma_start3A_5 = arith.constant 0 : i32
    %dma_start3A_6 = tpu.memref_slice %arg5[%dma_start3A, %dma_start3A_5] : memref<40x128xi32, #tpu.memory_space<vmem>> -> memref<1x128xi32, #tpu.memory_space<vmem>>
    %dma_start3A_7 = tpu.memref_squeeze %dma_start3A_6 : memref<1x128xi32, #tpu.memory_space<vmem>> -> memref<128xi32, #tpu.memory_space<vmem>>
    %dma_start3A_8 = arith.constant 0 : i32
    %dma_start3A_9 = arith.constant 0 : i32
    %dma_start3A_10 = tpu.memref_slice %arg2[%dma_start3A_8, %dma_start3A_9] : memref<10240x128xf32, #tpu.memory_space<hbm>> -> memref<10240x128xf32, #tpu.memory_space<hbm>>
    tpu.enqueue_indirect_dma source(%dma_start3A_10 : memref<10240x128xf32, #tpu.memory_space<hbm>>) target(%arg6 : memref<128x128xf32, #tpu.memory_space<vmem>>) offsets(%dma_start3A_7 : memref<128xi32, #tpu.memory_space<vmem>>) semaphore(%arg8 : memref<!tpu.dma_semaphore, #tpu.memory_space<semaphore_mem>>)
    %dma_start3A_11 = arith.constant 1 : i32
    %dma_start3A_12 = arith.constant 0 : i32
    %dma_start3A_13 = tpu.memref_slice %arg5[%dma_start3A_11, %dma_start3A_12] : memref<40x128xi32, #tpu.memory_space<vmem>> -> memref<1x128xi32, #tpu.memory_space<vmem>>
    %dma_start3A_14 = tpu.memref_squeeze %dma_start3A_13 : memref<1x128xi32, #tpu.memory_space<vmem>> -> memref<128xi32, #tpu.memory_space<vmem>>
    %dma_start3A_15 = arith.constant 0 : i32
    %dma_start3A_16 = arith.constant 0 : i32
    %dma_start3A_17 = tpu.memref_slice %arg2[%dma_start3A_15, %dma_start3A_16] : memref<10240x128xf32, #tpu.memory_space<hbm>> -> memref<10240x128xf32, #tpu.memory_space<hbm>>
    tpu.enqueue_indirect_dma source(%dma_start3A_17 : memref<10240x128xf32, #tpu.memory_space<hbm>>) target(%arg7 : memref<128x128xf32, #tpu.memory_space<vmem>>) offsets(%dma_start3A_14 : memref<128xi32, #tpu.memory_space<vmem>>) semaphore(%arg9 : memref<!tpu.dma_semaphore, #tpu.memory_space<semaphore_mem>>)
    %dma_wait3A = arith.constant 0 : i32
    %dma_wait3A_18 = arith.constant 0 : i32
    %dma_wait3A_19 = tpu.memref_slice %arg5[%dma_wait3A, %dma_wait3A_18] : memref<40x128xi32, #tpu.memory_space<vmem>> -> memref<1x128xi32, #tpu.memory_space<vmem>>
    %dma_wait3A_20 = tpu.memref_squeeze %dma_wait3A_19 : memref<1x128xi32, #tpu.memory_space<vmem>> -> memref<128xi32, #tpu.memory_space<vmem>>
    %dma_wait3A_21 = arith.constant 0 : i32
    %dma_wait3A_22 = arith.constant 0 : i32
    %dma_wait3A_23 = tpu.memref_slice %arg2[%dma_wait3A_21, %dma_wait3A_22] : memref<10240x128xf32, #tpu.memory_space<hbm>> -> memref<10240x128xf32, #tpu.memory_space<hbm>>
    tpu.wait_indirect_dma semaphore(%arg8 : memref<!tpu.dma_semaphore, #tpu.memory_space<semaphore_mem>>) src(%dma_wait3A_23 : memref<10240x128xf32, #tpu.memory_space<hbm>>) dst(%arg6 : memref<128x128xf32, #tpu.memory_space<vmem>>)
    %add3A_24 = arith.constant 0 : i32
    %add3A_25 = arith.addi %mul3A_2, %add3A_24 : i32
    "tpu.region"() ({
      %run_scoped3A = tpu.sem_alloc : memref<!tpu.dma_semaphore, #tpu.memory_space<semaphore_mem>>
      %dma_start3A_643 = arith.constant 0 : i32
      %dma_start3A_644 = tpu.memref_slice %arg4[%add3A_25, %dma_start3A_643] : memref<163840x128xf32, #tpu.memory_space<hbm>> -> memref<128x128xf32, #tpu.memory_space<hbm>>
      %dma_start3A_645 = arith.constant 0 : i32
      %dma_start3A_646 = tpu.memref_slice %arg4[%add3A_25, %dma_start3A_645] : memref<163840x128xf32, #tpu.memory_space<hbm>> -> memref<128x128xf32, #tpu.memory_space<hbm>>
      tpu.enqueue_dma source(%arg6 : memref<128x128xf32, #tpu.memory_space<vmem>>) target(%dma_start3A_646 : memref<128x128xf32, #tpu.memory_space<hbm>>) target_semaphore(%run_scoped3A : memref<!tpu.dma_semaphore, #tpu.memory_space<semaphore_mem>>)
      %dma_wait3A_647 = arith.constant 0 : i32
      %dma_wait3A_648 = tpu.memref_slice %arg4[%add3A_25, %dma_wait3A_647] : memref<163840x128xf32, #tpu.memory_space<hbm>> -> memref<128x128xf32, #tpu.memory_space<hbm>>
      %dma_wait3A_649 = arith.constant 0 : i32
      %dma_wait3A_650 = tpu.memref_slice %arg4[%add3A_25, %dma_wait3A_649] : memref<163840x128xf32, #tpu.memory_space<hbm>> -> memref<128x128xf32, #tpu.memory_space<hbm>>
      tpu.wait_dma2 semaphore(%run_scoped3A : memref<!tpu.dma_semaphore, #tpu.memory_space<semaphore_mem>>) src(%arg6 : memref<128x128xf32, #tpu.memory_space<vmem>>) dst(%dma_wait3A_650 : memref<128x128xf32, #tpu.memory_space<hbm>>)
      tpu.yield
    }) : () -> ()
    %dma_start3A_26 = arith.constant 2 : i32
    %dma_start3A_27 = arith.constant 0 : i32
    %dma_start3A_28 = tpu.memref_slice %arg5[%dma_start3A_26, %dma_start3A_27] : memref<40x128xi32, #tpu.memory_space<vmem>> -> memref<1x128xi32, #tpu.memory_space<vmem>>
    %dma_start3A_29 = tpu.memref_squeeze %dma_start3A_28 : memref<1x128xi32, #tpu.memory_space<vmem>> -> memref<128xi32, #tpu.memory_space<vmem>>
    %dma_start3A_30 = arith.constant 0 : i32
    %dma_start3A_31 = arith.constant 0 : i32
    %dma_start3A_32 = tpu.memref_slice %arg2[%dma_start3A_30, %dma_start3A_31] : memref<10240x128xf32, #tpu.memory_space<hbm>> -> memref<10240x128xf32, #tpu.memory_space<hbm>>
    tpu.enqueue_indirect_dma source(%dma_start3A_32 : memref<10240x128xf32, #tpu.memory_space<hbm>>) target(%arg6 : memref<128x128xf32, #tpu.memory_space<vmem>>) offsets(%dma_start3A_29 : memref<128xi32, #tpu.memory_space<vmem>>) semaphore(%arg8 : memref<!tpu.dma_semaphore, #tpu.memory_space<semaphore_mem>>)
    %dma_wait3A_33 = arith.constant 1 : i32
    %dma_wait3A_34 = arith.constant 0 : i32
    %dma_wait3A_35 = tpu.memref_slice %arg5[%dma_wait3A_33, %dma_wait3A_34] : memref<40x128xi32, #tpu.memory_space<vmem>> -> memref<1x128xi32, #tpu.memory_space<vmem>>
    %dma_wait3A_36 = tpu.memref_squeeze %dma_wait3A_35 : memref<1x128xi32, #tpu.memory_space<vmem>> -> memref<128xi32, #tpu.memory_space<vmem>>
    %dma_wait3A_37 = arith.constant 0 : i32
    %dma_wait3A_38 = arith.constant 0 : i32
    %dma_wait3A_39 = tpu.memref_slice %arg2[%dma_wait3A_37, %dma_wait3A_38] : memref<10240x128xf32, #tpu.memory_space<hbm>> -> memref<10240x128xf32, #tpu.memory_space<hbm>>
    tpu.wait_indirect_dma semaphore(%arg9 : memref<!tpu.dma_semaphore, #tpu.memory_space<semaphore_mem>>) src(%dma_wait3A_39 : memref<10240x128xf32, #tpu.memory_space<hbm>>) dst(%arg7 : memref<128x128xf32, #tpu.memory_space<vmem>>)
    %add3A_40 = arith.constant 128 : i32
    %add3A_41 = arith.addi %mul3A_2, %add3A_40 : i32
    "tpu.region"() ({
      %run_scoped3A = tpu.sem_alloc : memref<!tpu.dma_semaphore, #tpu.memory_space<semaphore_mem>>
      %dma_start3A_643 = arith.constant 0 : i32
      %dma_start3A_644 = tpu.memref_slice %arg4[%add3A_41, %dma_start3A_643] : memref<163840x128xf32, #tpu.memory_space<hbm>> -> memref<128x128xf32, #tpu.memory_space<hbm>>
      %dma_start3A_645 = arith.constant 0 : i32
      %dma_start3A_646 = tpu.memref_slice %arg4[%add3A_41, %dma_start3A_645] : memref<163840x128xf32, #tpu.memory_space<hbm>> -> memref<128x128xf32, #tpu.memory_space<hbm>>
      tpu.enqueue_dma source(%arg7 : memref<128x128xf32, #tpu.memory_space<vmem>>) target(%dma_start3A_646 : memref<128x128xf32, #tpu.memory_space<hbm>>) target_semaphore(%run_scoped3A : memref<!tpu.dma_semaphore, #tpu.memory_space<semaphore_mem>>)
      %dma_wait3A_647 = arith.constant 0 : i32
      %dma_wait3A_648 = tpu.memref_slice %arg4[%add3A_41, %dma_wait3A_647] : memref<163840x128xf32, #tpu.memory_space<hbm>> -> memref<128x128xf32, #tpu.memory_space<hbm>>
      %dma_wait3A_649 = arith.constant 0 : i32
      %dma_wait3A_650 = tpu.memref_slice %arg4[%add3A_41, %dma_wait3A_649] : memref<163840x128xf32, #tpu.memory_space<hbm>> -> memref<128x128xf32, #tpu.memory_space<hbm>>
      tpu.wait_dma2 semaphore(%run_scoped3A : memref<!tpu.dma_semaphore, #tpu.memory_space<semaphore_mem>>) src(%arg7 : memref<128x128xf32, #tpu.memory_space<vmem>>) dst(%dma_wait3A_650 : memref<128x128xf32, #tpu.memory_space<hbm>>)
      tpu.yield
    }) : () -> ()
    %dma_start3A_42 = arith.constant 3 : i32
    %dma_start3A_43 = arith.constant 0 : i32
    %dma_start3A_44 = tpu.memref_slice %arg5[%dma_start3A_42, %dma_start3A_43] : memref<40x128xi32, #tpu.memory_space<vmem>> -> memref<1x128xi32, #tpu.memory_space<vmem>>
    %dma_start3A_45 = tpu.memref_squeeze %dma_start3A_44 : memref<1x128xi32, #tpu.memory_space<vmem>> -> memref<128xi32, #tpu.memory_space<vmem>>
    %dma_start3A_46 = arith.constant 0 : i32
    %dma_start3A_47 = arith.constant 0 : i32
    %dma_start3A_48 = tpu.memref_slice %arg2[%dma_start3A_46, %dma_start3A_47] : memref<10240x128xf32, #tpu.memory_space<hbm>> -> memref<10240x128xf32, #tpu.memory_space<hbm>>
    tpu.enqueue_indirect_dma source(%dma_start3A_48 : memref<10240x128xf32, #tpu.memory_space<hbm>>) target(%arg7 : memref<128x128xf32, #tpu.memory_space<vmem>>) offsets(%dma_start3A_45 : memref<128xi32, #tpu.memory_space<vmem>>) semaphore(%arg9 : memref<!tpu.dma_semaphore, #tpu.memory_space<semaphore_mem>>)
    %dma_wait3A_49 = arith.constant 2 : i32
    %dma_wait3A_50 = arith.constant 0 : i32
    %dma_wait3A_51 = tpu.memref_slice %arg5[%dma_wait3A_49, %dma_wait3A_50] : memref<40x128xi32, #tpu.memory_space<vmem>> -> memref<1x128xi32, #tpu.memory_space<vmem>>
    %dma_wait3A_52 = tpu.memref_squeeze %dma_wait3A_51 : memref<1x128xi32, #tpu.memory_space<vmem>> -> memref<128xi32, #tpu.memory_space<vmem>>
    %dma_wait3A_53 = arith.constant 0 : i32
    %dma_wait3A_54 = arith.constant 0 : i32
    %dma_wait3A_55 = tpu.memref_slice %arg2[%dma_wait3A_53, %dma_wait3A_54] : memref<10240x128xf32, #tpu.memory_space<hbm>> -> memref<10240x128xf32, #tpu.memory_space<hbm>>
    tpu.wait_indirect_dma semaphore(%arg8 : memref<!tpu.dma_semaphore, #tpu.memory_space<semaphore_mem>>) src(%dma_wait3A_55 : memref<10240x128xf32, #tpu.memory_space<hbm>>) dst(%arg6 : memref<128x128xf32, #tpu.memory_space<vmem>>)
    %add3A_56 = arith.constant 256 : i32
    %add3A_57 = arith.addi %mul3A_2, %add3A_56 : i32
    "tpu.region"() ({
      %run_scoped3A = tpu.sem_alloc : memref<!tpu.dma_semaphore, #tpu.memory_space<semaphore_mem>>
      %dma_start3A_643 = arith.constant 0 : i32
      %dma_start3A_644 = tpu.memref_slice %arg4[%add3A_57, %dma_start3A_643] : memref<163840x128xf32, #tpu.memory_space<hbm>> -> memref<128x128xf32, #tpu.memory_space<hbm>>
      %dma_start3A_645 = arith.constant 0 : i32
      %dma_start3A_646 = tpu.memref_slice %arg4[%add3A_57, %dma_start3A_645] : memref<163840x128xf32, #tpu.memory_space<hbm>> -> memref<128x128xf32, #tpu.memory_space<hbm>>
      tpu.enqueue_dma source(%arg6 : memref<128x128xf32, #tpu.memory_space<vmem>>) target(%dma_start3A_646 : memref<128x128xf32, #tpu.memory_space<hbm>>) target_semaphore(%run_scoped3A : memref<!tpu.dma_semaphore, #tpu.memory_space<semaphore_mem>>)
      %dma_wait3A_647 = arith.constant 0 : i32
      %dma_wait3A_648 = tpu.memref_slice %arg4[%add3A_57, %dma_wait3A_647] : memref<163840x128xf32, #tpu.memory_space<hbm>> -> memref<128x128xf32, #tpu.memory_space<hbm>>
      %dma_wait3A_649 = arith.constant 0 : i32
      %dma_wait3A_650 = tpu.memref_slice %arg4[%add3A_57, %dma_wait3A_649] : memref<163840x128xf32, #tpu.memory_space<hbm>> -> memref<128x128xf32, #tpu.memory_space<hbm>>
      tpu.wait_dma2 semaphore(%run_scoped3A : memref<!tpu.dma_semaphore, #tpu.memory_space<semaphore_mem>>) src(%arg6 : memref<128x128xf32, #tpu.memory_space<vmem>>) dst(%dma_wait3A_650 : memref<128x128xf32, #tpu.memory_space<hbm>>)
      tpu.yield
    }) : () -> ()
    %dma_start3A_58 = arith.constant 4 : i32
    %dma_start3A_59 = arith.constant 0 : i32
    %dma_start3A_60 = tpu.memref_slice %arg5[%dma_start3A_58, %dma_start3A_59] : memref<40x128xi32, #tpu.memory_space<vmem>> -> memref<1x128xi32, #tpu.memory_space<vmem>>
    %dma_start3A_61 = tpu.memref_squeeze %dma_start3A_60 : memref<1x128xi32, #tpu.memory_space<vmem>> -> memref<128xi32, #tpu.memory_space<vmem>>
    %dma_start3A_62 = arith.constant 0 : i32
    %dma_start3A_63 = arith.constant 0 : i32
    %dma_start3A_64 = tpu.memref_slice %arg2[%dma_start3A_62, %dma_start3A_63] : memref<10240x128xf32, #tpu.memory_space<hbm>> -> memref<10240x128xf32, #tpu.memory_space<hbm>>
    tpu.enqueue_indirect_dma source(%dma_start3A_64 : memref<10240x128xf32, #tpu.memory_space<hbm>>) target(%arg6 : memref<128x128xf32, #tpu.memory_space<vmem>>) offsets(%dma_start3A_61 : memref<128xi32, #tpu.memory_space<vmem>>) semaphore(%arg8 : memref<!tpu.dma_semaphore, #tpu.memory_space<semaphore_mem>>)
    %dma_wait3A_65 = arith.constant 3 : i32
    %dma_wait3A_66 = arith.constant 0 : i32
    %dma_wait3A_67 = tpu.memref_slice %arg5[%dma_wait3A_65, %dma_wait3A_66] : memref<40x128xi32, #tpu.memory_space<vmem>> -> memref<1x128xi32, #tpu.memory_space<vmem>>
    %dma_wait3A_68 = tpu.memref_squeeze %dma_wait3A_67 : memref<1x128xi32, #tpu.memory_space<vmem>> -> memref<128xi32, #tpu.memory_space<vmem>>
    %dma_wait3A_69 = arith.constant 0 : i32
    %dma_wait3A_70 = arith.constant 0 : i32
    %dma_wait3A_71 = tpu.memref_slice %arg2[%dma_wait3A_69, %dma_wait3A_70] : memref<10240x128xf32, #tpu.memory_space<hbm>> -> memref<10240x128xf32, #tpu.memory_space<hbm>>
    tpu.wait_indirect_dma semaphore(%arg9 : memref<!tpu.dma_semaphore, #tpu.memory_space<semaphore_mem>>) src(%dma_wait3A_71 : memref<10240x128xf32, #tpu.memory_space<hbm>>) dst(%arg7 : memref<128x128xf32, #tpu.memory_space<vmem>>)
    %add3A_72 = arith.constant 384 : i32
    %add3A_73 = arith.addi %mul3A_2, %add3A_72 : i32
    "tpu.region"() ({
      %run_scoped3A = tpu.sem_alloc : memref<!tpu.dma_semaphore, #tpu.memory_space<semaphore_mem>>
      %dma_start3A_643 = arith.constant 0 : i32
      %dma_start3A_644 = tpu.memref_slice %arg4[%add3A_73, %dma_start3A_643] : memref<163840x128xf32, #tpu.memory_space<hbm>> -> memref<128x128xf32, #tpu.memory_space<hbm>>
      %dma_start3A_645 = arith.constant 0 : i32
      %dma_start3A_646 = tpu.memref_slice %arg4[%add3A_73, %dma_start3A_645] : memref<163840x128xf32, #tpu.memory_space<hbm>> -> memref<128x128xf32, #tpu.memory_space<hbm>>
      tpu.enqueue_dma source(%arg7 : memref<128x128xf32, #tpu.memory_space<vmem>>) target(%dma_start3A_646 : memref<128x128xf32, #tpu.memory_space<hbm>>) target_semaphore(%run_scoped3A : memref<!tpu.dma_semaphore, #tpu.memory_space<semaphore_mem>>)
      %dma_wait3A_647 = arith.constant 0 : i32
      %dma_wait3A_648 = tpu.memref_slice %arg4[%add3A_73, %dma_wait3A_647] : memref<163840x128xf32, #tpu.memory_space<hbm>> -> memref<128x128xf32, #tpu.memory_space<hbm>>
      %dma_wait3A_649 = arith.constant 0 : i32
      %dma_wait3A_650 = tpu.memref_slice %arg4[%add3A_73, %dma_wait3A_649] : memref<163840x128xf32, #tpu.memory_space<hbm>> -> memref<128x128xf32, #tpu.memory_space<hbm>>
      tpu.wait_dma2 semaphore(%run_scoped3A : memref<!tpu.dma_semaphore, #tpu.memory_space<semaphore_mem>>) src(%arg7 : memref<128x128xf32, #tpu.memory_space<vmem>>) dst(%dma_wait3A_650 : memref<128x128xf32, #tpu.memory_space<hbm>>)
      tpu.yield
    }) : () -> ()
    %dma_start3A_74 = arith.constant 5 : i32
    %dma_start3A_75 = arith.constant 0 : i32
    %dma_start3A_76 = tpu.memref_slice %arg5[%dma_start3A_74, %dma_start3A_75] : memref<40x128xi32, #tpu.memory_space<vmem>> -> memref<1x128xi32, #tpu.memory_space<vmem>>
    %dma_start3A_77 = tpu.memref_squeeze %dma_start3A_76 : memref<1x128xi32, #tpu.memory_space<vmem>> -> memref<128xi32, #tpu.memory_space<vmem>>
    %dma_start3A_78 = arith.constant 0 : i32
    %dma_start3A_79 = arith.constant 0 : i32
    %dma_start3A_80 = tpu.memref_slice %arg2[%dma_start3A_78, %dma_start3A_79] : memref<10240x128xf32, #tpu.memory_space<hbm>> -> memref<10240x128xf32, #tpu.memory_space<hbm>>
    tpu.enqueue_indirect_dma source(%dma_start3A_80 : memref<10240x128xf32, #tpu.memory_space<hbm>>) target(%arg7 : memref<128x128xf32, #tpu.memory_space<vmem>>) offsets(%dma_start3A_77 : memref<128xi32, #tpu.memory_space<vmem>>) semaphore(%arg9 : memref<!tpu.dma_semaphore, #tpu.memory_space<semaphore_mem>>)
    %dma_wait3A_81 = arith.constant 4 : i32
    %dma_wait3A_82 = arith.constant 0 : i32
    %dma_wait3A_83 = tpu.memref_slice %arg5[%dma_wait3A_81, %dma_wait3A_82] : memref<40x128xi32, #tpu.memory_space<vmem>> -> memref<1x128xi32, #tpu.memory_space<vmem>>
    %dma_wait3A_84 = tpu.memref_squeeze %dma_wait3A_83 : memref<1x128xi32, #tpu.memory_space<vmem>> -> memref<128xi32, #tpu.memory_space<vmem>>
    %dma_wait3A_85 = arith.constant 0 : i32
    %dma_wait3A_86 = arith.constant 0 : i32
    %dma_wait3A_87 = tpu.memref_slice %arg2[%dma_wait3A_85, %dma_wait3A_86] : memref<10240x128xf32, #tpu.memory_space<hbm>> -> memref<10240x128xf32, #tpu.memory_space<hbm>>
    tpu.wait_indirect_dma semaphore(%arg8 : memref<!tpu.dma_semaphore, #tpu.memory_space<semaphore_mem>>) src(%dma_wait3A_87 : memref<10240x128xf32, #tpu.memory_space<hbm>>) dst(%arg6 : memref<128x128xf32, #tpu.memory_space<vmem>>)
    %add3A_88 = arith.constant 512 : i32
    %add3A_89 = arith.addi %mul3A_2, %add3A_88 : i32
    "tpu.region"() ({
      %run_scoped3A = tpu.sem_alloc : memref<!tpu.dma_semaphore, #tpu.memory_space<semaphore_mem>>
      %dma_start3A_643 = arith.constant 0 : i32
      %dma_start3A_644 = tpu.memref_slice %arg4[%add3A_89, %dma_start3A_643] : memref<163840x128xf32, #tpu.memory_space<hbm>> -> memref<128x128xf32, #tpu.memory_space<hbm>>
      %dma_start3A_645 = arith.constant 0 : i32
      %dma_start3A_646 = tpu.memref_slice %arg4[%add3A_89, %dma_start3A_645] : memref<163840x128xf32, #tpu.memory_space<hbm>> -> memref<128x128xf32, #tpu.memory_space<hbm>>
      tpu.enqueue_dma source(%arg6 : memref<128x128xf32, #tpu.memory_space<vmem>>) target(%dma_start3A_646 : memref<128x128xf32, #tpu.memory_space<hbm>>) target_semaphore(%run_scoped3A : memref<!tpu.dma_semaphore, #tpu.memory_space<semaphore_mem>>)
      %dma_wait3A_647 = arith.constant 0 : i32
      %dma_wait3A_648 = tpu.memref_slice %arg4[%add3A_89, %dma_wait3A_647] : memref<163840x128xf32, #tpu.memory_space<hbm>> -> memref<128x128xf32, #tpu.memory_space<hbm>>
      %dma_wait3A_649 = arith.constant 0 : i32
      %dma_wait3A_650 = tpu.memref_slice %arg4[%add3A_89, %dma_wait3A_649] : memref<163840x128xf32, #tpu.memory_space<hbm>> -> memref<128x128xf32, #tpu.memory_space<hbm>>
      tpu.wait_dma2 semaphore(%run_scoped3A : memref<!tpu.dma_semaphore, #tpu.memory_space<semaphore_mem>>) src(%arg6 : memref<128x128xf32, #tpu.memory_space<vmem>>) dst(%dma_wait3A_650 : memref<128x128xf32, #tpu.memory_space<hbm>>)
      tpu.yield
    }) : () -> ()
    %dma_start3A_90 = arith.constant 6 : i32
    %dma_start3A_91 = arith.constant 0 : i32
    %dma_start3A_92 = tpu.memref_slice %arg5[%dma_start3A_90, %dma_start3A_91] : memref<40x128xi32, #tpu.memory_space<vmem>> -> memref<1x128xi32, #tpu.memory_space<vmem>>
    %dma_start3A_93 = tpu.memref_squeeze %dma_start3A_92 : memref<1x128xi32, #tpu.memory_space<vmem>> -> memref<128xi32, #tpu.memory_space<vmem>>
    %dma_start3A_94 = arith.constant 0 : i32
    %dma_start3A_95 = arith.constant 0 : i32
    %dma_start3A_96 = tpu.memref_slice %arg2[%dma_start3A_94, %dma_start3A_95] : memref<10240x128xf32, #tpu.memory_space<hbm>> -> memref<10240x128xf32, #tpu.memory_space<hbm>>
    tpu.enqueue_indirect_dma source(%dma_start3A_96 : memref<10240x128xf32, #tpu.memory_space<hbm>>) target(%arg6 : memref<128x128xf32, #tpu.memory_space<vmem>>) offsets(%dma_start3A_93 : memref<128xi32, #tpu.memory_space<vmem>>) semaphore(%arg8 : memref<!tpu.dma_semaphore, #tpu.memory_space<semaphore_mem>>)
    %dma_wait3A_97 = arith.constant 5 : i32
    %dma_wait3A_98 = arith.constant 0 : i32
    %dma_wait3A_99 = tpu.memref_slice %arg5[%dma_wait3A_97, %dma_wait3A_98] : memref<40x128xi32, #tpu.memory_space<vmem>> -> memref<1x128xi32, #tpu.memory_space<vmem>>
    %dma_wait3A_100 = tpu.memref_squeeze %dma_wait3A_99 : memref<1x128xi32, #tpu.memory_space<vmem>> -> memref<128xi32, #tpu.memory_space<vmem>>
    %dma_wait3A_101 = arith.constant 0 : i32
    %dma_wait3A_102 = arith.constant 0 : i32
    %dma_wait3A_103 = tpu.memref_slice %arg2[%dma_wait3A_101, %dma_wait3A_102] : memref<10240x128xf32, #tpu.memory_space<hbm>> -> memref<10240x128xf32, #tpu.memory_space<hbm>>
    tpu.wait_indirect_dma semaphore(%arg9 : memref<!tpu.dma_semaphore, #tpu.memory_space<semaphore_mem>>) src(%dma_wait3A_103 : memref<10240x128xf32, #tpu.memory_space<hbm>>) dst(%arg7 : memref<128x128xf32, #tpu.memory_space<vmem>>)
    %add3A_104 = arith.constant 640 : i32
    %add3A_105 = arith.addi %mul3A_2, %add3A_104 : i32
    "tpu.region"() ({
      %run_scoped3A = tpu.sem_alloc : memref<!tpu.dma_semaphore, #tpu.memory_space<semaphore_mem>>
      %dma_start3A_643 = arith.constant 0 : i32
      %dma_start3A_644 = tpu.memref_slice %arg4[%add3A_105, %dma_start3A_643] : memref<163840x128xf32, #tpu.memory_space<hbm>> -> memref<128x128xf32, #tpu.memory_space<hbm>>
      %dma_start3A_645 = arith.constant 0 : i32
      %dma_start3A_646 = tpu.memref_slice %arg4[%add3A_105, %dma_start3A_645] : memref<163840x128xf32, #tpu.memory_space<hbm>> -> memref<128x128xf32, #tpu.memory_space<hbm>>
      tpu.enqueue_dma source(%arg7 : memref<128x128xf32, #tpu.memory_space<vmem>>) target(%dma_start3A_646 : memref<128x128xf32, #tpu.memory_space<hbm>>) target_semaphore(%run_scoped3A : memref<!tpu.dma_semaphore, #tpu.memory_space<semaphore_mem>>)
      %dma_wait3A_647 = arith.constant 0 : i32
      %dma_wait3A_648 = tpu.memref_slice %arg4[%add3A_105, %dma_wait3A_647] : memref<163840x128xf32, #tpu.memory_space<hbm>> -> memref<128x128xf32, #tpu.memory_space<hbm>>
      %dma_wait3A_649 = arith.constant 0 : i32
      %dma_wait3A_650 = tpu.memref_slice %arg4[%add3A_105, %dma_wait3A_649] : memref<163840x128xf32, #tpu.memory_space<hbm>> -> memref<128x128xf32, #tpu.memory_space<hbm>>
      tpu.wait_dma2 semaphore(%run_scoped3A : memref<!tpu.dma_semaphore, #tpu.memory_space<semaphore_mem>>) src(%arg7 : memref<128x128xf32, #tpu.memory_space<vmem>>) dst(%dma_wait3A_650 : memref<128x128xf32, #tpu.memory_space<hbm>>)
      tpu.yield
    }) : () -> ()
    %dma_start3A_106 = arith.constant 7 : i32
    %dma_start3A_107 = arith.constant 0 : i32
    %dma_start3A_108 = tpu.memref_slice %arg5[%dma_start3A_106, %dma_start3A_107] : memref<40x128xi32, #tpu.memory_space<vmem>> -> memref<1x128xi32, #tpu.memory_space<vmem>>
    %dma_start3A_109 = tpu.memref_squeeze %dma_start3A_108 : memref<1x128xi32, #tpu.memory_space<vmem>> -> memref<128xi32, #tpu.memory_space<vmem>>
    %dma_start3A_110 = arith.constant 0 : i32
    %dma_start3A_111 = arith.constant 0 : i32
    %dma_start3A_112 = tpu.memref_slice %arg2[%dma_start3A_110, %dma_start3A_111] : memref<10240x128xf32, #tpu.memory_space<hbm>> -> memref<10240x128xf32, #tpu.memory_space<hbm>>
    tpu.enqueue_indirect_dma source(%dma_start3A_112 : memref<10240x128xf32, #tpu.memory_space<hbm>>) target(%arg7 : memref<128x128xf32, #tpu.memory_space<vmem>>) offsets(%dma_start3A_109 : memref<128xi32, #tpu.memory_space<vmem>>) semaphore(%arg9 : memref<!tpu.dma_semaphore, #tpu.memory_space<semaphore_mem>>)
    %dma_wait3A_113 = arith.constant 6 : i32
    %dma_wait3A_114 = arith.constant 0 : i32
    %dma_wait3A_115 = tpu.memref_slice %arg5[%dma_wait3A_113, %dma_wait3A_114] : memref<40x128xi32, #tpu.memory_space<vmem>> -> memref<1x128xi32, #tpu.memory_space<vmem>>
    %dma_wait3A_116 = tpu.memref_squeeze %dma_wait3A_115 : memref<1x128xi32, #tpu.memory_space<vmem>> -> memref<128xi32, #tpu.memory_space<vmem>>
    %dma_wait3A_117 = arith.constant 0 : i32
    %dma_wait3A_118 = arith.constant 0 : i32
    %dma_wait3A_119 = tpu.memref_slice %arg2[%dma_wait3A_117, %dma_wait3A_118] : memref<10240x128xf32, #tpu.memory_space<hbm>> -> memref<10240x128xf32, #tpu.memory_space<hbm>>
    tpu.wait_indirect_dma semaphore(%arg8 : memref<!tpu.dma_semaphore, #tpu.memory_space<semaphore_mem>>) src(%dma_wait3A_119 : memref<10240x128xf32, #tpu.memory_space<hbm>>) dst(%arg6 : memref<128x128xf32, #tpu.memory_space<vmem>>)
    %add3A_120 = arith.constant 768 : i32
    %add3A_121 = arith.addi %mul3A_2, %add3A_120 : i32
    "tpu.region"() ({
      %run_scoped3A = tpu.sem_alloc : memref<!tpu.dma_semaphore, #tpu.memory_space<semaphore_mem>>
      %dma_start3A_643 = arith.constant 0 : i32
      %dma_start3A_644 = tpu.memref_slice %arg4[%add3A_121, %dma_start3A_643] : memref<163840x128xf32, #tpu.memory_space<hbm>> -> memref<128x128xf32, #tpu.memory_space<hbm>>
      %dma_start3A_645 = arith.constant 0 : i32
      %dma_start3A_646 = tpu.memref_slice %arg4[%add3A_121, %dma_start3A_645] : memref<163840x128xf32, #tpu.memory_space<hbm>> -> memref<128x128xf32, #tpu.memory_space<hbm>>
      tpu.enqueue_dma source(%arg6 : memref<128x128xf32, #tpu.memory_space<vmem>>) target(%dma_start3A_646 : memref<128x128xf32, #tpu.memory_space<hbm>>) target_semaphore(%run_scoped3A : memref<!tpu.dma_semaphore, #tpu.memory_space<semaphore_mem>>)
      %dma_wait3A_647 = arith.constant 0 : i32
      %dma_wait3A_648 = tpu.memref_slice %arg4[%add3A_121, %dma_wait3A_647] : memref<163840x128xf32, #tpu.memory_space<hbm>> -> memref<128x128xf32, #tpu.memory_space<hbm>>
      %dma_wait3A_649 = arith.constant 0 : i32
      %dma_wait3A_650 = tpu.memref_slice %arg4[%add3A_121, %dma_wait3A_649] : memref<163840x128xf32, #tpu.memory_space<hbm>> -> memref<128x128xf32, #tpu.memory_space<hbm>>
      tpu.wait_dma2 semaphore(%run_scoped3A : memref<!tpu.dma_semaphore, #tpu.memory_space<semaphore_mem>>) src(%arg6 : memref<128x128xf32, #tpu.memory_space<vmem>>) dst(%dma_wait3A_650 : memref<128x128xf32, #tpu.memory_space<hbm>>)
      tpu.yield
    }) : () -> ()
    %dma_start3A_122 = arith.constant 8 : i32
    %dma_start3A_123 = arith.constant 0 : i32
    %dma_start3A_124 = tpu.memref_slice %arg5[%dma_start3A_122, %dma_start3A_123] : memref<40x128xi32, #tpu.memory_space<vmem>> -> memref<1x128xi32, #tpu.memory_space<vmem>>
    %dma_start3A_125 = tpu.memref_squeeze %dma_start3A_124 : memref<1x128xi32, #tpu.memory_space<vmem>> -> memref<128xi32, #tpu.memory_space<vmem>>
    %dma_start3A_126 = arith.constant 0 : i32
    %dma_start3A_127 = arith.constant 0 : i32
    %dma_start3A_128 = tpu.memref_slice %arg2[%dma_start3A_126, %dma_start3A_127] : memref<10240x128xf32, #tpu.memory_space<hbm>> -> memref<10240x128xf32, #tpu.memory_space<hbm>>
    tpu.enqueue_indirect_dma source(%dma_start3A_128 : memref<10240x128xf32, #tpu.memory_space<hbm>>) target(%arg6 : memref<128x128xf32, #tpu.memory_space<vmem>>) offsets(%dma_start3A_125 : memref<128xi32, #tpu.memory_space<vmem>>) semaphore(%arg8 : memref<!tpu.dma_semaphore, #tpu.memory_space<semaphore_mem>>)
    %dma_wait3A_129 = arith.constant 7 : i32
    %dma_wait3A_130 = arith.constant 0 : i32
    %dma_wait3A_131 = tpu.memref_slice %arg5[%dma_wait3A_129, %dma_wait3A_130] : memref<40x128xi32, #tpu.memory_space<vmem>> -> memref<1x128xi32, #tpu.memory_space<vmem>>
    %dma_wait3A_132 = tpu.memref_squeeze %dma_wait3A_131 : memref<1x128xi32, #tpu.memory_space<vmem>> -> memref<128xi32, #tpu.memory_space<vmem>>
    %dma_wait3A_133 = arith.constant 0 : i32
    %dma_wait3A_134 = arith.constant 0 : i32
    %dma_wait3A_135 = tpu.memref_slice %arg2[%dma_wait3A_133, %dma_wait3A_134] : memref<10240x128xf32, #tpu.memory_space<hbm>> -> memref<10240x128xf32, #tpu.memory_space<hbm>>
    tpu.wait_indirect_dma semaphore(%arg9 : memref<!tpu.dma_semaphore, #tpu.memory_space<semaphore_mem>>) src(%dma_wait3A_135 : memref<10240x128xf32, #tpu.memory_space<hbm>>) dst(%arg7 : memref<128x128xf32, #tpu.memory_space<vmem>>)
    %add3A_136 = arith.constant 896 : i32
    %add3A_137 = arith.addi %mul3A_2, %add3A_136 : i32
    "tpu.region"() ({
      %run_scoped3A = tpu.sem_alloc : memref<!tpu.dma_semaphore, #tpu.memory_space<semaphore_mem>>
      %dma_start3A_643 = arith.constant 0 : i32
      %dma_start3A_644 = tpu.memref_slice %arg4[%add3A_137, %dma_start3A_643] : memref<163840x128xf32, #tpu.memory_space<hbm>> -> memref<128x128xf32, #tpu.memory_space<hbm>>
      %dma_start3A_645 = arith.constant 0 : i32
      %dma_start3A_646 = tpu.memref_slice %arg4[%add3A_137, %dma_start3A_645] : memref<163840x128xf32, #tpu.memory_space<hbm>> -> memref<128x128xf32, #tpu.memory_space<hbm>>
      tpu.enqueue_dma source(%arg7 : memref<128x128xf32, #tpu.memory_space<vmem>>) target(%dma_start3A_646 : memref<128x128xf32, #tpu.memory_space<hbm>>) target_semaphore(%run_scoped3A : memref<!tpu.dma_semaphore, #tpu.memory_space<semaphore_mem>>)
      %dma_wait3A_647 = arith.constant 0 : i32
      %dma_wait3A_648 = tpu.memref_slice %arg4[%add3A_137, %dma_wait3A_647] : memref<163840x128xf32, #tpu.memory_space<hbm>> -> memref<128x128xf32, #tpu.memory_space<hbm>>
      %dma_wait3A_649 = arith.constant 0 : i32
      %dma_wait3A_650 = tpu.memref_slice %arg4[%add3A_137, %dma_wait3A_649] : memref<163840x128xf32, #tpu.memory_space<hbm>> -> memref<128x128xf32, #tpu.memory_space<hbm>>
      tpu.wait_dma2 semaphore(%run_scoped3A : memref<!tpu.dma_semaphore, #tpu.memory_space<semaphore_mem>>) src(%arg7 : memref<128x128xf32, #tpu.memory_space<vmem>>) dst(%dma_wait3A_650 : memref<128x128xf32, #tpu.memory_space<hbm>>)
      tpu.yield
    }) : () -> ()
    %dma_start3A_138 = arith.constant 9 : i32
    %dma_start3A_139 = arith.constant 0 : i32
    %dma_start3A_140 = tpu.memref_slice %arg5[%dma_start3A_138, %dma_start3A_139] : memref<40x128xi32, #tpu.memory_space<vmem>> -> memref<1x128xi32, #tpu.memory_space<vmem>>
    %dma_start3A_141 = tpu.memref_squeeze %dma_start3A_140 : memref<1x128xi32, #tpu.memory_space<vmem>> -> memref<128xi32, #tpu.memory_space<vmem>>
    %dma_start3A_142 = arith.constant 0 : i32
    %dma_start3A_143 = arith.constant 0 : i32
    %dma_start3A_144 = tpu.memref_slice %arg2[%dma_start3A_142, %dma_start3A_143] : memref<10240x128xf32, #tpu.memory_space<hbm>> -> memref<10240x128xf32, #tpu.memory_space<hbm>>
    tpu.enqueue_indirect_dma source(%dma_start3A_144 : memref<10240x128xf32, #tpu.memory_space<hbm>>) target(%arg7 : memref<128x128xf32, #tpu.memory_space<vmem>>) offsets(%dma_start3A_141 : memref<128xi32, #tpu.memory_space<vmem>>) semaphore(%arg9 : memref<!tpu.dma_semaphore, #tpu.memory_space<semaphore_mem>>)
    %dma_wait3A_145 = arith.constant 8 : i32
    %dma_wait3A_146 = arith.constant 0 : i32
    %dma_wait3A_147 = tpu.memref_slice %arg5[%dma_wait3A_145, %dma_wait3A_146] : memref<40x128xi32, #tpu.memory_space<vmem>> -> memref<1x128xi32, #tpu.memory_space<vmem>>
    %dma_wait3A_148 = tpu.memref_squeeze %dma_wait3A_147 : memref<1x128xi32, #tpu.memory_space<vmem>> -> memref<128xi32, #tpu.memory_space<vmem>>
    %dma_wait3A_149 = arith.constant 0 : i32
    %dma_wait3A_150 = arith.constant 0 : i32
    %dma_wait3A_151 = tpu.memref_slice %arg2[%dma_wait3A_149, %dma_wait3A_150] : memref<10240x128xf32, #tpu.memory_space<hbm>> -> memref<10240x128xf32, #tpu.memory_space<hbm>>
    tpu.wait_indirect_dma semaphore(%arg8 : memref<!tpu.dma_semaphore, #tpu.memory_space<semaphore_mem>>) src(%dma_wait3A_151 : memref<10240x128xf32, #tpu.memory_space<hbm>>) dst(%arg6 : memref<128x128xf32, #tpu.memory_space<vmem>>)
    %add3A_152 = arith.constant 1024 : i32
    %add3A_153 = arith.addi %mul3A_2, %add3A_152 : i32
    "tpu.region"() ({
      %run_scoped3A = tpu.sem_alloc : memref<!tpu.dma_semaphore, #tpu.memory_space<semaphore_mem>>
      %dma_start3A_643 = arith.constant 0 : i32
      %dma_start3A_644 = tpu.memref_slice %arg4[%add3A_153, %dma_start3A_643] : memref<163840x128xf32, #tpu.memory_space<hbm>> -> memref<128x128xf32, #tpu.memory_space<hbm>>
      %dma_start3A_645 = arith.constant 0 : i32
      %dma_start3A_646 = tpu.memref_slice %arg4[%add3A_153, %dma_start3A_645] : memref<163840x128xf32, #tpu.memory_space<hbm>> -> memref<128x128xf32, #tpu.memory_space<hbm>>
      tpu.enqueue_dma source(%arg6 : memref<128x128xf32, #tpu.memory_space<vmem>>) target(%dma_start3A_646 : memref<128x128xf32, #tpu.memory_space<hbm>>) target_semaphore(%run_scoped3A : memref<!tpu.dma_semaphore, #tpu.memory_space<semaphore_mem>>)
      %dma_wait3A_647 = arith.constant 0 : i32
      %dma_wait3A_648 = tpu.memref_slice %arg4[%add3A_153, %dma_wait3A_647] : memref<163840x128xf32, #tpu.memory_space<hbm>> -> memref<128x128xf32, #tpu.memory_space<hbm>>
      %dma_wait3A_649 = arith.constant 0 : i32
      %dma_wait3A_650 = tpu.memref_slice %arg4[%add3A_153, %dma_wait3A_649] : memref<163840x128xf32, #tpu.memory_space<hbm>> -> memref<128x128xf32, #tpu.memory_space<hbm>>
      tpu.wait_dma2 semaphore(%run_scoped3A : memref<!tpu.dma_semaphore, #tpu.memory_space<semaphore_mem>>) src(%arg6 : memref<128x128xf32, #tpu.memory_space<vmem>>) dst(%dma_wait3A_650 : memref<128x128xf32, #tpu.memory_space<hbm>>)
      tpu.yield
    }) : () -> ()
    %dma_start3A_154 = arith.constant 10 : i32
    %dma_start3A_155 = arith.constant 0 : i32
    %dma_start3A_156 = tpu.memref_slice %arg5[%dma_start3A_154, %dma_start3A_155] : memref<40x128xi32, #tpu.memory_space<vmem>> -> memref<1x128xi32, #tpu.memory_space<vmem>>
    %dma_start3A_157 = tpu.memref_squeeze %dma_start3A_156 : memref<1x128xi32, #tpu.memory_space<vmem>> -> memref<128xi32, #tpu.memory_space<vmem>>
    %dma_start3A_158 = arith.constant 0 : i32
    %dma_start3A_159 = arith.constant 0 : i32
    %dma_start3A_160 = tpu.memref_slice %arg2[%dma_start3A_158, %dma_start3A_159] : memref<10240x128xf32, #tpu.memory_space<hbm>> -> memref<10240x128xf32, #tpu.memory_space<hbm>>
    tpu.enqueue_indirect_dma source(%dma_start3A_160 : memref<10240x128xf32, #tpu.memory_space<hbm>>) target(%arg6 : memref<128x128xf32, #tpu.memory_space<vmem>>) offsets(%dma_start3A_157 : memref<128xi32, #tpu.memory_space<vmem>>) semaphore(%arg8 : memref<!tpu.dma_semaphore, #tpu.memory_space<semaphore_mem>>)
    %dma_wait3A_161 = arith.constant 9 : i32
    %dma_wait3A_162 = arith.constant 0 : i32
    %dma_wait3A_163 = tpu.memref_slice %arg5[%dma_wait3A_161, %dma_wait3A_162] : memref<40x128xi32, #tpu.memory_space<vmem>> -> memref<1x128xi32, #tpu.memory_space<vmem>>
    %dma_wait3A_164 = tpu.memref_squeeze %dma_wait3A_163 : memref<1x128xi32, #tpu.memory_space<vmem>> -> memref<128xi32, #tpu.memory_space<vmem>>
    %dma_wait3A_165 = arith.constant 0 : i32
    %dma_wait3A_166 = arith.constant 0 : i32
    %dma_wait3A_167 = tpu.memref_slice %arg2[%dma_wait3A_165, %dma_wait3A_166] : memref<10240x128xf32, #tpu.memory_space<hbm>> -> memref<10240x128xf32, #tpu.memory_space<hbm>>
    tpu.wait_indirect_dma semaphore(%arg9 : memref<!tpu.dma_semaphore, #tpu.memory_space<semaphore_mem>>) src(%dma_wait3A_167 : memref<10240x128xf32, #tpu.memory_space<hbm>>) dst(%arg7 : memref<128x128xf32, #tpu.memory_space<vmem>>)
    %add3A_168 = arith.constant 1152 : i32
    %add3A_169 = arith.addi %mul3A_2, %add3A_168 : i32
    "tpu.region"() ({
      %run_scoped3A = tpu.sem_alloc : memref<!tpu.dma_semaphore, #tpu.memory_space<semaphore_mem>>
      %dma_start3A_643 = arith.constant 0 : i32
      %dma_start3A_644 = tpu.memref_slice %arg4[%add3A_169, %dma_start3A_643] : memref<163840x128xf32, #tpu.memory_space<hbm>> -> memref<128x128xf32, #tpu.memory_space<hbm>>
      %dma_start3A_645 = arith.constant 0 : i32
      %dma_start3A_646 = tpu.memref_slice %arg4[%add3A_169, %dma_start3A_645] : memref<163840x128xf32, #tpu.memory_space<hbm>> -> memref<128x128xf32, #tpu.memory_space<hbm>>
      tpu.enqueue_dma source(%arg7 : memref<128x128xf32, #tpu.memory_space<vmem>>) target(%dma_start3A_646 : memref<128x128xf32, #tpu.memory_space<hbm>>) target_semaphore(%run_scoped3A : memref<!tpu.dma_semaphore, #tpu.memory_space<semaphore_mem>>)
      %dma_wait3A_647 = arith.constant 0 : i32
      %dma_wait3A_648 = tpu.memref_slice %arg4[%add3A_169, %dma_wait3A_647] : memref<163840x128xf32, #tpu.memory_space<hbm>> -> memref<128x128xf32, #tpu.memory_space<hbm>>
      %dma_wait3A_649 = arith.constant 0 : i32
      %dma_wait3A_650 = tpu.memref_slice %arg4[%add3A_169, %dma_wait3A_649] : memref<163840x128xf32, #tpu.memory_space<hbm>> -> memref<128x128xf32, #tpu.memory_space<hbm>>
      tpu.wait_dma2 semaphore(%run_scoped3A : memref<!tpu.dma_semaphore, #tpu.memory_space<semaphore_mem>>) src(%arg7 : memref<128x128xf32, #tpu.memory_space<vmem>>) dst(%dma_wait3A_650 : memref<128x128xf32, #tpu.memory_space<hbm>>)
      tpu.yield
    }) : () -> ()
    %dma_start3A_170 = arith.constant 11 : i32
    %dma_start3A_171 = arith.constant 0 : i32
    %dma_start3A_172 = tpu.memref_slice %arg5[%dma_start3A_170, %dma_start3A_171] : memref<40x128xi32, #tpu.memory_space<vmem>> -> memref<1x128xi32, #tpu.memory_space<vmem>>
    %dma_start3A_173 = tpu.memref_squeeze %dma_start3A_172 : memref<1x128xi32, #tpu.memory_space<vmem>> -> memref<128xi32, #tpu.memory_space<vmem>>
    %dma_start3A_174 = arith.constant 0 : i32
    %dma_start3A_175 = arith.constant 0 : i32
    %dma_start3A_176 = tpu.memref_slice %arg2[%dma_start3A_174, %dma_start3A_175] : memref<10240x128xf32, #tpu.memory_space<hbm>> -> memref<10240x128xf32, #tpu.memory_space<hbm>>
    tpu.enqueue_indirect_dma source(%dma_start3A_176 : memref<10240x128xf32, #tpu.memory_space<hbm>>) target(%arg7 : memref<128x128xf32, #tpu.memory_space<vmem>>) offsets(%dma_start3A_173 : memref<128xi32, #tpu.memory_space<vmem>>) semaphore(%arg9 : memref<!tpu.dma_semaphore, #tpu.memory_space<semaphore_mem>>)
    %dma_wait3A_177 = arith.constant 10 : i32
    %dma_wait3A_178 = arith.constant 0 : i32
    %dma_wait3A_179 = tpu.memref_slice %arg5[%dma_wait3A_177, %dma_wait3A_178] : memref<40x128xi32, #tpu.memory_space<vmem>> -> memref<1x128xi32, #tpu.memory_space<vmem>>
    %dma_wait3A_180 = tpu.memref_squeeze %dma_wait3A_179 : memref<1x128xi32, #tpu.memory_space<vmem>> -> memref<128xi32, #tpu.memory_space<vmem>>
    %dma_wait3A_181 = arith.constant 0 : i32
    %dma_wait3A_182 = arith.constant 0 : i32
    %dma_wait3A_183 = tpu.memref_slice %arg2[%dma_wait3A_181, %dma_wait3A_182] : memref<10240x128xf32, #tpu.memory_space<hbm>> -> memref<10240x128xf32, #tpu.memory_space<hbm>>
    tpu.wait_indirect_dma semaphore(%arg8 : memref<!tpu.dma_semaphore, #tpu.memory_space<semaphore_mem>>) src(%dma_wait3A_183 : memref<10240x128xf32, #tpu.memory_space<hbm>>) dst(%arg6 : memref<128x128xf32, #tpu.memory_space<vmem>>)
    %add3A_184 = arith.constant 1280 : i32
    %add3A_185 = arith.addi %mul3A_2, %add3A_184 : i32
    "tpu.region"() ({
      %run_scoped3A = tpu.sem_alloc : memref<!tpu.dma_semaphore, #tpu.memory_space<semaphore_mem>>
      %dma_start3A_643 = arith.constant 0 : i32
      %dma_start3A_644 = tpu.memref_slice %arg4[%add3A_185, %dma_start3A_643] : memref<163840x128xf32, #tpu.memory_space<hbm>> -> memref<128x128xf32, #tpu.memory_space<hbm>>
      %dma_start3A_645 = arith.constant 0 : i32
      %dma_start3A_646 = tpu.memref_slice %arg4[%add3A_185, %dma_start3A_645] : memref<163840x128xf32, #tpu.memory_space<hbm>> -> memref<128x128xf32, #tpu.memory_space<hbm>>
      tpu.enqueue_dma source(%arg6 : memref<128x128xf32, #tpu.memory_space<vmem>>) target(%dma_start3A_646 : memref<128x128xf32, #tpu.memory_space<hbm>>) target_semaphore(%run_scoped3A : memref<!tpu.dma_semaphore, #tpu.memory_space<semaphore_mem>>)
      %dma_wait3A_647 = arith.constant 0 : i32
      %dma_wait3A_648 = tpu.memref_slice %arg4[%add3A_185, %dma_wait3A_647] : memref<163840x128xf32, #tpu.memory_space<hbm>> -> memref<128x128xf32, #tpu.memory_space<hbm>>
      %dma_wait3A_649 = arith.constant 0 : i32
      %dma_wait3A_650 = tpu.memref_slice %arg4[%add3A_185, %dma_wait3A_649] : memref<163840x128xf32, #tpu.memory_space<hbm>> -> memref<128x128xf32, #tpu.memory_space<hbm>>
      tpu.wait_dma2 semaphore(%run_scoped3A : memref<!tpu.dma_semaphore, #tpu.memory_space<semaphore_mem>>) src(%arg6 : memref<128x128xf32, #tpu.memory_space<vmem>>) dst(%dma_wait3A_650 : memref<128x128xf32, #tpu.memory_space<hbm>>)
      tpu.yield
    }) : () -> ()
    %dma_start3A_186 = arith.constant 12 : i32
    %dma_start3A_187 = arith.constant 0 : i32
    %dma_start3A_188 = tpu.memref_slice %arg5[%dma_start3A_186, %dma_start3A_187] : memref<40x128xi32, #tpu.memory_space<vmem>> -> memref<1x128xi32, #tpu.memory_space<vmem>>
    %dma_start3A_189 = tpu.memref_squeeze %dma_start3A_188 : memref<1x128xi32, #tpu.memory_space<vmem>> -> memref<128xi32, #tpu.memory_space<vmem>>
    %dma_start3A_190 = arith.constant 0 : i32
    %dma_start3A_191 = arith.constant 0 : i32
    %dma_start3A_192 = tpu.memref_slice %arg2[%dma_start3A_190, %dma_start3A_191] : memref<10240x128xf32, #tpu.memory_space<hbm>> -> memref<10240x128xf32, #tpu.memory_space<hbm>>
    tpu.enqueue_indirect_dma source(%dma_start3A_192 : memref<10240x128xf32, #tpu.memory_space<hbm>>) target(%arg6 : memref<128x128xf32, #tpu.memory_space<vmem>>) offsets(%dma_start3A_189 : memref<128xi32, #tpu.memory_space<vmem>>) semaphore(%arg8 : memref<!tpu.dma_semaphore, #tpu.memory_space<semaphore_mem>>)
    %dma_wait3A_193 = arith.constant 11 : i32
    %dma_wait3A_194 = arith.constant 0 : i32
    %dma_wait3A_195 = tpu.memref_slice %arg5[%dma_wait3A_193, %dma_wait3A_194] : memref<40x128xi32, #tpu.memory_space<vmem>> -> memref<1x128xi32, #tpu.memory_space<vmem>>
    %dma_wait3A_196 = tpu.memref_squeeze %dma_wait3A_195 : memref<1x128xi32, #tpu.memory_space<vmem>> -> memref<128xi32, #tpu.memory_space<vmem>>
    %dma_wait3A_197 = arith.constant 0 : i32
    %dma_wait3A_198 = arith.constant 0 : i32
    %dma_wait3A_199 = tpu.memref_slice %arg2[%dma_wait3A_197, %dma_wait3A_198] : memref<10240x128xf32, #tpu.memory_space<hbm>> -> memref<10240x128xf32, #tpu.memory_space<hbm>>
    tpu.wait_indirect_dma semaphore(%arg9 : memref<!tpu.dma_semaphore, #tpu.memory_space<semaphore_mem>>) src(%dma_wait3A_199 : memref<10240x128xf32, #tpu.memory_space<hbm>>) dst(%arg7 : memref<128x128xf32, #tpu.memory_space<vmem>>)
    %add3A_200 = arith.constant 1408 : i32
    %add3A_201 = arith.addi %mul3A_2, %add3A_200 : i32
    "tpu.region"() ({
      %run_scoped3A = tpu.sem_alloc : memref<!tpu.dma_semaphore, #tpu.memory_space<semaphore_mem>>
      %dma_start3A_643 = arith.constant 0 : i32
      %dma_start3A_644 = tpu.memref_slice %arg4[%add3A_201, %dma_start3A_643] : memref<163840x128xf32, #tpu.memory_space<hbm>> -> memref<128x128xf32, #tpu.memory_space<hbm>>
      %dma_start3A_645 = arith.constant 0 : i32
      %dma_start3A_646 = tpu.memref_slice %arg4[%add3A_201, %dma_start3A_645] : memref<163840x128xf32, #tpu.memory_space<hbm>> -> memref<128x128xf32, #tpu.memory_space<hbm>>
      tpu.enqueue_dma source(%arg7 : memref<128x128xf32, #tpu.memory_space<vmem>>) target(%dma_start3A_646 : memref<128x128xf32, #tpu.memory_space<hbm>>) target_semaphore(%run_scoped3A : memref<!tpu.dma_semaphore, #tpu.memory_space<semaphore_mem>>)
      %dma_wait3A_647 = arith.constant 0 : i32
      %dma_wait3A_648 = tpu.memref_slice %arg4[%add3A_201, %dma_wait3A_647] : memref<163840x128xf32, #tpu.memory_space<hbm>> -> memref<128x128xf32, #tpu.memory_space<hbm>>
      %dma_wait3A_649 = arith.constant 0 : i32
      %dma_wait3A_650 = tpu.memref_slice %arg4[%add3A_201, %dma_wait3A_649] : memref<163840x128xf32, #tpu.memory_space<hbm>> -> memref<128x128xf32, #tpu.memory_space<hbm>>
      tpu.wait_dma2 semaphore(%run_scoped3A : memref<!tpu.dma_semaphore, #tpu.memory_space<semaphore_mem>>) src(%arg7 : memref<128x128xf32, #tpu.memory_space<vmem>>) dst(%dma_wait3A_650 : memref<128x128xf32, #tpu.memory_space<hbm>>)
      tpu.yield
    }) : () -> ()
    %dma_start3A_202 = arith.constant 13 : i32
    %dma_start3A_203 = arith.constant 0 : i32
    %dma_start3A_204 = tpu.memref_slice %arg5[%dma_start3A_202, %dma_start3A_203] : memref<40x128xi32, #tpu.memory_space<vmem>> -> memref<1x128xi32, #tpu.memory_space<vmem>>
    %dma_start3A_205 = tpu.memref_squeeze %dma_start3A_204 : memref<1x128xi32, #tpu.memory_space<vmem>> -> memref<128xi32, #tpu.memory_space<vmem>>
    %dma_start3A_206 = arith.constant 0 : i32
    %dma_start3A_207 = arith.constant 0 : i32
    %dma_start3A_208 = tpu.memref_slice %arg2[%dma_start3A_206, %dma_start3A_207] : memref<10240x128xf32, #tpu.memory_space<hbm>> -> memref<10240x128xf32, #tpu.memory_space<hbm>>
    tpu.enqueue_indirect_dma source(%dma_start3A_208 : memref<10240x128xf32, #tpu.memory_space<hbm>>) target(%arg7 : memref<128x128xf32, #tpu.memory_space<vmem>>) offsets(%dma_start3A_205 : memref<128xi32, #tpu.memory_space<vmem>>) semaphore(%arg9 : memref<!tpu.dma_semaphore, #tpu.memory_space<semaphore_mem>>)
    %dma_wait3A_209 = arith.constant 12 : i32
    %dma_wait3A_210 = arith.constant 0 : i32
    %dma_wait3A_211 = tpu.memref_slice %arg5[%dma_wait3A_209, %dma_wait3A_210] : memref<40x128xi32, #tpu.memory_space<vmem>> -> memref<1x128xi32, #tpu.memory_space<vmem>>
    %dma_wait3A_212 = tpu.memref_squeeze %dma_wait3A_211 : memref<1x128xi32, #tpu.memory_space<vmem>> -> memref<128xi32, #tpu.memory_space<vmem>>
    %dma_wait3A_213 = arith.constant 0 : i32
    %dma_wait3A_214 = arith.constant 0 : i32
    %dma_wait3A_215 = tpu.memref_slice %arg2[%dma_wait3A_213, %dma_wait3A_214] : memref<10240x128xf32, #tpu.memory_space<hbm>> -> memref<10240x128xf32, #tpu.memory_space<hbm>>
    tpu.wait_indirect_dma semaphore(%arg8 : memref<!tpu.dma_semaphore, #tpu.memory_space<semaphore_mem>>) src(%dma_wait3A_215 : memref<10240x128xf32, #tpu.memory_space<hbm>>) dst(%arg6 : memref<128x128xf32, #tpu.memory_space<vmem>>)
    %add3A_216 = arith.constant 1536 : i32
    %add3A_217 = arith.addi %mul3A_2, %add3A_216 : i32
    "tpu.region"() ({
      %run_scoped3A = tpu.sem_alloc : memref<!tpu.dma_semaphore, #tpu.memory_space<semaphore_mem>>
      %dma_start3A_643 = arith.constant 0 : i32
      %dma_start3A_644 = tpu.memref_slice %arg4[%add3A_217, %dma_start3A_643] : memref<163840x128xf32, #tpu.memory_space<hbm>> -> memref<128x128xf32, #tpu.memory_space<hbm>>
      %dma_start3A_645 = arith.constant 0 : i32
      %dma_start3A_646 = tpu.memref_slice %arg4[%add3A_217, %dma_start3A_645] : memref<163840x128xf32, #tpu.memory_space<hbm>> -> memref<128x128xf32, #tpu.memory_space<hbm>>
      tpu.enqueue_dma source(%arg6 : memref<128x128xf32, #tpu.memory_space<vmem>>) target(%dma_start3A_646 : memref<128x128xf32, #tpu.memory_space<hbm>>) target_semaphore(%run_scoped3A : memref<!tpu.dma_semaphore, #tpu.memory_space<semaphore_mem>>)
      %dma_wait3A_647 = arith.constant 0 : i32
      %dma_wait3A_648 = tpu.memref_slice %arg4[%add3A_217, %dma_wait3A_647] : memref<163840x128xf32, #tpu.memory_space<hbm>> -> memref<128x128xf32, #tpu.memory_space<hbm>>
      %dma_wait3A_649 = arith.constant 0 : i32
      %dma_wait3A_650 = tpu.memref_slice %arg4[%add3A_217, %dma_wait3A_649] : memref<163840x128xf32, #tpu.memory_space<hbm>> -> memref<128x128xf32, #tpu.memory_space<hbm>>
      tpu.wait_dma2 semaphore(%run_scoped3A : memref<!tpu.dma_semaphore, #tpu.memory_space<semaphore_mem>>) src(%arg6 : memref<128x128xf32, #tpu.memory_space<vmem>>) dst(%dma_wait3A_650 : memref<128x128xf32, #tpu.memory_space<hbm>>)
      tpu.yield
    }) : () -> ()
    %dma_start3A_218 = arith.constant 14 : i32
    %dma_start3A_219 = arith.constant 0 : i32
    %dma_start3A_220 = tpu.memref_slice %arg5[%dma_start3A_218, %dma_start3A_219] : memref<40x128xi32, #tpu.memory_space<vmem>> -> memref<1x128xi32, #tpu.memory_space<vmem>>
    %dma_start3A_221 = tpu.memref_squeeze %dma_start3A_220 : memref<1x128xi32, #tpu.memory_space<vmem>> -> memref<128xi32, #tpu.memory_space<vmem>>
    %dma_start3A_222 = arith.constant 0 : i32
    %dma_start3A_223 = arith.constant 0 : i32
    %dma_start3A_224 = tpu.memref_slice %arg2[%dma_start3A_222, %dma_start3A_223] : memref<10240x128xf32, #tpu.memory_space<hbm>> -> memref<10240x128xf32, #tpu.memory_space<hbm>>
    tpu.enqueue_indirect_dma source(%dma_start3A_224 : memref<10240x128xf32, #tpu.memory_space<hbm>>) target(%arg6 : memref<128x128xf32, #tpu.memory_space<vmem>>) offsets(%dma_start3A_221 : memref<128xi32, #tpu.memory_space<vmem>>) semaphore(%arg8 : memref<!tpu.dma_semaphore, #tpu.memory_space<semaphore_mem>>)
    %dma_wait3A_225 = arith.constant 13 : i32
    %dma_wait3A_226 = arith.constant 0 : i32
    %dma_wait3A_227 = tpu.memref_slice %arg5[%dma_wait3A_225, %dma_wait3A_226] : memref<40x128xi32, #tpu.memory_space<vmem>> -> memref<1x128xi32, #tpu.memory_space<vmem>>
    %dma_wait3A_228 = tpu.memref_squeeze %dma_wait3A_227 : memref<1x128xi32, #tpu.memory_space<vmem>> -> memref<128xi32, #tpu.memory_space<vmem>>
    %dma_wait3A_229 = arith.constant 0 : i32
    %dma_wait3A_230 = arith.constant 0 : i32
    %dma_wait3A_231 = tpu.memref_slice %arg2[%dma_wait3A_229, %dma_wait3A_230] : memref<10240x128xf32, #tpu.memory_space<hbm>> -> memref<10240x128xf32, #tpu.memory_space<hbm>>
    tpu.wait_indirect_dma semaphore(%arg9 : memref<!tpu.dma_semaphore, #tpu.memory_space<semaphore_mem>>) src(%dma_wait3A_231 : memref<10240x128xf32, #tpu.memory_space<hbm>>) dst(%arg7 : memref<128x128xf32, #tpu.memory_space<vmem>>)
    %add3A_232 = arith.constant 1664 : i32
    %add3A_233 = arith.addi %mul3A_2, %add3A_232 : i32
    "tpu.region"() ({
      %run_scoped3A = tpu.sem_alloc : memref<!tpu.dma_semaphore, #tpu.memory_space<semaphore_mem>>
      %dma_start3A_643 = arith.constant 0 : i32
      %dma_start3A_644 = tpu.memref_slice %arg4[%add3A_233, %dma_start3A_643] : memref<163840x128xf32, #tpu.memory_space<hbm>> -> memref<128x128xf32, #tpu.memory_space<hbm>>
      %dma_start3A_645 = arith.constant 0 : i32
      %dma_start3A_646 = tpu.memref_slice %arg4[%add3A_233, %dma_start3A_645] : memref<163840x128xf32, #tpu.memory_space<hbm>> -> memref<128x128xf32, #tpu.memory_space<hbm>>
      tpu.enqueue_dma source(%arg7 : memref<128x128xf32, #tpu.memory_space<vmem>>) target(%dma_start3A_646 : memref<128x128xf32, #tpu.memory_space<hbm>>) target_semaphore(%run_scoped3A : memref<!tpu.dma_semaphore, #tpu.memory_space<semaphore_mem>>)
      %dma_wait3A_647 = arith.constant 0 : i32
      %dma_wait3A_648 = tpu.memref_slice %arg4[%add3A_233, %dma_wait3A_647] : memref<163840x128xf32, #tpu.memory_space<hbm>> -> memref<128x128xf32, #tpu.memory_space<hbm>>
      %dma_wait3A_649 = arith.constant 0 : i32
      %dma_wait3A_650 = tpu.memref_slice %arg4[%add3A_233, %dma_wait3A_649] : memref<163840x128xf32, #tpu.memory_space<hbm>> -> memref<128x128xf32, #tpu.memory_space<hbm>>
      tpu.wait_dma2 semaphore(%run_scoped3A : memref<!tpu.dma_semaphore, #tpu.memory_space<semaphore_mem>>) src(%arg7 : memref<128x128xf32, #tpu.memory_space<vmem>>) dst(%dma_wait3A_650 : memref<128x128xf32, #tpu.memory_space<hbm>>)
      tpu.yield
    }) : () -> ()
    %dma_start3A_234 = arith.constant 15 : i32
    %dma_start3A_235 = arith.constant 0 : i32
    %dma_start3A_236 = tpu.memref_slice %arg5[%dma_start3A_234, %dma_start3A_235] : memref<40x128xi32, #tpu.memory_space<vmem>> -> memref<1x128xi32, #tpu.memory_space<vmem>>
    %dma_start3A_237 = tpu.memref_squeeze %dma_start3A_236 : memref<1x128xi32, #tpu.memory_space<vmem>> -> memref<128xi32, #tpu.memory_space<vmem>>
    %dma_start3A_238 = arith.constant 0 : i32
    %dma_start3A_239 = arith.constant 0 : i32
    %dma_start3A_240 = tpu.memref_slice %arg2[%dma_start3A_238, %dma_start3A_239] : memref<10240x128xf32, #tpu.memory_space<hbm>> -> memref<10240x128xf32, #tpu.memory_space<hbm>>
    tpu.enqueue_indirect_dma source(%dma_start3A_240 : memref<10240x128xf32, #tpu.memory_space<hbm>>) target(%arg7 : memref<128x128xf32, #tpu.memory_space<vmem>>) offsets(%dma_start3A_237 : memref<128xi32, #tpu.memory_space<vmem>>) semaphore(%arg9 : memref<!tpu.dma_semaphore, #tpu.memory_space<semaphore_mem>>)
    %dma_wait3A_241 = arith.constant 14 : i32
    %dma_wait3A_242 = arith.constant 0 : i32
    %dma_wait3A_243 = tpu.memref_slice %arg5[%dma_wait3A_241, %dma_wait3A_242] : memref<40x128xi32, #tpu.memory_space<vmem>> -> memref<1x128xi32, #tpu.memory_space<vmem>>
    %dma_wait3A_244 = tpu.memref_squeeze %dma_wait3A_243 : memref<1x128xi32, #tpu.memory_space<vmem>> -> memref<128xi32, #tpu.memory_space<vmem>>
    %dma_wait3A_245 = arith.constant 0 : i32
    %dma_wait3A_246 = arith.constant 0 : i32
    %dma_wait3A_247 = tpu.memref_slice %arg2[%dma_wait3A_245, %dma_wait3A_246] : memref<10240x128xf32, #tpu.memory_space<hbm>> -> memref<10240x128xf32, #tpu.memory_space<hbm>>
    tpu.wait_indirect_dma semaphore(%arg8 : memref<!tpu.dma_semaphore, #tpu.memory_space<semaphore_mem>>) src(%dma_wait3A_247 : memref<10240x128xf32, #tpu.memory_space<hbm>>) dst(%arg6 : memref<128x128xf32, #tpu.memory_space<vmem>>)
    %add3A_248 = arith.constant 1792 : i32
    %add3A_249 = arith.addi %mul3A_2, %add3A_248 : i32
    "tpu.region"() ({
      %run_scoped3A = tpu.sem_alloc : memref<!tpu.dma_semaphore, #tpu.memory_space<semaphore_mem>>
      %dma_start3A_643 = arith.constant 0 : i32
      %dma_start3A_644 = tpu.memref_slice %arg4[%add3A_249, %dma_start3A_643] : memref<163840x128xf32, #tpu.memory_space<hbm>> -> memref<128x128xf32, #tpu.memory_space<hbm>>
      %dma_start3A_645 = arith.constant 0 : i32
      %dma_start3A_646 = tpu.memref_slice %arg4[%add3A_249, %dma_start3A_645] : memref<163840x128xf32, #tpu.memory_space<hbm>> -> memref<128x128xf32, #tpu.memory_space<hbm>>
      tpu.enqueue_dma source(%arg6 : memref<128x128xf32, #tpu.memory_space<vmem>>) target(%dma_start3A_646 : memref<128x128xf32, #tpu.memory_space<hbm>>) target_semaphore(%run_scoped3A : memref<!tpu.dma_semaphore, #tpu.memory_space<semaphore_mem>>)
      %dma_wait3A_647 = arith.constant 0 : i32
      %dma_wait3A_648 = tpu.memref_slice %arg4[%add3A_249, %dma_wait3A_647] : memref<163840x128xf32, #tpu.memory_space<hbm>> -> memref<128x128xf32, #tpu.memory_space<hbm>>
      %dma_wait3A_649 = arith.constant 0 : i32
      %dma_wait3A_650 = tpu.memref_slice %arg4[%add3A_249, %dma_wait3A_649] : memref<163840x128xf32, #tpu.memory_space<hbm>> -> memref<128x128xf32, #tpu.memory_space<hbm>>
      tpu.wait_dma2 semaphore(%run_scoped3A : memref<!tpu.dma_semaphore, #tpu.memory_space<semaphore_mem>>) src(%arg6 : memref<128x128xf32, #tpu.memory_space<vmem>>) dst(%dma_wait3A_650 : memref<128x128xf32, #tpu.memory_space<hbm>>)
      tpu.yield
    }) : () -> ()
    %dma_start3A_250 = arith.constant 16 : i32
    %dma_start3A_251 = arith.constant 0 : i32
    %dma_start3A_252 = tpu.memref_slice %arg5[%dma_start3A_250, %dma_start3A_251] : memref<40x128xi32, #tpu.memory_space<vmem>> -> memref<1x128xi32, #tpu.memory_space<vmem>>
    %dma_start3A_253 = tpu.memref_squeeze %dma_start3A_252 : memref<1x128xi32, #tpu.memory_space<vmem>> -> memref<128xi32, #tpu.memory_space<vmem>>
    %dma_start3A_254 = arith.constant 0 : i32
    %dma_start3A_255 = arith.constant 0 : i32
    %dma_start3A_256 = tpu.memref_slice %arg2[%dma_start3A_254, %dma_start3A_255] : memref<10240x128xf32, #tpu.memory_space<hbm>> -> memref<10240x128xf32, #tpu.memory_space<hbm>>
    tpu.enqueue_indirect_dma source(%dma_start3A_256 : memref<10240x128xf32, #tpu.memory_space<hbm>>) target(%arg6 : memref<128x128xf32, #tpu.memory_space<vmem>>) offsets(%dma_start3A_253 : memref<128xi32, #tpu.memory_space<vmem>>) semaphore(%arg8 : memref<!tpu.dma_semaphore, #tpu.memory_space<semaphore_mem>>)
    %dma_wait3A_257 = arith.constant 15 : i32
    %dma_wait3A_258 = arith.constant 0 : i32
    %dma_wait3A_259 = tpu.memref_slice %arg5[%dma_wait3A_257, %dma_wait3A_258] : memref<40x128xi32, #tpu.memory_space<vmem>> -> memref<1x128xi32, #tpu.memory_space<vmem>>
    %dma_wait3A_260 = tpu.memref_squeeze %dma_wait3A_259 : memref<1x128xi32, #tpu.memory_space<vmem>> -> memref<128xi32, #tpu.memory_space<vmem>>
    %dma_wait3A_261 = arith.constant 0 : i32
    %dma_wait3A_262 = arith.constant 0 : i32
    %dma_wait3A_263 = tpu.memref_slice %arg2[%dma_wait3A_261, %dma_wait3A_262] : memref<10240x128xf32, #tpu.memory_space<hbm>> -> memref<10240x128xf32, #tpu.memory_space<hbm>>
    tpu.wait_indirect_dma semaphore(%arg9 : memref<!tpu.dma_semaphore, #tpu.memory_space<semaphore_mem>>) src(%dma_wait3A_263 : memref<10240x128xf32, #tpu.memory_space<hbm>>) dst(%arg7 : memref<128x128xf32, #tpu.memory_space<vmem>>)
    %add3A_264 = arith.constant 1920 : i32
    %add3A_265 = arith.addi %mul3A_2, %add3A_264 : i32
    "tpu.region"() ({
      %run_scoped3A = tpu.sem_alloc : memref<!tpu.dma_semaphore, #tpu.memory_space<semaphore_mem>>
      %dma_start3A_643 = arith.constant 0 : i32
      %dma_start3A_644 = tpu.memref_slice %arg4[%add3A_265, %dma_start3A_643] : memref<163840x128xf32, #tpu.memory_space<hbm>> -> memref<128x128xf32, #tpu.memory_space<hbm>>
      %dma_start3A_645 = arith.constant 0 : i32
      %dma_start3A_646 = tpu.memref_slice %arg4[%add3A_265, %dma_start3A_645] : memref<163840x128xf32, #tpu.memory_space<hbm>> -> memref<128x128xf32, #tpu.memory_space<hbm>>
      tpu.enqueue_dma source(%arg7 : memref<128x128xf32, #tpu.memory_space<vmem>>) target(%dma_start3A_646 : memref<128x128xf32, #tpu.memory_space<hbm>>) target_semaphore(%run_scoped3A : memref<!tpu.dma_semaphore, #tpu.memory_space<semaphore_mem>>)
      %dma_wait3A_647 = arith.constant 0 : i32
      %dma_wait3A_648 = tpu.memref_slice %arg4[%add3A_265, %dma_wait3A_647] : memref<163840x128xf32, #tpu.memory_space<hbm>> -> memref<128x128xf32, #tpu.memory_space<hbm>>
      %dma_wait3A_649 = arith.constant 0 : i32
      %dma_wait3A_650 = tpu.memref_slice %arg4[%add3A_265, %dma_wait3A_649] : memref<163840x128xf32, #tpu.memory_space<hbm>> -> memref<128x128xf32, #tpu.memory_space<hbm>>
      tpu.wait_dma2 semaphore(%run_scoped3A : memref<!tpu.dma_semaphore, #tpu.memory_space<semaphore_mem>>) src(%arg7 : memref<128x128xf32, #tpu.memory_space<vmem>>) dst(%dma_wait3A_650 : memref<128x128xf32, #tpu.memory_space<hbm>>)
      tpu.yield
    }) : () -> ()
    %dma_start3A_266 = arith.constant 17 : i32
    %dma_start3A_267 = arith.constant 0 : i32
    %dma_start3A_268 = tpu.memref_slice %arg5[%dma_start3A_266, %dma_start3A_267] : memref<40x128xi32, #tpu.memory_space<vmem>> -> memref<1x128xi32, #tpu.memory_space<vmem>>
    %dma_start3A_269 = tpu.memref_squeeze %dma_start3A_268 : memref<1x128xi32, #tpu.memory_space<vmem>> -> memref<128xi32, #tpu.memory_space<vmem>>
    %dma_start3A_270 = arith.constant 0 : i32
    %dma_start3A_271 = arith.constant 0 : i32
    %dma_start3A_272 = tpu.memref_slice %arg2[%dma_start3A_270, %dma_start3A_271] : memref<10240x128xf32, #tpu.memory_space<hbm>> -> memref<10240x128xf32, #tpu.memory_space<hbm>>
    tpu.enqueue_indirect_dma source(%dma_start3A_272 : memref<10240x128xf32, #tpu.memory_space<hbm>>) target(%arg7 : memref<128x128xf32, #tpu.memory_space<vmem>>) offsets(%dma_start3A_269 : memref<128xi32, #tpu.memory_space<vmem>>) semaphore(%arg9 : memref<!tpu.dma_semaphore, #tpu.memory_space<semaphore_mem>>)
    %dma_wait3A_273 = arith.constant 16 : i32
    %dma_wait3A_274 = arith.constant 0 : i32
    %dma_wait3A_275 = tpu.memref_slice %arg5[%dma_wait3A_273, %dma_wait3A_274] : memref<40x128xi32, #tpu.memory_space<vmem>> -> memref<1x128xi32, #tpu.memory_space<vmem>>
    %dma_wait3A_276 = tpu.memref_squeeze %dma_wait3A_275 : memref<1x128xi32, #tpu.memory_space<vmem>> -> memref<128xi32, #tpu.memory_space<vmem>>
    %dma_wait3A_277 = arith.constant 0 : i32
    %dma_wait3A_278 = arith.constant 0 : i32
    %dma_wait3A_279 = tpu.memref_slice %arg2[%dma_wait3A_277, %dma_wait3A_278] : memref<10240x128xf32, #tpu.memory_space<hbm>> -> memref<10240x128xf32, #tpu.memory_space<hbm>>
    tpu.wait_indirect_dma semaphore(%arg8 : memref<!tpu.dma_semaphore, #tpu.memory_space<semaphore_mem>>) src(%dma_wait3A_279 : memref<10240x128xf32, #tpu.memory_space<hbm>>) dst(%arg6 : memref<128x128xf32, #tpu.memory_space<vmem>>)
    %add3A_280 = arith.constant 2048 : i32
    %add3A_281 = arith.addi %mul3A_2, %add3A_280 : i32
    "tpu.region"() ({
      %run_scoped3A = tpu.sem_alloc : memref<!tpu.dma_semaphore, #tpu.memory_space<semaphore_mem>>
      %dma_start3A_643 = arith.constant 0 : i32
      %dma_start3A_644 = tpu.memref_slice %arg4[%add3A_281, %dma_start3A_643] : memref<163840x128xf32, #tpu.memory_space<hbm>> -> memref<128x128xf32, #tpu.memory_space<hbm>>
      %dma_start3A_645 = arith.constant 0 : i32
      %dma_start3A_646 = tpu.memref_slice %arg4[%add3A_281, %dma_start3A_645] : memref<163840x128xf32, #tpu.memory_space<hbm>> -> memref<128x128xf32, #tpu.memory_space<hbm>>
      tpu.enqueue_dma source(%arg6 : memref<128x128xf32, #tpu.memory_space<vmem>>) target(%dma_start3A_646 : memref<128x128xf32, #tpu.memory_space<hbm>>) target_semaphore(%run_scoped3A : memref<!tpu.dma_semaphore, #tpu.memory_space<semaphore_mem>>)
      %dma_wait3A_647 = arith.constant 0 : i32
      %dma_wait3A_648 = tpu.memref_slice %arg4[%add3A_281, %dma_wait3A_647] : memref<163840x128xf32, #tpu.memory_space<hbm>> -> memref<128x128xf32, #tpu.memory_space<hbm>>
      %dma_wait3A_649 = arith.constant 0 : i32
      %dma_wait3A_650 = tpu.memref_slice %arg4[%add3A_281, %dma_wait3A_649] : memref<163840x128xf32, #tpu.memory_space<hbm>> -> memref<128x128xf32, #tpu.memory_space<hbm>>
      tpu.wait_dma2 semaphore(%run_scoped3A : memref<!tpu.dma_semaphore, #tpu.memory_space<semaphore_mem>>) src(%arg6 : memref<128x128xf32, #tpu.memory_space<vmem>>) dst(%dma_wait3A_650 : memref<128x128xf32, #tpu.memory_space<hbm>>)
      tpu.yield
    }) : () -> ()
    %dma_start3A_282 = arith.constant 18 : i32
    %dma_start3A_283 = arith.constant 0 : i32
    %dma_start3A_284 = tpu.memref_slice %arg5[%dma_start3A_282, %dma_start3A_283] : memref<40x128xi32, #tpu.memory_space<vmem>> -> memref<1x128xi32, #tpu.memory_space<vmem>>
    %dma_start3A_285 = tpu.memref_squeeze %dma_start3A_284 : memref<1x128xi32, #tpu.memory_space<vmem>> -> memref<128xi32, #tpu.memory_space<vmem>>
    %dma_start3A_286 = arith.constant 0 : i32
    %dma_start3A_287 = arith.constant 0 : i32
    %dma_start3A_288 = tpu.memref_slice %arg2[%dma_start3A_286, %dma_start3A_287] : memref<10240x128xf32, #tpu.memory_space<hbm>> -> memref<10240x128xf32, #tpu.memory_space<hbm>>
    tpu.enqueue_indirect_dma source(%dma_start3A_288 : memref<10240x128xf32, #tpu.memory_space<hbm>>) target(%arg6 : memref<128x128xf32, #tpu.memory_space<vmem>>) offsets(%dma_start3A_285 : memref<128xi32, #tpu.memory_space<vmem>>) semaphore(%arg8 : memref<!tpu.dma_semaphore, #tpu.memory_space<semaphore_mem>>)
    %dma_wait3A_289 = arith.constant 17 : i32
    %dma_wait3A_290 = arith.constant 0 : i32
    %dma_wait3A_291 = tpu.memref_slice %arg5[%dma_wait3A_289, %dma_wait3A_290] : memref<40x128xi32, #tpu.memory_space<vmem>> -> memref<1x128xi32, #tpu.memory_space<vmem>>
    %dma_wait3A_292 = tpu.memref_squeeze %dma_wait3A_291 : memref<1x128xi32, #tpu.memory_space<vmem>> -> memref<128xi32, #tpu.memory_space<vmem>>
    %dma_wait3A_293 = arith.constant 0 : i32
    %dma_wait3A_294 = arith.constant 0 : i32
    %dma_wait3A_295 = tpu.memref_slice %arg2[%dma_wait3A_293, %dma_wait3A_294] : memref<10240x128xf32, #tpu.memory_space<hbm>> -> memref<10240x128xf32, #tpu.memory_space<hbm>>
    tpu.wait_indirect_dma semaphore(%arg9 : memref<!tpu.dma_semaphore, #tpu.memory_space<semaphore_mem>>) src(%dma_wait3A_295 : memref<10240x128xf32, #tpu.memory_space<hbm>>) dst(%arg7 : memref<128x128xf32, #tpu.memory_space<vmem>>)
    %add3A_296 = arith.constant 2176 : i32
    %add3A_297 = arith.addi %mul3A_2, %add3A_296 : i32
    "tpu.region"() ({
      %run_scoped3A = tpu.sem_alloc : memref<!tpu.dma_semaphore, #tpu.memory_space<semaphore_mem>>
      %dma_start3A_643 = arith.constant 0 : i32
      %dma_start3A_644 = tpu.memref_slice %arg4[%add3A_297, %dma_start3A_643] : memref<163840x128xf32, #tpu.memory_space<hbm>> -> memref<128x128xf32, #tpu.memory_space<hbm>>
      %dma_start3A_645 = arith.constant 0 : i32
      %dma_start3A_646 = tpu.memref_slice %arg4[%add3A_297, %dma_start3A_645] : memref<163840x128xf32, #tpu.memory_space<hbm>> -> memref<128x128xf32, #tpu.memory_space<hbm>>
      tpu.enqueue_dma source(%arg7 : memref<128x128xf32, #tpu.memory_space<vmem>>) target(%dma_start3A_646 : memref<128x128xf32, #tpu.memory_space<hbm>>) target_semaphore(%run_scoped3A : memref<!tpu.dma_semaphore, #tpu.memory_space<semaphore_mem>>)
      %dma_wait3A_647 = arith.constant 0 : i32
      %dma_wait3A_648 = tpu.memref_slice %arg4[%add3A_297, %dma_wait3A_647] : memref<163840x128xf32, #tpu.memory_space<hbm>> -> memref<128x128xf32, #tpu.memory_space<hbm>>
      %dma_wait3A_649 = arith.constant 0 : i32
      %dma_wait3A_650 = tpu.memref_slice %arg4[%add3A_297, %dma_wait3A_649] : memref<163840x128xf32, #tpu.memory_space<hbm>> -> memref<128x128xf32, #tpu.memory_space<hbm>>
      tpu.wait_dma2 semaphore(%run_scoped3A : memref<!tpu.dma_semaphore, #tpu.memory_space<semaphore_mem>>) src(%arg7 : memref<128x128xf32, #tpu.memory_space<vmem>>) dst(%dma_wait3A_650 : memref<128x128xf32, #tpu.memory_space<hbm>>)
      tpu.yield
    }) : () -> ()
    %dma_start3A_298 = arith.constant 19 : i32
    %dma_start3A_299 = arith.constant 0 : i32
    %dma_start3A_300 = tpu.memref_slice %arg5[%dma_start3A_298, %dma_start3A_299] : memref<40x128xi32, #tpu.memory_space<vmem>> -> memref<1x128xi32, #tpu.memory_space<vmem>>
    %dma_start3A_301 = tpu.memref_squeeze %dma_start3A_300 : memref<1x128xi32, #tpu.memory_space<vmem>> -> memref<128xi32, #tpu.memory_space<vmem>>
    %dma_start3A_302 = arith.constant 0 : i32
    %dma_start3A_303 = arith.constant 0 : i32
    %dma_start3A_304 = tpu.memref_slice %arg2[%dma_start3A_302, %dma_start3A_303] : memref<10240x128xf32, #tpu.memory_space<hbm>> -> memref<10240x128xf32, #tpu.memory_space<hbm>>
    tpu.enqueue_indirect_dma source(%dma_start3A_304 : memref<10240x128xf32, #tpu.memory_space<hbm>>) target(%arg7 : memref<128x128xf32, #tpu.memory_space<vmem>>) offsets(%dma_start3A_301 : memref<128xi32, #tpu.memory_space<vmem>>) semaphore(%arg9 : memref<!tpu.dma_semaphore, #tpu.memory_space<semaphore_mem>>)
    %dma_wait3A_305 = arith.constant 18 : i32
    %dma_wait3A_306 = arith.constant 0 : i32
    %dma_wait3A_307 = tpu.memref_slice %arg5[%dma_wait3A_305, %dma_wait3A_306] : memref<40x128xi32, #tpu.memory_space<vmem>> -> memref<1x128xi32, #tpu.memory_space<vmem>>
    %dma_wait3A_308 = tpu.memref_squeeze %dma_wait3A_307 : memref<1x128xi32, #tpu.memory_space<vmem>> -> memref<128xi32, #tpu.memory_space<vmem>>
    %dma_wait3A_309 = arith.constant 0 : i32
    %dma_wait3A_310 = arith.constant 0 : i32
    %dma_wait3A_311 = tpu.memref_slice %arg2[%dma_wait3A_309, %dma_wait3A_310] : memref<10240x128xf32, #tpu.memory_space<hbm>> -> memref<10240x128xf32, #tpu.memory_space<hbm>>
    tpu.wait_indirect_dma semaphore(%arg8 : memref<!tpu.dma_semaphore, #tpu.memory_space<semaphore_mem>>) src(%dma_wait3A_311 : memref<10240x128xf32, #tpu.memory_space<hbm>>) dst(%arg6 : memref<128x128xf32, #tpu.memory_space<vmem>>)
    %add3A_312 = arith.constant 2304 : i32
    %add3A_313 = arith.addi %mul3A_2, %add3A_312 : i32
    "tpu.region"() ({
      %run_scoped3A = tpu.sem_alloc : memref<!tpu.dma_semaphore, #tpu.memory_space<semaphore_mem>>
      %dma_start3A_643 = arith.constant 0 : i32
      %dma_start3A_644 = tpu.memref_slice %arg4[%add3A_313, %dma_start3A_643] : memref<163840x128xf32, #tpu.memory_space<hbm>> -> memref<128x128xf32, #tpu.memory_space<hbm>>
      %dma_start3A_645 = arith.constant 0 : i32
      %dma_start3A_646 = tpu.memref_slice %arg4[%add3A_313, %dma_start3A_645] : memref<163840x128xf32, #tpu.memory_space<hbm>> -> memref<128x128xf32, #tpu.memory_space<hbm>>
      tpu.enqueue_dma source(%arg6 : memref<128x128xf32, #tpu.memory_space<vmem>>) target(%dma_start3A_646 : memref<128x128xf32, #tpu.memory_space<hbm>>) target_semaphore(%run_scoped3A : memref<!tpu.dma_semaphore, #tpu.memory_space<semaphore_mem>>)
      %dma_wait3A_647 = arith.constant 0 : i32
      %dma_wait3A_648 = tpu.memref_slice %arg4[%add3A_313, %dma_wait3A_647] : memref<163840x128xf32, #tpu.memory_space<hbm>> -> memref<128x128xf32, #tpu.memory_space<hbm>>
      %dma_wait3A_649 = arith.constant 0 : i32
      %dma_wait3A_650 = tpu.memref_slice %arg4[%add3A_313, %dma_wait3A_649] : memref<163840x128xf32, #tpu.memory_space<hbm>> -> memref<128x128xf32, #tpu.memory_space<hbm>>
      tpu.wait_dma2 semaphore(%run_scoped3A : memref<!tpu.dma_semaphore, #tpu.memory_space<semaphore_mem>>) src(%arg6 : memref<128x128xf32, #tpu.memory_space<vmem>>) dst(%dma_wait3A_650 : memref<128x128xf32, #tpu.memory_space<hbm>>)
      tpu.yield
    }) : () -> ()
    %dma_start3A_314 = arith.constant 20 : i32
    %dma_start3A_315 = arith.constant 0 : i32
    %dma_start3A_316 = tpu.memref_slice %arg5[%dma_start3A_314, %dma_start3A_315] : memref<40x128xi32, #tpu.memory_space<vmem>> -> memref<1x128xi32, #tpu.memory_space<vmem>>
    %dma_start3A_317 = tpu.memref_squeeze %dma_start3A_316 : memref<1x128xi32, #tpu.memory_space<vmem>> -> memref<128xi32, #tpu.memory_space<vmem>>
    %dma_start3A_318 = arith.constant 0 : i32
    %dma_start3A_319 = arith.constant 0 : i32
    %dma_start3A_320 = tpu.memref_slice %arg2[%dma_start3A_318, %dma_start3A_319] : memref<10240x128xf32, #tpu.memory_space<hbm>> -> memref<10240x128xf32, #tpu.memory_space<hbm>>
    tpu.enqueue_indirect_dma source(%dma_start3A_320 : memref<10240x128xf32, #tpu.memory_space<hbm>>) target(%arg6 : memref<128x128xf32, #tpu.memory_space<vmem>>) offsets(%dma_start3A_317 : memref<128xi32, #tpu.memory_space<vmem>>) semaphore(%arg8 : memref<!tpu.dma_semaphore, #tpu.memory_space<semaphore_mem>>)
    %dma_wait3A_321 = arith.constant 19 : i32
    %dma_wait3A_322 = arith.constant 0 : i32
    %dma_wait3A_323 = tpu.memref_slice %arg5[%dma_wait3A_321, %dma_wait3A_322] : memref<40x128xi32, #tpu.memory_space<vmem>> -> memref<1x128xi32, #tpu.memory_space<vmem>>
    %dma_wait3A_324 = tpu.memref_squeeze %dma_wait3A_323 : memref<1x128xi32, #tpu.memory_space<vmem>> -> memref<128xi32, #tpu.memory_space<vmem>>
    %dma_wait3A_325 = arith.constant 0 : i32
    %dma_wait3A_326 = arith.constant 0 : i32
    %dma_wait3A_327 = tpu.memref_slice %arg2[%dma_wait3A_325, %dma_wait3A_326] : memref<10240x128xf32, #tpu.memory_space<hbm>> -> memref<10240x128xf32, #tpu.memory_space<hbm>>
    tpu.wait_indirect_dma semaphore(%arg9 : memref<!tpu.dma_semaphore, #tpu.memory_space<semaphore_mem>>) src(%dma_wait3A_327 : memref<10240x128xf32, #tpu.memory_space<hbm>>) dst(%arg7 : memref<128x128xf32, #tpu.memory_space<vmem>>)
    %add3A_328 = arith.constant 2432 : i32
    %add3A_329 = arith.addi %mul3A_2, %add3A_328 : i32
    "tpu.region"() ({
      %run_scoped3A = tpu.sem_alloc : memref<!tpu.dma_semaphore, #tpu.memory_space<semaphore_mem>>
      %dma_start3A_643 = arith.constant 0 : i32
      %dma_start3A_644 = tpu.memref_slice %arg4[%add3A_329, %dma_start3A_643] : memref<163840x128xf32, #tpu.memory_space<hbm>> -> memref<128x128xf32, #tpu.memory_space<hbm>>
      %dma_start3A_645 = arith.constant 0 : i32
      %dma_start3A_646 = tpu.memref_slice %arg4[%add3A_329, %dma_start3A_645] : memref<163840x128xf32, #tpu.memory_space<hbm>> -> memref<128x128xf32, #tpu.memory_space<hbm>>
      tpu.enqueue_dma source(%arg7 : memref<128x128xf32, #tpu.memory_space<vmem>>) target(%dma_start3A_646 : memref<128x128xf32, #tpu.memory_space<hbm>>) target_semaphore(%run_scoped3A : memref<!tpu.dma_semaphore, #tpu.memory_space<semaphore_mem>>)
      %dma_wait3A_647 = arith.constant 0 : i32
      %dma_wait3A_648 = tpu.memref_slice %arg4[%add3A_329, %dma_wait3A_647] : memref<163840x128xf32, #tpu.memory_space<hbm>> -> memref<128x128xf32, #tpu.memory_space<hbm>>
      %dma_wait3A_649 = arith.constant 0 : i32
      %dma_wait3A_650 = tpu.memref_slice %arg4[%add3A_329, %dma_wait3A_649] : memref<163840x128xf32, #tpu.memory_space<hbm>> -> memref<128x128xf32, #tpu.memory_space<hbm>>
      tpu.wait_dma2 semaphore(%run_scoped3A : memref<!tpu.dma_semaphore, #tpu.memory_space<semaphore_mem>>) src(%arg7 : memref<128x128xf32, #tpu.memory_space<vmem>>) dst(%dma_wait3A_650 : memref<128x128xf32, #tpu.memory_space<hbm>>)
      tpu.yield
    }) : () -> ()
    %dma_start3A_330 = arith.constant 21 : i32
    %dma_start3A_331 = arith.constant 0 : i32
    %dma_start3A_332 = tpu.memref_slice %arg5[%dma_start3A_330, %dma_start3A_331] : memref<40x128xi32, #tpu.memory_space<vmem>> -> memref<1x128xi32, #tpu.memory_space<vmem>>
    %dma_start3A_333 = tpu.memref_squeeze %dma_start3A_332 : memref<1x128xi32, #tpu.memory_space<vmem>> -> memref<128xi32, #tpu.memory_space<vmem>>
    %dma_start3A_334 = arith.constant 0 : i32
    %dma_start3A_335 = arith.constant 0 : i32
    %dma_start3A_336 = tpu.memref_slice %arg2[%dma_start3A_334, %dma_start3A_335] : memref<10240x128xf32, #tpu.memory_space<hbm>> -> memref<10240x128xf32, #tpu.memory_space<hbm>>
    tpu.enqueue_indirect_dma source(%dma_start3A_336 : memref<10240x128xf32, #tpu.memory_space<hbm>>) target(%arg7 : memref<128x128xf32, #tpu.memory_space<vmem>>) offsets(%dma_start3A_333 : memref<128xi32, #tpu.memory_space<vmem>>) semaphore(%arg9 : memref<!tpu.dma_semaphore, #tpu.memory_space<semaphore_mem>>)
    %dma_wait3A_337 = arith.constant 20 : i32
    %dma_wait3A_338 = arith.constant 0 : i32
    %dma_wait3A_339 = tpu.memref_slice %arg5[%dma_wait3A_337, %dma_wait3A_338] : memref<40x128xi32, #tpu.memory_space<vmem>> -> memref<1x128xi32, #tpu.memory_space<vmem>>
    %dma_wait3A_340 = tpu.memref_squeeze %dma_wait3A_339 : memref<1x128xi32, #tpu.memory_space<vmem>> -> memref<128xi32, #tpu.memory_space<vmem>>
    %dma_wait3A_341 = arith.constant 0 : i32
    %dma_wait3A_342 = arith.constant 0 : i32
    %dma_wait3A_343 = tpu.memref_slice %arg2[%dma_wait3A_341, %dma_wait3A_342] : memref<10240x128xf32, #tpu.memory_space<hbm>> -> memref<10240x128xf32, #tpu.memory_space<hbm>>
    tpu.wait_indirect_dma semaphore(%arg8 : memref<!tpu.dma_semaphore, #tpu.memory_space<semaphore_mem>>) src(%dma_wait3A_343 : memref<10240x128xf32, #tpu.memory_space<hbm>>) dst(%arg6 : memref<128x128xf32, #tpu.memory_space<vmem>>)
    %add3A_344 = arith.constant 2560 : i32
    %add3A_345 = arith.addi %mul3A_2, %add3A_344 : i32
    "tpu.region"() ({
      %run_scoped3A = tpu.sem_alloc : memref<!tpu.dma_semaphore, #tpu.memory_space<semaphore_mem>>
      %dma_start3A_643 = arith.constant 0 : i32
      %dma_start3A_644 = tpu.memref_slice %arg4[%add3A_345, %dma_start3A_643] : memref<163840x128xf32, #tpu.memory_space<hbm>> -> memref<128x128xf32, #tpu.memory_space<hbm>>
      %dma_start3A_645 = arith.constant 0 : i32
      %dma_start3A_646 = tpu.memref_slice %arg4[%add3A_345, %dma_start3A_645] : memref<163840x128xf32, #tpu.memory_space<hbm>> -> memref<128x128xf32, #tpu.memory_space<hbm>>
      tpu.enqueue_dma source(%arg6 : memref<128x128xf32, #tpu.memory_space<vmem>>) target(%dma_start3A_646 : memref<128x128xf32, #tpu.memory_space<hbm>>) target_semaphore(%run_scoped3A : memref<!tpu.dma_semaphore, #tpu.memory_space<semaphore_mem>>)
      %dma_wait3A_647 = arith.constant 0 : i32
      %dma_wait3A_648 = tpu.memref_slice %arg4[%add3A_345, %dma_wait3A_647] : memref<163840x128xf32, #tpu.memory_space<hbm>> -> memref<128x128xf32, #tpu.memory_space<hbm>>
      %dma_wait3A_649 = arith.constant 0 : i32
      %dma_wait3A_650 = tpu.memref_slice %arg4[%add3A_345, %dma_wait3A_649] : memref<163840x128xf32, #tpu.memory_space<hbm>> -> memref<128x128xf32, #tpu.memory_space<hbm>>
      tpu.wait_dma2 semaphore(%run_scoped3A : memref<!tpu.dma_semaphore, #tpu.memory_space<semaphore_mem>>) src(%arg6 : memref<128x128xf32, #tpu.memory_space<vmem>>) dst(%dma_wait3A_650 : memref<128x128xf32, #tpu.memory_space<hbm>>)
      tpu.yield
    }) : () -> ()
    %dma_start3A_346 = arith.constant 22 : i32
    %dma_start3A_347 = arith.constant 0 : i32
    %dma_start3A_348 = tpu.memref_slice %arg5[%dma_start3A_346, %dma_start3A_347] : memref<40x128xi32, #tpu.memory_space<vmem>> -> memref<1x128xi32, #tpu.memory_space<vmem>>
    %dma_start3A_349 = tpu.memref_squeeze %dma_start3A_348 : memref<1x128xi32, #tpu.memory_space<vmem>> -> memref<128xi32, #tpu.memory_space<vmem>>
    %dma_start3A_350 = arith.constant 0 : i32
    %dma_start3A_351 = arith.constant 0 : i32
    %dma_start3A_352 = tpu.memref_slice %arg2[%dma_start3A_350, %dma_start3A_351] : memref<10240x128xf32, #tpu.memory_space<hbm>> -> memref<10240x128xf32, #tpu.memory_space<hbm>>
    tpu.enqueue_indirect_dma source(%dma_start3A_352 : memref<10240x128xf32, #tpu.memory_space<hbm>>) target(%arg6 : memref<128x128xf32, #tpu.memory_space<vmem>>) offsets(%dma_start3A_349 : memref<128xi32, #tpu.memory_space<vmem>>) semaphore(%arg8 : memref<!tpu.dma_semaphore, #tpu.memory_space<semaphore_mem>>)
    %dma_wait3A_353 = arith.constant 21 : i32
    %dma_wait3A_354 = arith.constant 0 : i32
    %dma_wait3A_355 = tpu.memref_slice %arg5[%dma_wait3A_353, %dma_wait3A_354] : memref<40x128xi32, #tpu.memory_space<vmem>> -> memref<1x128xi32, #tpu.memory_space<vmem>>
    %dma_wait3A_356 = tpu.memref_squeeze %dma_wait3A_355 : memref<1x128xi32, #tpu.memory_space<vmem>> -> memref<128xi32, #tpu.memory_space<vmem>>
    %dma_wait3A_357 = arith.constant 0 : i32
    %dma_wait3A_358 = arith.constant 0 : i32
    %dma_wait3A_359 = tpu.memref_slice %arg2[%dma_wait3A_357, %dma_wait3A_358] : memref<10240x128xf32, #tpu.memory_space<hbm>> -> memref<10240x128xf32, #tpu.memory_space<hbm>>
    tpu.wait_indirect_dma semaphore(%arg9 : memref<!tpu.dma_semaphore, #tpu.memory_space<semaphore_mem>>) src(%dma_wait3A_359 : memref<10240x128xf32, #tpu.memory_space<hbm>>) dst(%arg7 : memref<128x128xf32, #tpu.memory_space<vmem>>)
    %add3A_360 = arith.constant 2688 : i32
    %add3A_361 = arith.addi %mul3A_2, %add3A_360 : i32
    "tpu.region"() ({
      %run_scoped3A = tpu.sem_alloc : memref<!tpu.dma_semaphore, #tpu.memory_space<semaphore_mem>>
      %dma_start3A_643 = arith.constant 0 : i32
      %dma_start3A_644 = tpu.memref_slice %arg4[%add3A_361, %dma_start3A_643] : memref<163840x128xf32, #tpu.memory_space<hbm>> -> memref<128x128xf32, #tpu.memory_space<hbm>>
      %dma_start3A_645 = arith.constant 0 : i32
      %dma_start3A_646 = tpu.memref_slice %arg4[%add3A_361, %dma_start3A_645] : memref<163840x128xf32, #tpu.memory_space<hbm>> -> memref<128x128xf32, #tpu.memory_space<hbm>>
      tpu.enqueue_dma source(%arg7 : memref<128x128xf32, #tpu.memory_space<vmem>>) target(%dma_start3A_646 : memref<128x128xf32, #tpu.memory_space<hbm>>) target_semaphore(%run_scoped3A : memref<!tpu.dma_semaphore, #tpu.memory_space<semaphore_mem>>)
      %dma_wait3A_647 = arith.constant 0 : i32
      %dma_wait3A_648 = tpu.memref_slice %arg4[%add3A_361, %dma_wait3A_647] : memref<163840x128xf32, #tpu.memory_space<hbm>> -> memref<128x128xf32, #tpu.memory_space<hbm>>
      %dma_wait3A_649 = arith.constant 0 : i32
      %dma_wait3A_650 = tpu.memref_slice %arg4[%add3A_361, %dma_wait3A_649] : memref<163840x128xf32, #tpu.memory_space<hbm>> -> memref<128x128xf32, #tpu.memory_space<hbm>>
      tpu.wait_dma2 semaphore(%run_scoped3A : memref<!tpu.dma_semaphore, #tpu.memory_space<semaphore_mem>>) src(%arg7 : memref<128x128xf32, #tpu.memory_space<vmem>>) dst(%dma_wait3A_650 : memref<128x128xf32, #tpu.memory_space<hbm>>)
      tpu.yield
    }) : () -> ()
    %dma_start3A_362 = arith.constant 23 : i32
    %dma_start3A_363 = arith.constant 0 : i32
    %dma_start3A_364 = tpu.memref_slice %arg5[%dma_start3A_362, %dma_start3A_363] : memref<40x128xi32, #tpu.memory_space<vmem>> -> memref<1x128xi32, #tpu.memory_space<vmem>>
    %dma_start3A_365 = tpu.memref_squeeze %dma_start3A_364 : memref<1x128xi32, #tpu.memory_space<vmem>> -> memref<128xi32, #tpu.memory_space<vmem>>
    %dma_start3A_366 = arith.constant 0 : i32
    %dma_start3A_367 = arith.constant 0 : i32
    %dma_start3A_368 = tpu.memref_slice %arg2[%dma_start3A_366, %dma_start3A_367] : memref<10240x128xf32, #tpu.memory_space<hbm>> -> memref<10240x128xf32, #tpu.memory_space<hbm>>
    tpu.enqueue_indirect_dma source(%dma_start3A_368 : memref<10240x128xf32, #tpu.memory_space<hbm>>) target(%arg7 : memref<128x128xf32, #tpu.memory_space<vmem>>) offsets(%dma_start3A_365 : memref<128xi32, #tpu.memory_space<vmem>>) semaphore(%arg9 : memref<!tpu.dma_semaphore, #tpu.memory_space<semaphore_mem>>)
    %dma_wait3A_369 = arith.constant 22 : i32
    %dma_wait3A_370 = arith.constant 0 : i32
    %dma_wait3A_371 = tpu.memref_slice %arg5[%dma_wait3A_369, %dma_wait3A_370] : memref<40x128xi32, #tpu.memory_space<vmem>> -> memref<1x128xi32, #tpu.memory_space<vmem>>
    %dma_wait3A_372 = tpu.memref_squeeze %dma_wait3A_371 : memref<1x128xi32, #tpu.memory_space<vmem>> -> memref<128xi32, #tpu.memory_space<vmem>>
    %dma_wait3A_373 = arith.constant 0 : i32
    %dma_wait3A_374 = arith.constant 0 : i32
    %dma_wait3A_375 = tpu.memref_slice %arg2[%dma_wait3A_373, %dma_wait3A_374] : memref<10240x128xf32, #tpu.memory_space<hbm>> -> memref<10240x128xf32, #tpu.memory_space<hbm>>
    tpu.wait_indirect_dma semaphore(%arg8 : memref<!tpu.dma_semaphore, #tpu.memory_space<semaphore_mem>>) src(%dma_wait3A_375 : memref<10240x128xf32, #tpu.memory_space<hbm>>) dst(%arg6 : memref<128x128xf32, #tpu.memory_space<vmem>>)
    %add3A_376 = arith.constant 2816 : i32
    %add3A_377 = arith.addi %mul3A_2, %add3A_376 : i32
    "tpu.region"() ({
      %run_scoped3A = tpu.sem_alloc : memref<!tpu.dma_semaphore, #tpu.memory_space<semaphore_mem>>
      %dma_start3A_643 = arith.constant 0 : i32
      %dma_start3A_644 = tpu.memref_slice %arg4[%add3A_377, %dma_start3A_643] : memref<163840x128xf32, #tpu.memory_space<hbm>> -> memref<128x128xf32, #tpu.memory_space<hbm>>
      %dma_start3A_645 = arith.constant 0 : i32
      %dma_start3A_646 = tpu.memref_slice %arg4[%add3A_377, %dma_start3A_645] : memref<163840x128xf32, #tpu.memory_space<hbm>> -> memref<128x128xf32, #tpu.memory_space<hbm>>
      tpu.enqueue_dma source(%arg6 : memref<128x128xf32, #tpu.memory_space<vmem>>) target(%dma_start3A_646 : memref<128x128xf32, #tpu.memory_space<hbm>>) target_semaphore(%run_scoped3A : memref<!tpu.dma_semaphore, #tpu.memory_space<semaphore_mem>>)
      %dma_wait3A_647 = arith.constant 0 : i32
      %dma_wait3A_648 = tpu.memref_slice %arg4[%add3A_377, %dma_wait3A_647] : memref<163840x128xf32, #tpu.memory_space<hbm>> -> memref<128x128xf32, #tpu.memory_space<hbm>>
      %dma_wait3A_649 = arith.constant 0 : i32
      %dma_wait3A_650 = tpu.memref_slice %arg4[%add3A_377, %dma_wait3A_649] : memref<163840x128xf32, #tpu.memory_space<hbm>> -> memref<128x128xf32, #tpu.memory_space<hbm>>
      tpu.wait_dma2 semaphore(%run_scoped3A : memref<!tpu.dma_semaphore, #tpu.memory_space<semaphore_mem>>) src(%arg6 : memref<128x128xf32, #tpu.memory_space<vmem>>) dst(%dma_wait3A_650 : memref<128x128xf32, #tpu.memory_space<hbm>>)
      tpu.yield
    }) : () -> ()
    %dma_start3A_378 = arith.constant 24 : i32
    %dma_start3A_379 = arith.constant 0 : i32
    %dma_start3A_380 = tpu.memref_slice %arg5[%dma_start3A_378, %dma_start3A_379] : memref<40x128xi32, #tpu.memory_space<vmem>> -> memref<1x128xi32, #tpu.memory_space<vmem>>
    %dma_start3A_381 = tpu.memref_squeeze %dma_start3A_380 : memref<1x128xi32, #tpu.memory_space<vmem>> -> memref<128xi32, #tpu.memory_space<vmem>>
    %dma_start3A_382 = arith.constant 0 : i32
    %dma_start3A_383 = arith.constant 0 : i32
    %dma_start3A_384 = tpu.memref_slice %arg2[%dma_start3A_382, %dma_start3A_383] : memref<10240x128xf32, #tpu.memory_space<hbm>> -> memref<10240x128xf32, #tpu.memory_space<hbm>>
    tpu.enqueue_indirect_dma source(%dma_start3A_384 : memref<10240x128xf32, #tpu.memory_space<hbm>>) target(%arg6 : memref<128x128xf32, #tpu.memory_space<vmem>>) offsets(%dma_start3A_381 : memref<128xi32, #tpu.memory_space<vmem>>) semaphore(%arg8 : memref<!tpu.dma_semaphore, #tpu.memory_space<semaphore_mem>>)
    %dma_wait3A_385 = arith.constant 23 : i32
    %dma_wait3A_386 = arith.constant 0 : i32
    %dma_wait3A_387 = tpu.memref_slice %arg5[%dma_wait3A_385, %dma_wait3A_386] : memref<40x128xi32, #tpu.memory_space<vmem>> -> memref<1x128xi32, #tpu.memory_space<vmem>>
    %dma_wait3A_388 = tpu.memref_squeeze %dma_wait3A_387 : memref<1x128xi32, #tpu.memory_space<vmem>> -> memref<128xi32, #tpu.memory_space<vmem>>
    %dma_wait3A_389 = arith.constant 0 : i32
    %dma_wait3A_390 = arith.constant 0 : i32
    %dma_wait3A_391 = tpu.memref_slice %arg2[%dma_wait3A_389, %dma_wait3A_390] : memref<10240x128xf32, #tpu.memory_space<hbm>> -> memref<10240x128xf32, #tpu.memory_space<hbm>>
    tpu.wait_indirect_dma semaphore(%arg9 : memref<!tpu.dma_semaphore, #tpu.memory_space<semaphore_mem>>) src(%dma_wait3A_391 : memref<10240x128xf32, #tpu.memory_space<hbm>>) dst(%arg7 : memref<128x128xf32, #tpu.memory_space<vmem>>)
    %add3A_392 = arith.constant 2944 : i32
    %add3A_393 = arith.addi %mul3A_2, %add3A_392 : i32
    "tpu.region"() ({
      %run_scoped3A = tpu.sem_alloc : memref<!tpu.dma_semaphore, #tpu.memory_space<semaphore_mem>>
      %dma_start3A_643 = arith.constant 0 : i32
      %dma_start3A_644 = tpu.memref_slice %arg4[%add3A_393, %dma_start3A_643] : memref<163840x128xf32, #tpu.memory_space<hbm>> -> memref<128x128xf32, #tpu.memory_space<hbm>>
      %dma_start3A_645 = arith.constant 0 : i32
      %dma_start3A_646 = tpu.memref_slice %arg4[%add3A_393, %dma_start3A_645] : memref<163840x128xf32, #tpu.memory_space<hbm>> -> memref<128x128xf32, #tpu.memory_space<hbm>>
      tpu.enqueue_dma source(%arg7 : memref<128x128xf32, #tpu.memory_space<vmem>>) target(%dma_start3A_646 : memref<128x128xf32, #tpu.memory_space<hbm>>) target_semaphore(%run_scoped3A : memref<!tpu.dma_semaphore, #tpu.memory_space<semaphore_mem>>)
      %dma_wait3A_647 = arith.constant 0 : i32
      %dma_wait3A_648 = tpu.memref_slice %arg4[%add3A_393, %dma_wait3A_647] : memref<163840x128xf32, #tpu.memory_space<hbm>> -> memref<128x128xf32, #tpu.memory_space<hbm>>
      %dma_wait3A_649 = arith.constant 0 : i32
      %dma_wait3A_650 = tpu.memref_slice %arg4[%add3A_393, %dma_wait3A_649] : memref<163840x128xf32, #tpu.memory_space<hbm>> -> memref<128x128xf32, #tpu.memory_space<hbm>>
      tpu.wait_dma2 semaphore(%run_scoped3A : memref<!tpu.dma_semaphore, #tpu.memory_space<semaphore_mem>>) src(%arg7 : memref<128x128xf32, #tpu.memory_space<vmem>>) dst(%dma_wait3A_650 : memref<128x128xf32, #tpu.memory_space<hbm>>)
      tpu.yield
    }) : () -> ()
    %dma_start3A_394 = arith.constant 25 : i32
    %dma_start3A_395 = arith.constant 0 : i32
    %dma_start3A_396 = tpu.memref_slice %arg5[%dma_start3A_394, %dma_start3A_395] : memref<40x128xi32, #tpu.memory_space<vmem>> -> memref<1x128xi32, #tpu.memory_space<vmem>>
    %dma_start3A_397 = tpu.memref_squeeze %dma_start3A_396 : memref<1x128xi32, #tpu.memory_space<vmem>> -> memref<128xi32, #tpu.memory_space<vmem>>
    %dma_start3A_398 = arith.constant 0 : i32
    %dma_start3A_399 = arith.constant 0 : i32
    %dma_start3A_400 = tpu.memref_slice %arg2[%dma_start3A_398, %dma_start3A_399] : memref<10240x128xf32, #tpu.memory_space<hbm>> -> memref<10240x128xf32, #tpu.memory_space<hbm>>
    tpu.enqueue_indirect_dma source(%dma_start3A_400 : memref<10240x128xf32, #tpu.memory_space<hbm>>) target(%arg7 : memref<128x128xf32, #tpu.memory_space<vmem>>) offsets(%dma_start3A_397 : memref<128xi32, #tpu.memory_space<vmem>>) semaphore(%arg9 : memref<!tpu.dma_semaphore, #tpu.memory_space<semaphore_mem>>)
    %dma_wait3A_401 = arith.constant 24 : i32
    %dma_wait3A_402 = arith.constant 0 : i32
    %dma_wait3A_403 = tpu.memref_slice %arg5[%dma_wait3A_401, %dma_wait3A_402] : memref<40x128xi32, #tpu.memory_space<vmem>> -> memref<1x128xi32, #tpu.memory_space<vmem>>
    %dma_wait3A_404 = tpu.memref_squeeze %dma_wait3A_403 : memref<1x128xi32, #tpu.memory_space<vmem>> -> memref<128xi32, #tpu.memory_space<vmem>>
    %dma_wait3A_405 = arith.constant 0 : i32
    %dma_wait3A_406 = arith.constant 0 : i32
    %dma_wait3A_407 = tpu.memref_slice %arg2[%dma_wait3A_405, %dma_wait3A_406] : memref<10240x128xf32, #tpu.memory_space<hbm>> -> memref<10240x128xf32, #tpu.memory_space<hbm>>
    tpu.wait_indirect_dma semaphore(%arg8 : memref<!tpu.dma_semaphore, #tpu.memory_space<semaphore_mem>>) src(%dma_wait3A_407 : memref<10240x128xf32, #tpu.memory_space<hbm>>) dst(%arg6 : memref<128x128xf32, #tpu.memory_space<vmem>>)
    %add3A_408 = arith.constant 3072 : i32
    %add3A_409 = arith.addi %mul3A_2, %add3A_408 : i32
    "tpu.region"() ({
      %run_scoped3A = tpu.sem_alloc : memref<!tpu.dma_semaphore, #tpu.memory_space<semaphore_mem>>
      %dma_start3A_643 = arith.constant 0 : i32
      %dma_start3A_644 = tpu.memref_slice %arg4[%add3A_409, %dma_start3A_643] : memref<163840x128xf32, #tpu.memory_space<hbm>> -> memref<128x128xf32, #tpu.memory_space<hbm>>
      %dma_start3A_645 = arith.constant 0 : i32
      %dma_start3A_646 = tpu.memref_slice %arg4[%add3A_409, %dma_start3A_645] : memref<163840x128xf32, #tpu.memory_space<hbm>> -> memref<128x128xf32, #tpu.memory_space<hbm>>
      tpu.enqueue_dma source(%arg6 : memref<128x128xf32, #tpu.memory_space<vmem>>) target(%dma_start3A_646 : memref<128x128xf32, #tpu.memory_space<hbm>>) target_semaphore(%run_scoped3A : memref<!tpu.dma_semaphore, #tpu.memory_space<semaphore_mem>>)
      %dma_wait3A_647 = arith.constant 0 : i32
      %dma_wait3A_648 = tpu.memref_slice %arg4[%add3A_409, %dma_wait3A_647] : memref<163840x128xf32, #tpu.memory_space<hbm>> -> memref<128x128xf32, #tpu.memory_space<hbm>>
      %dma_wait3A_649 = arith.constant 0 : i32
      %dma_wait3A_650 = tpu.memref_slice %arg4[%add3A_409, %dma_wait3A_649] : memref<163840x128xf32, #tpu.memory_space<hbm>> -> memref<128x128xf32, #tpu.memory_space<hbm>>
      tpu.wait_dma2 semaphore(%run_scoped3A : memref<!tpu.dma_semaphore, #tpu.memory_space<semaphore_mem>>) src(%arg6 : memref<128x128xf32, #tpu.memory_space<vmem>>) dst(%dma_wait3A_650 : memref<128x128xf32, #tpu.memory_space<hbm>>)
      tpu.yield
    }) : () -> ()
    %dma_start3A_410 = arith.constant 26 : i32
    %dma_start3A_411 = arith.constant 0 : i32
    %dma_start3A_412 = tpu.memref_slice %arg5[%dma_start3A_410, %dma_start3A_411] : memref<40x128xi32, #tpu.memory_space<vmem>> -> memref<1x128xi32, #tpu.memory_space<vmem>>
    %dma_start3A_413 = tpu.memref_squeeze %dma_start3A_412 : memref<1x128xi32, #tpu.memory_space<vmem>> -> memref<128xi32, #tpu.memory_space<vmem>>
    %dma_start3A_414 = arith.constant 0 : i32
    %dma_start3A_415 = arith.constant 0 : i32
    %dma_start3A_416 = tpu.memref_slice %arg2[%dma_start3A_414, %dma_start3A_415] : memref<10240x128xf32, #tpu.memory_space<hbm>> -> memref<10240x128xf32, #tpu.memory_space<hbm>>
    tpu.enqueue_indirect_dma source(%dma_start3A_416 : memref<10240x128xf32, #tpu.memory_space<hbm>>) target(%arg6 : memref<128x128xf32, #tpu.memory_space<vmem>>) offsets(%dma_start3A_413 : memref<128xi32, #tpu.memory_space<vmem>>) semaphore(%arg8 : memref<!tpu.dma_semaphore, #tpu.memory_space<semaphore_mem>>)
    %dma_wait3A_417 = arith.constant 25 : i32
    %dma_wait3A_418 = arith.constant 0 : i32
    %dma_wait3A_419 = tpu.memref_slice %arg5[%dma_wait3A_417, %dma_wait3A_418] : memref<40x128xi32, #tpu.memory_space<vmem>> -> memref<1x128xi32, #tpu.memory_space<vmem>>
    %dma_wait3A_420 = tpu.memref_squeeze %dma_wait3A_419 : memref<1x128xi32, #tpu.memory_space<vmem>> -> memref<128xi32, #tpu.memory_space<vmem>>
    %dma_wait3A_421 = arith.constant 0 : i32
    %dma_wait3A_422 = arith.constant 0 : i32
    %dma_wait3A_423 = tpu.memref_slice %arg2[%dma_wait3A_421, %dma_wait3A_422] : memref<10240x128xf32, #tpu.memory_space<hbm>> -> memref<10240x128xf32, #tpu.memory_space<hbm>>
    tpu.wait_indirect_dma semaphore(%arg9 : memref<!tpu.dma_semaphore, #tpu.memory_space<semaphore_mem>>) src(%dma_wait3A_423 : memref<10240x128xf32, #tpu.memory_space<hbm>>) dst(%arg7 : memref<128x128xf32, #tpu.memory_space<vmem>>)
    %add3A_424 = arith.constant 3200 : i32
    %add3A_425 = arith.addi %mul3A_2, %add3A_424 : i32
    "tpu.region"() ({
      %run_scoped3A = tpu.sem_alloc : memref<!tpu.dma_semaphore, #tpu.memory_space<semaphore_mem>>
      %dma_start3A_643 = arith.constant 0 : i32
      %dma_start3A_644 = tpu.memref_slice %arg4[%add3A_425, %dma_start3A_643] : memref<163840x128xf32, #tpu.memory_space<hbm>> -> memref<128x128xf32, #tpu.memory_space<hbm>>
      %dma_start3A_645 = arith.constant 0 : i32
      %dma_start3A_646 = tpu.memref_slice %arg4[%add3A_425, %dma_start3A_645] : memref<163840x128xf32, #tpu.memory_space<hbm>> -> memref<128x128xf32, #tpu.memory_space<hbm>>
      tpu.enqueue_dma source(%arg7 : memref<128x128xf32, #tpu.memory_space<vmem>>) target(%dma_start3A_646 : memref<128x128xf32, #tpu.memory_space<hbm>>) target_semaphore(%run_scoped3A : memref<!tpu.dma_semaphore, #tpu.memory_space<semaphore_mem>>)
      %dma_wait3A_647 = arith.constant 0 : i32
      %dma_wait3A_648 = tpu.memref_slice %arg4[%add3A_425, %dma_wait3A_647] : memref<163840x128xf32, #tpu.memory_space<hbm>> -> memref<128x128xf32, #tpu.memory_space<hbm>>
      %dma_wait3A_649 = arith.constant 0 : i32
      %dma_wait3A_650 = tpu.memref_slice %arg4[%add3A_425, %dma_wait3A_649] : memref<163840x128xf32, #tpu.memory_space<hbm>> -> memref<128x128xf32, #tpu.memory_space<hbm>>
      tpu.wait_dma2 semaphore(%run_scoped3A : memref<!tpu.dma_semaphore, #tpu.memory_space<semaphore_mem>>) src(%arg7 : memref<128x128xf32, #tpu.memory_space<vmem>>) dst(%dma_wait3A_650 : memref<128x128xf32, #tpu.memory_space<hbm>>)
      tpu.yield
    }) : () -> ()
    %dma_start3A_426 = arith.constant 27 : i32
    %dma_start3A_427 = arith.constant 0 : i32
    %dma_start3A_428 = tpu.memref_slice %arg5[%dma_start3A_426, %dma_start3A_427] : memref<40x128xi32, #tpu.memory_space<vmem>> -> memref<1x128xi32, #tpu.memory_space<vmem>>
    %dma_start3A_429 = tpu.memref_squeeze %dma_start3A_428 : memref<1x128xi32, #tpu.memory_space<vmem>> -> memref<128xi32, #tpu.memory_space<vmem>>
    %dma_start3A_430 = arith.constant 0 : i32
    %dma_start3A_431 = arith.constant 0 : i32
    %dma_start3A_432 = tpu.memref_slice %arg2[%dma_start3A_430, %dma_start3A_431] : memref<10240x128xf32, #tpu.memory_space<hbm>> -> memref<10240x128xf32, #tpu.memory_space<hbm>>
    tpu.enqueue_indirect_dma source(%dma_start3A_432 : memref<10240x128xf32, #tpu.memory_space<hbm>>) target(%arg7 : memref<128x128xf32, #tpu.memory_space<vmem>>) offsets(%dma_start3A_429 : memref<128xi32, #tpu.memory_space<vmem>>) semaphore(%arg9 : memref<!tpu.dma_semaphore, #tpu.memory_space<semaphore_mem>>)
    %dma_wait3A_433 = arith.constant 26 : i32
    %dma_wait3A_434 = arith.constant 0 : i32
    %dma_wait3A_435 = tpu.memref_slice %arg5[%dma_wait3A_433, %dma_wait3A_434] : memref<40x128xi32, #tpu.memory_space<vmem>> -> memref<1x128xi32, #tpu.memory_space<vmem>>
    %dma_wait3A_436 = tpu.memref_squeeze %dma_wait3A_435 : memref<1x128xi32, #tpu.memory_space<vmem>> -> memref<128xi32, #tpu.memory_space<vmem>>
    %dma_wait3A_437 = arith.constant 0 : i32
    %dma_wait3A_438 = arith.constant 0 : i32
    %dma_wait3A_439 = tpu.memref_slice %arg2[%dma_wait3A_437, %dma_wait3A_438] : memref<10240x128xf32, #tpu.memory_space<hbm>> -> memref<10240x128xf32, #tpu.memory_space<hbm>>
    tpu.wait_indirect_dma semaphore(%arg8 : memref<!tpu.dma_semaphore, #tpu.memory_space<semaphore_mem>>) src(%dma_wait3A_439 : memref<10240x128xf32, #tpu.memory_space<hbm>>) dst(%arg6 : memref<128x128xf32, #tpu.memory_space<vmem>>)
    %add3A_440 = arith.constant 3328 : i32
    %add3A_441 = arith.addi %mul3A_2, %add3A_440 : i32
    "tpu.region"() ({
      %run_scoped3A = tpu.sem_alloc : memref<!tpu.dma_semaphore, #tpu.memory_space<semaphore_mem>>
      %dma_start3A_643 = arith.constant 0 : i32
      %dma_start3A_644 = tpu.memref_slice %arg4[%add3A_441, %dma_start3A_643] : memref<163840x128xf32, #tpu.memory_space<hbm>> -> memref<128x128xf32, #tpu.memory_space<hbm>>
      %dma_start3A_645 = arith.constant 0 : i32
      %dma_start3A_646 = tpu.memref_slice %arg4[%add3A_441, %dma_start3A_645] : memref<163840x128xf32, #tpu.memory_space<hbm>> -> memref<128x128xf32, #tpu.memory_space<hbm>>
      tpu.enqueue_dma source(%arg6 : memref<128x128xf32, #tpu.memory_space<vmem>>) target(%dma_start3A_646 : memref<128x128xf32, #tpu.memory_space<hbm>>) target_semaphore(%run_scoped3A : memref<!tpu.dma_semaphore, #tpu.memory_space<semaphore_mem>>)
      %dma_wait3A_647 = arith.constant 0 : i32
      %dma_wait3A_648 = tpu.memref_slice %arg4[%add3A_441, %dma_wait3A_647] : memref<163840x128xf32, #tpu.memory_space<hbm>> -> memref<128x128xf32, #tpu.memory_space<hbm>>
      %dma_wait3A_649 = arith.constant 0 : i32
      %dma_wait3A_650 = tpu.memref_slice %arg4[%add3A_441, %dma_wait3A_649] : memref<163840x128xf32, #tpu.memory_space<hbm>> -> memref<128x128xf32, #tpu.memory_space<hbm>>
      tpu.wait_dma2 semaphore(%run_scoped3A : memref<!tpu.dma_semaphore, #tpu.memory_space<semaphore_mem>>) src(%arg6 : memref<128x128xf32, #tpu.memory_space<vmem>>) dst(%dma_wait3A_650 : memref<128x128xf32, #tpu.memory_space<hbm>>)
      tpu.yield
    }) : () -> ()
    %dma_start3A_442 = arith.constant 28 : i32
    %dma_start3A_443 = arith.constant 0 : i32
    %dma_start3A_444 = tpu.memref_slice %arg5[%dma_start3A_442, %dma_start3A_443] : memref<40x128xi32, #tpu.memory_space<vmem>> -> memref<1x128xi32, #tpu.memory_space<vmem>>
    %dma_start3A_445 = tpu.memref_squeeze %dma_start3A_444 : memref<1x128xi32, #tpu.memory_space<vmem>> -> memref<128xi32, #tpu.memory_space<vmem>>
    %dma_start3A_446 = arith.constant 0 : i32
    %dma_start3A_447 = arith.constant 0 : i32
    %dma_start3A_448 = tpu.memref_slice %arg2[%dma_start3A_446, %dma_start3A_447] : memref<10240x128xf32, #tpu.memory_space<hbm>> -> memref<10240x128xf32, #tpu.memory_space<hbm>>
    tpu.enqueue_indirect_dma source(%dma_start3A_448 : memref<10240x128xf32, #tpu.memory_space<hbm>>) target(%arg6 : memref<128x128xf32, #tpu.memory_space<vmem>>) offsets(%dma_start3A_445 : memref<128xi32, #tpu.memory_space<vmem>>) semaphore(%arg8 : memref<!tpu.dma_semaphore, #tpu.memory_space<semaphore_mem>>)
    %dma_wait3A_449 = arith.constant 27 : i32
    %dma_wait3A_450 = arith.constant 0 : i32
    %dma_wait3A_451 = tpu.memref_slice %arg5[%dma_wait3A_449, %dma_wait3A_450] : memref<40x128xi32, #tpu.memory_space<vmem>> -> memref<1x128xi32, #tpu.memory_space<vmem>>
    %dma_wait3A_452 = tpu.memref_squeeze %dma_wait3A_451 : memref<1x128xi32, #tpu.memory_space<vmem>> -> memref<128xi32, #tpu.memory_space<vmem>>
    %dma_wait3A_453 = arith.constant 0 : i32
    %dma_wait3A_454 = arith.constant 0 : i32
    %dma_wait3A_455 = tpu.memref_slice %arg2[%dma_wait3A_453, %dma_wait3A_454] : memref<10240x128xf32, #tpu.memory_space<hbm>> -> memref<10240x128xf32, #tpu.memory_space<hbm>>
    tpu.wait_indirect_dma semaphore(%arg9 : memref<!tpu.dma_semaphore, #tpu.memory_space<semaphore_mem>>) src(%dma_wait3A_455 : memref<10240x128xf32, #tpu.memory_space<hbm>>) dst(%arg7 : memref<128x128xf32, #tpu.memory_space<vmem>>)
    %add3A_456 = arith.constant 3456 : i32
    %add3A_457 = arith.addi %mul3A_2, %add3A_456 : i32
    "tpu.region"() ({
      %run_scoped3A = tpu.sem_alloc : memref<!tpu.dma_semaphore, #tpu.memory_space<semaphore_mem>>
      %dma_start3A_643 = arith.constant 0 : i32
      %dma_start3A_644 = tpu.memref_slice %arg4[%add3A_457, %dma_start3A_643] : memref<163840x128xf32, #tpu.memory_space<hbm>> -> memref<128x128xf32, #tpu.memory_space<hbm>>
      %dma_start3A_645 = arith.constant 0 : i32
      %dma_start3A_646 = tpu.memref_slice %arg4[%add3A_457, %dma_start3A_645] : memref<163840x128xf32, #tpu.memory_space<hbm>> -> memref<128x128xf32, #tpu.memory_space<hbm>>
      tpu.enqueue_dma source(%arg7 : memref<128x128xf32, #tpu.memory_space<vmem>>) target(%dma_start3A_646 : memref<128x128xf32, #tpu.memory_space<hbm>>) target_semaphore(%run_scoped3A : memref<!tpu.dma_semaphore, #tpu.memory_space<semaphore_mem>>)
      %dma_wait3A_647 = arith.constant 0 : i32
      %dma_wait3A_648 = tpu.memref_slice %arg4[%add3A_457, %dma_wait3A_647] : memref<163840x128xf32, #tpu.memory_space<hbm>> -> memref<128x128xf32, #tpu.memory_space<hbm>>
      %dma_wait3A_649 = arith.constant 0 : i32
      %dma_wait3A_650 = tpu.memref_slice %arg4[%add3A_457, %dma_wait3A_649] : memref<163840x128xf32, #tpu.memory_space<hbm>> -> memref<128x128xf32, #tpu.memory_space<hbm>>
      tpu.wait_dma2 semaphore(%run_scoped3A : memref<!tpu.dma_semaphore, #tpu.memory_space<semaphore_mem>>) src(%arg7 : memref<128x128xf32, #tpu.memory_space<vmem>>) dst(%dma_wait3A_650 : memref<128x128xf32, #tpu.memory_space<hbm>>)
      tpu.yield
    }) : () -> ()
    %dma_start3A_458 = arith.constant 29 : i32
    %dma_start3A_459 = arith.constant 0 : i32
    %dma_start3A_460 = tpu.memref_slice %arg5[%dma_start3A_458, %dma_start3A_459] : memref<40x128xi32, #tpu.memory_space<vmem>> -> memref<1x128xi32, #tpu.memory_space<vmem>>
    %dma_start3A_461 = tpu.memref_squeeze %dma_start3A_460 : memref<1x128xi32, #tpu.memory_space<vmem>> -> memref<128xi32, #tpu.memory_space<vmem>>
    %dma_start3A_462 = arith.constant 0 : i32
    %dma_start3A_463 = arith.constant 0 : i32
    %dma_start3A_464 = tpu.memref_slice %arg2[%dma_start3A_462, %dma_start3A_463] : memref<10240x128xf32, #tpu.memory_space<hbm>> -> memref<10240x128xf32, #tpu.memory_space<hbm>>
    tpu.enqueue_indirect_dma source(%dma_start3A_464 : memref<10240x128xf32, #tpu.memory_space<hbm>>) target(%arg7 : memref<128x128xf32, #tpu.memory_space<vmem>>) offsets(%dma_start3A_461 : memref<128xi32, #tpu.memory_space<vmem>>) semaphore(%arg9 : memref<!tpu.dma_semaphore, #tpu.memory_space<semaphore_mem>>)
    %dma_wait3A_465 = arith.constant 28 : i32
    %dma_wait3A_466 = arith.constant 0 : i32
    %dma_wait3A_467 = tpu.memref_slice %arg5[%dma_wait3A_465, %dma_wait3A_466] : memref<40x128xi32, #tpu.memory_space<vmem>> -> memref<1x128xi32, #tpu.memory_space<vmem>>
    %dma_wait3A_468 = tpu.memref_squeeze %dma_wait3A_467 : memref<1x128xi32, #tpu.memory_space<vmem>> -> memref<128xi32, #tpu.memory_space<vmem>>
    %dma_wait3A_469 = arith.constant 0 : i32
    %dma_wait3A_470 = arith.constant 0 : i32
    %dma_wait3A_471 = tpu.memref_slice %arg2[%dma_wait3A_469, %dma_wait3A_470] : memref<10240x128xf32, #tpu.memory_space<hbm>> -> memref<10240x128xf32, #tpu.memory_space<hbm>>
    tpu.wait_indirect_dma semaphore(%arg8 : memref<!tpu.dma_semaphore, #tpu.memory_space<semaphore_mem>>) src(%dma_wait3A_471 : memref<10240x128xf32, #tpu.memory_space<hbm>>) dst(%arg6 : memref<128x128xf32, #tpu.memory_space<vmem>>)
    %add3A_472 = arith.constant 3584 : i32
    %add3A_473 = arith.addi %mul3A_2, %add3A_472 : i32
    "tpu.region"() ({
      %run_scoped3A = tpu.sem_alloc : memref<!tpu.dma_semaphore, #tpu.memory_space<semaphore_mem>>
      %dma_start3A_643 = arith.constant 0 : i32
      %dma_start3A_644 = tpu.memref_slice %arg4[%add3A_473, %dma_start3A_643] : memref<163840x128xf32, #tpu.memory_space<hbm>> -> memref<128x128xf32, #tpu.memory_space<hbm>>
      %dma_start3A_645 = arith.constant 0 : i32
      %dma_start3A_646 = tpu.memref_slice %arg4[%add3A_473, %dma_start3A_645] : memref<163840x128xf32, #tpu.memory_space<hbm>> -> memref<128x128xf32, #tpu.memory_space<hbm>>
      tpu.enqueue_dma source(%arg6 : memref<128x128xf32, #tpu.memory_space<vmem>>) target(%dma_start3A_646 : memref<128x128xf32, #tpu.memory_space<hbm>>) target_semaphore(%run_scoped3A : memref<!tpu.dma_semaphore, #tpu.memory_space<semaphore_mem>>)
      %dma_wait3A_647 = arith.constant 0 : i32
      %dma_wait3A_648 = tpu.memref_slice %arg4[%add3A_473, %dma_wait3A_647] : memref<163840x128xf32, #tpu.memory_space<hbm>> -> memref<128x128xf32, #tpu.memory_space<hbm>>
      %dma_wait3A_649 = arith.constant 0 : i32
      %dma_wait3A_650 = tpu.memref_slice %arg4[%add3A_473, %dma_wait3A_649] : memref<163840x128xf32, #tpu.memory_space<hbm>> -> memref<128x128xf32, #tpu.memory_space<hbm>>
      tpu.wait_dma2 semaphore(%run_scoped3A : memref<!tpu.dma_semaphore, #tpu.memory_space<semaphore_mem>>) src(%arg6 : memref<128x128xf32, #tpu.memory_space<vmem>>) dst(%dma_wait3A_650 : memref<128x128xf32, #tpu.memory_space<hbm>>)
      tpu.yield
    }) : () -> ()
    %dma_start3A_474 = arith.constant 30 : i32
    %dma_start3A_475 = arith.constant 0 : i32
    %dma_start3A_476 = tpu.memref_slice %arg5[%dma_start3A_474, %dma_start3A_475] : memref<40x128xi32, #tpu.memory_space<vmem>> -> memref<1x128xi32, #tpu.memory_space<vmem>>
    %dma_start3A_477 = tpu.memref_squeeze %dma_start3A_476 : memref<1x128xi32, #tpu.memory_space<vmem>> -> memref<128xi32, #tpu.memory_space<vmem>>
    %dma_start3A_478 = arith.constant 0 : i32
    %dma_start3A_479 = arith.constant 0 : i32
    %dma_start3A_480 = tpu.memref_slice %arg2[%dma_start3A_478, %dma_start3A_479] : memref<10240x128xf32, #tpu.memory_space<hbm>> -> memref<10240x128xf32, #tpu.memory_space<hbm>>
    tpu.enqueue_indirect_dma source(%dma_start3A_480 : memref<10240x128xf32, #tpu.memory_space<hbm>>) target(%arg6 : memref<128x128xf32, #tpu.memory_space<vmem>>) offsets(%dma_start3A_477 : memref<128xi32, #tpu.memory_space<vmem>>) semaphore(%arg8 : memref<!tpu.dma_semaphore, #tpu.memory_space<semaphore_mem>>)
    %dma_wait3A_481 = arith.constant 29 : i32
    %dma_wait3A_482 = arith.constant 0 : i32
    %dma_wait3A_483 = tpu.memref_slice %arg5[%dma_wait3A_481, %dma_wait3A_482] : memref<40x128xi32, #tpu.memory_space<vmem>> -> memref<1x128xi32, #tpu.memory_space<vmem>>
    %dma_wait3A_484 = tpu.memref_squeeze %dma_wait3A_483 : memref<1x128xi32, #tpu.memory_space<vmem>> -> memref<128xi32, #tpu.memory_space<vmem>>
    %dma_wait3A_485 = arith.constant 0 : i32
    %dma_wait3A_486 = arith.constant 0 : i32
    %dma_wait3A_487 = tpu.memref_slice %arg2[%dma_wait3A_485, %dma_wait3A_486] : memref<10240x128xf32, #tpu.memory_space<hbm>> -> memref<10240x128xf32, #tpu.memory_space<hbm>>
    tpu.wait_indirect_dma semaphore(%arg9 : memref<!tpu.dma_semaphore, #tpu.memory_space<semaphore_mem>>) src(%dma_wait3A_487 : memref<10240x128xf32, #tpu.memory_space<hbm>>) dst(%arg7 : memref<128x128xf32, #tpu.memory_space<vmem>>)
    %add3A_488 = arith.constant 3712 : i32
    %add3A_489 = arith.addi %mul3A_2, %add3A_488 : i32
    "tpu.region"() ({
      %run_scoped3A = tpu.sem_alloc : memref<!tpu.dma_semaphore, #tpu.memory_space<semaphore_mem>>
      %dma_start3A_643 = arith.constant 0 : i32
      %dma_start3A_644 = tpu.memref_slice %arg4[%add3A_489, %dma_start3A_643] : memref<163840x128xf32, #tpu.memory_space<hbm>> -> memref<128x128xf32, #tpu.memory_space<hbm>>
      %dma_start3A_645 = arith.constant 0 : i32
      %dma_start3A_646 = tpu.memref_slice %arg4[%add3A_489, %dma_start3A_645] : memref<163840x128xf32, #tpu.memory_space<hbm>> -> memref<128x128xf32, #tpu.memory_space<hbm>>
      tpu.enqueue_dma source(%arg7 : memref<128x128xf32, #tpu.memory_space<vmem>>) target(%dma_start3A_646 : memref<128x128xf32, #tpu.memory_space<hbm>>) target_semaphore(%run_scoped3A : memref<!tpu.dma_semaphore, #tpu.memory_space<semaphore_mem>>)
      %dma_wait3A_647 = arith.constant 0 : i32
      %dma_wait3A_648 = tpu.memref_slice %arg4[%add3A_489, %dma_wait3A_647] : memref<163840x128xf32, #tpu.memory_space<hbm>> -> memref<128x128xf32, #tpu.memory_space<hbm>>
      %dma_wait3A_649 = arith.constant 0 : i32
      %dma_wait3A_650 = tpu.memref_slice %arg4[%add3A_489, %dma_wait3A_649] : memref<163840x128xf32, #tpu.memory_space<hbm>> -> memref<128x128xf32, #tpu.memory_space<hbm>>
      tpu.wait_dma2 semaphore(%run_scoped3A : memref<!tpu.dma_semaphore, #tpu.memory_space<semaphore_mem>>) src(%arg7 : memref<128x128xf32, #tpu.memory_space<vmem>>) dst(%dma_wait3A_650 : memref<128x128xf32, #tpu.memory_space<hbm>>)
      tpu.yield
    }) : () -> ()
    %dma_start3A_490 = arith.constant 31 : i32
    %dma_start3A_491 = arith.constant 0 : i32
    %dma_start3A_492 = tpu.memref_slice %arg5[%dma_start3A_490, %dma_start3A_491] : memref<40x128xi32, #tpu.memory_space<vmem>> -> memref<1x128xi32, #tpu.memory_space<vmem>>
    %dma_start3A_493 = tpu.memref_squeeze %dma_start3A_492 : memref<1x128xi32, #tpu.memory_space<vmem>> -> memref<128xi32, #tpu.memory_space<vmem>>
    %dma_start3A_494 = arith.constant 0 : i32
    %dma_start3A_495 = arith.constant 0 : i32
    %dma_start3A_496 = tpu.memref_slice %arg2[%dma_start3A_494, %dma_start3A_495] : memref<10240x128xf32, #tpu.memory_space<hbm>> -> memref<10240x128xf32, #tpu.memory_space<hbm>>
    tpu.enqueue_indirect_dma source(%dma_start3A_496 : memref<10240x128xf32, #tpu.memory_space<hbm>>) target(%arg7 : memref<128x128xf32, #tpu.memory_space<vmem>>) offsets(%dma_start3A_493 : memref<128xi32, #tpu.memory_space<vmem>>) semaphore(%arg9 : memref<!tpu.dma_semaphore, #tpu.memory_space<semaphore_mem>>)
    %dma_wait3A_497 = arith.constant 30 : i32
    %dma_wait3A_498 = arith.constant 0 : i32
    %dma_wait3A_499 = tpu.memref_slice %arg5[%dma_wait3A_497, %dma_wait3A_498] : memref<40x128xi32, #tpu.memory_space<vmem>> -> memref<1x128xi32, #tpu.memory_space<vmem>>
    %dma_wait3A_500 = tpu.memref_squeeze %dma_wait3A_499 : memref<1x128xi32, #tpu.memory_space<vmem>> -> memref<128xi32, #tpu.memory_space<vmem>>
    %dma_wait3A_501 = arith.constant 0 : i32
    %dma_wait3A_502 = arith.constant 0 : i32
    %dma_wait3A_503 = tpu.memref_slice %arg2[%dma_wait3A_501, %dma_wait3A_502] : memref<10240x128xf32, #tpu.memory_space<hbm>> -> memref<10240x128xf32, #tpu.memory_space<hbm>>
    tpu.wait_indirect_dma semaphore(%arg8 : memref<!tpu.dma_semaphore, #tpu.memory_space<semaphore_mem>>) src(%dma_wait3A_503 : memref<10240x128xf32, #tpu.memory_space<hbm>>) dst(%arg6 : memref<128x128xf32, #tpu.memory_space<vmem>>)
    %add3A_504 = arith.constant 3840 : i32
    %add3A_505 = arith.addi %mul3A_2, %add3A_504 : i32
    "tpu.region"() ({
      %run_scoped3A = tpu.sem_alloc : memref<!tpu.dma_semaphore, #tpu.memory_space<semaphore_mem>>
      %dma_start3A_643 = arith.constant 0 : i32
      %dma_start3A_644 = tpu.memref_slice %arg4[%add3A_505, %dma_start3A_643] : memref<163840x128xf32, #tpu.memory_space<hbm>> -> memref<128x128xf32, #tpu.memory_space<hbm>>
      %dma_start3A_645 = arith.constant 0 : i32
      %dma_start3A_646 = tpu.memref_slice %arg4[%add3A_505, %dma_start3A_645] : memref<163840x128xf32, #tpu.memory_space<hbm>> -> memref<128x128xf32, #tpu.memory_space<hbm>>
      tpu.enqueue_dma source(%arg6 : memref<128x128xf32, #tpu.memory_space<vmem>>) target(%dma_start3A_646 : memref<128x128xf32, #tpu.memory_space<hbm>>) target_semaphore(%run_scoped3A : memref<!tpu.dma_semaphore, #tpu.memory_space<semaphore_mem>>)
      %dma_wait3A_647 = arith.constant 0 : i32
      %dma_wait3A_648 = tpu.memref_slice %arg4[%add3A_505, %dma_wait3A_647] : memref<163840x128xf32, #tpu.memory_space<hbm>> -> memref<128x128xf32, #tpu.memory_space<hbm>>
      %dma_wait3A_649 = arith.constant 0 : i32
      %dma_wait3A_650 = tpu.memref_slice %arg4[%add3A_505, %dma_wait3A_649] : memref<163840x128xf32, #tpu.memory_space<hbm>> -> memref<128x128xf32, #tpu.memory_space<hbm>>
      tpu.wait_dma2 semaphore(%run_scoped3A : memref<!tpu.dma_semaphore, #tpu.memory_space<semaphore_mem>>) src(%arg6 : memref<128x128xf32, #tpu.memory_space<vmem>>) dst(%dma_wait3A_650 : memref<128x128xf32, #tpu.memory_space<hbm>>)
      tpu.yield
    }) : () -> ()
    %dma_start3A_506 = arith.constant 32 : i32
    %dma_start3A_507 = arith.constant 0 : i32
    %dma_start3A_508 = tpu.memref_slice %arg5[%dma_start3A_506, %dma_start3A_507] : memref<40x128xi32, #tpu.memory_space<vmem>> -> memref<1x128xi32, #tpu.memory_space<vmem>>
    %dma_start3A_509 = tpu.memref_squeeze %dma_start3A_508 : memref<1x128xi32, #tpu.memory_space<vmem>> -> memref<128xi32, #tpu.memory_space<vmem>>
    %dma_start3A_510 = arith.constant 0 : i32
    %dma_start3A_511 = arith.constant 0 : i32
    %dma_start3A_512 = tpu.memref_slice %arg2[%dma_start3A_510, %dma_start3A_511] : memref<10240x128xf32, #tpu.memory_space<hbm>> -> memref<10240x128xf32, #tpu.memory_space<hbm>>
    tpu.enqueue_indirect_dma source(%dma_start3A_512 : memref<10240x128xf32, #tpu.memory_space<hbm>>) target(%arg6 : memref<128x128xf32, #tpu.memory_space<vmem>>) offsets(%dma_start3A_509 : memref<128xi32, #tpu.memory_space<vmem>>) semaphore(%arg8 : memref<!tpu.dma_semaphore, #tpu.memory_space<semaphore_mem>>)
    %dma_wait3A_513 = arith.constant 31 : i32
    %dma_wait3A_514 = arith.constant 0 : i32
    %dma_wait3A_515 = tpu.memref_slice %arg5[%dma_wait3A_513, %dma_wait3A_514] : memref<40x128xi32, #tpu.memory_space<vmem>> -> memref<1x128xi32, #tpu.memory_space<vmem>>
    %dma_wait3A_516 = tpu.memref_squeeze %dma_wait3A_515 : memref<1x128xi32, #tpu.memory_space<vmem>> -> memref<128xi32, #tpu.memory_space<vmem>>
    %dma_wait3A_517 = arith.constant 0 : i32
    %dma_wait3A_518 = arith.constant 0 : i32
    %dma_wait3A_519 = tpu.memref_slice %arg2[%dma_wait3A_517, %dma_wait3A_518] : memref<10240x128xf32, #tpu.memory_space<hbm>> -> memref<10240x128xf32, #tpu.memory_space<hbm>>
    tpu.wait_indirect_dma semaphore(%arg9 : memref<!tpu.dma_semaphore, #tpu.memory_space<semaphore_mem>>) src(%dma_wait3A_519 : memref<10240x128xf32, #tpu.memory_space<hbm>>) dst(%arg7 : memref<128x128xf32, #tpu.memory_space<vmem>>)
    %add3A_520 = arith.constant 3968 : i32
    %add3A_521 = arith.addi %mul3A_2, %add3A_520 : i32
    "tpu.region"() ({
      %run_scoped3A = tpu.sem_alloc : memref<!tpu.dma_semaphore, #tpu.memory_space<semaphore_mem>>
      %dma_start3A_643 = arith.constant 0 : i32
      %dma_start3A_644 = tpu.memref_slice %arg4[%add3A_521, %dma_start3A_643] : memref<163840x128xf32, #tpu.memory_space<hbm>> -> memref<128x128xf32, #tpu.memory_space<hbm>>
      %dma_start3A_645 = arith.constant 0 : i32
      %dma_start3A_646 = tpu.memref_slice %arg4[%add3A_521, %dma_start3A_645] : memref<163840x128xf32, #tpu.memory_space<hbm>> -> memref<128x128xf32, #tpu.memory_space<hbm>>
      tpu.enqueue_dma source(%arg7 : memref<128x128xf32, #tpu.memory_space<vmem>>) target(%dma_start3A_646 : memref<128x128xf32, #tpu.memory_space<hbm>>) target_semaphore(%run_scoped3A : memref<!tpu.dma_semaphore, #tpu.memory_space<semaphore_mem>>)
      %dma_wait3A_647 = arith.constant 0 : i32
      %dma_wait3A_648 = tpu.memref_slice %arg4[%add3A_521, %dma_wait3A_647] : memref<163840x128xf32, #tpu.memory_space<hbm>> -> memref<128x128xf32, #tpu.memory_space<hbm>>
      %dma_wait3A_649 = arith.constant 0 : i32
      %dma_wait3A_650 = tpu.memref_slice %arg4[%add3A_521, %dma_wait3A_649] : memref<163840x128xf32, #tpu.memory_space<hbm>> -> memref<128x128xf32, #tpu.memory_space<hbm>>
      tpu.wait_dma2 semaphore(%run_scoped3A : memref<!tpu.dma_semaphore, #tpu.memory_space<semaphore_mem>>) src(%arg7 : memref<128x128xf32, #tpu.memory_space<vmem>>) dst(%dma_wait3A_650 : memref<128x128xf32, #tpu.memory_space<hbm>>)
      tpu.yield
    }) : () -> ()
    %dma_start3A_522 = arith.constant 33 : i32
    %dma_start3A_523 = arith.constant 0 : i32
    %dma_start3A_524 = tpu.memref_slice %arg5[%dma_start3A_522, %dma_start3A_523] : memref<40x128xi32, #tpu.memory_space<vmem>> -> memref<1x128xi32, #tpu.memory_space<vmem>>
    %dma_start3A_525 = tpu.memref_squeeze %dma_start3A_524 : memref<1x128xi32, #tpu.memory_space<vmem>> -> memref<128xi32, #tpu.memory_space<vmem>>
    %dma_start3A_526 = arith.constant 0 : i32
    %dma_start3A_527 = arith.constant 0 : i32
    %dma_start3A_528 = tpu.memref_slice %arg2[%dma_start3A_526, %dma_start3A_527] : memref<10240x128xf32, #tpu.memory_space<hbm>> -> memref<10240x128xf32, #tpu.memory_space<hbm>>
    tpu.enqueue_indirect_dma source(%dma_start3A_528 : memref<10240x128xf32, #tpu.memory_space<hbm>>) target(%arg7 : memref<128x128xf32, #tpu.memory_space<vmem>>) offsets(%dma_start3A_525 : memref<128xi32, #tpu.memory_space<vmem>>) semaphore(%arg9 : memref<!tpu.dma_semaphore, #tpu.memory_space<semaphore_mem>>)
    %dma_wait3A_529 = arith.constant 32 : i32
    %dma_wait3A_530 = arith.constant 0 : i32
    %dma_wait3A_531 = tpu.memref_slice %arg5[%dma_wait3A_529, %dma_wait3A_530] : memref<40x128xi32, #tpu.memory_space<vmem>> -> memref<1x128xi32, #tpu.memory_space<vmem>>
    %dma_wait3A_532 = tpu.memref_squeeze %dma_wait3A_531 : memref<1x128xi32, #tpu.memory_space<vmem>> -> memref<128xi32, #tpu.memory_space<vmem>>
    %dma_wait3A_533 = arith.constant 0 : i32
    %dma_wait3A_534 = arith.constant 0 : i32
    %dma_wait3A_535 = tpu.memref_slice %arg2[%dma_wait3A_533, %dma_wait3A_534] : memref<10240x128xf32, #tpu.memory_space<hbm>> -> memref<10240x128xf32, #tpu.memory_space<hbm>>
    tpu.wait_indirect_dma semaphore(%arg8 : memref<!tpu.dma_semaphore, #tpu.memory_space<semaphore_mem>>) src(%dma_wait3A_535 : memref<10240x128xf32, #tpu.memory_space<hbm>>) dst(%arg6 : memref<128x128xf32, #tpu.memory_space<vmem>>)
    %add3A_536 = arith.constant 4096 : i32
    %add3A_537 = arith.addi %mul3A_2, %add3A_536 : i32
    "tpu.region"() ({
      %run_scoped3A = tpu.sem_alloc : memref<!tpu.dma_semaphore, #tpu.memory_space<semaphore_mem>>
      %dma_start3A_643 = arith.constant 0 : i32
      %dma_start3A_644 = tpu.memref_slice %arg4[%add3A_537, %dma_start3A_643] : memref<163840x128xf32, #tpu.memory_space<hbm>> -> memref<128x128xf32, #tpu.memory_space<hbm>>
      %dma_start3A_645 = arith.constant 0 : i32
      %dma_start3A_646 = tpu.memref_slice %arg4[%add3A_537, %dma_start3A_645] : memref<163840x128xf32, #tpu.memory_space<hbm>> -> memref<128x128xf32, #tpu.memory_space<hbm>>
      tpu.enqueue_dma source(%arg6 : memref<128x128xf32, #tpu.memory_space<vmem>>) target(%dma_start3A_646 : memref<128x128xf32, #tpu.memory_space<hbm>>) target_semaphore(%run_scoped3A : memref<!tpu.dma_semaphore, #tpu.memory_space<semaphore_mem>>)
      %dma_wait3A_647 = arith.constant 0 : i32
      %dma_wait3A_648 = tpu.memref_slice %arg4[%add3A_537, %dma_wait3A_647] : memref<163840x128xf32, #tpu.memory_space<hbm>> -> memref<128x128xf32, #tpu.memory_space<hbm>>
      %dma_wait3A_649 = arith.constant 0 : i32
      %dma_wait3A_650 = tpu.memref_slice %arg4[%add3A_537, %dma_wait3A_649] : memref<163840x128xf32, #tpu.memory_space<hbm>> -> memref<128x128xf32, #tpu.memory_space<hbm>>
      tpu.wait_dma2 semaphore(%run_scoped3A : memref<!tpu.dma_semaphore, #tpu.memory_space<semaphore_mem>>) src(%arg6 : memref<128x128xf32, #tpu.memory_space<vmem>>) dst(%dma_wait3A_650 : memref<128x128xf32, #tpu.memory_space<hbm>>)
      tpu.yield
    }) : () -> ()
    %dma_start3A_538 = arith.constant 34 : i32
    %dma_start3A_539 = arith.constant 0 : i32
    %dma_start3A_540 = tpu.memref_slice %arg5[%dma_start3A_538, %dma_start3A_539] : memref<40x128xi32, #tpu.memory_space<vmem>> -> memref<1x128xi32, #tpu.memory_space<vmem>>
    %dma_start3A_541 = tpu.memref_squeeze %dma_start3A_540 : memref<1x128xi32, #tpu.memory_space<vmem>> -> memref<128xi32, #tpu.memory_space<vmem>>
    %dma_start3A_542 = arith.constant 0 : i32
    %dma_start3A_543 = arith.constant 0 : i32
    %dma_start3A_544 = tpu.memref_slice %arg2[%dma_start3A_542, %dma_start3A_543] : memref<10240x128xf32, #tpu.memory_space<hbm>> -> memref<10240x128xf32, #tpu.memory_space<hbm>>
    tpu.enqueue_indirect_dma source(%dma_start3A_544 : memref<10240x128xf32, #tpu.memory_space<hbm>>) target(%arg6 : memref<128x128xf32, #tpu.memory_space<vmem>>) offsets(%dma_start3A_541 : memref<128xi32, #tpu.memory_space<vmem>>) semaphore(%arg8 : memref<!tpu.dma_semaphore, #tpu.memory_space<semaphore_mem>>)
    %dma_wait3A_545 = arith.constant 33 : i32
    %dma_wait3A_546 = arith.constant 0 : i32
    %dma_wait3A_547 = tpu.memref_slice %arg5[%dma_wait3A_545, %dma_wait3A_546] : memref<40x128xi32, #tpu.memory_space<vmem>> -> memref<1x128xi32, #tpu.memory_space<vmem>>
    %dma_wait3A_548 = tpu.memref_squeeze %dma_wait3A_547 : memref<1x128xi32, #tpu.memory_space<vmem>> -> memref<128xi32, #tpu.memory_space<vmem>>
    %dma_wait3A_549 = arith.constant 0 : i32
    %dma_wait3A_550 = arith.constant 0 : i32
    %dma_wait3A_551 = tpu.memref_slice %arg2[%dma_wait3A_549, %dma_wait3A_550] : memref<10240x128xf32, #tpu.memory_space<hbm>> -> memref<10240x128xf32, #tpu.memory_space<hbm>>
    tpu.wait_indirect_dma semaphore(%arg9 : memref<!tpu.dma_semaphore, #tpu.memory_space<semaphore_mem>>) src(%dma_wait3A_551 : memref<10240x128xf32, #tpu.memory_space<hbm>>) dst(%arg7 : memref<128x128xf32, #tpu.memory_space<vmem>>)
    %add3A_552 = arith.constant 4224 : i32
    %add3A_553 = arith.addi %mul3A_2, %add3A_552 : i32
    "tpu.region"() ({
      %run_scoped3A = tpu.sem_alloc : memref<!tpu.dma_semaphore, #tpu.memory_space<semaphore_mem>>
      %dma_start3A_643 = arith.constant 0 : i32
      %dma_start3A_644 = tpu.memref_slice %arg4[%add3A_553, %dma_start3A_643] : memref<163840x128xf32, #tpu.memory_space<hbm>> -> memref<128x128xf32, #tpu.memory_space<hbm>>
      %dma_start3A_645 = arith.constant 0 : i32
      %dma_start3A_646 = tpu.memref_slice %arg4[%add3A_553, %dma_start3A_645] : memref<163840x128xf32, #tpu.memory_space<hbm>> -> memref<128x128xf32, #tpu.memory_space<hbm>>
      tpu.enqueue_dma source(%arg7 : memref<128x128xf32, #tpu.memory_space<vmem>>) target(%dma_start3A_646 : memref<128x128xf32, #tpu.memory_space<hbm>>) target_semaphore(%run_scoped3A : memref<!tpu.dma_semaphore, #tpu.memory_space<semaphore_mem>>)
      %dma_wait3A_647 = arith.constant 0 : i32
      %dma_wait3A_648 = tpu.memref_slice %arg4[%add3A_553, %dma_wait3A_647] : memref<163840x128xf32, #tpu.memory_space<hbm>> -> memref<128x128xf32, #tpu.memory_space<hbm>>
      %dma_wait3A_649 = arith.constant 0 : i32
      %dma_wait3A_650 = tpu.memref_slice %arg4[%add3A_553, %dma_wait3A_649] : memref<163840x128xf32, #tpu.memory_space<hbm>> -> memref<128x128xf32, #tpu.memory_space<hbm>>
      tpu.wait_dma2 semaphore(%run_scoped3A : memref<!tpu.dma_semaphore, #tpu.memory_space<semaphore_mem>>) src(%arg7 : memref<128x128xf32, #tpu.memory_space<vmem>>) dst(%dma_wait3A_650 : memref<128x128xf32, #tpu.memory_space<hbm>>)
      tpu.yield
    }) : () -> ()
    %dma_start3A_554 = arith.constant 35 : i32
    %dma_start3A_555 = arith.constant 0 : i32
    %dma_start3A_556 = tpu.memref_slice %arg5[%dma_start3A_554, %dma_start3A_555] : memref<40x128xi32, #tpu.memory_space<vmem>> -> memref<1x128xi32, #tpu.memory_space<vmem>>
    %dma_start3A_557 = tpu.memref_squeeze %dma_start3A_556 : memref<1x128xi32, #tpu.memory_space<vmem>> -> memref<128xi32, #tpu.memory_space<vmem>>
    %dma_start3A_558 = arith.constant 0 : i32
    %dma_start3A_559 = arith.constant 0 : i32
    %dma_start3A_560 = tpu.memref_slice %arg2[%dma_start3A_558, %dma_start3A_559] : memref<10240x128xf32, #tpu.memory_space<hbm>> -> memref<10240x128xf32, #tpu.memory_space<hbm>>
    tpu.enqueue_indirect_dma source(%dma_start3A_560 : memref<10240x128xf32, #tpu.memory_space<hbm>>) target(%arg7 : memref<128x128xf32, #tpu.memory_space<vmem>>) offsets(%dma_start3A_557 : memref<128xi32, #tpu.memory_space<vmem>>) semaphore(%arg9 : memref<!tpu.dma_semaphore, #tpu.memory_space<semaphore_mem>>)
    %dma_wait3A_561 = arith.constant 34 : i32
    %dma_wait3A_562 = arith.constant 0 : i32
    %dma_wait3A_563 = tpu.memref_slice %arg5[%dma_wait3A_561, %dma_wait3A_562] : memref<40x128xi32, #tpu.memory_space<vmem>> -> memref<1x128xi32, #tpu.memory_space<vmem>>
    %dma_wait3A_564 = tpu.memref_squeeze %dma_wait3A_563 : memref<1x128xi32, #tpu.memory_space<vmem>> -> memref<128xi32, #tpu.memory_space<vmem>>
    %dma_wait3A_565 = arith.constant 0 : i32
    %dma_wait3A_566 = arith.constant 0 : i32
    %dma_wait3A_567 = tpu.memref_slice %arg2[%dma_wait3A_565, %dma_wait3A_566] : memref<10240x128xf32, #tpu.memory_space<hbm>> -> memref<10240x128xf32, #tpu.memory_space<hbm>>
    tpu.wait_indirect_dma semaphore(%arg8 : memref<!tpu.dma_semaphore, #tpu.memory_space<semaphore_mem>>) src(%dma_wait3A_567 : memref<10240x128xf32, #tpu.memory_space<hbm>>) dst(%arg6 : memref<128x128xf32, #tpu.memory_space<vmem>>)
    %add3A_568 = arith.constant 4352 : i32
    %add3A_569 = arith.addi %mul3A_2, %add3A_568 : i32
    "tpu.region"() ({
      %run_scoped3A = tpu.sem_alloc : memref<!tpu.dma_semaphore, #tpu.memory_space<semaphore_mem>>
      %dma_start3A_643 = arith.constant 0 : i32
      %dma_start3A_644 = tpu.memref_slice %arg4[%add3A_569, %dma_start3A_643] : memref<163840x128xf32, #tpu.memory_space<hbm>> -> memref<128x128xf32, #tpu.memory_space<hbm>>
      %dma_start3A_645 = arith.constant 0 : i32
      %dma_start3A_646 = tpu.memref_slice %arg4[%add3A_569, %dma_start3A_645] : memref<163840x128xf32, #tpu.memory_space<hbm>> -> memref<128x128xf32, #tpu.memory_space<hbm>>
      tpu.enqueue_dma source(%arg6 : memref<128x128xf32, #tpu.memory_space<vmem>>) target(%dma_start3A_646 : memref<128x128xf32, #tpu.memory_space<hbm>>) target_semaphore(%run_scoped3A : memref<!tpu.dma_semaphore, #tpu.memory_space<semaphore_mem>>)
      %dma_wait3A_647 = arith.constant 0 : i32
      %dma_wait3A_648 = tpu.memref_slice %arg4[%add3A_569, %dma_wait3A_647] : memref<163840x128xf32, #tpu.memory_space<hbm>> -> memref<128x128xf32, #tpu.memory_space<hbm>>
      %dma_wait3A_649 = arith.constant 0 : i32
      %dma_wait3A_650 = tpu.memref_slice %arg4[%add3A_569, %dma_wait3A_649] : memref<163840x128xf32, #tpu.memory_space<hbm>> -> memref<128x128xf32, #tpu.memory_space<hbm>>
      tpu.wait_dma2 semaphore(%run_scoped3A : memref<!tpu.dma_semaphore, #tpu.memory_space<semaphore_mem>>) src(%arg6 : memref<128x128xf32, #tpu.memory_space<vmem>>) dst(%dma_wait3A_650 : memref<128x128xf32, #tpu.memory_space<hbm>>)
      tpu.yield
    }) : () -> ()
    %dma_start3A_570 = arith.constant 36 : i32
    %dma_start3A_571 = arith.constant 0 : i32
    %dma_start3A_572 = tpu.memref_slice %arg5[%dma_start3A_570, %dma_start3A_571] : memref<40x128xi32, #tpu.memory_space<vmem>> -> memref<1x128xi32, #tpu.memory_space<vmem>>
    %dma_start3A_573 = tpu.memref_squeeze %dma_start3A_572 : memref<1x128xi32, #tpu.memory_space<vmem>> -> memref<128xi32, #tpu.memory_space<vmem>>
    %dma_start3A_574 = arith.constant 0 : i32
    %dma_start3A_575 = arith.constant 0 : i32
    %dma_start3A_576 = tpu.memref_slice %arg2[%dma_start3A_574, %dma_start3A_575] : memref<10240x128xf32, #tpu.memory_space<hbm>> -> memref<10240x128xf32, #tpu.memory_space<hbm>>
    tpu.enqueue_indirect_dma source(%dma_start3A_576 : memref<10240x128xf32, #tpu.memory_space<hbm>>) target(%arg6 : memref<128x128xf32, #tpu.memory_space<vmem>>) offsets(%dma_start3A_573 : memref<128xi32, #tpu.memory_space<vmem>>) semaphore(%arg8 : memref<!tpu.dma_semaphore, #tpu.memory_space<semaphore_mem>>)
    %dma_wait3A_577 = arith.constant 35 : i32
    %dma_wait3A_578 = arith.constant 0 : i32
    %dma_wait3A_579 = tpu.memref_slice %arg5[%dma_wait3A_577, %dma_wait3A_578] : memref<40x128xi32, #tpu.memory_space<vmem>> -> memref<1x128xi32, #tpu.memory_space<vmem>>
    %dma_wait3A_580 = tpu.memref_squeeze %dma_wait3A_579 : memref<1x128xi32, #tpu.memory_space<vmem>> -> memref<128xi32, #tpu.memory_space<vmem>>
    %dma_wait3A_581 = arith.constant 0 : i32
    %dma_wait3A_582 = arith.constant 0 : i32
    %dma_wait3A_583 = tpu.memref_slice %arg2[%dma_wait3A_581, %dma_wait3A_582] : memref<10240x128xf32, #tpu.memory_space<hbm>> -> memref<10240x128xf32, #tpu.memory_space<hbm>>
    tpu.wait_indirect_dma semaphore(%arg9 : memref<!tpu.dma_semaphore, #tpu.memory_space<semaphore_mem>>) src(%dma_wait3A_583 : memref<10240x128xf32, #tpu.memory_space<hbm>>) dst(%arg7 : memref<128x128xf32, #tpu.memory_space<vmem>>)
    %add3A_584 = arith.constant 4480 : i32
    %add3A_585 = arith.addi %mul3A_2, %add3A_584 : i32
    "tpu.region"() ({
      %run_scoped3A = tpu.sem_alloc : memref<!tpu.dma_semaphore, #tpu.memory_space<semaphore_mem>>
      %dma_start3A_643 = arith.constant 0 : i32
      %dma_start3A_644 = tpu.memref_slice %arg4[%add3A_585, %dma_start3A_643] : memref<163840x128xf32, #tpu.memory_space<hbm>> -> memref<128x128xf32, #tpu.memory_space<hbm>>
      %dma_start3A_645 = arith.constant 0 : i32
      %dma_start3A_646 = tpu.memref_slice %arg4[%add3A_585, %dma_start3A_645] : memref<163840x128xf32, #tpu.memory_space<hbm>> -> memref<128x128xf32, #tpu.memory_space<hbm>>
      tpu.enqueue_dma source(%arg7 : memref<128x128xf32, #tpu.memory_space<vmem>>) target(%dma_start3A_646 : memref<128x128xf32, #tpu.memory_space<hbm>>) target_semaphore(%run_scoped3A : memref<!tpu.dma_semaphore, #tpu.memory_space<semaphore_mem>>)
      %dma_wait3A_647 = arith.constant 0 : i32
      %dma_wait3A_648 = tpu.memref_slice %arg4[%add3A_585, %dma_wait3A_647] : memref<163840x128xf32, #tpu.memory_space<hbm>> -> memref<128x128xf32, #tpu.memory_space<hbm>>
      %dma_wait3A_649 = arith.constant 0 : i32
      %dma_wait3A_650 = tpu.memref_slice %arg4[%add3A_585, %dma_wait3A_649] : memref<163840x128xf32, #tpu.memory_space<hbm>> -> memref<128x128xf32, #tpu.memory_space<hbm>>
      tpu.wait_dma2 semaphore(%run_scoped3A : memref<!tpu.dma_semaphore, #tpu.memory_space<semaphore_mem>>) src(%arg7 : memref<128x128xf32, #tpu.memory_space<vmem>>) dst(%dma_wait3A_650 : memref<128x128xf32, #tpu.memory_space<hbm>>)
      tpu.yield
    }) : () -> ()
    %dma_start3A_586 = arith.constant 37 : i32
    %dma_start3A_587 = arith.constant 0 : i32
    %dma_start3A_588 = tpu.memref_slice %arg5[%dma_start3A_586, %dma_start3A_587] : memref<40x128xi32, #tpu.memory_space<vmem>> -> memref<1x128xi32, #tpu.memory_space<vmem>>
    %dma_start3A_589 = tpu.memref_squeeze %dma_start3A_588 : memref<1x128xi32, #tpu.memory_space<vmem>> -> memref<128xi32, #tpu.memory_space<vmem>>
    %dma_start3A_590 = arith.constant 0 : i32
    %dma_start3A_591 = arith.constant 0 : i32
    %dma_start3A_592 = tpu.memref_slice %arg2[%dma_start3A_590, %dma_start3A_591] : memref<10240x128xf32, #tpu.memory_space<hbm>> -> memref<10240x128xf32, #tpu.memory_space<hbm>>
    tpu.enqueue_indirect_dma source(%dma_start3A_592 : memref<10240x128xf32, #tpu.memory_space<hbm>>) target(%arg7 : memref<128x128xf32, #tpu.memory_space<vmem>>) offsets(%dma_start3A_589 : memref<128xi32, #tpu.memory_space<vmem>>) semaphore(%arg9 : memref<!tpu.dma_semaphore, #tpu.memory_space<semaphore_mem>>)
    %dma_wait3A_593 = arith.constant 36 : i32
    %dma_wait3A_594 = arith.constant 0 : i32
    %dma_wait3A_595 = tpu.memref_slice %arg5[%dma_wait3A_593, %dma_wait3A_594] : memref<40x128xi32, #tpu.memory_space<vmem>> -> memref<1x128xi32, #tpu.memory_space<vmem>>
    %dma_wait3A_596 = tpu.memref_squeeze %dma_wait3A_595 : memref<1x128xi32, #tpu.memory_space<vmem>> -> memref<128xi32, #tpu.memory_space<vmem>>
    %dma_wait3A_597 = arith.constant 0 : i32
    %dma_wait3A_598 = arith.constant 0 : i32
    %dma_wait3A_599 = tpu.memref_slice %arg2[%dma_wait3A_597, %dma_wait3A_598] : memref<10240x128xf32, #tpu.memory_space<hbm>> -> memref<10240x128xf32, #tpu.memory_space<hbm>>
    tpu.wait_indirect_dma semaphore(%arg8 : memref<!tpu.dma_semaphore, #tpu.memory_space<semaphore_mem>>) src(%dma_wait3A_599 : memref<10240x128xf32, #tpu.memory_space<hbm>>) dst(%arg6 : memref<128x128xf32, #tpu.memory_space<vmem>>)
    %add3A_600 = arith.constant 4608 : i32
    %add3A_601 = arith.addi %mul3A_2, %add3A_600 : i32
    "tpu.region"() ({
      %run_scoped3A = tpu.sem_alloc : memref<!tpu.dma_semaphore, #tpu.memory_space<semaphore_mem>>
      %dma_start3A_643 = arith.constant 0 : i32
      %dma_start3A_644 = tpu.memref_slice %arg4[%add3A_601, %dma_start3A_643] : memref<163840x128xf32, #tpu.memory_space<hbm>> -> memref<128x128xf32, #tpu.memory_space<hbm>>
      %dma_start3A_645 = arith.constant 0 : i32
      %dma_start3A_646 = tpu.memref_slice %arg4[%add3A_601, %dma_start3A_645] : memref<163840x128xf32, #tpu.memory_space<hbm>> -> memref<128x128xf32, #tpu.memory_space<hbm>>
      tpu.enqueue_dma source(%arg6 : memref<128x128xf32, #tpu.memory_space<vmem>>) target(%dma_start3A_646 : memref<128x128xf32, #tpu.memory_space<hbm>>) target_semaphore(%run_scoped3A : memref<!tpu.dma_semaphore, #tpu.memory_space<semaphore_mem>>)
      %dma_wait3A_647 = arith.constant 0 : i32
      %dma_wait3A_648 = tpu.memref_slice %arg4[%add3A_601, %dma_wait3A_647] : memref<163840x128xf32, #tpu.memory_space<hbm>> -> memref<128x128xf32, #tpu.memory_space<hbm>>
      %dma_wait3A_649 = arith.constant 0 : i32
      %dma_wait3A_650 = tpu.memref_slice %arg4[%add3A_601, %dma_wait3A_649] : memref<163840x128xf32, #tpu.memory_space<hbm>> -> memref<128x128xf32, #tpu.memory_space<hbm>>
      tpu.wait_dma2 semaphore(%run_scoped3A : memref<!tpu.dma_semaphore, #tpu.memory_space<semaphore_mem>>) src(%arg6 : memref<128x128xf32, #tpu.memory_space<vmem>>) dst(%dma_wait3A_650 : memref<128x128xf32, #tpu.memory_space<hbm>>)
      tpu.yield
    }) : () -> ()
    %dma_start3A_602 = arith.constant 38 : i32
    %dma_start3A_603 = arith.constant 0 : i32
    %dma_start3A_604 = tpu.memref_slice %arg5[%dma_start3A_602, %dma_start3A_603] : memref<40x128xi32, #tpu.memory_space<vmem>> -> memref<1x128xi32, #tpu.memory_space<vmem>>
    %dma_start3A_605 = tpu.memref_squeeze %dma_start3A_604 : memref<1x128xi32, #tpu.memory_space<vmem>> -> memref<128xi32, #tpu.memory_space<vmem>>
    %dma_start3A_606 = arith.constant 0 : i32
    %dma_start3A_607 = arith.constant 0 : i32
    %dma_start3A_608 = tpu.memref_slice %arg2[%dma_start3A_606, %dma_start3A_607] : memref<10240x128xf32, #tpu.memory_space<hbm>> -> memref<10240x128xf32, #tpu.memory_space<hbm>>
    tpu.enqueue_indirect_dma source(%dma_start3A_608 : memref<10240x128xf32, #tpu.memory_space<hbm>>) target(%arg6 : memref<128x128xf32, #tpu.memory_space<vmem>>) offsets(%dma_start3A_605 : memref<128xi32, #tpu.memory_space<vmem>>) semaphore(%arg8 : memref<!tpu.dma_semaphore, #tpu.memory_space<semaphore_mem>>)
    %dma_wait3A_609 = arith.constant 37 : i32
    %dma_wait3A_610 = arith.constant 0 : i32
    %dma_wait3A_611 = tpu.memref_slice %arg5[%dma_wait3A_609, %dma_wait3A_610] : memref<40x128xi32, #tpu.memory_space<vmem>> -> memref<1x128xi32, #tpu.memory_space<vmem>>
    %dma_wait3A_612 = tpu.memref_squeeze %dma_wait3A_611 : memref<1x128xi32, #tpu.memory_space<vmem>> -> memref<128xi32, #tpu.memory_space<vmem>>
    %dma_wait3A_613 = arith.constant 0 : i32
    %dma_wait3A_614 = arith.constant 0 : i32
    %dma_wait3A_615 = tpu.memref_slice %arg2[%dma_wait3A_613, %dma_wait3A_614] : memref<10240x128xf32, #tpu.memory_space<hbm>> -> memref<10240x128xf32, #tpu.memory_space<hbm>>
    tpu.wait_indirect_dma semaphore(%arg9 : memref<!tpu.dma_semaphore, #tpu.memory_space<semaphore_mem>>) src(%dma_wait3A_615 : memref<10240x128xf32, #tpu.memory_space<hbm>>) dst(%arg7 : memref<128x128xf32, #tpu.memory_space<vmem>>)
    %add3A_616 = arith.constant 4736 : i32
    %add3A_617 = arith.addi %mul3A_2, %add3A_616 : i32
    "tpu.region"() ({
      %run_scoped3A = tpu.sem_alloc : memref<!tpu.dma_semaphore, #tpu.memory_space<semaphore_mem>>
      %dma_start3A_643 = arith.constant 0 : i32
      %dma_start3A_644 = tpu.memref_slice %arg4[%add3A_617, %dma_start3A_643] : memref<163840x128xf32, #tpu.memory_space<hbm>> -> memref<128x128xf32, #tpu.memory_space<hbm>>
      %dma_start3A_645 = arith.constant 0 : i32
      %dma_start3A_646 = tpu.memref_slice %arg4[%add3A_617, %dma_start3A_645] : memref<163840x128xf32, #tpu.memory_space<hbm>> -> memref<128x128xf32, #tpu.memory_space<hbm>>
      tpu.enqueue_dma source(%arg7 : memref<128x128xf32, #tpu.memory_space<vmem>>) target(%dma_start3A_646 : memref<128x128xf32, #tpu.memory_space<hbm>>) target_semaphore(%run_scoped3A : memref<!tpu.dma_semaphore, #tpu.memory_space<semaphore_mem>>)
      %dma_wait3A_647 = arith.constant 0 : i32
      %dma_wait3A_648 = tpu.memref_slice %arg4[%add3A_617, %dma_wait3A_647] : memref<163840x128xf32, #tpu.memory_space<hbm>> -> memref<128x128xf32, #tpu.memory_space<hbm>>
      %dma_wait3A_649 = arith.constant 0 : i32
      %dma_wait3A_650 = tpu.memref_slice %arg4[%add3A_617, %dma_wait3A_649] : memref<163840x128xf32, #tpu.memory_space<hbm>> -> memref<128x128xf32, #tpu.memory_space<hbm>>
      tpu.wait_dma2 semaphore(%run_scoped3A : memref<!tpu.dma_semaphore, #tpu.memory_space<semaphore_mem>>) src(%arg7 : memref<128x128xf32, #tpu.memory_space<vmem>>) dst(%dma_wait3A_650 : memref<128x128xf32, #tpu.memory_space<hbm>>)
      tpu.yield
    }) : () -> ()
    %dma_start3A_618 = arith.constant 39 : i32
    %dma_start3A_619 = arith.constant 0 : i32
    %dma_start3A_620 = tpu.memref_slice %arg5[%dma_start3A_618, %dma_start3A_619] : memref<40x128xi32, #tpu.memory_space<vmem>> -> memref<1x128xi32, #tpu.memory_space<vmem>>
    %dma_start3A_621 = tpu.memref_squeeze %dma_start3A_620 : memref<1x128xi32, #tpu.memory_space<vmem>> -> memref<128xi32, #tpu.memory_space<vmem>>
    %dma_start3A_622 = arith.constant 0 : i32
    %dma_start3A_623 = arith.constant 0 : i32
    %dma_start3A_624 = tpu.memref_slice %arg2[%dma_start3A_622, %dma_start3A_623] : memref<10240x128xf32, #tpu.memory_space<hbm>> -> memref<10240x128xf32, #tpu.memory_space<hbm>>
    tpu.enqueue_indirect_dma source(%dma_start3A_624 : memref<10240x128xf32, #tpu.memory_space<hbm>>) target(%arg7 : memref<128x128xf32, #tpu.memory_space<vmem>>) offsets(%dma_start3A_621 : memref<128xi32, #tpu.memory_space<vmem>>) semaphore(%arg9 : memref<!tpu.dma_semaphore, #tpu.memory_space<semaphore_mem>>)
    %dma_wait3A_625 = arith.constant 38 : i32
    %dma_wait3A_626 = arith.constant 0 : i32
    %dma_wait3A_627 = tpu.memref_slice %arg5[%dma_wait3A_625, %dma_wait3A_626] : memref<40x128xi32, #tpu.memory_space<vmem>> -> memref<1x128xi32, #tpu.memory_space<vmem>>
    %dma_wait3A_628 = tpu.memref_squeeze %dma_wait3A_627 : memref<1x128xi32, #tpu.memory_space<vmem>> -> memref<128xi32, #tpu.memory_space<vmem>>
    %dma_wait3A_629 = arith.constant 0 : i32
    %dma_wait3A_630 = arith.constant 0 : i32
    %dma_wait3A_631 = tpu.memref_slice %arg2[%dma_wait3A_629, %dma_wait3A_630] : memref<10240x128xf32, #tpu.memory_space<hbm>> -> memref<10240x128xf32, #tpu.memory_space<hbm>>
    tpu.wait_indirect_dma semaphore(%arg8 : memref<!tpu.dma_semaphore, #tpu.memory_space<semaphore_mem>>) src(%dma_wait3A_631 : memref<10240x128xf32, #tpu.memory_space<hbm>>) dst(%arg6 : memref<128x128xf32, #tpu.memory_space<vmem>>)
    %add3A_632 = arith.constant 4864 : i32
    %add3A_633 = arith.addi %mul3A_2, %add3A_632 : i32
    "tpu.region"() ({
      %run_scoped3A = tpu.sem_alloc : memref<!tpu.dma_semaphore, #tpu.memory_space<semaphore_mem>>
      %dma_start3A_643 = arith.constant 0 : i32
      %dma_start3A_644 = tpu.memref_slice %arg4[%add3A_633, %dma_start3A_643] : memref<163840x128xf32, #tpu.memory_space<hbm>> -> memref<128x128xf32, #tpu.memory_space<hbm>>
      %dma_start3A_645 = arith.constant 0 : i32
      %dma_start3A_646 = tpu.memref_slice %arg4[%add3A_633, %dma_start3A_645] : memref<163840x128xf32, #tpu.memory_space<hbm>> -> memref<128x128xf32, #tpu.memory_space<hbm>>
      tpu.enqueue_dma source(%arg6 : memref<128x128xf32, #tpu.memory_space<vmem>>) target(%dma_start3A_646 : memref<128x128xf32, #tpu.memory_space<hbm>>) target_semaphore(%run_scoped3A : memref<!tpu.dma_semaphore, #tpu.memory_space<semaphore_mem>>)
      %dma_wait3A_647 = arith.constant 0 : i32
      %dma_wait3A_648 = tpu.memref_slice %arg4[%add3A_633, %dma_wait3A_647] : memref<163840x128xf32, #tpu.memory_space<hbm>> -> memref<128x128xf32, #tpu.memory_space<hbm>>
      %dma_wait3A_649 = arith.constant 0 : i32
      %dma_wait3A_650 = tpu.memref_slice %arg4[%add3A_633, %dma_wait3A_649] : memref<163840x128xf32, #tpu.memory_space<hbm>> -> memref<128x128xf32, #tpu.memory_space<hbm>>
      tpu.wait_dma2 semaphore(%run_scoped3A : memref<!tpu.dma_semaphore, #tpu.memory_space<semaphore_mem>>) src(%arg6 : memref<128x128xf32, #tpu.memory_space<vmem>>) dst(%dma_wait3A_650 : memref<128x128xf32, #tpu.memory_space<hbm>>)
      tpu.yield
    }) : () -> ()
    %dma_wait3A_634 = arith.constant 39 : i32
    %dma_wait3A_635 = arith.constant 0 : i32
    %dma_wait3A_636 = tpu.memref_slice %arg5[%dma_wait3A_634, %dma_wait3A_635] : memref<40x128xi32, #tpu.memory_space<vmem>> -> memref<1x128xi32, #tpu.memory_space<vmem>>
    %dma_wait3A_637 = tpu.memref_squeeze %dma_wait3A_636 : memref<1x128xi32, #tpu.memory_space<vmem>> -> memref<128xi32, #tpu.memory_space<vmem>>
    %dma_wait3A_638 = arith.constant 0 : i32
    %dma_wait3A_639 = arith.constant 0 : i32
    %dma_wait3A_640 = tpu.memref_slice %arg2[%dma_wait3A_638, %dma_wait3A_639] : memref<10240x128xf32, #tpu.memory_space<hbm>> -> memref<10240x128xf32, #tpu.memory_space<hbm>>
    tpu.wait_indirect_dma semaphore(%arg9 : memref<!tpu.dma_semaphore, #tpu.memory_space<semaphore_mem>>) src(%dma_wait3A_640 : memref<10240x128xf32, #tpu.memory_space<hbm>>) dst(%arg7 : memref<128x128xf32, #tpu.memory_space<vmem>>)
    %add3A_641 = arith.constant 4992 : i32
    %add3A_642 = arith.addi %mul3A_2, %add3A_641 : i32
    "tpu.region"() ({
      %run_scoped3A = tpu.sem_alloc : memref<!tpu.dma_semaphore, #tpu.memory_space<semaphore_mem>>
      %dma_start3A_643 = arith.constant 0 : i32
      %dma_start3A_644 = tpu.memref_slice %arg4[%add3A_642, %dma_start3A_643] : memref<163840x128xf32, #tpu.memory_space<hbm>> -> memref<128x128xf32, #tpu.memory_space<hbm>>
      %dma_start3A_645 = arith.constant 0 : i32
      %dma_start3A_646 = tpu.memref_slice %arg4[%add3A_642, %dma_start3A_645] : memref<163840x128xf32, #tpu.memory_space<hbm>> -> memref<128x128xf32, #tpu.memory_space<hbm>>
      tpu.enqueue_dma source(%arg7 : memref<128x128xf32, #tpu.memory_space<vmem>>) target(%dma_start3A_646 : memref<128x128xf32, #tpu.memory_space<hbm>>) target_semaphore(%run_scoped3A : memref<!tpu.dma_semaphore, #tpu.memory_space<semaphore_mem>>)
      %dma_wait3A_647 = arith.constant 0 : i32
      %dma_wait3A_648 = tpu.memref_slice %arg4[%add3A_642, %dma_wait3A_647] : memref<163840x128xf32, #tpu.memory_space<hbm>> -> memref<128x128xf32, #tpu.memory_space<hbm>>
      %dma_wait3A_649 = arith.constant 0 : i32
      %dma_wait3A_650 = tpu.memref_slice %arg4[%add3A_642, %dma_wait3A_649] : memref<163840x128xf32, #tpu.memory_space<hbm>> -> memref<128x128xf32, #tpu.memory_space<hbm>>
      tpu.wait_dma2 semaphore(%run_scoped3A : memref<!tpu.dma_semaphore, #tpu.memory_space<semaphore_mem>>) src(%arg7 : memref<128x128xf32, #tpu.memory_space<vmem>>) dst(%dma_wait3A_650 : memref<128x128xf32, #tpu.memory_space<hbm>>)
      tpu.yield
    }) : () -> ()
    return
  }
}

#map = affine_map<(d0, d1) -> (0)>
#map1 = affine_map<(d0, d1) -> (0, 0)>
module attributes {stable_mosaic.version = 14 : i64} {
  func.func @_geo_kernel(%arg0: i32, %arg1: i32, %arg2: memref<30720xf32, #tpu.memory_space<hbm>>, %arg3: memref<30720xf32, #tpu.memory_space<hbm>>, %arg4: memref<163840xi32, #tpu.memory_space<hbm>>, %arg5: memref<6x163840xf32, #tpu.memory_space<hbm>>, %arg6: memref<30720xf32, #tpu.memory_space<vmem>>, %arg7: memref<30720xf32, #tpu.memory_space<vmem>>, %arg8: memref<5120xi32, #tpu.memory_space<vmem>>, %arg9: memref<30720xf32, #tpu.memory_space<vmem>>) attributes {dimension_semantics = [#tpu.dimension_semantics<core_parallel>, #tpu.dimension_semantics<subcore_parallel>], iteration_bounds = array<i64: 2, 16>, scalar_prefetch = 0 : i64, scratch_operands = 4 : i64, tpu.core_type = #tpu.core_type<sc_vector_subcore>, window_params = [{transform_indices = #map}, {transform_indices = #map}, {transform_indices = #map}, {transform_indices = #map1}]} {
    %mul3A = arith.constant 2 : i32
    %mul3A_0 = arith.muli %arg1, %mul3A : i32
    %add3A = arith.addi %mul3A_0, %arg0 : i32
    %mul3A_1 = arith.constant 320 : i32
    %mul3A_2 = arith.muli %add3A, %mul3A_1 : i32
    "tpu.region"() ({
      %run_scoped3A_27 = tpu.sem_alloc : memref<!tpu.dma_semaphore, #tpu.memory_space<semaphore_mem>>
      tpu.enqueue_dma source(%arg2 : memref<30720xf32, #tpu.memory_space<hbm>>) target(%arg6 : memref<30720xf32, #tpu.memory_space<vmem>>) target_semaphore(%run_scoped3A_27 : memref<!tpu.dma_semaphore, #tpu.memory_space<semaphore_mem>>)
      tpu.wait_dma2 semaphore(%run_scoped3A_27 : memref<!tpu.dma_semaphore, #tpu.memory_space<semaphore_mem>>) src(%arg2 : memref<30720xf32, #tpu.memory_space<hbm>>) dst(%arg6 : memref<30720xf32, #tpu.memory_space<vmem>>)
      tpu.yield
    }) : () -> ()
    "tpu.region"() ({
      %run_scoped3A_27 = tpu.sem_alloc : memref<!tpu.dma_semaphore, #tpu.memory_space<semaphore_mem>>
      tpu.enqueue_dma source(%arg3 : memref<30720xf32, #tpu.memory_space<hbm>>) target(%arg7 : memref<30720xf32, #tpu.memory_space<vmem>>) target_semaphore(%run_scoped3A_27 : memref<!tpu.dma_semaphore, #tpu.memory_space<semaphore_mem>>)
      tpu.wait_dma2 semaphore(%run_scoped3A_27 : memref<!tpu.dma_semaphore, #tpu.memory_space<semaphore_mem>>) src(%arg3 : memref<30720xf32, #tpu.memory_space<hbm>>) dst(%arg7 : memref<30720xf32, #tpu.memory_space<vmem>>)
      tpu.yield
    }) : () -> ()
    %mul3A_3 = arith.constant 16 : i32
    %mul3A_4 = arith.muli %mul3A_2, %mul3A_3 : i32
    "tpu.region"() ({
      %run_scoped3A_27 = tpu.sem_alloc : memref<!tpu.dma_semaphore, #tpu.memory_space<semaphore_mem>>
      %dma_start3A = tpu.memref_slice %arg4[%mul3A_4] : memref<163840xi32, #tpu.memory_space<hbm>> -> memref<5120xi32, #tpu.memory_space<hbm>>
      %dma_start3A_28 = tpu.memref_slice %arg4[%mul3A_4] : memref<163840xi32, #tpu.memory_space<hbm>> -> memref<5120xi32, #tpu.memory_space<hbm>>
      tpu.enqueue_dma source(%dma_start3A_28 : memref<5120xi32, #tpu.memory_space<hbm>>) target(%arg8 : memref<5120xi32, #tpu.memory_space<vmem>>) target_semaphore(%run_scoped3A_27 : memref<!tpu.dma_semaphore, #tpu.memory_space<semaphore_mem>>)
      %dma_wait3A = tpu.memref_slice %arg4[%mul3A_4] : memref<163840xi32, #tpu.memory_space<hbm>> -> memref<5120xi32, #tpu.memory_space<hbm>>
      %dma_wait3A_29 = tpu.memref_slice %arg4[%mul3A_4] : memref<163840xi32, #tpu.memory_space<hbm>> -> memref<5120xi32, #tpu.memory_space<hbm>>
      tpu.wait_dma2 semaphore(%run_scoped3A_27 : memref<!tpu.dma_semaphore, #tpu.memory_space<semaphore_mem>>) src(%dma_wait3A_29 : memref<5120xi32, #tpu.memory_space<hbm>>) dst(%arg8 : memref<5120xi32, #tpu.memory_space<vmem>>)
      tpu.yield
    }) : () -> ()
    %scan3A = arith.constant 0 : i32
    %scan3A_5 = arith.constant 0 : i32
    %scan3A_6 = arith.constant 320 : i32
    %scan3A_7 = arith.addi %scan3A_5, %scan3A_6 : i32
    %scan3A_8 = arith.constant 1 : i32
    scf.for %scan3A_27 = %scan3A_5 to %scan3A_7 step %scan3A_8  : i32 {
      %add3A_28 = arith.addi %mul3A_2, %scan3A_27 : i32
      %mul3A_29 = arith.constant 3 : i32
      %mul3A_30 = arith.muli %mul3A_29, %add3A_28 : i32
      %broadcast_in_dim3A = vector.broadcast %mul3A_30 : i32 to vector<16xi32>
      %mul3A_31 = arith.constant 16 : i32
      %mul3A_32 = arith.muli %scan3A_27, %mul3A_31 : i32
      %get3A = arith.index_cast %mul3A_32 : i32 to index
      %get3A_33 = tpu.vector_load %arg8[%get3A] {strides = array<i32>} : memref<5120xi32, #tpu.memory_space<vmem>>, vector<16xi32>,
      %mul3A_34 = arith.constant 3 : i32
      %mul3A_35 = vector.broadcast %mul3A_34 : i32 to vector<16xi32>
      %mul3A_36 = arith.muli %get3A_33, %mul3A_35 : vector<16xi32>
      %gather3A = tpu.vector_load_idx %arg6[%mul3A_36] : memref<30720xf32, #tpu.memory_space<vmem>>[vector<16xi32>], vector<16xf32>,
      %add3A_37 = arith.constant 1 : i32
      %add3A_38 = vector.broadcast %add3A_37 : i32 to vector<16xi32>
      %add3A_39 = arith.addi %mul3A_36, %add3A_38 : vector<16xi32>
      %gather3A_40 = tpu.vector_load_idx %arg6[%add3A_39] : memref<30720xf32, #tpu.memory_space<vmem>>[vector<16xi32>], vector<16xf32>,
      %add3A_41 = arith.constant 2 : i32
      %add3A_42 = vector.broadcast %add3A_41 : i32 to vector<16xi32>
      %add3A_43 = arith.addi %mul3A_36, %add3A_42 : vector<16xi32>
      %gather3A_44 = tpu.vector_load_idx %arg6[%add3A_43] : memref<30720xf32, #tpu.memory_space<vmem>>[vector<16xi32>], vector<16xf32>,
      %gather3A_45 = tpu.vector_load_idx %arg7[%mul3A_36] : memref<30720xf32, #tpu.memory_space<vmem>>[vector<16xi32>], vector<16xf32>,
      %add3A_46 = arith.constant 1 : i32
      %add3A_47 = vector.broadcast %add3A_46 : i32 to vector<16xi32>
      %add3A_48 = arith.addi %mul3A_36, %add3A_47 : vector<16xi32>
      %gather3A_49 = tpu.vector_load_idx %arg7[%add3A_48] : memref<30720xf32, #tpu.memory_space<vmem>>[vector<16xi32>], vector<16xf32>,
      %add3A_50 = arith.constant 2 : i32
      %add3A_51 = vector.broadcast %add3A_50 : i32 to vector<16xi32>
      %add3A_52 = arith.addi %mul3A_36, %add3A_51 : vector<16xi32>
      %gather3A_53 = tpu.vector_load_idx %arg7[%add3A_52] : memref<30720xf32, #tpu.memory_space<vmem>>[vector<16xi32>], vector<16xf32>,
      %gather3A_54 = tpu.vector_load_idx %arg6[%broadcast_in_dim3A] : memref<30720xf32, #tpu.memory_space<vmem>>[vector<16xi32>], vector<16xf32>,
      %add3A_55 = arith.constant 1 : i32
      %add3A_56 = vector.broadcast %add3A_55 : i32 to vector<16xi32>
      %add3A_57 = arith.addi %broadcast_in_dim3A, %add3A_56 : vector<16xi32>
      %gather3A_58 = tpu.vector_load_idx %arg6[%add3A_57] : memref<30720xf32, #tpu.memory_space<vmem>>[vector<16xi32>], vector<16xf32>,
      %add3A_59 = arith.constant 2 : i32
      %add3A_60 = vector.broadcast %add3A_59 : i32 to vector<16xi32>
      %add3A_61 = arith.addi %broadcast_in_dim3A, %add3A_60 : vector<16xi32>
      %gather3A_62 = tpu.vector_load_idx %arg6[%add3A_61] : memref<30720xf32, #tpu.memory_space<vmem>>[vector<16xi32>], vector<16xf32>,
      %gather3A_63 = tpu.vector_load_idx %arg7[%broadcast_in_dim3A] : memref<30720xf32, #tpu.memory_space<vmem>>[vector<16xi32>], vector<16xf32>,
      %add3A_64 = arith.constant 1 : i32
      %add3A_65 = vector.broadcast %add3A_64 : i32 to vector<16xi32>
      %add3A_66 = arith.addi %broadcast_in_dim3A, %add3A_65 : vector<16xi32>
      %gather3A_67 = tpu.vector_load_idx %arg7[%add3A_66] : memref<30720xf32, #tpu.memory_space<vmem>>[vector<16xi32>], vector<16xf32>,
      %add3A_68 = arith.constant 2 : i32
      %add3A_69 = vector.broadcast %add3A_68 : i32 to vector<16xi32>
      %add3A_70 = arith.addi %broadcast_in_dim3A, %add3A_69 : vector<16xi32>
      %gather3A_71 = tpu.vector_load_idx %arg7[%add3A_70] : memref<30720xf32, #tpu.memory_space<vmem>>[vector<16xi32>], vector<16xf32>,
      %sub3A = arith.subf %gather3A, %gather3A_54 : vector<16xf32>
      %sub3A_72 = arith.subf %gather3A_40, %gather3A_58 : vector<16xf32>
      %sub3A_73 = arith.subf %gather3A_44, %gather3A_62 : vector<16xf32>
      %mul3A_74 = arith.constant 16 : i32
      %mul3A_75 = arith.muli %scan3A_27, %mul3A_74 : i32
      %mul3A_76 = arith.mulf %sub3A, %sub3A : vector<16xf32>
      %mul3A_77 = arith.mulf %sub3A_72, %sub3A_72 : vector<16xf32>
      %add3A_78 = arith.addf %mul3A_76, %mul3A_77 : vector<16xf32>
      %mul3A_79 = arith.mulf %sub3A_73, %sub3A_73 : vector<16xf32>
      %add3A_80 = arith.addf %add3A_78, %mul3A_79 : vector<16xf32>
      %swap3A = arith.index_cast %mul3A_75 : i32 to index
      %swap3A_81 = tpu.vector_load %arg9[%swap3A] {strides = array<i32>} : memref<30720xf32, #tpu.memory_space<vmem>>, vector<16xf32>,
      tpu.vector_store %arg9[%swap3A], %add3A_80 {strides = array<i32>} : memref<30720xf32, #tpu.memory_space<vmem>>, vector<16xf32>,
      %mul3A_82 = arith.mulf %gather3A_63, %sub3A : vector<16xf32>
      %mul3A_83 = arith.mulf %gather3A_67, %sub3A_72 : vector<16xf32>
      %add3A_84 = arith.addf %mul3A_82, %mul3A_83 : vector<16xf32>
      %mul3A_85 = arith.mulf %gather3A_71, %sub3A_73 : vector<16xf32>
      %add3A_86 = arith.addf %add3A_84, %mul3A_85 : vector<16xf32>
      %add3A_87 = arith.constant 5120 : i32
      %add3A_88 = arith.addi %mul3A_75, %add3A_87 : i32
      %swap3A_89 = arith.index_cast %add3A_88 : i32 to index
      %swap3A_90 = tpu.vector_load %arg9[%swap3A_89] {strides = array<i32>} : memref<30720xf32, #tpu.memory_space<vmem>>, vector<16xf32>,
      tpu.vector_store %arg9[%swap3A_89], %add3A_86 {strides = array<i32>} : memref<30720xf32, #tpu.memory_space<vmem>>, vector<16xf32>,
      %mul3A_91 = arith.mulf %gather3A_45, %sub3A : vector<16xf32>
      %mul3A_92 = arith.mulf %gather3A_49, %sub3A_72 : vector<16xf32>
      %add3A_93 = arith.addf %mul3A_91, %mul3A_92 : vector<16xf32>
      %mul3A_94 = arith.mulf %gather3A_53, %sub3A_73 : vector<16xf32>
      %add3A_95 = arith.addf %add3A_93, %mul3A_94 : vector<16xf32>
      %add3A_96 = arith.constant 10240 : i32
      %add3A_97 = arith.addi %mul3A_75, %add3A_96 : i32
      %swap3A_98 = arith.index_cast %add3A_97 : i32 to index
      %swap3A_99 = tpu.vector_load %arg9[%swap3A_98] {strides = array<i32>} : memref<30720xf32, #tpu.memory_space<vmem>>, vector<16xf32>,
      tpu.vector_store %arg9[%swap3A_98], %add3A_95 {strides = array<i32>} : memref<30720xf32, #tpu.memory_space<vmem>>, vector<16xf32>,
      %mul3A_100 = arith.mulf %gather3A_63, %gather3A_45 : vector<16xf32>
      %mul3A_101 = arith.mulf %gather3A_67, %gather3A_49 : vector<16xf32>
      %add3A_102 = arith.addf %mul3A_100, %mul3A_101 : vector<16xf32>
      %mul3A_103 = arith.mulf %gather3A_71, %gather3A_53 : vector<16xf32>
      %add3A_104 = arith.addf %add3A_102, %mul3A_103 : vector<16xf32>
      %add3A_105 = arith.constant 15360 : i32
      %add3A_106 = arith.addi %mul3A_75, %add3A_105 : i32
      %swap3A_107 = arith.index_cast %add3A_106 : i32 to index
      %swap3A_108 = tpu.vector_load %arg9[%swap3A_107] {strides = array<i32>} : memref<30720xf32, #tpu.memory_space<vmem>>, vector<16xf32>,
      tpu.vector_store %arg9[%swap3A_107], %add3A_104 {strides = array<i32>} : memref<30720xf32, #tpu.memory_space<vmem>>, vector<16xf32>,
      %mul3A_109 = arith.mulf %gather3A_45, %gather3A_45 : vector<16xf32>
      %mul3A_110 = arith.mulf %gather3A_49, %gather3A_49 : vector<16xf32>
      %add3A_111 = arith.addf %mul3A_109, %mul3A_110 : vector<16xf32>
      %mul3A_112 = arith.mulf %gather3A_53, %gather3A_53 : vector<16xf32>
      %add3A_113 = arith.addf %add3A_111, %mul3A_112 : vector<16xf32>
      %add3A_114 = arith.constant 20480 : i32
      %add3A_115 = arith.addi %mul3A_75, %add3A_114 : i32
      %swap3A_116 = arith.index_cast %add3A_115 : i32 to index
      %swap3A_117 = tpu.vector_load %arg9[%swap3A_116] {strides = array<i32>} : memref<30720xf32, #tpu.memory_space<vmem>>, vector<16xf32>,
      tpu.vector_store %arg9[%swap3A_116], %add3A_113 {strides = array<i32>} : memref<30720xf32, #tpu.memory_space<vmem>>, vector<16xf32>,
      %mul3A_118 = arith.mulf %gather3A_63, %gather3A_63 : vector<16xf32>
      %mul3A_119 = arith.mulf %gather3A_67, %gather3A_67 : vector<16xf32>
      %add3A_120 = arith.addf %mul3A_118, %mul3A_119 : vector<16xf32>
      %mul3A_121 = arith.mulf %gather3A_71, %gather3A_71 : vector<16xf32>
      %add3A_122 = arith.addf %add3A_120, %mul3A_121 : vector<16xf32>
      %add3A_123 = arith.constant 25600 : i32
      %add3A_124 = arith.addi %mul3A_75, %add3A_123 : i32
      %swap3A_125 = arith.index_cast %add3A_124 : i32 to index
      %swap3A_126 = tpu.vector_load %arg9[%swap3A_125] {strides = array<i32>} : memref<30720xf32, #tpu.memory_space<vmem>>, vector<16xf32>,
      tpu.vector_store %arg9[%swap3A_125], %add3A_122 {strides = array<i32>} : memref<30720xf32, #tpu.memory_space<vmem>>, vector<16xf32>,
    }
    %scan3A_9 = arith.constant 320 : i32
    %mul3A_10 = arith.constant 16 : i32
    %mul3A_11 = arith.muli %mul3A_2, %mul3A_10 : i32
    %run_scoped3A = arith.constant 0 : i32
    "tpu.region"() ({
      %run_scoped3A_27 = tpu.sem_alloc : memref<!tpu.dma_semaphore, #tpu.memory_space<semaphore_mem>>
      %dma_start3A = arith.constant 0 : i32
      %dma_start3A_28 = tpu.memref_slice %arg9[%dma_start3A] : memref<30720xf32, #tpu.memory_space<vmem>> -> memref<5120xf32, #tpu.memory_space<vmem>>
      %dma_start3A_29 = tpu.memref_slice %arg5[%run_scoped3A, %mul3A_11] : memref<6x163840xf32, #tpu.memory_space<hbm>> -> memref<1x5120xf32, #tpu.memory_space<hbm>>
      %dma_start3A_30 = tpu.memref_squeeze %dma_start3A_29 : memref<1x5120xf32, #tpu.memory_space<hbm>> -> memref<5120xf32, #tpu.memory_space<hbm>>
      %dma_start3A_31 = tpu.memref_slice %arg5[%run_scoped3A, %mul3A_11] : memref<6x163840xf32, #tpu.memory_space<hbm>> -> memref<1x5120xf32, #tpu.memory_space<hbm>>
      %dma_start3A_32 = tpu.memref_squeeze %dma_start3A_31 : memref<1x5120xf32, #tpu.memory_space<hbm>> -> memref<5120xf32, #tpu.memory_space<hbm>>
      %dma_start3A_33 = arith.constant 0 : i32
      %dma_start3A_34 = tpu.memref_slice %arg9[%dma_start3A_33] : memref<30720xf32, #tpu.memory_space<vmem>> -> memref<5120xf32, #tpu.memory_space<vmem>>
      tpu.enqueue_dma source(%dma_start3A_34 : memref<5120xf32, #tpu.memory_space<vmem>>) target(%dma_start3A_32 : memref<5120xf32, #tpu.memory_space<hbm>>) target_semaphore(%run_scoped3A_27 : memref<!tpu.dma_semaphore, #tpu.memory_space<semaphore_mem>>)
      %dma_wait3A = arith.constant 0 : i32
      %dma_wait3A_35 = tpu.memref_slice %arg9[%dma_wait3A] : memref<30720xf32, #tpu.memory_space<vmem>> -> memref<5120xf32, #tpu.memory_space<vmem>>
      %dma_wait3A_36 = tpu.memref_slice %arg5[%run_scoped3A, %mul3A_11] : memref<6x163840xf32, #tpu.memory_space<hbm>> -> memref<1x5120xf32, #tpu.memory_space<hbm>>
      %dma_wait3A_37 = tpu.memref_squeeze %dma_wait3A_36 : memref<1x5120xf32, #tpu.memory_space<hbm>> -> memref<5120xf32, #tpu.memory_space<hbm>>
      %dma_wait3A_38 = tpu.memref_slice %arg5[%run_scoped3A, %mul3A_11] : memref<6x163840xf32, #tpu.memory_space<hbm>> -> memref<1x5120xf32, #tpu.memory_space<hbm>>
      %dma_wait3A_39 = tpu.memref_squeeze %dma_wait3A_38 : memref<1x5120xf32, #tpu.memory_space<hbm>> -> memref<5120xf32, #tpu.memory_space<hbm>>
      %dma_wait3A_40 = arith.constant 0 : i32
      %dma_wait3A_41 = tpu.memref_slice %arg9[%dma_wait3A_40] : memref<30720xf32, #tpu.memory_space<vmem>> -> memref<5120xf32, #tpu.memory_space<vmem>>
      tpu.wait_dma2 semaphore(%run_scoped3A_27 : memref<!tpu.dma_semaphore, #tpu.memory_space<semaphore_mem>>) src(%dma_wait3A_41 : memref<5120xf32, #tpu.memory_space<vmem>>) dst(%dma_wait3A_39 : memref<5120xf32, #tpu.memory_space<hbm>>)
      tpu.yield
    }) : () -> ()
    %mul3A_12 = arith.constant 16 : i32
    %mul3A_13 = arith.muli %mul3A_2, %mul3A_12 : i32
    %run_scoped3A_14 = arith.constant 1 : i32
    "tpu.region"() ({
      %run_scoped3A_27 = tpu.sem_alloc : memref<!tpu.dma_semaphore, #tpu.memory_space<semaphore_mem>>
      %dma_start3A = arith.constant 5120 : i32
      %dma_start3A_28 = tpu.memref_slice %arg9[%dma_start3A] : memref<30720xf32, #tpu.memory_space<vmem>> -> memref<5120xf32, #tpu.memory_space<vmem>>
      %dma_start3A_29 = tpu.memref_slice %arg5[%run_scoped3A_14, %mul3A_13] : memref<6x163840xf32, #tpu.memory_space<hbm>> -> memref<1x5120xf32, #tpu.memory_space<hbm>>
      %dma_start3A_30 = tpu.memref_squeeze %dma_start3A_29 : memref<1x5120xf32, #tpu.memory_space<hbm>> -> memref<5120xf32, #tpu.memory_space<hbm>>
      %dma_start3A_31 = tpu.memref_slice %arg5[%run_scoped3A_14, %mul3A_13] : memref<6x163840xf32, #tpu.memory_space<hbm>> -> memref<1x5120xf32, #tpu.memory_space<hbm>>
      %dma_start3A_32 = tpu.memref_squeeze %dma_start3A_31 : memref<1x5120xf32, #tpu.memory_space<hbm>> -> memref<5120xf32, #tpu.memory_space<hbm>>
      %dma_start3A_33 = arith.constant 5120 : i32
      %dma_start3A_34 = tpu.memref_slice %arg9[%dma_start3A_33] : memref<30720xf32, #tpu.memory_space<vmem>> -> memref<5120xf32, #tpu.memory_space<vmem>>
      tpu.enqueue_dma source(%dma_start3A_34 : memref<5120xf32, #tpu.memory_space<vmem>>) target(%dma_start3A_32 : memref<5120xf32, #tpu.memory_space<hbm>>) target_semaphore(%run_scoped3A_27 : memref<!tpu.dma_semaphore, #tpu.memory_space<semaphore_mem>>)
      %dma_wait3A = arith.constant 5120 : i32
      %dma_wait3A_35 = tpu.memref_slice %arg9[%dma_wait3A] : memref<30720xf32, #tpu.memory_space<vmem>> -> memref<5120xf32, #tpu.memory_space<vmem>>
      %dma_wait3A_36 = tpu.memref_slice %arg5[%run_scoped3A_14, %mul3A_13] : memref<6x163840xf32, #tpu.memory_space<hbm>> -> memref<1x5120xf32, #tpu.memory_space<hbm>>
      %dma_wait3A_37 = tpu.memref_squeeze %dma_wait3A_36 : memref<1x5120xf32, #tpu.memory_space<hbm>> -> memref<5120xf32, #tpu.memory_space<hbm>>
      %dma_wait3A_38 = tpu.memref_slice %arg5[%run_scoped3A_14, %mul3A_13] : memref<6x163840xf32, #tpu.memory_space<hbm>> -> memref<1x5120xf32, #tpu.memory_space<hbm>>
      %dma_wait3A_39 = tpu.memref_squeeze %dma_wait3A_38 : memref<1x5120xf32, #tpu.memory_space<hbm>> -> memref<5120xf32, #tpu.memory_space<hbm>>
      %dma_wait3A_40 = arith.constant 5120 : i32
      %dma_wait3A_41 = tpu.memref_slice %arg9[%dma_wait3A_40] : memref<30720xf32, #tpu.memory_space<vmem>> -> memref<5120xf32, #tpu.memory_space<vmem>>
      tpu.wait_dma2 semaphore(%run_scoped3A_27 : memref<!tpu.dma_semaphore, #tpu.memory_space<semaphore_mem>>) src(%dma_wait3A_41 : memref<5120xf32, #tpu.memory_space<vmem>>) dst(%dma_wait3A_39 : memref<5120xf32, #tpu.memory_space<hbm>>)
      tpu.yield
    }) : () -> ()
    %mul3A_15 = arith.constant 16 : i32
    %mul3A_16 = arith.muli %mul3A_2, %mul3A_15 : i32
    %run_scoped3A_17 = arith.constant 2 : i32
    "tpu.region"() ({
      %run_scoped3A_27 = tpu.sem_alloc : memref<!tpu.dma_semaphore, #tpu.memory_space<semaphore_mem>>
      %dma_start3A = arith.constant 10240 : i32
      %dma_start3A_28 = tpu.memref_slice %arg9[%dma_start3A] : memref<30720xf32, #tpu.memory_space<vmem>> -> memref<5120xf32, #tpu.memory_space<vmem>>
      %dma_start3A_29 = tpu.memref_slice %arg5[%run_scoped3A_17, %mul3A_16] : memref<6x163840xf32, #tpu.memory_space<hbm>> -> memref<1x5120xf32, #tpu.memory_space<hbm>>
      %dma_start3A_30 = tpu.memref_squeeze %dma_start3A_29 : memref<1x5120xf32, #tpu.memory_space<hbm>> -> memref<5120xf32, #tpu.memory_space<hbm>>
      %dma_start3A_31 = tpu.memref_slice %arg5[%run_scoped3A_17, %mul3A_16] : memref<6x163840xf32, #tpu.memory_space<hbm>> -> memref<1x5120xf32, #tpu.memory_space<hbm>>
      %dma_start3A_32 = tpu.memref_squeeze %dma_start3A_31 : memref<1x5120xf32, #tpu.memory_space<hbm>> -> memref<5120xf32, #tpu.memory_space<hbm>>
      %dma_start3A_33 = arith.constant 10240 : i32
      %dma_start3A_34 = tpu.memref_slice %arg9[%dma_start3A_33] : memref<30720xf32, #tpu.memory_space<vmem>> -> memref<5120xf32, #tpu.memory_space<vmem>>
      tpu.enqueue_dma source(%dma_start3A_34 : memref<5120xf32, #tpu.memory_space<vmem>>) target(%dma_start3A_32 : memref<5120xf32, #tpu.memory_space<hbm>>) target_semaphore(%run_scoped3A_27 : memref<!tpu.dma_semaphore, #tpu.memory_space<semaphore_mem>>)
      %dma_wait3A = arith.constant 10240 : i32
      %dma_wait3A_35 = tpu.memref_slice %arg9[%dma_wait3A] : memref<30720xf32, #tpu.memory_space<vmem>> -> memref<5120xf32, #tpu.memory_space<vmem>>
      %dma_wait3A_36 = tpu.memref_slice %arg5[%run_scoped3A_17, %mul3A_16] : memref<6x163840xf32, #tpu.memory_space<hbm>> -> memref<1x5120xf32, #tpu.memory_space<hbm>>
      %dma_wait3A_37 = tpu.memref_squeeze %dma_wait3A_36 : memref<1x5120xf32, #tpu.memory_space<hbm>> -> memref<5120xf32, #tpu.memory_space<hbm>>
      %dma_wait3A_38 = tpu.memref_slice %arg5[%run_scoped3A_17, %mul3A_16] : memref<6x163840xf32, #tpu.memory_space<hbm>> -> memref<1x5120xf32, #tpu.memory_space<hbm>>
      %dma_wait3A_39 = tpu.memref_squeeze %dma_wait3A_38 : memref<1x5120xf32, #tpu.memory_space<hbm>> -> memref<5120xf32, #tpu.memory_space<hbm>>
      %dma_wait3A_40 = arith.constant 10240 : i32
      %dma_wait3A_41 = tpu.memref_slice %arg9[%dma_wait3A_40] : memref<30720xf32, #tpu.memory_space<vmem>> -> memref<5120xf32, #tpu.memory_space<vmem>>
      tpu.wait_dma2 semaphore(%run_scoped3A_27 : memref<!tpu.dma_semaphore, #tpu.memory_space<semaphore_mem>>) src(%dma_wait3A_41 : memref<5120xf32, #tpu.memory_space<vmem>>) dst(%dma_wait3A_39 : memref<5120xf32, #tpu.memory_space<hbm>>)
      tpu.yield
    }) : () -> ()
    %mul3A_18 = arith.constant 16 : i32
    %mul3A_19 = arith.muli %mul3A_2, %mul3A_18 : i32
    %run_scoped3A_20 = arith.constant 3 : i32
    "tpu.region"() ({
      %run_scoped3A_27 = tpu.sem_alloc : memref<!tpu.dma_semaphore, #tpu.memory_space<semaphore_mem>>
      %dma_start3A = arith.constant 15360 : i32
      %dma_start3A_28 = tpu.memref_slice %arg9[%dma_start3A] : memref<30720xf32, #tpu.memory_space<vmem>> -> memref<5120xf32, #tpu.memory_space<vmem>>
      %dma_start3A_29 = tpu.memref_slice %arg5[%run_scoped3A_20, %mul3A_19] : memref<6x163840xf32, #tpu.memory_space<hbm>> -> memref<1x5120xf32, #tpu.memory_space<hbm>>
      %dma_start3A_30 = tpu.memref_squeeze %dma_start3A_29 : memref<1x5120xf32, #tpu.memory_space<hbm>> -> memref<5120xf32, #tpu.memory_space<hbm>>
      %dma_start3A_31 = tpu.memref_slice %arg5[%run_scoped3A_20, %mul3A_19] : memref<6x163840xf32, #tpu.memory_space<hbm>> -> memref<1x5120xf32, #tpu.memory_space<hbm>>
      %dma_start3A_32 = tpu.memref_squeeze %dma_start3A_31 : memref<1x5120xf32, #tpu.memory_space<hbm>> -> memref<5120xf32, #tpu.memory_space<hbm>>
      %dma_start3A_33 = arith.constant 15360 : i32
      %dma_start3A_34 = tpu.memref_slice %arg9[%dma_start3A_33] : memref<30720xf32, #tpu.memory_space<vmem>> -> memref<5120xf32, #tpu.memory_space<vmem>>
      tpu.enqueue_dma source(%dma_start3A_34 : memref<5120xf32, #tpu.memory_space<vmem>>) target(%dma_start3A_32 : memref<5120xf32, #tpu.memory_space<hbm>>) target_semaphore(%run_scoped3A_27 : memref<!tpu.dma_semaphore, #tpu.memory_space<semaphore_mem>>)
      %dma_wait3A = arith.constant 15360 : i32
      %dma_wait3A_35 = tpu.memref_slice %arg9[%dma_wait3A] : memref<30720xf32, #tpu.memory_space<vmem>> -> memref<5120xf32, #tpu.memory_space<vmem>>
      %dma_wait3A_36 = tpu.memref_slice %arg5[%run_scoped3A_20, %mul3A_19] : memref<6x163840xf32, #tpu.memory_space<hbm>> -> memref<1x5120xf32, #tpu.memory_space<hbm>>
      %dma_wait3A_37 = tpu.memref_squeeze %dma_wait3A_36 : memref<1x5120xf32, #tpu.memory_space<hbm>> -> memref<5120xf32, #tpu.memory_space<hbm>>
      %dma_wait3A_38 = tpu.memref_slice %arg5[%run_scoped3A_20, %mul3A_19] : memref<6x163840xf32, #tpu.memory_space<hbm>> -> memref<1x5120xf32, #tpu.memory_space<hbm>>
      %dma_wait3A_39 = tpu.memref_squeeze %dma_wait3A_38 : memref<1x5120xf32, #tpu.memory_space<hbm>> -> memref<5120xf32, #tpu.memory_space<hbm>>
      %dma_wait3A_40 = arith.constant 15360 : i32
      %dma_wait3A_41 = tpu.memref_slice %arg9[%dma_wait3A_40] : memref<30720xf32, #tpu.memory_space<vmem>> -> memref<5120xf32, #tpu.memory_space<vmem>>
      tpu.wait_dma2 semaphore(%run_scoped3A_27 : memref<!tpu.dma_semaphore, #tpu.memory_space<semaphore_mem>>) src(%dma_wait3A_41 : memref<5120xf32, #tpu.memory_space<vmem>>) dst(%dma_wait3A_39 : memref<5120xf32, #tpu.memory_space<hbm>>)
      tpu.yield
    }) : () -> ()
    %mul3A_21 = arith.constant 16 : i32
    %mul3A_22 = arith.muli %mul3A_2, %mul3A_21 : i32
    %run_scoped3A_23 = arith.constant 4 : i32
    "tpu.region"() ({
      %run_scoped3A_27 = tpu.sem_alloc : memref<!tpu.dma_semaphore, #tpu.memory_space<semaphore_mem>>
      %dma_start3A = arith.constant 20480 : i32
      %dma_start3A_28 = tpu.memref_slice %arg9[%dma_start3A] : memref<30720xf32, #tpu.memory_space<vmem>> -> memref<5120xf32, #tpu.memory_space<vmem>>
      %dma_start3A_29 = tpu.memref_slice %arg5[%run_scoped3A_23, %mul3A_22] : memref<6x163840xf32, #tpu.memory_space<hbm>> -> memref<1x5120xf32, #tpu.memory_space<hbm>>
      %dma_start3A_30 = tpu.memref_squeeze %dma_start3A_29 : memref<1x5120xf32, #tpu.memory_space<hbm>> -> memref<5120xf32, #tpu.memory_space<hbm>>
      %dma_start3A_31 = tpu.memref_slice %arg5[%run_scoped3A_23, %mul3A_22] : memref<6x163840xf32, #tpu.memory_space<hbm>> -> memref<1x5120xf32, #tpu.memory_space<hbm>>
      %dma_start3A_32 = tpu.memref_squeeze %dma_start3A_31 : memref<1x5120xf32, #tpu.memory_space<hbm>> -> memref<5120xf32, #tpu.memory_space<hbm>>
      %dma_start3A_33 = arith.constant 20480 : i32
      %dma_start3A_34 = tpu.memref_slice %arg9[%dma_start3A_33] : memref<30720xf32, #tpu.memory_space<vmem>> -> memref<5120xf32, #tpu.memory_space<vmem>>
      tpu.enqueue_dma source(%dma_start3A_34 : memref<5120xf32, #tpu.memory_space<vmem>>) target(%dma_start3A_32 : memref<5120xf32, #tpu.memory_space<hbm>>) target_semaphore(%run_scoped3A_27 : memref<!tpu.dma_semaphore, #tpu.memory_space<semaphore_mem>>)
      %dma_wait3A = arith.constant 20480 : i32
      %dma_wait3A_35 = tpu.memref_slice %arg9[%dma_wait3A] : memref<30720xf32, #tpu.memory_space<vmem>> -> memref<5120xf32, #tpu.memory_space<vmem>>
      %dma_wait3A_36 = tpu.memref_slice %arg5[%run_scoped3A_23, %mul3A_22] : memref<6x163840xf32, #tpu.memory_space<hbm>> -> memref<1x5120xf32, #tpu.memory_space<hbm>>
      %dma_wait3A_37 = tpu.memref_squeeze %dma_wait3A_36 : memref<1x5120xf32, #tpu.memory_space<hbm>> -> memref<5120xf32, #tpu.memory_space<hbm>>
      %dma_wait3A_38 = tpu.memref_slice %arg5[%run_scoped3A_23, %mul3A_22] : memref<6x163840xf32, #tpu.memory_space<hbm>> -> memref<1x5120xf32, #tpu.memory_space<hbm>>
      %dma_wait3A_39 = tpu.memref_squeeze %dma_wait3A_38 : memref<1x5120xf32, #tpu.memory_space<hbm>> -> memref<5120xf32, #tpu.memory_space<hbm>>
      %dma_wait3A_40 = arith.constant 20480 : i32
      %dma_wait3A_41 = tpu.memref_slice %arg9[%dma_wait3A_40] : memref<30720xf32, #tpu.memory_space<vmem>> -> memref<5120xf32, #tpu.memory_space<vmem>>
      tpu.wait_dma2 semaphore(%run_scoped3A_27 : memref<!tpu.dma_semaphore, #tpu.memory_space<semaphore_mem>>) src(%dma_wait3A_41 : memref<5120xf32, #tpu.memory_space<vmem>>) dst(%dma_wait3A_39 : memref<5120xf32, #tpu.memory_space<hbm>>)
      tpu.yield
    }) : () -> ()
    %mul3A_24 = arith.constant 16 : i32
    %mul3A_25 = arith.muli %mul3A_2, %mul3A_24 : i32
    %run_scoped3A_26 = arith.constant 5 : i32
    "tpu.region"() ({
      %run_scoped3A_27 = tpu.sem_alloc : memref<!tpu.dma_semaphore, #tpu.memory_space<semaphore_mem>>
      %dma_start3A = arith.constant 25600 : i32
      %dma_start3A_28 = tpu.memref_slice %arg9[%dma_start3A] : memref<30720xf32, #tpu.memory_space<vmem>> -> memref<5120xf32, #tpu.memory_space<vmem>>
      %dma_start3A_29 = tpu.memref_slice %arg5[%run_scoped3A_26, %mul3A_25] : memref<6x163840xf32, #tpu.memory_space<hbm>> -> memref<1x5120xf32, #tpu.memory_space<hbm>>
      %dma_start3A_30 = tpu.memref_squeeze %dma_start3A_29 : memref<1x5120xf32, #tpu.memory_space<hbm>> -> memref<5120xf32, #tpu.memory_space<hbm>>
      %dma_start3A_31 = tpu.memref_slice %arg5[%run_scoped3A_26, %mul3A_25] : memref<6x163840xf32, #tpu.memory_space<hbm>> -> memref<1x5120xf32, #tpu.memory_space<hbm>>
      %dma_start3A_32 = tpu.memref_squeeze %dma_start3A_31 : memref<1x5120xf32, #tpu.memory_space<hbm>> -> memref<5120xf32, #tpu.memory_space<hbm>>
      %dma_start3A_33 = arith.constant 25600 : i32
      %dma_start3A_34 = tpu.memref_slice %arg9[%dma_start3A_33] : memref<30720xf32, #tpu.memory_space<vmem>> -> memref<5120xf32, #tpu.memory_space<vmem>>
      tpu.enqueue_dma source(%dma_start3A_34 : memref<5120xf32, #tpu.memory_space<vmem>>) target(%dma_start3A_32 : memref<5120xf32, #tpu.memory_space<hbm>>) target_semaphore(%run_scoped3A_27 : memref<!tpu.dma_semaphore, #tpu.memory_space<semaphore_mem>>)
      %dma_wait3A = arith.constant 25600 : i32
      %dma_wait3A_35 = tpu.memref_slice %arg9[%dma_wait3A] : memref<30720xf32, #tpu.memory_space<vmem>> -> memref<5120xf32, #tpu.memory_space<vmem>>
      %dma_wait3A_36 = tpu.memref_slice %arg5[%run_scoped3A_26, %mul3A_25] : memref<6x163840xf32, #tpu.memory_space<hbm>> -> memref<1x5120xf32, #tpu.memory_space<hbm>>
      %dma_wait3A_37 = tpu.memref_squeeze %dma_wait3A_36 : memref<1x5120xf32, #tpu.memory_space<hbm>> -> memref<5120xf32, #tpu.memory_space<hbm>>
      %dma_wait3A_38 = tpu.memref_slice %arg5[%run_scoped3A_26, %mul3A_25] : memref<6x163840xf32, #tpu.memory_space<hbm>> -> memref<1x5120xf32, #tpu.memory_space<hbm>>
      %dma_wait3A_39 = tpu.memref_squeeze %dma_wait3A_38 : memref<1x5120xf32, #tpu.memory_space<hbm>> -> memref<5120xf32, #tpu.memory_space<hbm>>
      %dma_wait3A_40 = arith.constant 25600 : i32
      %dma_wait3A_41 = tpu.memref_slice %arg9[%dma_wait3A_40] : memref<30720xf32, #tpu.memory_space<vmem>> -> memref<5120xf32, #tpu.memory_space<vmem>>
      tpu.wait_dma2 semaphore(%run_scoped3A_27 : memref<!tpu.dma_semaphore, #tpu.memory_space<semaphore_mem>>) src(%dma_wait3A_41 : memref<5120xf32, #tpu.memory_space<vmem>>) dst(%dma_wait3A_39 : memref<5120xf32, #tpu.memory_space<hbm>>)
      tpu.yield
    }) : () -> ()
    return
  }
}

module attributes {stable_mosaic.version = 14 : i64} {
  func.func @_xc_body(%arg0: i32, %arg1: memref<256x128xf32, #tpu.memory_space<vmem>>, %arg2: memref<128x128xf32, #tpu.memory_space<vmem>>, %arg3: memref<256x128xf32, #tpu.memory_space<vmem>>) attributes {dimension_semantics = [#tpu.dimension_semantics<arbitrary>], iteration_bounds = array<i64: 40>, scalar_prefetch = 0 : i64, scratch_operands = 0 : i64, tpu.core_type = #tpu.core_type<tc>, window_params = [{transform_indices = @transform_0, window_bounds = array<i64: 256, 128>}, {pipeline_mode = #tpu.pipeline_mode<synchronous>, transform_indices = @transform_1, window_bounds = array<i64: 128, 128>}, {transform_indices = @transform_2, window_bounds = array<i64: 256, 128>}]} {
    %get3A = arith.constant 0 : index
    %get3A_0 = arith.constant 0 : index
    %get3A_1 = vector.load %arg1[%get3A, %get3A_0] : memref<256x128xf32, #tpu.memory_space<vmem>>, vector<256x128xf32>
    %get3A_2 = arith.constant 0 : index
    %get3A_3 = arith.constant 0 : index
    %get3A_4 = vector.load %arg2[%get3A_2, %get3A_3] : memref<128x128xf32, #tpu.memory_space<vmem>>, vector<128x128xf32>
    %dot_general3A = arith.constant dense<0.000000e+00> : vector<256x128xf32>
    %dot_general3A_5 = tpu.matmul %get3A_1, %get3A_4, %dot_general3A {dimension_numbers = #tpu.dot_dimension_numbers<[1], [0], [0], [1], [0, 0, 1, 1], [], []>, transpose_lhs_hint = false} : vector<256x128xf32>, vector<128x128xf32>, vector<256x128xf32> -> vector<256x128xf32>
    %swap3A = arith.constant 0 : index
    %swap3A_6 = arith.constant 0 : index
    %swap3A_7 = vector.load %arg3[%swap3A, %swap3A_6] : memref<256x128xf32, #tpu.memory_space<vmem>>, vector<256x128xf32>
    tpu.vector_store %arg3[%swap3A, %swap3A_6], %dot_general3A_5 {strides = array<i32>} : memref<256x128xf32, #tpu.memory_space<vmem>>, vector<256x128xf32>,
    return
  }
  func.func @transform_0(%arg0: i32) -> (i32, i32) {
    %c0_i32 = arith.constant 0 : i32
    %c0_i32_0 = arith.constant 0 : i32
    return %arg0, %c0_i32 : i32, i32
  }
  func.func @transform_1(%arg0: i32) -> (i32, i32) {
    %c0_i32 = arith.constant 0 : i32
    %c0_i32_0 = arith.constant 0 : i32
    %c0_i32_1 = arith.constant 0 : i32
    return %c0_i32, %c0_i32_0 : i32, i32
  }
  func.func @transform_2(%arg0: i32) -> (i32, i32) {
    %c0_i32 = arith.constant 0 : i32
    %c0_i32_0 = arith.constant 0 : i32
    return %arg0, %c0_i32 : i32, i32
  }
}

module attributes {stable_mosaic.version = 14 : i64} {
  func.func @_dense_body(%arg0: i32, %arg1: memref<256x16xf32, #tpu.memory_space<vmem>>, %arg2: memref<256x16xf32, #tpu.memory_space<vmem>>, %arg3: memref<256x16xf32, #tpu.memory_space<vmem>>, %arg4: memref<256x16xf32, #tpu.memory_space<vmem>>, %arg5: memref<256x16xf32, #tpu.memory_space<vmem>>, %arg6: memref<256x16xf32, #tpu.memory_space<vmem>>, %arg7: memref<4096x128xf32, #tpu.memory_space<vmem>>, %arg8: memref<256x128xf32, #tpu.memory_space<vmem>>, %arg9: memref<8x128xf32, #tpu.memory_space<vmem>>, %arg10: memref<1x128xf32, #tpu.memory_space<vmem>>, %arg11: memref<1x128xf32, #tpu.memory_space<vmem>>, %arg12: memref<128x128xf32, #tpu.memory_space<vmem>>, %arg13: memref<128x512xf32, #tpu.memory_space<vmem>>, %arg14: memref<1x512xf32, #tpu.memory_space<vmem>>, %arg15: memref<1x512xf32, #tpu.memory_space<vmem>>, %arg16: memref<512x128xf32, #tpu.memory_space<vmem>>, %arg17: memref<1x128xf32, #tpu.memory_space<vmem>>, %arg18: memref<1x128xf32, #tpu.memory_space<vmem>>, %arg19: memref<128x128xf32, #tpu.memory_space<vmem>>, %arg20: memref<1x128xf32, #tpu.memory_space<vmem>>, %arg21: memref<256x128xf32, #tpu.memory_space<vmem>>) attributes {dimension_semantics = [#tpu.dimension_semantics<arbitrary>], iteration_bounds = array<i64: 40>, scalar_prefetch = 0 : i64, scratch_operands = 0 : i64, tpu.core_type = #tpu.core_type<tc>, window_params = [{transform_indices = @transform_0, window_bounds = array<i64: 256, 16>}, {transform_indices = @transform_1, window_bounds = array<i64: 256, 16>}, {transform_indices = @transform_2, window_bounds = array<i64: 256, 16>}, {transform_indices = @transform_3, window_bounds = array<i64: 256, 16>}, {transform_indices = @transform_4, window_bounds = array<i64: 256, 16>}, {transform_indices = @transform_5, window_bounds = array<i64: 256, 16>}, {transform_indices = @transform_6, window_bounds = array<i64: 4096, 128>}, {transform_indices = @transform_7, window_bounds = array<i64: 256, 128>}, {pipeline_mode = #tpu.pipeline_mode<synchronous>, transform_indices = @transform_8, window_bounds = array<i64: 8, 128>}, {pipeline_mode = #tpu.pipeline_mode<synchronous>, transform_indices = @transform_9, window_bounds = array<i64: 1, 128>}, {pipeline_mode = #tpu.pipeline_mode<synchronous>, transform_indices = @transform_10, window_bounds = array<i64: 1, 128>}, {pipeline_mode = #tpu.pipeline_mode<synchronous>, transform_indices = @transform_11, window_bounds = array<i64: 128, 128>}, {pipeline_mode = #tpu.pipeline_mode<synchronous>, transform_indices = @transform_12, window_bounds = array<i64: 128, 512>}, {pipeline_mode = #tpu.pipeline_mode<synchronous>, transform_indices = @transform_13, window_bounds = array<i64: 1, 512>}, {pipeline_mode = #tpu.pipeline_mode<synchronous>, transform_indices = @transform_14, window_bounds = array<i64: 1, 512>}, {pipeline_mode = #tpu.pipeline_mode<synchronous>, transform_indices = @transform_15, window_bounds = array<i64: 512, 128>}, {pipeline_mode = #tpu.pipeline_mode<synchronous>, transform_indices = @transform_16, window_bounds = array<i64: 1, 128>}, {pipeline_mode = #tpu.pipeline_mode<synchronous>, transform_indices = @transform_17, window_bounds = array<i64: 1, 128>}, {pipeline_mode = #tpu.pipeline_mode<synchronous>, transform_indices = @transform_18, window_bounds = array<i64: 128, 128>}, {pipeline_mode = #tpu.pipeline_mode<synchronous>, transform_indices = @transform_19, window_bounds = array<i64: 1, 128>}, {transform_indices = @transform_20, window_bounds = array<i64: 256, 128>}]} {
    %get3A = arith.constant 0 : index
    %get3A_0 = arith.constant 0 : index
    %get3A_1 = vector.load %arg1[%get3A, %get3A_0] : memref<256x16xf32, #tpu.memory_space<vmem>>, vector<256x16xf32>
    %get3A_2 = arith.constant 0 : index
    %get3A_3 = arith.constant 0 : index
    %get3A_4 = vector.load %arg2[%get3A_2, %get3A_3] : memref<256x16xf32, #tpu.memory_space<vmem>>, vector<256x16xf32>
    %get3A_5 = arith.constant 0 : index
    %get3A_6 = arith.constant 0 : index
    %get3A_7 = vector.load %arg3[%get3A_5, %get3A_6] : memref<256x16xf32, #tpu.memory_space<vmem>>, vector<256x16xf32>
    %get3A_8 = arith.constant 0 : index
    %get3A_9 = arith.constant 0 : index
    %get3A_10 = vector.load %arg4[%get3A_8, %get3A_9] : memref<256x16xf32, #tpu.memory_space<vmem>>, vector<256x16xf32>
    %get3A_11 = arith.constant 0 : index
    %get3A_12 = arith.constant 0 : index
    %get3A_13 = vector.load %arg5[%get3A_11, %get3A_12] : memref<256x16xf32, #tpu.memory_space<vmem>>, vector<256x16xf32>
    %get3A_14 = arith.constant 0 : index
    %get3A_15 = arith.constant 0 : index
    %get3A_16 = vector.load %arg6[%get3A_14, %get3A_15] : memref<256x16xf32, #tpu.memory_space<vmem>>, vector<256x16xf32>
    %mul3A = arith.mulf %get3A_16, %get3A_1 : vector<256x16xf32>
    %sqrt3A = math.sqrt %mul3A : vector<256x16xf32>
    %add3A = arith.constant 9.99999993E-9 : f32
    %add3A_17 = vector.broadcast %add3A : f32 to vector<256x16xf32>
    %add3A_18 = arith.addf %sqrt3A, %add3A_17 : vector<256x16xf32>
    %div3A = arith.divf %get3A_4, %add3A_18 : vector<256x16xf32>
    %jit3A = arith.constant -0.999998986 : f32
    %jit3A_19 = arith.constant 0.999998986 : f32
    %max3A = vector.broadcast %jit3A : f32 to vector<256x16xf32>
    %max3A_20 = arith.maximumf %max3A, %div3A : vector<256x16xf32>
    %min3A = vector.broadcast %jit3A_19 : f32 to vector<256x16xf32>
    %min3A_21 = arith.minimumf %min3A, %max3A_20 : vector<256x16xf32>
    %add3A_22 = arith.constant 1.000000e+00 : f32
    %add3A_23 = vector.broadcast %add3A_22 : f32 to vector<256x16xf32>
    %add3A_24 = arith.addf %add3A_23, %min3A_21 : vector<256x16xf32>
    %sub3A = arith.constant 1.000000e+00 : f32
    %sub3A_25 = vector.broadcast %sub3A : f32 to vector<256x16xf32>
    %sub3A_26 = arith.subf %sub3A_25, %min3A_21 : vector<256x16xf32>
    %mul3A_27 = arith.mulf %add3A_24, %sub3A_26 : vector<256x16xf32>
    %sqrt3A_28 = math.sqrt %mul3A_27 : vector<256x16xf32>
    %atan23A = math.atan2 %sqrt3A_28, %min3A_21 : vector<256x16xf32>
    %mul3A_29 = arith.mulf %get3A_13, %get3A_1 : vector<256x16xf32>
    %sqrt3A_30 = math.sqrt %mul3A_29 : vector<256x16xf32>
    %add3A_31 = arith.constant 9.99999993E-9 : f32
    %add3A_32 = vector.broadcast %add3A_31 : f32 to vector<256x16xf32>
    %add3A_33 = arith.addf %sqrt3A_30, %add3A_32 : vector<256x16xf32>
    %div3A_34 = arith.divf %get3A_7, %add3A_33 : vector<256x16xf32>
    %jit3A_35 = arith.constant -0.999998986 : f32
    %jit3A_36 = arith.constant 0.999998986 : f32
    %max3A_37 = vector.broadcast %jit3A_35 : f32 to vector<256x16xf32>
    %max3A_38 = arith.maximumf %max3A_37, %div3A_34 : vector<256x16xf32>
    %min3A_39 = vector.broadcast %jit3A_36 : f32 to vector<256x16xf32>
    %min3A_40 = arith.minimumf %min3A_39, %max3A_38 : vector<256x16xf32>
    %add3A_41 = arith.constant 1.000000e+00 : f32
    %add3A_42 = vector.broadcast %add3A_41 : f32 to vector<256x16xf32>
    %add3A_43 = arith.addf %add3A_42, %min3A_40 : vector<256x16xf32>
    %sub3A_44 = arith.constant 1.000000e+00 : f32
    %sub3A_45 = vector.broadcast %sub3A_44 : f32 to vector<256x16xf32>
    %sub3A_46 = arith.subf %sub3A_45, %min3A_40 : vector<256x16xf32>
    %mul3A_47 = arith.mulf %add3A_43, %sub3A_46 : vector<256x16xf32>
    %sqrt3A_48 = math.sqrt %mul3A_47 : vector<256x16xf32>
    %atan23A_49 = math.atan2 %sqrt3A_48, %min3A_40 : vector<256x16xf32>
    %mul3A_50 = arith.mulf %get3A_16, %get3A_13 : vector<256x16xf32>
    %sqrt3A_51 = math.sqrt %mul3A_50 : vector<256x16xf32>
    %add3A_52 = arith.constant 9.99999993E-9 : f32
    %add3A_53 = vector.broadcast %add3A_52 : f32 to vector<256x16xf32>
    %add3A_54 = arith.addf %sqrt3A_51, %add3A_53 : vector<256x16xf32>
    %div3A_55 = arith.divf %get3A_10, %add3A_54 : vector<256x16xf32>
    %jit3A_56 = arith.constant -0.999998986 : f32
    %jit3A_57 = arith.constant 0.999998986 : f32
    %max3A_58 = vector.broadcast %jit3A_56 : f32 to vector<256x16xf32>
    %max3A_59 = arith.maximumf %max3A_58, %div3A_55 : vector<256x16xf32>
    %min3A_60 = vector.broadcast %jit3A_57 : f32 to vector<256x16xf32>
    %min3A_61 = arith.minimumf %min3A_60, %max3A_59 : vector<256x16xf32>
    %add3A_62 = arith.constant 1.000000e+00 : f32
    %add3A_63 = vector.broadcast %add3A_62 : f32 to vector<256x16xf32>
    %add3A_64 = arith.addf %add3A_63, %min3A_61 : vector<256x16xf32>
    %sub3A_65 = arith.constant 1.000000e+00 : f32
    %sub3A_66 = vector.broadcast %sub3A_65 : f32 to vector<256x16xf32>
    %sub3A_67 = arith.subf %sub3A_66, %min3A_61 : vector<256x16xf32>
    %mul3A_68 = arith.mulf %add3A_64, %sub3A_67 : vector<256x16xf32>
    %sqrt3A_69 = math.sqrt %mul3A_68 : vector<256x16xf32>
    %atan23A_70 = math.atan2 %sqrt3A_69, %min3A_61 : vector<256x16xf32>
    %add3A_71 = arith.constant 9.99999993E-9 : f32
    %add3A_72 = vector.broadcast %add3A_71 : f32 to vector<256x16xf32>
    %add3A_73 = arith.addf %get3A_1, %add3A_72 : vector<256x16xf32>
    %sqrt3A_74 = math.sqrt %add3A_73 : vector<256x16xf32>
    %broadcast_in_dim3A = vector.shape_cast %atan23A : vector<256x16xf32> to vector<256x16x1xf32>
    %get3A_75 = arith.constant 0 : index
    %get3A_76 = arith.constant 0 : index
    %get3A_77 = vector.load %arg9[%get3A_75, %get3A_76] : memref<8x128xf32, #tpu.memory_space<vmem>>, vector<1x128xf32>
    %get3A_78 = vector.shape_cast %get3A_77 : vector<1x128xf32> to vector<128xf32>
    %broadcast_in_dim3A_79 = vector.shape_cast %get3A_78 : vector<128xf32> to vector<1x1x128xf32>
    %mul3A_80 = vector.broadcast %broadcast_in_dim3A : vector<256x16x1xf32> to vector<256x16x128xf32>
    %mul3A_81 = vector.broadcast %broadcast_in_dim3A_79 : vector<1x1x128xf32> to vector<256x16x128xf32>
    %mul3A_82 = arith.mulf %mul3A_80, %mul3A_81 : vector<256x16x128xf32>
    %broadcast_in_dim3A_83 = vector.shape_cast %atan23A_49 : vector<256x16xf32> to vector<256x16x1xf32>
    %get3A_84 = arith.constant 1 : index
    %get3A_85 = arith.constant 0 : index
    %get3A_86 = vector.load %arg9[%get3A_84, %get3A_85] : memref<8x128xf32, #tpu.memory_space<vmem>>, vector<1x128xf32>
    %get3A_87 = vector.shape_cast %get3A_86 : vector<1x128xf32> to vector<128xf32>
    %broadcast_in_dim3A_88 = vector.shape_cast %get3A_87 : vector<128xf32> to vector<1x1x128xf32>
    %mul3A_89 = vector.broadcast %broadcast_in_dim3A_83 : vector<256x16x1xf32> to vector<256x16x128xf32>
    %mul3A_90 = vector.broadcast %broadcast_in_dim3A_88 : vector<1x1x128xf32> to vector<256x16x128xf32>
    %mul3A_91 = arith.mulf %mul3A_89, %mul3A_90 : vector<256x16x128xf32>
    %add3A_92 = arith.addf %mul3A_82, %mul3A_91 : vector<256x16x128xf32>
    %broadcast_in_dim3A_93 = vector.shape_cast %atan23A_70 : vector<256x16xf32> to vector<256x16x1xf32>
    %get3A_94 = arith.constant 2 : index
    %get3A_95 = arith.constant 0 : index
    %get3A_96 = vector.load %arg9[%get3A_94, %get3A_95] : memref<8x128xf32, #tpu.memory_space<vmem>>, vector<1x128xf32>
    %get3A_97 = vector.shape_cast %get3A_96 : vector<1x128xf32> to vector<128xf32>
    %broadcast_in_dim3A_98 = vector.shape_cast %get3A_97 : vector<128xf32> to vector<1x1x128xf32>
    %mul3A_99 = vector.broadcast %broadcast_in_dim3A_93 : vector<256x16x1xf32> to vector<256x16x128xf32>
    %mul3A_100 = vector.broadcast %broadcast_in_dim3A_98 : vector<1x1x128xf32> to vector<256x16x128xf32>
    %mul3A_101 = arith.mulf %mul3A_99, %mul3A_100 : vector<256x16x128xf32>
    %add3A_102 = arith.addf %add3A_92, %mul3A_101 : vector<256x16x128xf32>
    %broadcast_in_dim3A_103 = vector.shape_cast %sqrt3A_74 : vector<256x16xf32> to vector<256x16x1xf32>
    %get3A_104 = arith.constant 3 : index
    %get3A_105 = arith.constant 0 : index
    %get3A_106 = vector.load %arg9[%get3A_104, %get3A_105] : memref<8x128xf32, #tpu.memory_space<vmem>>, vector<1x128xf32>
    %get3A_107 = vector.shape_cast %get3A_106 : vector<1x128xf32> to vector<128xf32>
    %broadcast_in_dim3A_108 = vector.shape_cast %get3A_107 : vector<128xf32> to vector<1x1x128xf32>
    %mul3A_109 = vector.broadcast %broadcast_in_dim3A_103 : vector<256x16x1xf32> to vector<256x16x128xf32>
    %mul3A_110 = vector.broadcast %broadcast_in_dim3A_108 : vector<1x1x128xf32> to vector<256x16x128xf32>
    %mul3A_111 = arith.mulf %mul3A_109, %mul3A_110 : vector<256x16x128xf32>
    %add3A_112 = arith.addf %add3A_102, %mul3A_111 : vector<256x16x128xf32>
    %reduce_sum3A = arith.constant dense<0.000000e+00> : vector<256x16xf32>
    %reduce_sum3A_113 = vector.multi_reduction <add>, %add3A_112, %reduce_sum3A [2] : vector<256x16x128xf32> to vector<256x16xf32>
    %broadcast_in_dim3A_114 = vector.shape_cast %reduce_sum3A_113 : vector<256x16xf32> to vector<256x16x1xf32>
    %div3A_115 = arith.constant 1.280000e+02 : f32
    %div3A_116 = vector.broadcast %div3A_115 : f32 to vector<256x16x1xf32>
    %div3A_117 = arith.divf %broadcast_in_dim3A_114, %div3A_116 : vector<256x16x1xf32>
    %sub3A_118 = vector.broadcast %div3A_117 : vector<256x16x1xf32> to vector<256x16x128xf32>
    %sub3A_119 = arith.subf %add3A_112, %sub3A_118 : vector<256x16x128xf32>
    %integer_pow3A = arith.mulf %sub3A_119, %sub3A_119 : vector<256x16x128xf32>
    %reduce_sum3A_120 = arith.constant dense<0.000000e+00> : vector<256x16xf32>
    %reduce_sum3A_121 = vector.multi_reduction <add>, %integer_pow3A, %reduce_sum3A_120 [2] : vector<256x16x128xf32> to vector<256x16xf32>
    %broadcast_in_dim3A_122 = vector.shape_cast %reduce_sum3A_121 : vector<256x16xf32> to vector<256x16x1xf32>
    %div3A_123 = arith.constant 1.280000e+02 : f32
    %div3A_124 = vector.broadcast %div3A_123 : f32 to vector<256x16x1xf32>
    %div3A_125 = arith.divf %broadcast_in_dim3A_122, %div3A_124 : vector<256x16x1xf32>
    %sub3A_126 = vector.broadcast %div3A_117 : vector<256x16x1xf32> to vector<256x16x128xf32>
    %sub3A_127 = arith.subf %add3A_112, %sub3A_126 : vector<256x16x128xf32>
    %add3A_128 = arith.constant 9.99999974E-6 : f32
    %add3A_129 = vector.broadcast %add3A_128 : f32 to vector<256x16x1xf32>
    %add3A_130 = arith.addf %div3A_125, %add3A_129 : vector<256x16x1xf32>
    %rsqrt3A = math.rsqrt %add3A_130 : vector<256x16x1xf32>
    %mul3A_131 = vector.broadcast %rsqrt3A : vector<256x16x1xf32> to vector<256x16x128xf32>
    %mul3A_132 = arith.mulf %sub3A_127, %mul3A_131 : vector<256x16x128xf32>
    %get3A_133 = arith.constant 0 : index
    %get3A_134 = arith.constant 0 : index
    %get3A_135 = vector.load %arg10[%get3A_133, %get3A_134] : memref<1x128xf32, #tpu.memory_space<vmem>>, vector<1x128xf32>
    %get3A_136 = vector.shape_cast %get3A_135 : vector<1x128xf32> to vector<128xf32>
    %broadcast_in_dim3A_137 = vector.shape_cast %get3A_136 : vector<128xf32> to vector<1x1x128xf32>
    %mul3A_138 = vector.broadcast %broadcast_in_dim3A_137 : vector<1x1x128xf32> to vector<256x16x128xf32>
    %mul3A_139 = arith.mulf %mul3A_132, %mul3A_138 : vector<256x16x128xf32>
    %get3A_140 = arith.constant 0 : index
    %get3A_141 = arith.constant 0 : index
    %get3A_142 = vector.load %arg11[%get3A_140, %get3A_141] : memref<1x128xf32, #tpu.memory_space<vmem>>, vector<1x128xf32>
    %get3A_143 = vector.shape_cast %get3A_142 : vector<1x128xf32> to vector<128xf32>
    %broadcast_in_dim3A_144 = vector.shape_cast %get3A_143 : vector<128xf32> to vector<1x1x128xf32>
    %add3A_145 = vector.broadcast %broadcast_in_dim3A_144 : vector<1x1x128xf32> to vector<256x16x128xf32>
    %add3A_146 = arith.addf %mul3A_139, %add3A_145 : vector<256x16x128xf32>
    %gt3A = arith.constant 0.000000e+00 : f32
    %gt3A_147 = vector.broadcast %gt3A : f32 to vector<256x16x128xf32>
    %gt3A_148 = arith.cmpf ogt, %add3A_146, %gt3A_147 : vector<256x16x128xf32>
    %mul3A_149 = arith.constant 1.000000e-01 : f32
    %mul3A_150 = vector.broadcast %mul3A_149 : f32 to vector<256x16x128xf32>
    %mul3A_151 = arith.mulf %mul3A_150, %add3A_146 : vector<256x16x128xf32>
    %select_n3A = arith.select %gt3A_148, %add3A_146, %mul3A_151 : vector<256x16x128xi1>, vector<256x16x128xf32>
    %reshape3A = vector.shape_cast %select_n3A : vector<256x16x128xf32> to vector<4096x128xf32>
    %get3A_152 = arith.constant 0 : index
    %get3A_153 = arith.constant 0 : index
    %get3A_154 = vector.load %arg12[%get3A_152, %get3A_153] : memref<128x128xf32, #tpu.memory_space<vmem>>, vector<128x128xf32>
    %dot_general3A = arith.constant dense<0.000000e+00> : vector<4096x128xf32>
    %dot_general3A_155 = tpu.matmul %reshape3A, %get3A_154, %dot_general3A {dimension_numbers = #tpu.dot_dimension_numbers<[1], [0], [0], [1], [0, 0, 1, 1], [], []>, transpose_lhs_hint = false} : vector<4096x128xf32>, vector<128x128xf32>, vector<4096x128xf32> -> vector<4096x128xf32>
    %get3A_156 = arith.constant 0 : index
    %get3A_157 = arith.constant 0 : index
    %get3A_158 = vector.load %arg7[%get3A_156, %get3A_157] : memref<4096x128xf32, #tpu.memory_space<vmem>>, vector<4096x128xf32>
    %add3A_159 = arith.addf %get3A_158, %dot_general3A_155 : vector<4096x128xf32>
    %reshape3A_160 = vector.shape_cast %add3A_159 : vector<4096x128xf32> to vector<256x16x128xf32>
    %reduce_max3A = arith.constant dense<0xFF800000> : vector<256x128xf32>
    %reduce_max3A_161 = vector.multi_reduction <maximumf>, %reshape3A_160, %reduce_max3A [1] : vector<256x16x128xf32> to vector<256x128xf32>
    %get3A_162 = arith.constant 0 : index
    %get3A_163 = arith.constant 0 : index
    %get3A_164 = vector.load %arg13[%get3A_162, %get3A_163] : memref<128x512xf32, #tpu.memory_space<vmem>>, vector<128x512xf32>
    %dot_general3A_165 = arith.constant dense<0.000000e+00> : vector<256x512xf32>
    %dot_general3A_166 = tpu.matmul %reduce_max3A_161, %get3A_164, %dot_general3A_165 {dimension_numbers = #tpu.dot_dimension_numbers<[1], [0], [0], [1], [0, 0, 1, 1], [], []>, transpose_lhs_hint = false} : vector<256x128xf32>, vector<128x512xf32>, vector<256x512xf32> -> vector<256x512xf32>
    %get3A_167 = arith.constant 0 : index
    %get3A_168 = arith.constant 0 : index
    %get3A_169 = vector.load %arg14[%get3A_167, %get3A_168] : memref<1x512xf32, #tpu.memory_space<vmem>>, vector<1x512xf32>
    %get3A_170 = arith.constant 0 : index
    %get3A_171 = arith.constant 0 : index
    %get3A_172 = vector.load %arg15[%get3A_170, %get3A_171] : memref<1x512xf32, #tpu.memory_space<vmem>>, vector<1x512xf32>
    %reduce_sum3A_173 = arith.constant dense<0.000000e+00> : vector<256xf32>
    %reduce_sum3A_174 = vector.multi_reduction <add>, %dot_general3A_166, %reduce_sum3A_173 [1] : vector<256x512xf32> to vector<256xf32>
    %broadcast_in_dim3A_175 = vector.shape_cast %reduce_sum3A_174 : vector<256xf32> to vector<256x1xf32>
    %div3A_176 = arith.constant 5.120000e+02 : f32
    %div3A_177 = vector.broadcast %div3A_176 : f32 to vector<256x1xf32>
    %div3A_178 = arith.divf %broadcast_in_dim3A_175, %div3A_177 : vector<256x1xf32>
    %sub3A_179 = vector.broadcast %div3A_178 : vector<256x1xf32> to vector<256x512xf32>
    %sub3A_180 = arith.subf %dot_general3A_166, %sub3A_179 : vector<256x512xf32>
    %integer_pow3A_181 = arith.mulf %sub3A_180, %sub3A_180 : vector<256x512xf32>
    %reduce_sum3A_182 = arith.constant dense<0.000000e+00> : vector<256xf32>
    %reduce_sum3A_183 = vector.multi_reduction <add>, %integer_pow3A_181, %reduce_sum3A_182 [1] : vector<256x512xf32> to vector<256xf32>
    %broadcast_in_dim3A_184 = vector.shape_cast %reduce_sum3A_183 : vector<256xf32> to vector<256x1xf32>
    %div3A_185 = arith.constant 5.120000e+02 : f32
    %div3A_186 = vector.broadcast %div3A_185 : f32 to vector<256x1xf32>
    %div3A_187 = arith.divf %broadcast_in_dim3A_184, %div3A_186 : vector<256x1xf32>
    %sub3A_188 = vector.broadcast %div3A_178 : vector<256x1xf32> to vector<256x512xf32>
    %sub3A_189 = arith.subf %dot_general3A_166, %sub3A_188 : vector<256x512xf32>
    %add3A_190 = arith.constant 9.99999974E-6 : f32
    %add3A_191 = vector.broadcast %add3A_190 : f32 to vector<256x1xf32>
    %add3A_192 = arith.addf %div3A_187, %add3A_191 : vector<256x1xf32>
    %rsqrt3A_193 = math.rsqrt %add3A_192 : vector<256x1xf32>
    %mul3A_194 = vector.broadcast %rsqrt3A_193 : vector<256x1xf32> to vector<256x512xf32>
    %mul3A_195 = arith.mulf %sub3A_189, %mul3A_194 : vector<256x512xf32>
    %mul3A_196 = vector.broadcast %get3A_169 : vector<1x512xf32> to vector<256x512xf32>
    %mul3A_197 = arith.mulf %mul3A_195, %mul3A_196 : vector<256x512xf32>
    %add3A_198 = vector.broadcast %get3A_172 : vector<1x512xf32> to vector<256x512xf32>
    %add3A_199 = arith.addf %mul3A_197, %add3A_198 : vector<256x512xf32>
    %gt3A_200 = arith.constant 0.000000e+00 : f32
    %gt3A_201 = vector.broadcast %gt3A_200 : f32 to vector<256x512xf32>
    %gt3A_202 = arith.cmpf ogt, %add3A_199, %gt3A_201 : vector<256x512xf32>
    %mul3A_203 = arith.constant 1.000000e-01 : f32
    %mul3A_204 = vector.broadcast %mul3A_203 : f32 to vector<256x512xf32>
    %mul3A_205 = arith.mulf %mul3A_204, %add3A_199 : vector<256x512xf32>
    %select_n3A_206 = arith.select %gt3A_202, %add3A_199, %mul3A_205 : vector<256x512xi1>, vector<256x512xf32>
    %get3A_207 = arith.constant 0 : index
    %get3A_208 = arith.constant 0 : index
    %get3A_209 = vector.load %arg16[%get3A_207, %get3A_208] : memref<512x128xf32, #tpu.memory_space<vmem>>, vector<512x128xf32>
    %dot_general3A_210 = arith.constant dense<0.000000e+00> : vector<256x128xf32>
    %dot_general3A_211 = tpu.matmul %select_n3A_206, %get3A_209, %dot_general3A_210 {dimension_numbers = #tpu.dot_dimension_numbers<[1], [0], [0], [1], [0, 0, 1, 1], [], []>, transpose_lhs_hint = false} : vector<256x512xf32>, vector<512x128xf32>, vector<256x128xf32> -> vector<256x128xf32>
    %get3A_212 = arith.constant 0 : index
    %get3A_213 = arith.constant 0 : index
    %get3A_214 = vector.load %arg17[%get3A_212, %get3A_213] : memref<1x128xf32, #tpu.memory_space<vmem>>, vector<1x128xf32>
    %get3A_215 = arith.constant 0 : index
    %get3A_216 = arith.constant 0 : index
    %get3A_217 = vector.load %arg18[%get3A_215, %get3A_216] : memref<1x128xf32, #tpu.memory_space<vmem>>, vector<1x128xf32>
    %reduce_sum3A_218 = arith.constant dense<0.000000e+00> : vector<256xf32>
    %reduce_sum3A_219 = vector.multi_reduction <add>, %dot_general3A_211, %reduce_sum3A_218 [1] : vector<256x128xf32> to vector<256xf32>
    %broadcast_in_dim3A_220 = vector.shape_cast %reduce_sum3A_219 : vector<256xf32> to vector<256x1xf32>
    %div3A_221 = arith.constant 1.280000e+02 : f32
    %div3A_222 = vector.broadcast %div3A_221 : f32 to vector<256x1xf32>
    %div3A_223 = arith.divf %broadcast_in_dim3A_220, %div3A_222 : vector<256x1xf32>
    %sub3A_224 = vector.broadcast %div3A_223 : vector<256x1xf32> to vector<256x128xf32>
    %sub3A_225 = arith.subf %dot_general3A_211, %sub3A_224 : vector<256x128xf32>
    %integer_pow3A_226 = arith.mulf %sub3A_225, %sub3A_225 : vector<256x128xf32>
    %reduce_sum3A_227 = arith.constant dense<0.000000e+00> : vector<256xf32>
    %reduce_sum3A_228 = vector.multi_reduction <add>, %integer_pow3A_226, %reduce_sum3A_227 [1] : vector<256x128xf32> to vector<256xf32>
    %broadcast_in_dim3A_229 = vector.shape_cast %reduce_sum3A_228 : vector<256xf32> to vector<256x1xf32>
    %div3A_230 = arith.constant 1.280000e+02 : f32
    %div3A_231 = vector.broadcast %div3A_230 : f32 to vector<256x1xf32>
    %div3A_232 = arith.divf %broadcast_in_dim3A_229, %div3A_231 : vector<256x1xf32>
    %sub3A_233 = vector.broadcast %div3A_223 : vector<256x1xf32> to vector<256x128xf32>
    %sub3A_234 = arith.subf %dot_general3A_211, %sub3A_233 : vector<256x128xf32>
    %add3A_235 = arith.constant 9.99999974E-6 : f32
    %add3A_236 = vector.broadcast %add3A_235 : f32 to vector<256x1xf32>
    %add3A_237 = arith.addf %div3A_232, %add3A_236 : vector<256x1xf32>
    %rsqrt3A_238 = math.rsqrt %add3A_237 : vector<256x1xf32>
    %mul3A_239 = vector.broadcast %rsqrt3A_238 : vector<256x1xf32> to vector<256x128xf32>
    %mul3A_240 = arith.mulf %sub3A_234, %mul3A_239 : vector<256x128xf32>
    %mul3A_241 = vector.broadcast %get3A_214 : vector<1x128xf32> to vector<256x128xf32>
    %mul3A_242 = arith.mulf %mul3A_240, %mul3A_241 : vector<256x128xf32>
    %add3A_243 = vector.broadcast %get3A_217 : vector<1x128xf32> to vector<256x128xf32>
    %add3A_244 = arith.addf %mul3A_242, %add3A_243 : vector<256x128xf32>
    %get3A_245 = arith.constant 0 : index
    %get3A_246 = arith.constant 0 : index
    %get3A_247 = vector.load %arg8[%get3A_245, %get3A_246] : memref<256x128xf32, #tpu.memory_space<vmem>>, vector<256x128xf32>
    %add3A_248 = arith.addf %add3A_244, %get3A_247 : vector<256x128xf32>
    %max3A_249 = arith.constant 0.000000e+00 : f32
    %max3A_250 = vector.broadcast %max3A_249 : f32 to vector<256x128xf32>
    %max3A_251 = arith.maximumf %add3A_248, %max3A_250 : vector<256x128xf32>
    %get3A_252 = arith.constant 0 : index
    %get3A_253 = arith.constant 0 : index
    %get3A_254 = vector.load %arg19[%get3A_252, %get3A_253] : memref<128x128xf32, #tpu.memory_space<vmem>>, vector<128x128xf32>
    %dot_general3A_255 = arith.constant dense<0.000000e+00> : vector<256x128xf32>
    %dot_general3A_256 = tpu.matmul %max3A_251, %get3A_254, %dot_general3A_255 {dimension_numbers = #tpu.dot_dimension_numbers<[1], [0], [0], [1], [0, 0, 1, 1], [], []>, transpose_lhs_hint = false} : vector<256x128xf32>, vector<128x128xf32>, vector<256x128xf32> -> vector<256x128xf32>
    %get3A_257 = arith.constant 0 : index
    %get3A_258 = arith.constant 0 : index
    %get3A_259 = vector.load %arg20[%get3A_257, %get3A_258] : memref<1x128xf32, #tpu.memory_space<vmem>>, vector<1x128xf32>
    %add3A_260 = vector.broadcast %get3A_259 : vector<1x128xf32> to vector<256x128xf32>
    %add3A_261 = arith.addf %dot_general3A_256, %add3A_260 : vector<256x128xf32>
    %swap3A = arith.constant 0 : index
    %swap3A_262 = arith.constant 0 : index
    %swap3A_263 = vector.load %arg21[%swap3A, %swap3A_262] : memref<256x128xf32, #tpu.memory_space<vmem>>, vector<256x128xf32>
    tpu.vector_store %arg21[%swap3A, %swap3A_262], %add3A_261 {strides = array<i32>} : memref<256x128xf32, #tpu.memory_space<vmem>>, vector<256x128xf32>,
    return
  }
  func.func @transform_0(%arg0: i32) -> (i32, i32) {
    %c0_i32 = arith.constant 0 : i32
    %c0_i32_0 = arith.constant 0 : i32
    return %arg0, %c0_i32 : i32, i32
  }
  func.func @transform_1(%arg0: i32) -> (i32, i32) {
    %c0_i32 = arith.constant 0 : i32
    %c0_i32_0 = arith.constant 0 : i32
    return %arg0, %c0_i32 : i32, i32
  }
  func.func @transform_2(%arg0: i32) -> (i32, i32) {
    %c0_i32 = arith.constant 0 : i32
    %c0_i32_0 = arith.constant 0 : i32
    return %arg0, %c0_i32 : i32, i32
  }
  func.func @transform_3(%arg0: i32) -> (i32, i32) {
    %c0_i32 = arith.constant 0 : i32
    %c0_i32_0 = arith.constant 0 : i32
    return %arg0, %c0_i32 : i32, i32
  }
  func.func @transform_4(%arg0: i32) -> (i32, i32) {
    %c0_i32 = arith.constant 0 : i32
    %c0_i32_0 = arith.constant 0 : i32
    return %arg0, %c0_i32 : i32, i32
  }
  func.func @transform_5(%arg0: i32) -> (i32, i32) {
    %c0_i32 = arith.constant 0 : i32
    %c0_i32_0 = arith.constant 0 : i32
    return %arg0, %c0_i32 : i32, i32
  }
  func.func @transform_6(%arg0: i32) -> (i32, i32) {
    %c0_i32 = arith.constant 0 : i32
    %c0_i32_0 = arith.constant 0 : i32
    return %arg0, %c0_i32 : i32, i32
  }
  func.func @transform_7(%arg0: i32) -> (i32, i32) {
    %c0_i32 = arith.constant 0 : i32
    %c0_i32_0 = arith.constant 0 : i32
    return %arg0, %c0_i32 : i32, i32
  }
  func.func @transform_8(%arg0: i32) -> (i32, i32) {
    %c0_i32 = arith.constant 0 : i32
    %c0_i32_0 = arith.constant 0 : i32
    %c0_i32_1 = arith.constant 0 : i32
    return %c0_i32, %c0_i32_0 : i32, i32
  }
  func.func @transform_9(%arg0: i32) -> (i32, i32) {
    %c0_i32 = arith.constant 0 : i32
    %c0_i32_0 = arith.constant 0 : i32
    %c0_i32_1 = arith.constant 0 : i32
    return %c0_i32, %c0_i32_0 : i32, i32
  }
  func.func @transform_10(%arg0: i32) -> (i32, i32) {
    %c0_i32 = arith.constant 0 : i32
    %c0_i32_0 = arith.constant 0 : i32
    %c0_i32_1 = arith.constant 0 : i32
    return %c0_i32, %c0_i32_0 : i32, i32
  }
  func.func @transform_11(%arg0: i32) -> (i32, i32) {
    %c0_i32 = arith.constant 0 : i32
    %c0_i32_0 = arith.constant 0 : i32
    %c0_i32_1 = arith.constant 0 : i32
    return %c0_i32, %c0_i32_0 : i32, i32
  }
  func.func @transform_12(%arg0: i32) -> (i32, i32) {
    %c0_i32 = arith.constant 0 : i32
    %c0_i32_0 = arith.constant 0 : i32
    %c0_i32_1 = arith.constant 0 : i32
    return %c0_i32, %c0_i32_0 : i32, i32
  }
  func.func @transform_13(%arg0: i32) -> (i32, i32) {
    %c0_i32 = arith.constant 0 : i32
    %c0_i32_0 = arith.constant 0 : i32
    %c0_i32_1 = arith.constant 0 : i32
    return %c0_i32, %c0_i32_0 : i32, i32
  }
  func.func @transform_14(%arg0: i32) -> (i32, i32) {
    %c0_i32 = arith.constant 0 : i32
    %c0_i32_0 = arith.constant 0 : i32
    %c0_i32_1 = arith.constant 0 : i32
    return %c0_i32, %c0_i32_0 : i32, i32
  }
  func.func @transform_15(%arg0: i32) -> (i32, i32) {
    %c0_i32 = arith.constant 0 : i32
    %c0_i32_0 = arith.constant 0 : i32
    %c0_i32_1 = arith.constant 0 : i32
    return %c0_i32, %c0_i32_0 : i32, i32
  }
  func.func @transform_16(%arg0: i32) -> (i32, i32) {
    %c0_i32 = arith.constant 0 : i32
    %c0_i32_0 = arith.constant 0 : i32
    %c0_i32_1 = arith.constant 0 : i32
    return %c0_i32, %c0_i32_0 : i32, i32
  }
  func.func @transform_17(%arg0: i32) -> (i32, i32) {
    %c0_i32 = arith.constant 0 : i32
    %c0_i32_0 = arith.constant 0 : i32
    %c0_i32_1 = arith.constant 0 : i32
    return %c0_i32, %c0_i32_0 : i32, i32
  }
  func.func @transform_18(%arg0: i32) -> (i32, i32) {
    %c0_i32 = arith.constant 0 : i32
    %c0_i32_0 = arith.constant 0 : i32
    %c0_i32_1 = arith.constant 0 : i32
    return %c0_i32, %c0_i32_0 : i32, i32
  }
  func.func @transform_19(%arg0: i32) -> (i32, i32) {
    %c0_i32 = arith.constant 0 : i32
    %c0_i32_0 = arith.constant 0 : i32
    %c0_i32_1 = arith.constant 0 : i32
    return %c0_i32, %c0_i32_0 : i32, i32
  }
  func.func @transform_20(%arg0: i32) -> (i32, i32) {
    %c0_i32 = arith.constant 0 : i32
    %c0_i32_0 = arith.constant 0 : i32
    return %arg0, %c0_i32 : i32, i32
  }
}

</mosaic_0001>

<sc_bundles>
// kernel: kernel.6.cloned.1.call-start
scs
__scs_entry_jumppad:
0x0: {  	(pc) =	sbr.rel $0x88, $3  }
0x1: {  	(tag) =	ssettag $0x0;
	lr =	simm.s32 $0x1  }
0x2: {  	[smem:$0x3F8F] =	sst lr;
	_ =	strace $0xD0000000  }
0x3: {  	_ = 	snop  }
0x4: {  	_ = 	snop  }
0x5: {  	_ = 	snop  }
0x6: {  	_ = 	snop  }
0x7: {  	_ = 	snop  }
__scs_overlays_trampoline_lowered:
0x8: {  	[smem:$0x3F9E] =	sst s0  }
0x9: {  	[smem:$0x3F9F] =	sst s1  }
0xa: {  	[smem:$0x3FA0] =	sst s2  }
0xb: {  	[smem:$0x3FA1] =	sst s3  }
0xc: {  	[smem:$0x3FA2] =	sst s4  }
0xd: {  	[smem:$0x3FA3] =	sst s5  }
0xe: {  	[smem:$0x3FA4] =	sst s6  }
0xf: {  	[smem:$0x3FA5] =	sst s7  }
0x10: {  	[smem:$0x3FA6] =	sst s8  }
0x11: {  	[smem:$0x3FA7] =	sst s9;
	s0 =	simm.s32 @!p0 $0x0  }
0x12: {  	s1 =	sld [smem:$0x3F8D];
	s0 =	simm.s32 @p0 $0x1  }
0x13: {  	[smem:$0x3FA8] =	sst s0;
	s0 =	simm.s32 @!p1 $0x0  }
0x14: {  	s2 =	sld [smem:$0x3F8C];
	s0 =	simm.s32 @p1 $0x1  }
0x15: {  	[smem:$0x3FA9] =	sst s0;
	s0 =	simm.s32 @!p2 $0x0  }
0x16: {  	s3 =	sld [smem:$0x3FDB];
	s0 =	simm.s32 @p2 $0x1  }
0x17: {  	s4 =	simm.s32 $0x1BF5;
	[smem:$0x3FAB] =	sst s0  }
0x18: {  	s0 =	sld [smem:$0x3F8E];
	_ =	swait.ge [sflag:s4], $0x0  }
0x19: {  	s7 =	sld [smem:$0x3F8F]  }
0x1a: {  	s8 =	sadd.s32 $0xFFFFE003, lr  }
0x1b: {  	s9 =	sadd.s32 $0xFFFFFEF7, lr;
	s5 =	simm.s32 $0xFFFFFFFF;
	p2 =	slt.u32 s8, $0xFFFFF086  }
0x1c: {  	p1 =	slt.u32 s9, $0xF7A;
	s5 =	simm.s32 @!p2 $0x0  }
0x1d: {  	s5 =	simm.s32 @p1 $0x1;
	p0 =	seq.s32 s7, s2  }
0x1e: {  	s7 =	smul.u32 @!p0 $0xF7A, s2;
	p2 =	seq.s32 @!p0 s5, $0x0  }
0x1f: {  	s9 =	smul.u32 $0xF7A, s1;
	s8 =	simm.s32 @!p0 $0x1BF5;
	p2 =	por !p2, p0  }
0x20: {  	[sflag:s8] =	ssyncset.s32 @!p0 $0xFFFFF086;
	s6 =	sadd.s32 @!p0 s3, s7;
	s7 =	simm.s32 @!p0 $0x108  }
0x21: {  	s3 =	sadd.s32 s3, s9;
	s6 =	sadd.s32 @!p0 $0x88, s6;
	s7 =	simm.s32 @p2 $0x1082  }
0x22: {  	[simem:s7], [sflag:s8] =	dma.local @!p0 [hbm:s6], $0xF7A  }
0x23: {  	s9 =	sor.u32 $0xD0000000, s2;
	s6 =	simm.s32 $0x108;
	_ =	swait.ge @!p0 [sflag:s8], $0x0  }
0x24: {  	s3 =	sadd.s32 $0x88, s3;
	s6 =	simm.s32 @!p1 $0x1082;
	[sflag:s4] =	ssyncset.s32 $0xFFFFF086  }
0x25: {  	[simem:s6], [sflag:s4] =	dma.local [hbm:s3], $0xF7A  }
0x26: {  	[smem:$0x3F8F] =	sst s1;
	(tag) =	ssettag s2;
	_ =	strace s9  }
0x27: {  	s1 =	sld [smem:$0x3F9F]  }
0x28: {  	s2 =	sld [smem:$0x3FA0]  }
0x29: {  	s4 =	sld [smem:$0x3FA2]  }
0x2a: {  	p0 =	seq.s32 s5, $0x0;
	s5 =	sld [smem:$0x3FA3]  }
0x2b: {  	s6 =	sld [smem:$0x3FA4]  }
0x2c: {  	s7 =	sld [smem:$0x3FA5]  }
0x2d: {  	s3 =	simm.s32 $0x108;
	s8 =	sld [smem:$0x3FA6]  }
0x2e: {  	s3 =	simm.s32 @!p0 $0x1082;
	s9 =	sld [smem:$0x3FA7]  }
0x2f: {  	lr =	sadd.s32 s0, s3;
	s0 =	sld [smem:$0x3F9E]  }
0x30: {  	s3 =	sld [smem:$0x3FA1]  }
0x31: {  	[smem:$0x3FAA] =	sst s10  }
0x32: {  	s10 =	sld [smem:$0x3FA8];
	_ =	sdelay $0x3  }
0x33: {  	p0 =	seq.s32 s10, $0x1;
	s10 =	sld [smem:$0x3FAA];
	_ =	sdelay $0x3  }
0x34: {  	[smem:$0x3FAA] =	sst s10  }
0x35: {  	s10 =	sld [smem:$0x3FA9];
	_ =	sdelay $0x3  }
0x36: {  	p1 =	seq.s32 s10, $0x1;
	s10 =	sld [smem:$0x3FAA];
	_ =	sdelay $0x3  }
0x37: {  	[smem:$0x3FAA] =	sst s10  }
0x38: {  	s10 =	sld [smem:$0x3FAB]  }
0x39: {  	_ = 	snop;
	(pc) =	sbr.ind lr, $3  }
0x3a: {  	_ = 	snop  }
0x3b: {  	_ = 	snop  }
0x3c: {  	p2 =	seq.s32 s10, $0x1;
	s10 =	sld [smem:$0x3FAA]  }
0x3d: {  	_ =	shalt  }
0x3e: {  	_ =	shalt  }
0x3f: {  	_ =	shalt  }
0x40: {  	_ =	shalt  }
0x41: {  	_ =	shalt  }
0x42: {  	_ =	shalt  }
0x43: {  	_ =	shalt  }
0x44: {  	_ =	shalt  }
0x45: {  	_ =	shalt  }
0x46: {  	_ =	shalt  }
0x47: {  	_ =	shalt  }
0x48: {  	_ =	shalt  }
0x49: {  	_ =	shalt  }
0x4a: {  	_ =	shalt  }
0x4b: {  	_ =	shalt  }
0x4c: {  	_ =	shalt  }
0x4d: {  	_ =	shalt  }
0x4e: {  	_ =	shalt  }
0x4f: {  	_ =	shalt  }
0x50: {  	_ =	shalt  }
0x51: {  	_ =	shalt  }
0x52: {  	_ =	shalt  }
0x53: {  	_ =	shalt  }
0x54: {  	_ =	shalt  }
0x55: {  	_ =	shalt  }
0x56: {  	_ =	shalt  }
0x57: {  	_ =	shalt  }
0x58: {  	_ =	shalt  }
0x59: {  	_ =	shalt  }
0x5a: {  	_ =	shalt  }
0x5b: {  	_ =	shalt  }
0x5c: {  	_ =	shalt  }
0x5d: {  	_ =	shalt  }
0x5e: {  	_ =	shalt  }
0x5f: {  	_ =	shalt  }
0x60: {  	_ =	shalt  }
0x61: {  	_ =	shalt  }
0x62: {  	_ =	shalt  }
0x63: {  	_ =	shalt  }
0x64: {  	_ =	shalt  }
0x65: {  	_ =	shalt  }
0x66: {  	_ =	shalt  }
0x67: {  	_ =	shalt  }
0x68: {  	_ =	shalt  }
0x69: {  	_ =	shalt  }
0x6a: {  	_ =	shalt  }
0x6b: {  	_ =	shalt  }
0x6c: {  	_ =	shalt  }
0x6d: {  	_ =	shalt  }
0x6e: {  	_ =	shalt  }
0x6f: {  	_ =	shalt  }
0x70: {  	_ =	shalt  }
0x71: {  	_ =	shalt  }
0x72: {  	_ =	shalt  }
0x73: {  	_ =	shalt  }
0x74: {  	_ =	shalt  }
0x75: {  	_ =	shalt  }
0x76: {  	_ =	shalt  }
0x77: {  	_ =	shalt  }
0x78: {  	_ =	shalt  }
0x79: {  	_ =	shalt  }
0x7a: {  	_ =	shalt  }
0x7b: {  	_ =	shalt  }
0x7c: {  	_ =	shalt  }
0x7d: {  	_ =	shalt  }
0x7e: {  	_ =	shalt  }
0x7f: {  	_ =	shalt  }
0x80: {  	_ =	shalt  }
0x81: {  	_ =	shalt  }
0x82: {  	_ =	shalt  }
0x83: {  	_ =	shalt  }
0x84: {  	_ =	shalt  }
0x85: {  	_ =	shalt  }
0x86: {  	_ =	shalt  }
0x87: {  	_ =	shalt  }
.Lfunc_end0:
.L_simem_size_0:
called_computation_lowered:
.L_overlay_start_0:
0x88: {  	s2 =	sld [smem:$0x3FD9]  }
0x89: {  	s3 =	sld [smem:$0x3FFE];
	_ =	sdelay $0x1  }
0x8a: {  	s1 =	srdreg.scid  }
0x8b: {  	s0 =	sand.u32 $0x1, s1  }
0x8c: {  	s17 =	sshll.u32 s0, $0xA;
	s2 =	sadd.s32 s3, s2  }
0x8d: {  	s2 =	sadd.s32 s2, s17  }
0x8e: {  	[smem:$0x3FB6] =	sst s2  }
0x8f: {  	_ = 	snop  }
0x90: {  	s2 =	sld [smem:$0x3FD0];
	(tm) =	ssettm $0x1  }
0x91: {  	s18 =	sld [smem:$0x3FFB];
	_ =	sdelay $0x3  }
0x92: {  	_ =	strace s18  }
0x93: {  	s3 =	sld [smem:$0x3FFC];
	_ =	sdelay $0x3  }
0x94: {  	_ =	strace s3  }
0x95: {  	s3 =	sld [smem:$0x3FFD];
	_ =	sdelay $0x3  }
0x96: {  	_ =	strace s3  }
0x97: {  	_ =	strace $0x8FFFFFFF  }
0x98: {  	s19 =	sld [smem:$0x3FDB];
	_ =	sdelay $0x1  }
0x99: {  	s4 =	simm.s32 $_scs_section_size  }
0x9a: {  	s5 =	simm.s32 $_size__tile_overlayer_lowered;
	s6 =	simm.s32 $_tile_overlayer_lowered  }
0x9b: {  	s22 =	simm.s32 $0x1BFF;
	s21 =	sshll.u32 s6, $0x1;
	s3 =	sadd.s32 s4, s19  }
0x9c: {  	s7 =	simm.s32 $0x0;
	s20 =	sshll.u32 s5, $0x1;
	s5 =	sadd.s32 s21, s3  }
0x9d: {  	[timem:s7], [sflag:s22] =	dma.local [hbm:s5], s20  }
0x9e: {  	_ =	swait.ge [sflag:s22], s20  }
0x9f: {  	s4 =	ssub.s32 $0x0, s20;
	[sflag:s22] =	ssyncset.done $0x0  }
0xa0: {  	[sflag:s22] =	ssyncadd.s32 s4;
	_ =	sdelay $0x1  }
0xa1: {  	s23 =	simm.s32 $0x1B8B  }
0xa2: {  	_ =	swait.ge [sflag:s23], $0x1  }
0xa3: {  	[sflag:s23] =	ssyncset.done $0x0  }
0xa4: {  	s25 =	simm.s32 $0x1B8E;
	s24 =	sld [smem:$0x3FFE];
	[sflag:s23] =	ssyncadd.s32 $0xFFFFFFFF  }
0xa5: {  	s26 =	simm.s32 $execute0_lowered;
	[smem:$0x3FD2] =	sst s25  }
0xa6: {  	s5 =	sshll.u32 s26, $0x1;
	_ =	strace $0x80000046;
	[dreg:$0x1] =	wrdreg $0xFFFFFFFF  }
0xa7: {  	s28 =	simm.s32 $_size_execute0_lowered;
	s3 =	sadd.s32 s3, s5;
	[dreg:$0x0] =	wrdreg $0x0  }
0xa8: {  	s5 =	sshll.u32 s28, $0x1;
	[dreg:$0x2] =	wrdreg s3  }
0xa9: {  	[dreg:$0x3] =	wrdreg s5  }
0xaa: {  	[dreg:$0x4] =	wrdreg $0xC0  }
0xab: {  	_ =	task [dreg:s7], $0x5FFFF  }
0xac: {  	[dreg:$0x1] =	wrdreg $0xFFFFFFFF  }
0xad: {  	[dreg:$0x0] =	wrdreg $0x60  }
0xae: {  	[dreg:$0x2] =	wrdreg s24  }
0xaf: {  	[dreg:$0x3] =	wrdreg s2  }
0xb0: {  	[dreg:$0x4] =	wrdreg $0x9  }
0xb1: {  	_ =	task.clear_ibuf [dreg:s7], $0x5FFFF;
	_ =	strace $0x90000046  }
0xb2: {  	s29 =	simm.s32 $0x9;
	_ =	strace $0x80000048  }
0xb3: {  	_ =	swait.ge [sflag:s29], $0x1  }
0xb4: {  	[sflag:s29] =	ssyncadd.s32 $0xFFFFFFFF  }
0xb5: {  	_ =	strace $0x90000048  }
0xb6: {  	_ =	sfence  }
0xb7: {  	s30 =	sld [smem:$0x0];
	_ =	sdelay $0x2  }
0xb8: {  	s31 =	sshll.u32 s1, $0xD;
	s1 =	sshrl.u32 s1, $0x2  }
0xb9: {  	s3 =	sand.u32 $0x4000, s31;
	s1 =	sadd.s32 s1, s30  }
0xba: {  	s0 =	sor.u32 s3, s0;
	s1 =	sshll.u32 s1, $0x11  }
0xbb: {  	s0 =	sor.u32 s1, s0  }
0xbc: {  	s0 =	sadd.s32 $0x8F2B, s0  }
0xbd: {  	[sflag:s0] =	ssyncadd.remote.s32 $0x1  }
0xbe: {  	_ =	sfence.sel $0xFFFF  }
0xbf: {  	[dreg:$0x0] =	wrdreg $0xFFFFFFFF;
	(pc) =	sbr.abs _section_cstart, $3  }
0xc0: {  	[dreg:$0x1] =	wrdreg $0xFFFFFFFF  }
0xc1: {  	_ =	task.clear_ibuf [dreg:s7], $0x2FFFF;
	_ =	strace $0x9FFFFFFF  }
0xc2: {  	(tm) =	ssettm $0x7FFFFFFF  }
0xc3: {  	_ =	shalt  }
tec
execute0_lowered:
.L_overlay_start_1:
0x0: {  	(tag) =	ssettag $0x1  }
0x1: {  	s0 =	rddreg [dreg:$0x0]  }
0x2: {  	s1 =	srdreg.scid;
	s4 =	stileid.u32  }
0x3: {  	s5 =	rddreg [dreg:$0x1];
	s2 =	simm.s32 $0x0;
	s14 =	simm.s32 $0x1  }
0x4: {  	s15 =	simm.s32 $0x7800;
	s16 =	simm.s32 $0x80;
	s17 =	simm.s32 $0x400  }
0x5: {  	s24 =	simm.s32 $0x0;
	s1 =	sand.u32 $0x1, s1;
	s3 =	sshll.u32 s4, $0x1  }
0x6: {  	[smem:$0x7FF] =	sst s2;
	s30 =	sadd.s32 $0x3600, s0;
	s13 =	smul.u32 $0x780, s4  }
0x7: {  	s3 =	sor.u32 s1, s3;
	s7 =	ssub.s32 $0x2, s1;
	s1 =	smul.u32 $0x3C0, s1  }
0x8: {  	s31 =	sadd.s32 $0x4600, s0;
	_ =	strace $0x80000047;
	s6 =	smul.u32 $0x1400, s3  }
0x9: {  	[dreg:$0x3] =	wrdreg s30;
	s8 =	smul.u32 $0x280, s3;
	s9 =	sshrl.u32 s7, $0x1  }
0xa: {  	[dreg:$0x4] =	wrdreg s31;
	s12 =	ssub.s32 s7, s9;
	s13 =	sadd.s32 s1, s13  }
0xb: {  	s0 =	sadd.s32 s6, s0;
	s5 =	sadd.s32 s5, s8;
	s12 =	smax.u32 s12, $0x1  }
0xc: {  	s6 =	sadd.s32 $0x5600, s0;
	s7 =	sadd.s32 $0x5610, s0;
	s8 =	sadd.s32 $0x5620, s0  }
0xd: {  	s9 =	sadd.s32 $0x5630, s0;
	s10 =	sadd.s32 $0x5640, s0;
	s11 =	sadd.s32 $0x5650, s0  }
.LBB2_1:
0xe: {  	s0 =	rddreg [dreg:$0x3]  }
0xf: {  	[tilespmem:s2], [sflag:$0x1] =	stream.linear.gather [hbm4b:s0+s2], $0x7800, $0x38;
	[tilespmem:$0x17C00] =	vst v63  }
0x10: {  	_ =	swait.ge [sflag:s14], $0x7800  }
0x11: {  	[sflag:s14] =	ssyncset.done $0x0  }
0x12: {  	s25 =	rddreg [dreg:$0x4];
	[sflag:s14] =	ssyncadd.s32 $0xFFFF8800  }
0x13: {  	[tilespmem:s15], [sflag:$0x1] =	stream.linear.gather [hbm4b:s25+s2], $0x7800, $0x38;
	[tilespmem:$0x17C00] =	vst v63  }
0x14: {  	_ =	swait.ge [sflag:s14], $0x7800  }
0x15: {  	[sflag:s14] =	ssyncset.done $0x0  }
0x16: {  	s26 =	simm.s32 $0xF000;
	[sflag:s14] =	ssyncadd.s32 $0xFFFF8800  }
0x17: {  	[tilespmem:s26], [sflag:$0x1] =	stream.linear.gather [hbm4b:s5+s2], $0x1400, $0x38;
	[tilespmem:$0x17C00] =	vst v63  }
0x18: {  	_ =	swait.ge [sflag:s14], $0x1400  }
0x19: {  	[sflag:s14] =	ssyncset.done $0x0  }
0x1a: {  	v3 =	vmov s13;
	[sflag:s14] =	ssyncadd.s32 $0xFFFFEC00  }
0x1b: {  	v5 =	vadd.s32 $0x1, v3;
	v0 =	vld [tilespmem:s26+$0x0];
	_ =	sdelay $0x1  }
0x1c: {  	v4 =	vadd.s32 $0x2, v3;
	_ =	sdelay $0x2  }
0x1d: {  	v1 =	vld.idx.msk [tilespmem:v5+s15+$0x0], $0xffff;
	v6 =	vmul.u32 $0x3, v0  }
0x1e: {  	v2 =	vld.idx.msk [tilespmem:v3+s15+$0x0], $0xffff  }
0x1f: {  	v8 =	vld.idx.msk [tilespmem:v4+s2+$0x0], $0xffff  }
0x20: {  	v0 =	vld.idx.msk [tilespmem:v4+s15+$0x0], $0xffff;
	v7 =	vadd.s32 $0x1, v6  }
0x21: {  	v4 =	vld.idx.msk [tilespmem:v5+s2+$0x0], $0xffff;
	v12 =	vadd.s32 $0x2, v6  }
0x22: {  	v5 =	vld.idx.msk [tilespmem:v3+s2+$0x0], $0xffff  }
0x23: {  	v9 =	vld.idx.msk [tilespmem:v6+s2+$0x0], $0xffff  }
0x24: {  	v6 =	vld.idx.msk [tilespmem:v6+s15+$0x0], $0xffff  }
0x25: {  	v10 =	vld.idx.msk [tilespmem:v7+s2+$0x0], $0xffff  }
0x26: {  	v13 =	vld.idx.msk [tilespmem:v12+s2+$0x0], $0xffff  }
0x27: {  	v3 =	vld.idx.msk [tilespmem:v7+s15+$0x0], $0xffff  }
0x28: {  	v11 =	vmul.f32 v2, v2;
	v7 =	vmul.f32 v1, v1;
	_ =	sdelay $0x1  }
0x29: {  	v14 =	vadd.f32 v7, v11;
	v9 =	vsub.f32 v9, v5;
	v5 =	vmul.f32 v0, v0  }
0x2a: {  	s28 =	simm.s32 $0x10;
	s1 =	simm.s32 $0xF010;
	v11 =	vmul.f32 v6, v6;
	v10 =	vsub.f32 v10, v4  }
0x2b: {  	s29 =	simm.s32 $0x10410;
	s18 =	simm.s32 $0xF020;
	s19 =	simm.s32 $0x10420;
	v7 =	vsub.f32 v13, v8;
	v13 =	vmul.f32 v3, v3;
	v8 =	vadd.f32 v5, v14;
	v5 =	vld.idx.msk [tilespmem:v12+s15+$0x0], $0xffff  }
0x2c: {  	s22 =	simm.s32 $0x30;
	s21 =	simm.s32 $0x10400;
	s0 =	sadd.s32 $0x3, s13;
	v15 =	vmul.f32 v9, v9;
	v16 =	vmul.f32 v10, v10  }
0x2d: {  	s23 =	simm.s32 $0x0;
	s30 =	simm.s32 $0xF020;
	s31 =	sadd.s32 $0x3, s0;
	v4 =	vmul.f32 v9, v6;
	v6 =	vmul.f32 v2, v6  }
0x2e: {  	s20 =	smov.u32 s31;
	s25 =	simm.s32 $0x20;
	s26 =	simm.s32 $0x10420;
	v12 =	vmul.f32 v10, v3;
	v14 =	vadd.f32 v16, v15;
	v15 =	vmul.f32 v7, v7  }
.LBB2_2:
0x2f: {  	s18 =	sadd.s32 $0x10, s18;
	s19 =	sadd.s32 $0x10, s19;
	s31 =	sadd.s32 $0x3, s31;
	v2 =	vmul.f32 v2, v9;
	v9 =	vmul.f32 v1, v10;
	v10 =	vadd.f32 v13, v11  }
0x30: {  	p0 =	sne.s32 s22, $0x13F0;
	v13 =	vmul.f32 v0, v5;
	s3 =	smov.u32 s22;
	s22 =	sadd.s32 $0x10, s22;
	v11 =	vadd.f32 v15, v14;
	v14 =	vmul.f32 v5, v5  }
0x31: {  	v0 =	vmul.f32 v0, v7;
	v1 =	vmul.f32 v1, v3;
	v2 =	vadd.f32 v9, v2  }
0x32: {  	s4 =	sand.u32 $0x1FF0, s23;
	v3 =	vadd.f32 v12, v4;
	v4 =	vmul.f32 v7, v5;
	[tilespmem:s21+$0x0] =	vst v11;
	v5 =	vadd.f32 v14, v10;
	s21 =	smov.u32 s29;
	s29 =	smov.u32 s26  }
0x33: {  	s23 =	smov.u32 s28;
	s28 =	smov.u32 s25;
	v1 =	vadd.f32 v1, v6;
	s26 =	smov.u32 s19;
	v0 =	vadd.f32 v0, v2;
	[tilespmem:s4+$0x16800] =	vst v8  }
0x34: {  	s25 =	smov.u32 s3;
	v2 =	vadd.f32 v4, v3;
	[tilespmem:s4+$0x15400] =	vst v5  }
0x35: {  	[tilespmem:s4+$0x11800] =	vst v0;
	v0 =	vadd.f32 v13, v1  }
0x36: {  	[tilespmem:s4+$0x12C00] =	vst v2  }
0x37: {  	v3 =	vmov s0;
	s0 =	smov.u32 s20;
	s20 =	smov.u32 s31;
	[tilespmem:s4+$0x14000] =	vst v0  }
0x38: {  	v4 =	vadd.s32 $0x2, v3;
	v0 =	vld [tilespmem:s1+$0x0];
	s1 =	smov.u32 s30;
	s30 =	smov.u32 s18  }
0x39: {  	v5 =	vadd.s32 $0x1, v3;
	_ =	sdelay $0x3  }
0x3a: {  	v6 =	vmul.u32 $0x3, v0;
	v0 =	vld.idx.msk [tilespmem:v4+s15+$0x0], $0xffff  }
0x3b: {  	v1 =	vld.idx.msk [tilespmem:v5+s15+$0x0], $0xffff  }
0x3c: {  	v7 =	vadd.s32 $0x1, v6;
	v2 =	vld.idx.msk [tilespmem:v3+s15+$0x0], $0xffff  }
0x3d: {  	v8 =	vld.idx.msk [tilespmem:v4+s2+$0x0], $0xffff  }
0x3e: {  	v4 =	vadd.s32 $0x2, v6;
	v10 =	vld.idx.msk [tilespmem:v5+s2+$0x0], $0xffff  }
0x3f: {  	v9 =	vld.idx.msk [tilespmem:v3+s2+$0x0], $0xffff  }
0x40: {  	v11 =	vld.idx.msk [tilespmem:v6+s2+$0x0], $0xffff  }
0x41: {  	v5 =	vmul.f32 v1, v1;
	v12 =	vld.idx.msk [tilespmem:v7+s2+$0x0], $0xffff  }
0x42: {  	v13 =	vmul.f32 v2, v2;
	v6 =	vld.idx.msk [tilespmem:v6+s15+$0x0], $0xffff  }
0x43: {  	v14 =	vld.idx.msk [tilespmem:v4+s2+$0x0], $0xffff  }
0x44: {  	v15 =	vadd.f32 v5, v13;
	v3 =	vld.idx.msk [tilespmem:v7+s15+$0x0], $0xffff;
	_ =	sdelay $0x1  }
0x45: {  	v9 =	vsub.f32 v11, v9;
	v5 =	vld.idx.msk [tilespmem:v4+s15+$0x0], $0xffff  }
.Ltmp0:
0x46: {  	v10 =	vsub.f32 v12, v10;
	v12 =	vmul.f32 v0, v0;
	(pc) =	sbr.rel @p0 .LBB2_2-.Ltmp0, $4  }
0x47: {  	v4 =	vmul.f32 v9, v6;
	v11 =	vmul.f32 v6, v6  }
0x48: {  	v7 =	vsub.f32 v14, v8;
	v14 =	vmul.f32 v9, v9;
	v16 =	vmul.f32 v10, v10  }
0x49: {  	v6 =	vmul.f32 v2, v6;
	v8 =	vadd.f32 v12, v15;
	v13 =	vmul.f32 v3, v3  }
0x4a: {  	v12 =	vmul.f32 v10, v3;
	v14 =	vadd.f32 v16, v14;
	v15 =	vmul.f32 v7, v7  }
0x4b: {  	v2 =	vmul.f32 v2, v9;
	v58 =	vmul.f32 v1, v10  }
0x4c: {  	v59 =	vadd.f32 v13, v11;
	v61 =	vmul.f32 v5, v5;
	v60 =	vadd.f32 v15, v14  }
0x4d: {  	v63 =	vmul.f32 v1, v3;
	v14 =	vadd.f32 v12, v4;
	v15 =	vmul.f32 v7, v5  }
0x4e: {  	v62 =	vmul.f32 v0, v7;
	s3 =	sand.u32 $0x1FF0, s23;
	v2 =	vadd.f32 v58, v2;
	v16 =	vadd.f32 v61, v59;
	[tilespmem:s21+$0x0] =	vst v60  }
0x4f: {  	v17 =	vmul.f32 v0, v5;
	v1 =	vadd.f32 v63, v6;
	v3 =	vadd.f32 v15, v14;
	[tilespmem:s3+$0x16800] =	vst v8  }
0x50: {  	v2 =	vadd.f32 v62, v2;
	[tilespmem:s3+$0x15400] =	vst v16  }
0x51: {  	v0 =	vadd.f32 v17, v1;
	[tilespmem:s3+$0x12C00] =	vst v3  }
0x52: {  	[tilespmem:s3+$0x11800] =	vst v2  }
0x53: {  	v18 =	vmov s0;
	[tilespmem:s3+$0x14000] =	vst v0  }
0x54: {  	v19 =	vadd.s32 $0x2, v18;
	v0 =	vld [tilespmem:s1+$0x0]  }
0x55: {  	v20 =	vadd.s32 $0x1, v18;
	_ =	sdelay $0x3  }
0x56: {  	v21 =	vld.idx.msk [tilespmem:v19+s15+$0x0], $0xffff;
	v0 =	vmul.u32 $0x3, v0  }
0x57: {  	v22 =	vld.idx.msk [tilespmem:v20+s15+$0x0], $0xffff  }
0x58: {  	v7 =	vld.idx.msk [tilespmem:v18+s15+$0x0], $0xffff  }
0x59: {  	v2 =	vld.idx.msk [tilespmem:v19+s2+$0x0], $0xffff;
	v23 =	vadd.s32 $0x1, v0  }
0x5a: {  	v3 =	vld.idx.msk [tilespmem:v20+s2+$0x0], $0xffff  }
0x5b: {  	v1 =	vld.idx.msk [tilespmem:v18+s2+$0x0], $0xffff;
	v24 =	vadd.s32 $0x2, v0  }
0x5c: {  	v25 =	vld.idx.msk [tilespmem:v0+s2+$0x0], $0xffff  }
0x5d: {  	v0 =	vld.idx.msk [tilespmem:v0+s15+$0x0], $0xffff  }
0x5e: {  	v26 =	vld.idx.msk [tilespmem:v23+s2+$0x0], $0xffff  }
0x5f: {  	v6 =	vld.idx.msk [tilespmem:v23+s15+$0x0], $0xffff  }
0x60: {  	v11 =	vld.idx.msk [tilespmem:v24+s2+$0x0], $0xffff  }
0x61: {  	v8 =	vld.idx.msk [tilespmem:v24+s15+$0x0], $0xffff  }
0x62: {  	v27 =	vmul.f32 v22, v22;
	v28 =	vmul.f32 v7, v7  }
0x63: {  	v29 =	vmul.f32 v21, v21;
	v1 =	vsub.f32 v25, v1;
	v3 =	vsub.f32 v26, v3  }
0x64: {  	v31 =	vmul.f32 v0, v0;
	v34 =	vmul.f32 v6, v6  }
0x65: {  	v2 =	vsub.f32 v11, v2;
	v32 =	vmul.f32 v1, v1;
	v33 =	vmul.f32 v3, v3  }
0x66: {  	v9 =	vadd.f32 v27, v28;
	v38 =	vmul.f32 v8, v8;
	v30 =	vmul.f32 v1, v0  }
0x67: {  	v1 =	vmul.f32 v7, v1;
	v35 =	vmul.f32 v2, v2;
	v11 =	vadd.f32 v33, v32  }
0x68: {  	v9 =	vadd.f32 v29, v9;
	v16 =	vmul.f32 v3, v6;
	v3 =	vmul.f32 v22, v3  }
0x69: {  	v5 =	vmul.f32 v22, v6;
	v36 =	vadd.f32 v34, v31;
	v37 =	vadd.f32 v35, v11  }
0x6a: {  	v0 =	vmul.f32 v7, v0;
	v39 =	vmul.f32 v21, v2;
	v1 =	vadd.f32 v3, v1  }
0x6b: {  	s22 =	sand.u32 $0x1FF0, s28;
	v2 =	vmul.f32 v2, v8;
	v40 =	vadd.f32 v16, v30;
	v7 =	vadd.f32 v38, v36;
	[tilespmem:s29+$0x0] =	vst v37  }
0x6c: {  	v4 =	vmul.f32 v21, v8;
	v0 =	vadd.f32 v5, v0;
	v1 =	vadd.f32 v39, v1;
	[tilespmem:s22+$0x16800] =	vst v9  }
0x6d: {  	v2 =	vadd.f32 v2, v40;
	[tilespmem:s22+$0x15400] =	vst v7  }
0x6e: {  	v0 =	vadd.f32 v4, v0;
	[tilespmem:s22+$0x11800] =	vst v1  }
0x6f: {  	[tilespmem:s22+$0x12C00] =	vst v2  }
0x70: {  	v41 =	vmov s20;
	[tilespmem:s22+$0x14000] =	vst v0  }
0x71: {  	v42 =	vadd.s32 $0x2, v41;
	v0 =	vld [tilespmem:s30+$0x0]  }
0x72: {  	v43 =	vadd.s32 $0x1, v41;
	_ =	sdelay $0x3  }
0x73: {  	v44 =	vld.idx.msk [tilespmem:v42+s15+$0x0], $0xffff;
	v0 =	vmul.u32 $0x3, v0  }
0x74: {  	v45 =	vld.idx.msk [tilespmem:v43+s15+$0x0], $0xffff  }
0x75: {  	v7 =	vld.idx.msk [tilespmem:v41+s15+$0x0], $0xffff  }
0x76: {  	v2 =	vld.idx.msk [tilespmem:v42+s2+$0x0], $0xffff;
	v46 =	vadd.s32 $0x1, v0  }
0x77: {  	v3 =	vld.idx.msk [tilespmem:v43+s2+$0x0], $0xffff  }
0x78: {  	v1 =	vld.idx.msk [tilespmem:v41+s2+$0x0], $0xffff;
	v47 =	vadd.s32 $0x2, v0  }
0x79: {  	v9 =	vld.idx.msk [tilespmem:v0+s2+$0x0], $0xffff  }
0x7a: {  	v0 =	vld.idx.msk [tilespmem:v0+s15+$0x0], $0xffff  }
0x7b: {  	v10 =	vld.idx.msk [tilespmem:v46+s2+$0x0], $0xffff  }
0x7c: {  	v6 =	vld.idx.msk [tilespmem:v46+s15+$0x0], $0xffff  }
0x7d: {  	v8 =	vld.idx.msk [tilespmem:v47+s15+$0x0], $0xffff  }
0x7e: {  	v48 =	vld.idx.msk [tilespmem:v47+s2+$0x0], $0xffff  }
0x7f: {  	v49 =	vmul.f32 v45, v45  }
0x80: {  	v50 =	vmul.f32 v7, v7;
	v51 =	vmul.f32 v44, v44  }
0x81: {  	v1 =	vsub.f32 v9, v1;
	v53 =	vmul.f32 v0, v0;
	v3 =	vsub.f32 v10, v3  }
0x82: {  	v56 =	vmul.f32 v6, v6;
	v61 =	vmul.f32 v8, v8  }
0x83: {  	v2 =	vsub.f32 v48, v2;
	v54 =	vmul.f32 v1, v1;
	v55 =	vmul.f32 v3, v3  }
0x84: {  	v5 =	vmul.f32 v45, v6;
	v52 =	vmul.f32 v1, v0  }
0x85: {  	v1 =	vmul.f32 v7, v1;
	v57 =	vmul.f32 v2, v2;
	v11 =	vadd.f32 v55, v54  }
0x86: {  	v9 =	vadd.f32 v49, v50;
	v58 =	vmul.f32 v3, v6;
	v3 =	vmul.f32 v45, v3  }
0x87: {  	v0 =	vmul.f32 v7, v0;
	v59 =	vadd.f32 v56, v53;
	v60 =	vadd.f32 v57, v11  }
0x88: {  	v9 =	vadd.f32 v51, v9;
	v62 =	vmul.f32 v44, v2;
	v1 =	vadd.f32 v3, v1  }
0x89: {  	s23 =	sand.u32 $0x1FF0, s25;
	v2 =	vmul.f32 v2, v8;
	v63 =	vadd.f32 v58, v52;
	v7 =	vadd.f32 v61, v59;
	[tilespmem:s26+$0x0] =	vst v60  }
0x8a: {  	v4 =	vmul.f32 v44, v8;
	v0 =	vadd.f32 v5, v0;
	v1 =	vadd.f32 v62, v1;
	[tilespmem:s23+$0x16800] =	vst v9  }
0x8b: {  	v2 =	vadd.f32 v2, v63;
	[tilespmem:s23+$0x15400] =	vst v7  }
0x8c: {  	v0 =	vadd.f32 v4, v0;
	[tilespmem:s23+$0x11800] =	vst v1  }
0x8d: {  	[tilespmem:s23+$0x12C00] =	vst v2  }
0x8e: {  	s25 =	simm.s32 $0x10400;
	[tilespmem:s23+$0x14000] =	vst v0  }
0x8f: {  	[hbm4b:s6+s16] =	stream.strided.scatter [tilespmem:s25], [sflag:$0x1], $0x1400, s17, s16, $0x38;
	[tilespmem:$0x17C00] =	vst v63  }
0x90: {  	_ =	swait.ge [sflag:s14], $0x1400  }
0x91: {  	[sflag:s14] =	ssyncset.done $0x0  }
0x92: {  	s26 =	simm.s32 $0x11800;
	[sflag:s14] =	ssyncadd.s32 $0xFFFFEC00  }
0x93: {  	[hbm4b:s7+s16] =	stream.strided.scatter [tilespmem:s26], [sflag:$0x1], $0x1400, s17, s16, $0x38;
	[tilespmem:$0x17C00] =	vst v63  }
0x94: {  	_ =	swait.ge [sflag:s14], $0x1400  }
0x95: {  	[sflag:s14] =	ssyncset.done $0x0  }
0x96: {  	s28 =	simm.s32 $0x12C00;
	[sflag:s14] =	ssyncadd.s32 $0xFFFFEC00  }
0x97: {  	[hbm4b:s8+s16] =	stream.strided.scatter [tilespmem:s28], [sflag:$0x1], $0x1400, s17, s16, $0x38;
	[tilespmem:$0x17C00] =	vst v63  }
0x98: {  	_ =	swait.ge [sflag:s14], $0x1400  }
0x99: {  	[sflag:s14] =	ssyncset.done $0x0  }
0x9a: {  	s29 =	simm.s32 $0x14000;
	[sflag:s14] =	ssyncadd.s32 $0xFFFFEC00  }
0x9b: {  	[hbm4b:s9+s16] =	stream.strided.scatter [tilespmem:s29], [sflag:$0x1], $0x1400, s17, s16, $0x38;
	[tilespmem:$0x17C00] =	vst v63  }
0x9c: {  	_ =	swait.ge [sflag:s14], $0x1400  }
0x9d: {  	[sflag:s14] =	ssyncset.done $0x0  }
0x9e: {  	s30 =	simm.s32 $0x15400;
	[sflag:s14] =	ssyncadd.s32 $0xFFFFEC00  }
0x9f: {  	[hbm4b:s10+s16] =	stream.strided.scatter [tilespmem:s30], [sflag:$0x1], $0x1400, s17, s16, $0x38;
	[tilespmem:$0x17C00] =	vst v63  }
0xa0: {  	s24 =	sadd.s32 $0x1, s24;
	_ =	swait.ge [sflag:s14], $0x1400  }
0xa1: {  	p0 =	sne.s32 s24, s12;
	[sflag:s14] =	ssyncset.done $0x0  }
.Ltmp1:
0xa2: {  	s31 =	simm.s32 $0x16800;
	[sflag:s14] =	ssyncadd.s32 $0xFFFFEC00;
	(pc) =	sbr.rel @p0 .LBB2_1-.Ltmp1, $4  }
0xa3: {  	[hbm4b:s11+s16] =	stream.strided.scatter [tilespmem:s31], [sflag:$0x1], $0x1400, s17, s16, $0x38;
	[tilespmem:$0x17C00] =	vst v63  }
0xa4: {  	_ =	swait.ge [sflag:s14], $0x1400  }
0xa5: {  	[sflag:s14] =	ssyncset.done $0x0  }
0xa6: {  	[sflag:s14] =	ssyncadd.s32 $0xFFFFEC00  }
0xa7: {  	_ =	sfence.sel $0x180000  }
0xa8: {  	[bflag:$0x0] =	sbarrier.arrive $0xFFFF  }
0xa9: {  	_ =	strace $0x90000047  }
0xaa: {  	s0 =	stileid.u32;
	[bflag:$0x2] =	sbarrier.arrive $0xFFFF  }
0xab: {  	p0 =	sne.s32 s0, $0x0;
	s0 =	rddreg [dreg:$0x2]  }
0xac: {  	s0 =	sadd.s32 @!p0 $0x100000, s0  }
0xad: {  	[sflag:s0] =	ssyncadd.tile.s32 @!p0 $0x1;
	_ =	shalt  }
.Lfunc_end2:
_tile_overlayer_lowered:
.L_overlay_start_2:
0xae: {  	(tag) =	ssettag $0x2  }
0xaf: {  	s0 =	rddreg [dreg:$0x0];
	s2 =	stileid.u32  }
0xb0: {  	s1 =	rddreg [dreg:$0x1];
	p0 =	sne.s32 s2, $0x0  }
0xb1: {  	s3 =	rddreg [dreg:$0x2];
	[bflag:$0x3] =	sbarrier.arrive $0xFFFF;
	s2 =	simm.s32 @!p0 $0x1C01  }
0xb2: {  	[timem:s3], [sflag:s2] =	dma.local @!p0 [hbm:s0], s1  }
0xb3: {  	s0 =	simm.s32 @!p0 $0x1  }
0xb4: {  	_ =	swait.ge @!p0 [sflag:s0], s1  }
0xb5: {  	s1 =	ssub.s32 @!p0 $0x0, s1;
	[sflag:s0] =	ssyncset.done @!p0 $0x0  }
0xb6: {  	[sflag:s0] =	ssyncadd.s32 @!p0 s1  }
0xb7: {  	[bflag:$0x3] =	sbarrier.arrive $0xFFFF  }
0xb8: {  	_ =	shalt  }

// kernel: kernel.9.cloned.1.call-start
scs
__scs_entry_jumppad:
0x0: {  	(pc) =	sbr.rel $0x88, $3  }
0x1: {  	(tag) =	ssettag $0x0;
	lr =	simm.s32 $0x1  }
0x2: {  	[smem:$0x3F8F] =	sst lr;
	_ =	strace $0xD0000000  }
0x3: {  	_ = 	snop  }
0x4: {  	_ = 	snop  }
0x5: {  	_ = 	snop  }
0x6: {  	_ = 	snop  }
0x7: {  	_ = 	snop  }
__scs_overlays_trampoline_lowered:
0x8: {  	[smem:$0x3F9E] =	sst s0  }
0x9: {  	[smem:$0x3F9F] =	sst s1  }
0xa: {  	[smem:$0x3FA0] =	sst s2  }
0xb: {  	[smem:$0x3FA1] =	sst s3  }
0xc: {  	[smem:$0x3FA2] =	sst s4  }
0xd: {  	[smem:$0x3FA3] =	sst s5  }
0xe: {  	[smem:$0x3FA4] =	sst s6  }
0xf: {  	[smem:$0x3FA5] =	sst s7  }
0x10: {  	[smem:$0x3FA6] =	sst s8  }
0x11: {  	[smem:$0x3FA7] =	sst s9;
	s0 =	simm.s32 @!p0 $0x0  }
0x12: {  	s1 =	sld [smem:$0x3F8D];
	s0 =	simm.s32 @p0 $0x1  }
0x13: {  	[smem:$0x3FA8] =	sst s0;
	s0 =	simm.s32 @!p1 $0x0  }
0x14: {  	s2 =	sld [smem:$0x3F8C];
	s0 =	simm.s32 @p1 $0x1  }
0x15: {  	[smem:$0x3FA9] =	sst s0;
	s0 =	simm.s32 @!p2 $0x0  }
0x16: {  	s3 =	sld [smem:$0x3FDB];
	s0 =	simm.s32 @p2 $0x1  }
0x17: {  	s4 =	simm.s32 $0x1BF5;
	[smem:$0x3FAB] =	sst s0  }
0x18: {  	s0 =	sld [smem:$0x3F8E];
	_ =	swait.ge [sflag:s4], $0x0  }
0x19: {  	s7 =	sld [smem:$0x3F8F]  }
0x1a: {  	s8 =	sadd.s32 $0xFFFFE003, lr  }
0x1b: {  	s9 =	sadd.s32 $0xFFFFFEF7, lr;
	s5 =	simm.s32 $0xFFFFFFFF;
	p2 =	slt.u32 s8, $0xFFFFF086  }
0x1c: {  	p1 =	slt.u32 s9, $0xF7A;
	s5 =	simm.s32 @!p2 $0x0  }
0x1d: {  	s5 =	simm.s32 @p1 $0x1;
	p0 =	seq.s32 s7, s2  }
0x1e: {  	s7 =	smul.u32 @!p0 $0xF7A, s2;
	p2 =	seq.s32 @!p0 s5, $0x0  }
0x1f: {  	s9 =	smul.u32 $0xF7A, s1;
	s8 =	simm.s32 @!p0 $0x1BF5;
	p2 =	por !p2, p0  }
0x20: {  	[sflag:s8] =	ssyncset.s32 @!p0 $0xFFFFF086;
	s6 =	sadd.s32 @!p0 s3, s7;
	s7 =	simm.s32 @!p0 $0x108  }
0x21: {  	s3 =	sadd.s32 s3, s9;
	s6 =	sadd.s32 @!p0 $0x88, s6;
	s7 =	simm.s32 @p2 $0x1082  }
0x22: {  	[simem:s7], [sflag:s8] =	dma.local @!p0 [hbm:s6], $0xF7A  }
0x23: {  	s9 =	sor.u32 $0xD0000000, s2;
	s6 =	simm.s32 $0x108;
	_ =	swait.ge @!p0 [sflag:s8], $0x0  }
0x24: {  	s3 =	sadd.s32 $0x88, s3;
	s6 =	simm.s32 @!p1 $0x1082;
	[sflag:s4] =	ssyncset.s32 $0xFFFFF086  }
0x25: {  	[simem:s6], [sflag:s4] =	dma.local [hbm:s3], $0xF7A  }
0x26: {  	[smem:$0x3F8F] =	sst s1;
	(tag) =	ssettag s2;
	_ =	strace s9  }
0x27: {  	s1 =	sld [smem:$0x3F9F]  }
0x28: {  	s2 =	sld [smem:$0x3FA0]  }
0x29: {  	s4 =	sld [smem:$0x3FA2]  }
0x2a: {  	p0 =	seq.s32 s5, $0x0;
	s5 =	sld [smem:$0x3FA3]  }
0x2b: {  	s6 =	sld [smem:$0x3FA4]  }
0x2c: {  	s7 =	sld [smem:$0x3FA5]  }
0x2d: {  	s3 =	simm.s32 $0x108;
	s8 =	sld [smem:$0x3FA6]  }
0x2e: {  	s3 =	simm.s32 @!p0 $0x1082;
	s9 =	sld [smem:$0x3FA7]  }
0x2f: {  	lr =	sadd.s32 s0, s3;
	s0 =	sld [smem:$0x3F9E]  }
0x30: {  	s3 =	sld [smem:$0x3FA1]  }
0x31: {  	[smem:$0x3FAA] =	sst s10  }
0x32: {  	s10 =	sld [smem:$0x3FA8];
	_ =	sdelay $0x3  }
0x33: {  	p0 =	seq.s32 s10, $0x1;
	s10 =	sld [smem:$0x3FAA];
	_ =	sdelay $0x3  }
0x34: {  	[smem:$0x3FAA] =	sst s10  }
0x35: {  	s10 =	sld [smem:$0x3FA9];
	_ =	sdelay $0x3  }
0x36: {  	p1 =	seq.s32 s10, $0x1;
	s10 =	sld [smem:$0x3FAA];
	_ =	sdelay $0x3  }
0x37: {  	[smem:$0x3FAA] =	sst s10  }
0x38: {  	s10 =	sld [smem:$0x3FAB]  }
0x39: {  	_ = 	snop;
	(pc) =	sbr.ind lr, $3  }
0x3a: {  	_ = 	snop  }
0x3b: {  	_ = 	snop  }
0x3c: {  	p2 =	seq.s32 s10, $0x1;
	s10 =	sld [smem:$0x3FAA]  }
0x3d: {  	_ =	shalt  }
0x3e: {  	_ =	shalt  }
0x3f: {  	_ =	shalt  }
0x40: {  	_ =	shalt  }
0x41: {  	_ =	shalt  }
0x42: {  	_ =	shalt  }
0x43: {  	_ =	shalt  }
0x44: {  	_ =	shalt  }
0x45: {  	_ =	shalt  }
0x46: {  	_ =	shalt  }
0x47: {  	_ =	shalt  }
0x48: {  	_ =	shalt  }
0x49: {  	_ =	shalt  }
0x4a: {  	_ =	shalt  }
0x4b: {  	_ =	shalt  }
0x4c: {  	_ =	shalt  }
0x4d: {  	_ =	shalt  }
0x4e: {  	_ =	shalt  }
0x4f: {  	_ =	shalt  }
0x50: {  	_ =	shalt  }
0x51: {  	_ =	shalt  }
0x52: {  	_ =	shalt  }
0x53: {  	_ =	shalt  }
0x54: {  	_ =	shalt  }
0x55: {  	_ =	shalt  }
0x56: {  	_ =	shalt  }
0x57: {  	_ =	shalt  }
0x58: {  	_ =	shalt  }
0x59: {  	_ =	shalt  }
0x5a: {  	_ =	shalt  }
0x5b: {  	_ =	shalt  }
0x5c: {  	_ =	shalt  }
0x5d: {  	_ =	shalt  }
0x5e: {  	_ =	shalt  }
0x5f: {  	_ =	shalt  }
0x60: {  	_ =	shalt  }
0x61: {  	_ =	shalt  }
0x62: {  	_ =	shalt  }
0x63: {  	_ =	shalt  }
0x64: {  	_ =	shalt  }
0x65: {  	_ =	shalt  }
0x66: {  	_ =	shalt  }
0x67: {  	_ =	shalt  }
0x68: {  	_ =	shalt  }
0x69: {  	_ =	shalt  }
0x6a: {  	_ =	shalt  }
0x6b: {  	_ =	shalt  }
0x6c: {  	_ =	shalt  }
0x6d: {  	_ =	shalt  }
0x6e: {  	_ =	shalt  }
0x6f: {  	_ =	shalt  }
0x70: {  	_ =	shalt  }
0x71: {  	_ =	shalt  }
0x72: {  	_ =	shalt  }
0x73: {  	_ =	shalt  }
0x74: {  	_ =	shalt  }
0x75: {  	_ =	shalt  }
0x76: {  	_ =	shalt  }
0x77: {  	_ =	shalt  }
0x78: {  	_ =	shalt  }
0x79: {  	_ =	shalt  }
0x7a: {  	_ =	shalt  }
0x7b: {  	_ =	shalt  }
0x7c: {  	_ =	shalt  }
0x7d: {  	_ =	shalt  }
0x7e: {  	_ =	shalt  }
0x7f: {  	_ =	shalt  }
0x80: {  	_ =	shalt  }
0x81: {  	_ =	shalt  }
0x82: {  	_ =	shalt  }
0x83: {  	_ =	shalt  }
0x84: {  	_ =	shalt  }
0x85: {  	_ =	shalt  }
0x86: {  	_ =	shalt  }
0x87: {  	_ =	shalt  }
.Lfunc_end0:
.L_simem_size_0:
called_computation.1_lowered:
.L_overlay_start_0:
0x88: {  	s2 =	sld [smem:$0x3FD9]  }
0x89: {  	s3 =	sld [smem:$0x3FFE];
	_ =	sdelay $0x1  }
0x8a: {  	s1 =	srdreg.scid  }
0x8b: {  	s0 =	sand.u32 $0x1, s1  }
0x8c: {  	s17 =	sshll.u32 s0, $0xA;
	s2 =	sadd.s32 s3, s2  }
0x8d: {  	s2 =	sadd.s32 s2, s17  }
0x8e: {  	[smem:$0x3FB6] =	sst s2  }
0x8f: {  	_ = 	snop  }
0x90: {  	(tm) =	ssettm $0x1  }
0x91: {  	s18 =	sld [smem:$0x3FFB];
	_ =	sdelay $0x3  }
0x92: {  	_ =	strace s18  }
0x93: {  	s2 =	sld [smem:$0x3FFC];
	_ =	sdelay $0x3  }
0x94: {  	_ =	strace s2  }
0x95: {  	s2 =	sld [smem:$0x3FFD];
	_ =	sdelay $0x3  }
0x96: {  	_ =	strace s2  }
0x97: {  	_ =	strace $0x8FFFFFFF  }
0x98: {  	s19 =	sld [smem:$0x3FDB];
	_ =	sdelay $0x1  }
0x99: {  	s20 =	simm.s32 $_scs_section_size  }
0x9a: {  	s4 =	simm.s32 $_size__tile_overlayer_lowered;
	s5 =	simm.s32 $_tile_overlayer_lowered  }
0x9b: {  	s6 =	simm.s32 $0x1BFF;
	s21 =	sshll.u32 s5, $0x1;
	s3 =	sadd.s32 s20, s19  }
0x9c: {  	s22 =	simm.s32 $0x0;
	s4 =	sshll.u32 s4, $0x1;
	s5 =	sadd.s32 s21, s3  }
0x9d: {  	[timem:s22], [sflag:s6] =	dma.local [hbm:s5], s4  }
0x9e: {  	_ =	swait.ge [sflag:s6], s4  }
0x9f: {  	s4 =	ssub.s32 $0x0, s4;
	[sflag:s6] =	ssyncset.done $0x0  }
0xa0: {  	[sflag:s6] =	ssyncadd.s32 s4;
	_ =	sdelay $0x1  }
0xa1: {  	s23 =	simm.s32 $0x1B8B  }
0xa2: {  	_ =	swait.ge [sflag:s23], $0x1  }
0xa3: {  	[sflag:s23] =	ssyncset.done $0x0  }
0xa4: {  	[sflag:s23] =	ssyncadd.s32 $0xFFFFFFFF  }
0xa5: {  	s4 =	sld [smem:$0x0]  }
0xa6: {  	s5 =	sand.u32 $0xFFFFFFFE, s1  }
0xa7: {  	p0 =	sne.s32 s1, s5  }
0xa8: {  	s5 =	sshll.u32 @p0 s5, $0xE  }
0xa9: {  	s5 =	sadd.s32 @p0 $0x11B8D, s5;
	s6 =	sshll.u32 @p0 s4, $0x11  }
0xaa: {  	s5 =	sor.u32 @p0 s6, s5  }
0xab: {  	[sflag:s5] =	ssyncadd.remote.s32 @p0 $0x1;
	_ =	sdelay $0x1  }
0xac: {  	s5 =	simm.s32 @p0 $0x1B8D  }
0xad: {  	_ =	swait.eq @p0 [sflag:s5], $0x1  }
0xae: {  	[sflag:s5] =	ssyncadd.s32 @p0 $0xFFFFFFFF  }
0xaf: {  	s6 =	sshll.u32 @!p0 s1, $0xE  }
0xb0: {  	s6 =	sor.u32 @!p0 $0x4000, s6;
	s5 =	simm.s32 @!p0 $0x1B8D  }
0xb1: {  	s4 =	sshll.u32 @!p0 s4, $0x11;
	s6 =	sadd.s32 @!p0 $0x11B8D, s6;
	_ =	swait.eq @!p0 [sflag:s5], $0x1  }
0xb2: {  	s4 =	sor.u32 @!p0 s4, s6;
	[sflag:s5] =	ssyncadd.s32 @!p0 $0xFFFFFFFF  }
0xb3: {  	s25 =	simm.s32 $0x1B8E;
	s24 =	sld [smem:$0x3FFE];
	[sflag:s4] =	ssyncadd.remote.s32 @!p0 $0x1  }
0xb4: {  	s26 =	simm.s32 $execute0_lowered;
	[smem:$0x3FD2] =	sst s25  }
0xb5: {  	s5 =	sshll.u32 s26, $0x1;
	_ =	strace $0x80000049;
	[dreg:$0x1] =	wrdreg $0xFFFFFFFF  }
0xb6: {  	s28 =	simm.s32 $_size_execute0_lowered;
	s3 =	sadd.s32 s3, s5;
	[dreg:$0x0] =	wrdreg $0x0  }
0xb7: {  	s5 =	sshll.u32 s28, $0x1;
	[dreg:$0x2] =	wrdreg s3  }
0xb8: {  	[dreg:$0x3] =	wrdreg s5  }
0xb9: {  	[dreg:$0x4] =	wrdreg $0xC0  }
0xba: {  	_ =	task [dreg:s22], $0x5FFFF  }
0xbb: {  	[dreg:$0x1] =	wrdreg $0xFFFFFFFF  }
0xbc: {  	[dreg:$0x0] =	wrdreg $0x60  }
0xbd: {  	[dreg:$0x2] =	wrdreg s24  }
0xbe: {  	[dreg:$0x3] =	wrdreg $0xA  }
0xbf: {  	_ =	task.clear_ibuf [dreg:s22], $0x4FFFF;
	_ =	strace $0x90000049  }
0xc0: {  	s29 =	simm.s32 $0xA;
	_ =	strace $0x8000004B  }
0xc1: {  	_ =	swait.ge [sflag:s29], $0x1  }
0xc2: {  	[sflag:s29] =	ssyncadd.s32 $0xFFFFFFFF  }
0xc3: {  	_ =	strace $0x9000004B  }
0xc4: {  	_ =	sfence  }
0xc5: {  	s30 =	sld [smem:$0x0];
	_ =	sdelay $0x2  }
0xc6: {  	s31 =	sshll.u32 s1, $0xD;
	s1 =	sshrl.u32 s1, $0x2  }
0xc7: {  	s4 =	sand.u32 $0x4000, s31;
	s1 =	sadd.s32 s1, s30  }
0xc8: {  	s0 =	sor.u32 s4, s0;
	s1 =	sshll.u32 s1, $0x11  }
0xc9: {  	s0 =	sor.u32 s1, s0  }
0xca: {  	s0 =	sadd.s32 $0x8F2B, s0  }
0xcb: {  	[sflag:s0] =	ssyncadd.remote.s32 $0x1  }
0xcc: {  	_ =	sfence.sel $0xFFFF  }
0xcd: {  	[dreg:$0x0] =	wrdreg $0xFFFFFFFF;
	(pc) =	sbr.abs _section_cstart, $3  }
0xce: {  	[dreg:$0x1] =	wrdreg $0xFFFFFFFF  }
0xcf: {  	_ =	task.clear_ibuf [dreg:s22], $0x2FFFF;
	_ =	strace $0x9FFFFFFF  }
0xd0: {  	(tm) =	ssettm $0x7FFFFFFF  }
0xd1: {  	_ =	shalt  }
tec
execute0_lowered:
.L_overlay_start_1:
0x0: {  	(tag) =	ssettag $0x1  }
0x1: {  	s0 =	srdreg.scid;
	s2 =	stileid.u32  }
0x2: {  	s1 =	sand.u32 $0x1, s0;
	s14 =	sshll.u32 s2, $0x1  }
0x3: {  	s0 =	sor.u32 s1, s14  }
0x4: {  	s4 =	smul.u32 $0x280, s0  }
0x5: {  	s3 =	rddreg [dreg:$0x0];
	s5 =	smul.u32 $0x14000, s0  }
0x6: {  	s2 =	simm.s32 $0x0;
	s6 =	sadd.s32 $0x82600, s3;
	s4 =	sadd.s32 s4, s3  }
0x7: {  	[smem:$0x7FF] =	sst s2;
	s31 =	sadd.s32 s6, s5;
	s4 =	sadd.s32 $0x2D600, s4  }
0x8: {  	_ =	strace $0x8000004A;
	s15 =	sadd.s32 $0x800, s31;
	[dreg:$0x2] =	wrdreg s4  }
0x9: {  	s16 =	sadd.s32 $0x1000, s31;
	[dreg:$0x3] =	wrdreg s15  }
0xa: {  	s17 =	sadd.s32 $0x1800, s31;
	[dreg:$0x4] =	wrdreg s16  }
0xb: {  	s0 =	smul.u32 $0xA0000, s0;
	s18 =	sadd.s32 $0x2000, s31;
	[dreg:$0x5] =	wrdreg s17  }
0xc: {  	s19 =	sadd.s32 $0x2800, s31;
	[dreg:$0x6] =	wrdreg s18  }
0xd: {  	s0 =	sshrl.u32 s0, $0x3;
	s20 =	sadd.s32 $0x3000, s31;
	[dreg:$0x7] =	wrdreg s19  }
0xe: {  	s5 =	sadd.s32 $0x3800, s31;
	[dreg:$0x8] =	wrdreg s20;
	s4 =	sadd.s32 s6, s0  }
0xf: {  	[dreg:$0x9] =	wrdreg s5;
	s0 =	sadd.s32 $0x4000, s4  }
0x10: {  	s21 =	sadd.s32 $0x4800, s4;
	[dreg:$0xa] =	wrdreg s0  }
0x11: {  	s22 =	sadd.s32 $0x5000, s4;
	[dreg:$0xb] =	wrdreg s21  }
0x12: {  	s23 =	sadd.s32 $0x5800, s4;
	[dreg:$0xc] =	wrdreg s22  }
0x13: {  	s24 =	sadd.s32 $0x6000, s4;
	[dreg:$0xd] =	wrdreg s23  }
0x14: {  	s25 =	sadd.s32 $0x6800, s4;
	[dreg:$0xe] =	wrdreg s24  }
0x15: {  	s26 =	sadd.s32 $0x7000, s4;
	[dreg:$0xf] =	wrdreg s25  }
0x16: {  	s5 =	sadd.s32 $0x7800, s4;
	[dreg:$0x10] =	wrdreg s26  }
0x17: {  	s6 =	sadd.s32 $0x8000, s4;
	[dreg:$0x11] =	wrdreg s5  }
0x18: {  	s7 =	sadd.s32 $0x8800, s4;
	[dreg:$0x12] =	wrdreg s6  }
0x19: {  	s8 =	sadd.s32 $0x9000, s4;
	[dreg:$0x13] =	wrdreg s7  }
0x1a: {  	s9 =	sadd.s32 $0x9800, s4;
	[dreg:$0x14] =	wrdreg s8  }
0x1b: {  	s10 =	sadd.s32 $0xA000, s4;
	[dreg:$0x15] =	wrdreg s9  }
0x1c: {  	s11 =	sadd.s32 $0xA800, s4;
	[dreg:$0x16] =	wrdreg s10  }
0x1d: {  	s12 =	sadd.s32 $0xB000, s4;
	[dreg:$0x17] =	wrdreg s11  }
0x1e: {  	s13 =	sadd.s32 $0xB800, s4;
	[dreg:$0x18] =	wrdreg s12  }
0x1f: {  	s14 =	sadd.s32 $0xC000, s4;
	[dreg:$0x19] =	wrdreg s13  }
0x20: {  	s15 =	sadd.s32 $0xC800, s4;
	[dreg:$0x1a] =	wrdreg s14  }
0x21: {  	s16 =	sadd.s32 $0xD000, s4;
	[dreg:$0x1b] =	wrdreg s15  }
0x22: {  	s17 =	sadd.s32 $0xD800, s4;
	[dreg:$0x1c] =	wrdreg s16  }
0x23: {  	s18 =	sadd.s32 $0xE000, s4;
	[dreg:$0x1d] =	wrdreg s17  }
0x24: {  	s19 =	sadd.s32 $0xE800, s4;
	[dreg:$0x1e] =	wrdreg s18  }
0x25: {  	s20 =	sadd.s32 $0xF000, s4;
	[dreg:$0x1f] =	wrdreg s19  }
0x26: {  	[smem:$0x7E2] =	sst s20  }
0x27: {  	s21 =	sadd.s32 $0xF800, s4;
	s0 =	rddreg [dreg:$0x2]  }
0x28: {  	s22 =	sadd.s32 $0x10000, s4;
	[smem:$0x7E3] =	sst s21  }
0x29: {  	s23 =	sadd.s32 $0x10800, s4;
	[smem:$0x7E4] =	sst s22  }
0x2a: {  	s24 =	sadd.s32 $0x11000, s4;
	[smem:$0x7E5] =	sst s23  }
0x2b: {  	s25 =	sadd.s32 $0x11800, s4;
	[smem:$0x7E6] =	sst s24  }
0x2c: {  	s26 =	sadd.s32 $0x12000, s4;
	[smem:$0x7E7] =	sst s25  }
0x2d: {  	s5 =	sadd.s32 $0x12800, s4;
	[smem:$0x7E8] =	sst s26  }
0x2e: {  	s6 =	sadd.s32 $0x13000, s4;
	[smem:$0x7E9] =	sst s5  }
0x2f: {  	s7 =	sadd.s32 $0x13800, s4;
	[smem:$0x7EA] =	sst s6  }
0x30: {  	s8 =	simm.s32 $0x100;
	[smem:$0x7EB] =	sst s7  }
0x31: {  	s9 =	simm.s32 $0x180;
	[smem:$0x7EC] =	sst s8  }
0x32: {  	s10 =	simm.s32 $0x200;
	[smem:$0x7ED] =	sst s9  }
0x33: {  	s30 =	simm.s32 $0xA00;
	s11 =	simm.s32 $0x280;
	[smem:$0x7EE] =	sst s10  }
0x34: {  	s29 =	simm.s32 $0xA80;
	s12 =	simm.s32 $0x300;
	[smem:$0x7EF] =	sst s11  }
0x35: {  	s28 =	simm.s32 $0xB00;
	s13 =	simm.s32 $0x380;
	[smem:$0x7F0] =	sst s12  }
0x36: {  	p0 =	por $0x0, $0x0;
	s14 =	simm.s32 $0x400;
	[smem:$0x7F1] =	sst s13  }
0x37: {  	s1 =	ssub.s32 $0x2, s1;
	s15 =	simm.s32 $0x480;
	[smem:$0x7F2] =	sst s14  }
0x38: {  	s16 =	simm.s32 $0x500;
	s4 =	sadd.s32 $0x5A600, s3;
	[smem:$0x7F3] =	sst s15  }
0x39: {  	s17 =	simm.s32 $0x580;
	s18 =	simm.s32 $0x600;
	[smem:$0x7F4] =	sst s16  }
0x3a: {  	s19 =	sshrl.u32 s1, $0x1;
	s20 =	simm.s32 $0x680;
	[smem:$0x7F5] =	sst s17  }
0x3b: {  	s3 =	simm.s32 $0x3;
	[smem:$0x7F6] =	sst s18;
	s1 =	ssub.s32 s1, s19  }
0x3c: {  	[smem:$0x7F7] =	sst s20;
	s21 =	simm.s32 $0x700;
	s22 =	simm.s32 $0x780  }
0x3d: {  	s23 =	simm.s32 $0x800;
	s8 =	simm.s32 $0x80;
	s24 =	simm.s32 $0x880  }
0x3e: {  	s6 =	simm.s32 $0x1400;
	s25 =	simm.s32 $0x900;
	s5 =	simm.s32 $0x5400  }
0x3f: {  	s26 =	simm.s32 $0x980;
	s9 =	simm.s32 $0x1;
	s7 =	simm.s32 $0x2  }
0x40: {  	s20 =	simm.s32 $0xE80;
	s19 =	simm.s32 $0xF00;
	s18 =	simm.s32 $0xF80  }
0x41: {  	s17 =	simm.s32 $0x1000;
	s16 =	simm.s32 $0x1080;
	[smem:$0x7F8] =	sst s21  }
0x42: {  	s15 =	simm.s32 $0x1100;
	s1 =	smax.u32 s1, $0x1;
	[smem:$0x7F9] =	sst s22  }
0x43: {  	s14 =	simm.s32 $0x1180;
	[smem:$0x7FA] =	sst s23;
	p1 =	sne.s32 s1, $0x1  }
.Ltmp0:
0x44: {  	s13 =	simm.s32 $0x1200;
	[smem:$0x7FB] =	sst s24;
	(pc) =	sbr.rel @!p1 .LBB2_3-.Ltmp0, $4  }
0x45: {  	s12 =	simm.s32 $0x1280;
	s11 =	simm.s32 $0x1300;
	[smem:$0x7FC] =	sst s25  }
0x46: {  	s10 =	simm.s32 $0x1380;
	[smem:$0x7FD] =	sst s26;
	s26 =	simm.s32 $0xB80  }
0x47: {  	s25 =	simm.s32 $0xC00;
	s24 =	simm.s32 $0xC80;
	s23 =	simm.s32 $0xD00  }
0x48: {  	s22 =	simm.s32 $0xD80;
	s21 =	simm.s32 $0xE00;
	s1 =	sadd.s32 $0xFFFFFFFF, s1  }
0x49: {  	[tilespmem:s2], [sflag:$0x3] =	stream.linear.gather [hbm4b:s0+s2], $0x1400, $0x38;
	[tilespmem:$0x9400] =	vst v63  }
0x4a: {  	_ =	swait.ge [sflag:s3], $0x1400  }
0x4b: {  	[sflag:s3] =	ssyncset.done $0x0  }
0x4c: {  	[sflag:s3] =	ssyncadd.s32 $0xFFFFEC00  }
0x4d: {  	[tilespmem:s6], [sflag:$0x1] =	stream.indirect.gather [hbm4b:s4+s8], $0x80, s2, s8, $0xb8;
	[tilespmem:$0x9400] =	vst v63  }
0x4e: {  	_ = 	snop  }
0x4f: {  	[tilespmem:s5], [sflag:$0x2] =	stream.indirect.gather [hbm4b:s4+s8], $0x80, s8, s8, $0xb8;
	[tilespmem:$0x9400] =	vst v63  }
0x50: {  	_ =	swait.ge [sflag:s9], $0x4000  }
0x51: {  	[sflag:s9] =	ssyncset.done $0x0  }
0x52: {  	[sflag:s9] =	ssyncadd.s32 $0xFFFFC000  }
0x53: {  	[hbm4b:s31+s2] =	stream.linear.scatter [tilespmem:s6], [sflag:$0x3], $0x4000, $0x38;
	[tilespmem:$0x9400] =	vst v63  }
0x54: {  	_ =	swait.ge [sflag:s3], $0x4000  }
0x55: {  	s0 =	sld [smem:$0x7EC]  }
0x56: {  	[sflag:s3] =	ssyncset.done $0x0  }
0x57: {  	[sflag:s3] =	ssyncadd.s32 $0xFFFFC000  }
0x58: {  	[tilespmem:s6], [sflag:$0x1] =	stream.indirect.gather [hbm4b:s4+s8], $0x80, s0, s8, $0xb8;
	[tilespmem:$0x9400] =	vst v63  }
0x59: {  	_ =	swait.ge [sflag:s7], $0x4000  }
0x5a: {  	[sflag:s7] =	ssyncset.done $0x0  }
0x5b: {  	s0 =	rddreg [dreg:$0x3];
	[sflag:s7] =	ssyncadd.s32 $0xFFFFC000  }
0x5c: {  	[hbm4b:s0+s2] =	stream.linear.scatter [tilespmem:s5], [sflag:$0x3], $0x4000, $0x38;
	[tilespmem:$0x9400] =	vst v63  }
0x5d: {  	_ =	swait.ge [sflag:s3], $0x4000  }
0x5e: {  	s0 =	sld [smem:$0x7ED]  }
0x5f: {  	[sflag:s3] =	ssyncset.done $0x0  }
0x60: {  	[sflag:s3] =	ssyncadd.s32 $0xFFFFC000  }
0x61: {  	[tilespmem:s5], [sflag:$0x2] =	stream.indirect.gather [hbm4b:s4+s8], $0x80, s0, s8, $0xb8;
	[tilespmem:$0x9400] =	vst v63  }
0x62: {  	_ =	swait.ge [sflag:s9], $0x4000  }
0x63: {  	[sflag:s9] =	ssyncset.done $0x0  }
0x64: {  	s0 =	rddreg [dreg:$0x4];
	[sflag:s9] =	ssyncadd.s32 $0xFFFFC000  }
0x65: {  	[hbm4b:s0+s2] =	stream.linear.scatter [tilespmem:s6], [sflag:$0x3], $0x4000, $0x38;
	[tilespmem:$0x9400] =	vst v63  }
0x66: {  	_ =	swait.ge [sflag:s3], $0x4000  }
0x67: {  	s0 =	sld [smem:$0x7EE]  }
0x68: {  	[sflag:s3] =	ssyncset.done $0x0  }
0x69: {  	[sflag:s3] =	ssyncadd.s32 $0xFFFFC000  }
0x6a: {  	[tilespmem:s6], [sflag:$0x1] =	stream.indirect.gather [hbm4b:s4+s8], $0x80, s0, s8, $0xb8;
	[tilespmem:$0x9400] =	vst v63  }
0x6b: {  	_ =	swait.ge [sflag:s7], $0x4000  }
0x6c: {  	[sflag:s7] =	ssyncset.done $0x0  }
0x6d: {  	s0 =	rddreg [dreg:$0x5];
	[sflag:s7] =	ssyncadd.s32 $0xFFFFC000  }
0x6e: {  	[hbm4b:s0+s2] =	stream.linear.scatter [tilespmem:s5], [sflag:$0x3], $0x4000, $0x38;
	[tilespmem:$0x9400] =	vst v63  }
0x6f: {  	_ =	swait.ge [sflag:s3], $0x4000  }
0x70: {  	s0 =	sld [smem:$0x7EF]  }
0x71: {  	[sflag:s3] =	ssyncset.done $0x0  }
0x72: {  	[sflag:s3] =	ssyncadd.s32 $0xFFFFC000  }
0x73: {  	[tilespmem:s5], [sflag:$0x2] =	stream.indirect.gather [hbm4b:s4+s8], $0x80, s0, s8, $0xb8;
	[tilespmem:$0x9400] =	vst v63  }
0x74: {  	_ =	swait.ge [sflag:s9], $0x4000  }
0x75: {  	[sflag:s9] =	ssyncset.done $0x0  }
0x76: {  	s0 =	rddreg [dreg:$0x6];
	[sflag:s9] =	ssyncadd.s32 $0xFFFFC000  }
0x77: {  	[hbm4b:s0+s2] =	stream.linear.scatter [tilespmem:s6], [sflag:$0x3], $0x4000, $0x38;
	[tilespmem:$0x9400] =	vst v63  }
0x78: {  	_ =	swait.ge [sflag:s3], $0x4000  }
0x79: {  	s0 =	sld [smem:$0x7F0]  }
0x7a: {  	[sflag:s3] =	ssyncset.done $0x0  }
0x7b: {  	[sflag:s3] =	ssyncadd.s32 $0xFFFFC000  }
0x7c: {  	[tilespmem:s6], [sflag:$0x1] =	stream.indirect.gather [hbm4b:s4+s8], $0x80, s0, s8, $0xb8;
	[tilespmem:$0x9400] =	vst v63  }
0x7d: {  	_ =	swait.ge [sflag:s7], $0x4000  }
0x7e: {  	[sflag:s7] =	ssyncset.done $0x0  }
0x7f: {  	s0 =	rddreg [dreg:$0x7];
	[sflag:s7] =	ssyncadd.s32 $0xFFFFC000  }
0x80: {  	[hbm4b:s0+s2] =	stream.linear.scatter [tilespmem:s5], [sflag:$0x3], $0x4000, $0x38;
	[tilespmem:$0x9400] =	vst v63  }
0x81: {  	_ =	swait.ge [sflag:s3], $0x4000  }
0x82: {  	s0 =	sld [smem:$0x7F1]  }
0x83: {  	[sflag:s3] =	ssyncset.done $0x0  }
0x84: {  	[sflag:s3] =	ssyncadd.s32 $0xFFFFC000  }
0x85: {  	[tilespmem:s5], [sflag:$0x2] =	stream.indirect.gather [hbm4b:s4+s8], $0x80, s0, s8, $0xb8;
	[tilespmem:$0x9400] =	vst v63  }
0x86: {  	_ =	swait.ge [sflag:s9], $0x4000  }
0x87: {  	[sflag:s9] =	ssyncset.done $0x0  }
0x88: {  	s0 =	rddreg [dreg:$0x8];
	[sflag:s9] =	ssyncadd.s32 $0xFFFFC000  }
0x89: {  	[hbm4b:s0+s2] =	stream.linear.scatter [tilespmem:s6], [sflag:$0x3], $0x4000, $0x38;
	[tilespmem:$0x9400] =	vst v63  }
0x8a: {  	_ =	swait.ge [sflag:s3], $0x4000  }
0x8b: {  	s0 =	sld [smem:$0x7F2]  }
0x8c: {  	[sflag:s3] =	ssyncset.done $0x0  }
0x8d: {  	[sflag:s3] =	ssyncadd.s32 $0xFFFFC000  }
0x8e: {  	[tilespmem:s6], [sflag:$0x1] =	stream.indirect.gather [hbm4b:s4+s8], $0x80, s0, s8, $0xb8;
	[tilespmem:$0x9400] =	vst v63  }
0x8f: {  	_ =	swait.ge [sflag:s7], $0x4000  }
0x90: {  	[sflag:s7] =	ssyncset.done $0x0  }
0x91: {  	s0 =	rddreg [dreg:$0x9];
	[sflag:s7] =	ssyncadd.s32 $0xFFFFC000  }
0x92: {  	[hbm4b:s0+s2] =	stream.linear.scatter [tilespmem:s5], [sflag:$0x3], $0x4000, $0x38;
	[tilespmem:$0x9400] =	vst v63  }
0x93: {  	_ =	swait.ge [sflag:s3], $0x4000  }
0x94: {  	s0 =	sld [smem:$0x7F3]  }
0x95: {  	[sflag:s3] =	ssyncset.done $0x0  }
0x96: {  	[sflag:s3] =	ssyncadd.s32 $0xFFFFC000  }
0x97: {  	[tilespmem:s5], [sflag:$0x2] =	stream.indirect.gather [hbm4b:s4+s8], $0x80, s0, s8, $0xb8;
	[tilespmem:$0x9400] =	vst v63  }
0x98: {  	_ =	swait.ge [sflag:s9], $0x4000  }
0x99: {  	[sflag:s9] =	ssyncset.done $0x0  }
0x9a: {  	s0 =	rddreg [dreg:$0xa];
	[sflag:s9] =	ssyncadd.s32 $0xFFFFC000  }
0x9b: {  	[hbm4b:s0+s2] =	stream.linear.scatter [tilespmem:s6], [sflag:$0x3], $0x4000, $0x38;
	[tilespmem:$0x9400] =	vst v63  }
0x9c: {  	_ =	swait.ge [sflag:s3], $0x4000  }
0x9d: {  	s0 =	sld [smem:$0x7F4]  }
0x9e: {  	[sflag:s3] =	ssyncset.done $0x0  }
0x9f: {  	[sflag:s3] =	ssyncadd.s32 $0xFFFFC000  }
0xa0: {  	[tilespmem:s6], [sflag:$0x1] =	stream.indirect.gather [hbm4b:s4+s8], $0x80, s0, s8, $0xb8;
	[tilespmem:$0x9400] =	vst v63  }
0xa1: {  	_ =	swait.ge [sflag:s7], $0x4000  }
0xa2: {  	[sflag:s7] =	ssyncset.done $0x0  }
0xa3: {  	s0 =	rddreg [dreg:$0xb];
	[sflag:s7] =	ssyncadd.s32 $0xFFFFC000  }
0xa4: {  	[hbm4b:s0+s2] =	stream.linear.scatter [tilespmem:s5], [sflag:$0x3], $0x4000, $0x38;
	[tilespmem:$0x9400] =	vst v63  }
0xa5: {  	_ =	swait.ge [sflag:s3], $0x4000  }
0xa6: {  	s0 =	sld [smem:$0x7F5]  }
0xa7: {  	[sflag:s3] =	ssyncset.done $0x0  }
0xa8: {  	[sflag:s3] =	ssyncadd.s32 $0xFFFFC000  }
0xa9: {  	[tilespmem:s5], [sflag:$0x2] =	stream.indirect.gather [hbm4b:s4+s8], $0x80, s0, s8, $0xb8;
	[tilespmem:$0x9400] =	vst v63  }
0xaa: {  	_ =	swait.ge [sflag:s9], $0x4000  }
0xab: {  	[sflag:s9] =	ssyncset.done $0x0  }
0xac: {  	s0 =	rddreg [dreg:$0xc];
	[sflag:s9] =	ssyncadd.s32 $0xFFFFC000  }
0xad: {  	[hbm4b:s0+s2] =	stream.linear.scatter [tilespmem:s6], [sflag:$0x3], $0x4000, $0x38;
	[tilespmem:$0x9400] =	vst v63  }
0xae: {  	_ =	swait.ge [sflag:s3], $0x4000  }
0xaf: {  	s0 =	sld [smem:$0x7F6]  }
0xb0: {  	[sflag:s3] =	ssyncset.done $0x0  }
0xb1: {  	[sflag:s3] =	ssyncadd.s32 $0xFFFFC000  }
0xb2: {  	[tilespmem:s6], [sflag:$0x1] =	stream.indirect.gather [hbm4b:s4+s8], $0x80, s0, s8, $0xb8;
	[tilespmem:$0x9400] =	vst v63  }
0xb3: {  	_ =	swait.ge [sflag:s7], $0x4000  }
0xb4: {  	[sflag:s7] =	ssyncset.done $0x0  }
0xb5: {  	s0 =	rddreg [dreg:$0xd];
	[sflag:s7] =	ssyncadd.s32 $0xFFFFC000  }
0xb6: {  	[hbm4b:s0+s2] =	stream.linear.scatter [tilespmem:s5], [sflag:$0x3], $0x4000, $0x38;
	[tilespmem:$0x9400] =	vst v63  }
0xb7: {  	_ =	swait.ge [sflag:s3], $0x4000  }
0xb8: {  	s0 =	sld [smem:$0x7F7]  }
0xb9: {  	[sflag:s3] =	ssyncset.done $0x0  }
0xba: {  	[sflag:s3] =	ssyncadd.s32 $0xFFFFC000  }
0xbb: {  	[tilespmem:s5], [sflag:$0x2] =	stream.indirect.gather [hbm4b:s4+s8], $0x80, s0, s8, $0xb8;
	[tilespmem:$0x9400] =	vst v63  }
0xbc: {  	_ =	swait.ge [sflag:s9], $0x4000  }
0xbd: {  	[sflag:s9] =	ssyncset.done $0x0  }
0xbe: {  	s0 =	rddreg [dreg:$0xe];
	[sflag:s9] =	ssyncadd.s32 $0xFFFFC000  }
0xbf: {  	[hbm4b:s0+s2] =	stream.linear.scatter [tilespmem:s6], [sflag:$0x3], $0x4000, $0x38;
	[tilespmem:$0x9400] =	vst v63  }
0xc0: {  	_ =	swait.ge [sflag:s3], $0x4000  }
0xc1: {  	s0 =	sld [smem:$0x7F8]  }
0xc2: {  	[sflag:s3] =	ssyncset.done $0x0  }
0xc3: {  	[sflag:s3] =	ssyncadd.s32 $0xFFFFC000  }
0xc4: {  	[tilespmem:s6], [sflag:$0x1] =	stream.indirect.gather [hbm4b:s4+s8], $0x80, s0, s8, $0xb8;
	[tilespmem:$0x9400] =	vst v63  }
0xc5: {  	_ =	swait.ge [sflag:s7], $0x4000  }
0xc6: {  	[sflag:s7] =	ssyncset.done $0x0  }
0xc7: {  	s0 =	rddreg [dreg:$0xf];
	[sflag:s7] =	ssyncadd.s32 $0xFFFFC000  }
0xc8: {  	[hbm4b:s0+s2] =	stream.linear.scatter [tilespmem:s5], [sflag:$0x3], $0x4000, $0x38;
	[tilespmem:$0x9400] =	vst v63  }
0xc9: {  	_ =	swait.ge [sflag:s3], $0x4000  }
0xca: {  	s0 =	sld [smem:$0x7F9]  }
0xcb: {  	[sflag:s3] =	ssyncset.done $0x0  }
0xcc: {  	[sflag:s3] =	ssyncadd.s32 $0xFFFFC000  }
0xcd: {  	[tilespmem:s5], [sflag:$0x2] =	stream.indirect.gather [hbm4b:s4+s8], $0x80, s0, s8, $0xb8;
	[tilespmem:$0x9400] =	vst v63  }
0xce: {  	_ =	swait.ge [sflag:s9], $0x4000  }
0xcf: {  	[sflag:s9] =	ssyncset.done $0x0  }
0xd0: {  	s0 =	rddreg [dreg:$0x10];
	[sflag:s9] =	ssyncadd.s32 $0xFFFFC000  }
0xd1: {  	[hbm4b:s0+s2] =	stream.linear.scatter [tilespmem:s6], [sflag:$0x3], $0x4000, $0x38;
	[tilespmem:$0x9400] =	vst v63  }
0xd2: {  	_ =	swait.ge [sflag:s3], $0x4000  }
0xd3: {  	s0 =	sld [smem:$0x7FA]  }
0xd4: {  	[sflag:s3] =	ssyncset.done $0x0  }
0xd5: {  	[sflag:s3] =	ssyncadd.s32 $0xFFFFC000  }
0xd6: {  	[tilespmem:s6], [sflag:$0x1] =	stream.indirect.gather [hbm4b:s4+s8], $0x80, s0, s8, $0xb8;
	[tilespmem:$0x9400] =	vst v63  }
0xd7: {  	_ =	swait.ge [sflag:s7], $0x4000  }
0xd8: {  	[sflag:s7] =	ssyncset.done $0x0  }
0xd9: {  	s0 =	rddreg [dreg:$0x11];
	[sflag:s7] =	ssyncadd.s32 $0xFFFFC000  }
0xda: {  	[hbm4b:s0+s2] =	stream.linear.scatter [tilespmem:s5], [sflag:$0x3], $0x4000, $0x38;
	[tilespmem:$0x9400] =	vst v63  }
0xdb: {  	_ =	swait.ge [sflag:s3], $0x4000  }
0xdc: {  	s0 =	sld [smem:$0x7FB]  }
0xdd: {  	[sflag:s3] =	ssyncset.done $0x0  }
0xde: {  	[sflag:s3] =	ssyncadd.s32 $0xFFFFC000  }
0xdf: {  	[tilespmem:s5], [sflag:$0x2] =	stream.indirect.gather [hbm4b:s4+s8], $0x80, s0, s8, $0xb8;
	[tilespmem:$0x9400] =	vst v63  }
0xe0: {  	_ =	swait.ge [sflag:s9], $0x4000  }
0xe1: {  	[sflag:s9] =	ssyncset.done $0x0  }
0xe2: {  	s0 =	rddreg [dreg:$0x12];
	[sflag:s9] =	ssyncadd.s32 $0xFFFFC000  }
0xe3: {  	[hbm4b:s0+s2] =	stream.linear.scatter [tilespmem:s6], [sflag:$0x3], $0x4000, $0x38;
	[tilespmem:$0x9400] =	vst v63  }
0xe4: {  	_ =	swait.ge [sflag:s3], $0x4000  }
0xe5: {  	s0 =	sld [smem:$0x7FC]  }
0xe6: {  	[sflag:s3] =	ssyncset.done $0x0  }
0xe7: {  	[sflag:s3] =	ssyncadd.s32 $0xFFFFC000  }
0xe8: {  	[tilespmem:s6], [sflag:$0x1] =	stream.indirect.gather [hbm4b:s4+s8], $0x80, s0, s8, $0xb8;
	[tilespmem:$0x9400] =	vst v63  }
0xe9: {  	_ =	swait.ge [sflag:s7], $0x4000  }
0xea: {  	[sflag:s7] =	ssyncset.done $0x0  }
0xeb: {  	s0 =	rddreg [dreg:$0x13];
	[sflag:s7] =	ssyncadd.s32 $0xFFFFC000  }
0xec: {  	[hbm4b:s0+s2] =	stream.linear.scatter [tilespmem:s5], [sflag:$0x3], $0x4000, $0x38;
	[tilespmem:$0x9400] =	vst v63  }
0xed: {  	_ =	swait.ge [sflag:s3], $0x4000  }
0xee: {  	s0 =	sld [smem:$0x7FD]  }
0xef: {  	[sflag:s3] =	ssyncset.done $0x0  }
0xf0: {  	[sflag:s3] =	ssyncadd.s32 $0xFFFFC000  }
0xf1: {  	[tilespmem:s5], [sflag:$0x2] =	stream.indirect.gather [hbm4b:s4+s8], $0x80, s0, s8, $0xb8;
	[tilespmem:$0x9400] =	vst v63  }
0xf2: {  	_ =	swait.ge [sflag:s9], $0x4000  }
0xf3: {  	[sflag:s9] =	ssyncset.done $0x0  }
0xf4: {  	s0 =	rddreg [dreg:$0x14];
	[sflag:s9] =	ssyncadd.s32 $0xFFFFC000  }
0xf5: {  	[hbm4b:s0+s2] =	stream.linear.scatter [tilespmem:s6], [sflag:$0x3], $0x4000, $0x38;
	[tilespmem:$0x9400] =	vst v63  }
0xf6: {  	_ =	swait.ge [sflag:s3], $0x4000  }
0xf7: {  	[sflag:s3] =	ssyncset.done $0x0  }
0xf8: {  	[sflag:s3] =	ssyncadd.s32 $0xFFFFC000  }
0xf9: {  	[tilespmem:s6], [sflag:$0x1] =	stream.indirect.gather [hbm4b:s4+s8], $0x80, s30, s8, $0xb8;
	[tilespmem:$0x9400] =	vst v63  }
0xfa: {  	_ =	swait.ge [sflag:s7], $0x4000  }
0xfb: {  	[sflag:s7] =	ssyncset.done $0x0  }
0xfc: {  	s0 =	rddreg [dreg:$0x15];
	[sflag:s7] =	ssyncadd.s32 $0xFFFFC000  }
0xfd: {  	[hbm4b:s0+s2] =	stream.linear.scatter [tilespmem:s5], [sflag:$0x3], $0x4000, $0x38;
	[tilespmem:$0x9400] =	vst v63  }
0xfe: {  	_ =	swait.ge [sflag:s3], $0x4000  }
0xff: {  	[sflag:s3] =	ssyncset.done $0x0  }
0x100: {  	[sflag:s3] =	ssyncadd.s32 $0xFFFFC000  }
0x101: {  	[tilespmem:s5], [sflag:$0x2] =	stream.indirect.gather [hbm4b:s4+s8], $0x80, s29, s8, $0xb8;
	[tilespmem:$0x9400] =	vst v63  }
0x102: {  	_ =	swait.ge [sflag:s9], $0x4000  }
0x103: {  	[sflag:s9] =	ssyncset.done $0x0  }
0x104: {  	s0 =	rddreg [dreg:$0x16];
	[sflag:s9] =	ssyncadd.s32 $0xFFFFC000  }
0x105: {  	[hbm4b:s0+s2] =	stream.linear.scatter [tilespmem:s6], [sflag:$0x3], $0x4000, $0x38;
	[tilespmem:$0x9400] =	vst v63  }
0x106: {  	_ =	swait.ge [sflag:s3], $0x4000  }
0x107: {  	[sflag:s3] =	ssyncset.done $0x0  }
0x108: {  	[sflag:s3] =	ssyncadd.s32 $0xFFFFC000  }
0x109: {  	[tilespmem:s6], [sflag:$0x1] =	stream.indirect.gather [hbm4b:s4+s8], $0x80, s28, s8, $0xb8;
	[tilespmem:$0x9400] =	vst v63  }
0x10a: {  	_ =	swait.ge [sflag:s7], $0x4000  }
0x10b: {  	[sflag:s7] =	ssyncset.done $0x0  }
0x10c: {  	s0 =	rddreg [dreg:$0x17];
	[sflag:s7] =	ssyncadd.s32 $0xFFFFC000  }
0x10d: {  	[hbm4b:s0+s2] =	stream.linear.scatter [tilespmem:s5], [sflag:$0x3], $0x4000, $0x38;
	[tilespmem:$0x9400] =	vst v63  }
0x10e: {  	_ =	swait.ge [sflag:s3], $0x4000  }
0x10f: {  	[sflag:s3] =	ssyncset.done $0x0  }
0x110: {  	[sflag:s3] =	ssyncadd.s32 $0xFFFFC000  }
0x111: {  	[tilespmem:s5], [sflag:$0x2] =	stream.indirect.gather [hbm4b:s4+s8], $0x80, s26, s8, $0xb8;
	[tilespmem:$0x9400] =	vst v63  }
0x112: {  	_ =	swait.ge [sflag:s9], $0x4000  }
0x113: {  	[sflag:s9] =	ssyncset.done $0x0  }
0x114: {  	s0 =	rddreg [dreg:$0x18];
	[sflag:s9] =	ssyncadd.s32 $0xFFFFC000  }
0x115: {  	[hbm4b:s0+s2] =	stream.linear.scatter [tilespmem:s6], [sflag:$0x3], $0x4000, $0x38;
	[tilespmem:$0x9400] =	vst v63  }
0x116: {  	_ =	swait.ge [sflag:s3], $0x4000  }
0x117: {  	[sflag:s3] =	ssyncset.done $0x0  }
0x118: {  	[sflag:s3] =	ssyncadd.s32 $0xFFFFC000  }
0x119: {  	[tilespmem:s6], [sflag:$0x1] =	stream.indirect.gather [hbm4b:s4+s8], $0x80, s25, s8, $0xb8;
	[tilespmem:$0x9400] =	vst v63  }
0x11a: {  	_ =	swait.ge [sflag:s7], $0x4000  }
0x11b: {  	[sflag:s7] =	ssyncset.done $0x0  }
0x11c: {  	s0 =	rddreg [dreg:$0x19];
	[sflag:s7] =	ssyncadd.s32 $0xFFFFC000  }
0x11d: {  	[hbm4b:s0+s2] =	stream.linear.scatter [tilespmem:s5], [sflag:$0x3], $0x4000, $0x38;
	[tilespmem:$0x9400] =	vst v63  }
0x11e: {  	_ =	swait.ge [sflag:s3], $0x4000  }
0x11f: {  	[sflag:s3] =	ssyncset.done $0x0  }
0x120: {  	[sflag:s3] =	ssyncadd.s32 $0xFFFFC000  }
0x121: {  	[tilespmem:s5], [sflag:$0x2] =	stream.indirect.gather [hbm4b:s4+s8], $0x80, s24, s8, $0xb8;
	[tilespmem:$0x9400] =	vst v63  }
0x122: {  	_ =	swait.ge [sflag:s9], $0x4000  }
0x123: {  	[sflag:s9] =	ssyncset.done $0x0  }
0x124: {  	s0 =	rddreg [dreg:$0x1a];
	[sflag:s9] =	ssyncadd.s32 $0xFFFFC000  }
0x125: {  	[hbm4b:s0+s2] =	stream.linear.scatter [tilespmem:s6], [sflag:$0x3], $0x4000, $0x38;
	[tilespmem:$0x9400] =	vst v63  }
0x126: {  	_ =	swait.ge [sflag:s3], $0x4000  }
0x127: {  	[sflag:s3] =	ssyncset.done $0x0  }
0x128: {  	[sflag:s3] =	ssyncadd.s32 $0xFFFFC000  }
0x129: {  	[tilespmem:s6], [sflag:$0x1] =	stream.indirect.gather [hbm4b:s4+s8], $0x80, s23, s8, $0xb8;
	[tilespmem:$0x9400] =	vst v63  }
0x12a: {  	_ =	swait.ge [sflag:s7], $0x4000  }
0x12b: {  	[sflag:s7] =	ssyncset.done $0x0  }
0x12c: {  	s0 =	rddreg [dreg:$0x1b];
	[sflag:s7] =	ssyncadd.s32 $0xFFFFC000  }
0x12d: {  	[hbm4b:s0+s2] =	stream.linear.scatter [tilespmem:s5], [sflag:$0x3], $0x4000, $0x38;
	[tilespmem:$0x9400] =	vst v63  }
0x12e: {  	_ =	swait.ge [sflag:s3], $0x4000  }
0x12f: {  	[sflag:s3] =	ssyncset.done $0x0  }
0x130: {  	[sflag:s3] =	ssyncadd.s32 $0xFFFFC000  }
0x131: {  	[tilespmem:s5], [sflag:$0x2] =	stream.indirect.gather [hbm4b:s4+s8], $0x80, s22, s8, $0xb8;
	[tilespmem:$0x9400] =	vst v63  }
0x132: {  	_ =	swait.ge [sflag:s9], $0x4000  }
0x133: {  	[sflag:s9] =	ssyncset.done $0x0  }
0x134: {  	s0 =	rddreg [dreg:$0x1c];
	[sflag:s9] =	ssyncadd.s32 $0xFFFFC000  }
0x135: {  	[hbm4b:s0+s2] =	stream.linear.scatter [tilespmem:s6], [sflag:$0x3], $0x4000, $0x38;
	[tilespmem:$0x9400] =	vst v63  }
0x136: {  	_ =	swait.ge [sflag:s3], $0x4000  }
0x137: {  	[sflag:s3] =	ssyncset.done $0x0  }
0x138: {  	[sflag:s3] =	ssyncadd.s32 $0xFFFFC000  }
0x139: {  	[tilespmem:s6], [sflag:$0x1] =	stream.indirect.gather [hbm4b:s4+s8], $0x80, s21, s8, $0xb8;
	[tilespmem:$0x9400] =	vst v63  }
0x13a: {  	_ =	swait.ge [sflag:s7], $0x4000  }
0x13b: {  	[sflag:s7] =	ssyncset.done $0x0  }
0x13c: {  	s0 =	rddreg [dreg:$0x1d];
	[sflag:s7] =	ssyncadd.s32 $0xFFFFC000  }
0x13d: {  	[hbm4b:s0+s2] =	stream.linear.scatter [tilespmem:s5], [sflag:$0x3], $0x4000, $0x38;
	[tilespmem:$0x9400] =	vst v63  }
0x13e: {  	_ =	swait.ge [sflag:s3], $0x4000  }
0x13f: {  	[sflag:s3] =	ssyncset.done $0x0  }
0x140: {  	[sflag:s3] =	ssyncadd.s32 $0xFFFFC000  }
0x141: {  	[tilespmem:s5], [sflag:$0x2] =	stream.indirect.gather [hbm4b:s4+s8], $0x80, s20, s8, $0xb8;
	[tilespmem:$0x9400] =	vst v63  }
0x142: {  	_ =	swait.ge [sflag:s9], $0x4000  }
0x143: {  	[sflag:s9] =	ssyncset.done $0x0  }
0x144: {  	s0 =	rddreg [dreg:$0x1e];
	[sflag:s9] =	ssyncadd.s32 $0xFFFFC000  }
0x145: {  	[hbm4b:s0+s2] =	stream.linear.scatter [tilespmem:s6], [sflag:$0x3], $0x4000, $0x38;
	[tilespmem:$0x9400] =	vst v63  }
0x146: {  	_ =	swait.ge [sflag:s3], $0x4000  }
0x147: {  	[sflag:s3] =	ssyncset.done $0x0  }
0x148: {  	[sflag:s3] =	ssyncadd.s32 $0xFFFFC000  }
0x149: {  	[tilespmem:s6], [sflag:$0x1] =	stream.indirect.gather [hbm4b:s4+s8], $0x80, s19, s8, $0xb8;
	[tilespmem:$0x9400] =	vst v63  }
0x14a: {  	_ =	swait.ge [sflag:s7], $0x4000  }
0x14b: {  	[sflag:s7] =	ssyncset.done $0x0  }
0x14c: {  	s0 =	rddreg [dreg:$0x1f];
	[sflag:s7] =	ssyncadd.s32 $0xFFFFC000  }
0x14d: {  	[hbm4b:s0+s2] =	stream.linear.scatter [tilespmem:s5], [sflag:$0x3], $0x4000, $0x38;
	[tilespmem:$0x9400] =	vst v63  }
0x14e: {  	_ =	swait.ge [sflag:s3], $0x4000  }
0x14f: {  	[sflag:s3] =	ssyncset.done $0x0  }
0x150: {  	[sflag:s3] =	ssyncadd.s32 $0xFFFFC000  }
0x151: {  	[tilespmem:s5], [sflag:$0x2] =	stream.indirect.gather [hbm4b:s4+s8], $0x80, s18, s8, $0xb8;
	[tilespmem:$0x9400] =	vst v63  }
0x152: {  	_ =	swait.ge [sflag:s9], $0x4000  }
0x153: {  	s0 =	sld [smem:$0x7E2]  }
0x154: {  	[sflag:s9] =	ssyncset.done $0x0  }
0x155: {  	[sflag:s9] =	ssyncadd.s32 $0xFFFFC000  }
0x156: {  	[hbm4b:s0+s2] =	stream.linear.scatter [tilespmem:s6], [sflag:$0x3], $0x4000, $0x38;
	[tilespmem:$0x9400] =	vst v63  }
0x157: {  	_ =	swait.ge [sflag:s3], $0x4000  }
0x158: {  	[sflag:s3] =	ssyncset.done $0x0  }
0x159: {  	[sflag:s3] =	ssyncadd.s32 $0xFFFFC000  }
0x15a: {  	[tilespmem:s6], [sflag:$0x1] =	stream.indirect.gather [hbm4b:s4+s8], $0x80, s17, s8, $0xb8;
	[tilespmem:$0x9400] =	vst v63  }
0x15b: {  	_ =	swait.ge [sflag:s7], $0x4000  }
0x15c: {  	s0 =	sld [smem:$0x7E3]  }
0x15d: {  	[sflag:s7] =	ssyncset.done $0x0  }
0x15e: {  	[sflag:s7] =	ssyncadd.s32 $0xFFFFC000  }
0x15f: {  	[hbm4b:s0+s2] =	stream.linear.scatter [tilespmem:s5], [sflag:$0x3], $0x4000, $0x38;
	[tilespmem:$0x9400] =	vst v63  }
0x160: {  	_ =	swait.ge [sflag:s3], $0x4000  }
0x161: {  	[sflag:s3] =	ssyncset.done $0x0  }
0x162: {  	[sflag:s3] =	ssyncadd.s32 $0xFFFFC000  }
0x163: {  	[tilespmem:s5], [sflag:$0x2] =	stream.indirect.gather [hbm4b:s4+s8], $0x80, s16, s8, $0xb8;
	[tilespmem:$0x9400] =	vst v63  }
0x164: {  	_ =	swait.ge [sflag:s9], $0x4000  }
0x165: {  	s0 =	sld [smem:$0x7E4]  }
0x166: {  	[sflag:s9] =	ssyncset.done $0x0  }
0x167: {  	[sflag:s9] =	ssyncadd.s32 $0xFFFFC000  }
0x168: {  	[hbm4b:s0+s2] =	stream.linear.scatter [tilespmem:s6], [sflag:$0x3], $0x4000, $0x38;
	[tilespmem:$0x9400] =	vst v63  }
0x169: {  	_ =	swait.ge [sflag:s3], $0x4000  }
0x16a: {  	[sflag:s3] =	ssyncset.done $0x0  }
0x16b: {  	[sflag:s3] =	ssyncadd.s32 $0xFFFFC000  }
0x16c: {  	[tilespmem:s6], [sflag:$0x1] =	stream.indirect.gather [hbm4b:s4+s8], $0x80, s15, s8, $0xb8;
	[tilespmem:$0x9400] =	vst v63  }
0x16d: {  	_ =	swait.ge [sflag:s7], $0x4000  }
0x16e: {  	s0 =	sld [smem:$0x7E5]  }
0x16f: {  	[sflag:s7] =	ssyncset.done $0x0  }
0x170: {  	[sflag:s7] =	ssyncadd.s32 $0xFFFFC000  }
0x171: {  	[hbm4b:s0+s2] =	stream.linear.scatter [tilespmem:s5], [sflag:$0x3], $0x4000, $0x38;
	[tilespmem:$0x9400] =	vst v63  }
0x172: {  	_ =	swait.ge [sflag:s3], $0x4000  }
0x173: {  	[sflag:s3] =	ssyncset.done $0x0  }
0x174: {  	[sflag:s3] =	ssyncadd.s32 $0xFFFFC000  }
0x175: {  	[tilespmem:s5], [sflag:$0x2] =	stream.indirect.gather [hbm4b:s4+s8], $0x80, s14, s8, $0xb8;
	[tilespmem:$0x9400] =	vst v63  }
0x176: {  	_ =	swait.ge [sflag:s9], $0x4000  }
0x177: {  	s0 =	sld [smem:$0x7E6]  }
0x178: {  	[sflag:s9] =	ssyncset.done $0x0  }
0x179: {  	[sflag:s9] =	ssyncadd.s32 $0xFFFFC000  }
0x17a: {  	[hbm4b:s0+s2] =	stream.linear.scatter [tilespmem:s6], [sflag:$0x3], $0x4000, $0x38;
	[tilespmem:$0x9400] =	vst v63  }
0x17b: {  	_ =	swait.ge [sflag:s3], $0x4000  }
0x17c: {  	[sflag:s3] =	ssyncset.done $0x0  }
0x17d: {  	[sflag:s3] =	ssyncadd.s32 $0xFFFFC000  }
0x17e: {  	[tilespmem:s6], [sflag:$0x1] =	stream.indirect.gather [hbm4b:s4+s8], $0x80, s13, s8, $0xb8;
	[tilespmem:$0x9400] =	vst v63  }
0x17f: {  	_ =	swait.ge [sflag:s7], $0x4000  }
0x180: {  	s0 =	sld [smem:$0x7E7]  }
0x181: {  	[sflag:s7] =	ssyncset.done $0x0  }
0x182: {  	[sflag:s7] =	ssyncadd.s32 $0xFFFFC000  }
0x183: {  	[hbm4b:s0+s2] =	stream.linear.scatter [tilespmem:s5], [sflag:$0x3], $0x4000, $0x38;
	[tilespmem:$0x9400] =	vst v63  }
0x184: {  	_ =	swait.ge [sflag:s3], $0x4000  }
0x185: {  	[sflag:s3] =	ssyncset.done $0x0  }
0x186: {  	[sflag:s3] =	ssyncadd.s32 $0xFFFFC000  }
0x187: {  	[tilespmem:s5], [sflag:$0x2] =	stream.indirect.gather [hbm4b:s4+s8], $0x80, s12, s8, $0xb8;
	[tilespmem:$0x9400] =	vst v63  }
0x188: {  	_ =	swait.ge [sflag:s9], $0x4000  }
0x189: {  	s0 =	sld [smem:$0x7E8]  }
0x18a: {  	[sflag:s9] =	ssyncset.done $0x0  }
0x18b: {  	[sflag:s9] =	ssyncadd.s32 $0xFFFFC000  }
0x18c: {  	[hbm4b:s0+s2] =	stream.linear.scatter [tilespmem:s6], [sflag:$0x3], $0x4000, $0x38;
	[tilespmem:$0x9400] =	vst v63  }
0x18d: {  	_ =	swait.ge [sflag:s3], $0x4000  }
0x18e: {  	[sflag:s3] =	ssyncset.done $0x0  }
0x18f: {  	[sflag:s3] =	ssyncadd.s32 $0xFFFFC000  }
0x190: {  	[tilespmem:s6], [sflag:$0x1] =	stream.indirect.gather [hbm4b:s4+s8], $0x80, s11, s8, $0xb8;
	[tilespmem:$0x9400] =	vst v63  }
0x191: {  	_ =	swait.ge [sflag:s7], $0x4000  }
0x192: {  	s0 =	sld [smem:$0x7E9]  }
0x193: {  	[sflag:s7] =	ssyncset.done $0x0  }
0x194: {  	[sflag:s7] =	ssyncadd.s32 $0xFFFFC000  }
0x195: {  	[hbm4b:s0+s2] =	stream.linear.scatter [tilespmem:s5], [sflag:$0x3], $0x4000, $0x38;
	[tilespmem:$0x9400] =	vst v63  }
0x196: {  	_ =	swait.ge [sflag:s3], $0x4000  }
0x197: {  	[sflag:s3] =	ssyncset.done $0x0  }
0x198: {  	[sflag:s3] =	ssyncadd.s32 $0xFFFFC000  }
0x199: {  	[tilespmem:s5], [sflag:$0x2] =	stream.indirect.gather [hbm4b:s4+s8], $0x80, s10, s8, $0xb8;
	[tilespmem:$0x9400] =	vst v63  }
0x19a: {  	_ =	swait.ge [sflag:s9], $0x4000  }
0x19b: {  	s0 =	sld [smem:$0x7EA]  }
0x19c: {  	[sflag:s9] =	ssyncset.done $0x0  }
0x19d: {  	[sflag:s9] =	ssyncadd.s32 $0xFFFFC000  }
0x19e: {  	[hbm4b:s0+s2] =	stream.linear.scatter [tilespmem:s6], [sflag:$0x3], $0x4000, $0x38;
	[tilespmem:$0x9400] =	vst v63  }
0x19f: {  	_ =	swait.ge [sflag:s3], $0x4000  }
0x1a0: {  	[sflag:s3] =	ssyncset.done $0x0  }
0x1a1: {  	[sflag:s3] =	ssyncadd.s32 $0xFFFFC000  }
0x1a2: {  	_ =	swait.ge [sflag:s7], $0x4000  }
0x1a3: {  	p1 =	sne.s32 s1, $0x1;
	s0 =	sld [smem:$0x7EB]  }
.Ltmp1:
0x1a4: {  	[sflag:s7] =	ssyncset.done $0x0;
	(pc) =	sbr.rel @!p1 .LBB2_3-.Ltmp1, $4  }
0x1a5: {  	[sflag:s7] =	ssyncadd.s32 $0xFFFFC000  }
0x1a6: {  	[hbm4b:s0+s2] =	stream.linear.scatter [tilespmem:s5], [sflag:$0x3], $0x4000, $0x38;
	[tilespmem:$0x9400] =	vst v63  }
0x1a7: {  	s1 =	sadd.s32 $0xFFFFFFFF, s1;
	_ =	swait.ge [sflag:s3], $0x4000  }
0x1a8: {  	p0 =	por $0x1, $0x1;
	s0 =	rddreg [dreg:$0x2];
	[sflag:s3] =	ssyncset.done $0x0  }
.LBB2_2:
0x1a9: {  	[sflag:s3] =	ssyncadd.s32 $0xFFFFC000  }
0x1aa: {  	[tilespmem:s2], [sflag:$0x3] =	stream.linear.gather [hbm4b:s0+s2], $0x1400, $0x38;
	[tilespmem:$0x9400] =	vst v63  }
0x1ab: {  	_ =	swait.ge [sflag:s3], $0x1400  }
0x1ac: {  	[sflag:s3] =	ssyncset.done $0x0  }
0x1ad: {  	[sflag:s3] =	ssyncadd.s32 $0xFFFFEC00  }
0x1ae: {  	[tilespmem:s6], [sflag:$0x1] =	stream.indirect.gather [hbm4b:s4+s8], $0x80, s2, s8, $0xb8;
	[tilespmem:$0x9400] =	vst v63  }
0x1af: {  	_ = 	snop  }
0x1b0: {  	[tilespmem:s5], [sflag:$0x2] =	stream.indirect.gather [hbm4b:s4+s8], $0x80, s8, s8, $0xb8;
	[tilespmem:$0x9400] =	vst v63  }
0x1b1: {  	_ =	swait.ge [sflag:s9], $0x4000  }
0x1b2: {  	[sflag:s9] =	ssyncset.done $0x0  }
0x1b3: {  	[sflag:s9] =	ssyncadd.s32 $0xFFFFC000  }
0x1b4: {  	[hbm4b:s31+s2] =	stream.linear.scatter [tilespmem:s6], [sflag:$0x3], $0x4000, $0x38;
	[tilespmem:$0x9400] =	vst v63  }
0x1b5: {  	_ =	swait.ge [sflag:s3], $0x4000  }
0x1b6: {  	s0 =	sld [smem:$0x7EC]  }
0x1b7: {  	[sflag:s3] =	ssyncset.done $0x0  }
0x1b8: {  	[sflag:s3] =	ssyncadd.s32 $0xFFFFC000  }
0x1b9: {  	[tilespmem:s6], [sflag:$0x1] =	stream.indirect.gather [hbm4b:s4+s8], $0x80, s0, s8, $0xb8;
	[tilespmem:$0x9400] =	vst v63  }
0x1ba: {  	_ =	swait.ge [sflag:s7], $0x4000  }
0x1bb: {  	[sflag:s7] =	ssyncset.done $0x0  }
0x1bc: {  	s0 =	rddreg [dreg:$0x3];
	[sflag:s7] =	ssyncadd.s32 $0xFFFFC000  }
0x1bd: {  	[hbm4b:s0+s2] =	stream.linear.scatter [tilespmem:s5], [sflag:$0x3], $0x4000, $0x38;
	[tilespmem:$0x9400] =	vst v63  }
0x1be: {  	_ =	swait.ge [sflag:s3], $0x4000  }
0x1bf: {  	s0 =	sld [smem:$0x7ED]  }
0x1c0: {  	[sflag:s3] =	ssyncset.done $0x0  }
0x1c1: {  	[sflag:s3] =	ssyncadd.s32 $0xFFFFC000  }
0x1c2: {  	[tilespmem:s5], [sflag:$0x2] =	stream.indirect.gather [hbm4b:s4+s8], $0x80, s0, s8, $0xb8;
	[tilespmem:$0x9400] =	vst v63  }
0x1c3: {  	_ =	swait.ge [sflag:s9], $0x4000  }
0x1c4: {  	[sflag:s9] =	ssyncset.done $0x0  }
0x1c5: {  	s0 =	rddreg [dreg:$0x4];
	[sflag:s9] =	ssyncadd.s32 $0xFFFFC000  }
0x1c6: {  	[hbm4b:s0+s2] =	stream.linear.scatter [tilespmem:s6], [sflag:$0x3], $0x4000, $0x38;
	[tilespmem:$0x9400] =	vst v63  }
0x1c7: {  	_ =	swait.ge [sflag:s3], $0x4000  }
0x1c8: {  	s0 =	sld [smem:$0x7EE]  }
0x1c9: {  	[sflag:s3] =	ssyncset.done $0x0  }
0x1ca: {  	[sflag:s3] =	ssyncadd.s32 $0xFFFFC000  }
0x1cb: {  	[tilespmem:s6], [sflag:$0x1] =	stream.indirect.gather [hbm4b:s4+s8], $0x80, s0, s8, $0xb8;
	[tilespmem:$0x9400] =	vst v63  }
0x1cc: {  	_ =	swait.ge [sflag:s7], $0x4000  }
0x1cd: {  	[sflag:s7] =	ssyncset.done $0x0  }
0x1ce: {  	s0 =	rddreg [dreg:$0x5];
	[sflag:s7] =	ssyncadd.s32 $0xFFFFC000  }
0x1cf: {  	[hbm4b:s0+s2] =	stream.linear.scatter [tilespmem:s5], [sflag:$0x3], $0x4000, $0x38;
	[tilespmem:$0x9400] =	vst v63  }
0x1d0: {  	_ =	swait.ge [sflag:s3], $0x4000  }
0x1d1: {  	s0 =	sld [smem:$0x7EF]  }
0x1d2: {  	[sflag:s3] =	ssyncset.done $0x0  }
0x1d3: {  	[sflag:s3] =	ssyncadd.s32 $0xFFFFC000  }
0x1d4: {  	[tilespmem:s5], [sflag:$0x2] =	stream.indirect.gather [hbm4b:s4+s8], $0x80, s0, s8, $0xb8;
	[tilespmem:$0x9400] =	vst v63  }
0x1d5: {  	_ =	swait.ge [sflag:s9], $0x4000  }
0x1d6: {  	[sflag:s9] =	ssyncset.done $0x0  }
0x1d7: {  	s0 =	rddreg [dreg:$0x6];
	[sflag:s9] =	ssyncadd.s32 $0xFFFFC000  }
0x1d8: {  	[hbm4b:s0+s2] =	stream.linear.scatter [tilespmem:s6], [sflag:$0x3], $0x4000, $0x38;
	[tilespmem:$0x9400] =	vst v63  }
0x1d9: {  	_ =	swait.ge [sflag:s3], $0x4000  }
0x1da: {  	s0 =	sld [smem:$0x7F0]  }
0x1db: {  	[sflag:s3] =	ssyncset.done $0x0  }
0x1dc: {  	[sflag:s3] =	ssyncadd.s32 $0xFFFFC000  }
0x1dd: {  	[tilespmem:s6], [sflag:$0x1] =	stream.indirect.gather [hbm4b:s4+s8], $0x80, s0, s8, $0xb8;
	[tilespmem:$0x9400] =	vst v63  }
0x1de: {  	_ =	swait.ge [sflag:s7], $0x4000  }
0x1df: {  	[sflag:s7] =	ssyncset.done $0x0  }
0x1e0: {  	s0 =	rddreg [dreg:$0x7];
	[sflag:s7] =	ssyncadd.s32 $0xFFFFC000  }
0x1e1: {  	[hbm4b:s0+s2] =	stream.linear.scatter [tilespmem:s5], [sflag:$0x3], $0x4000, $0x38;
	[tilespmem:$0x9400] =	vst v63  }
0x1e2: {  	_ =	swait.ge [sflag:s3], $0x4000  }
0x1e3: {  	s0 =	sld [smem:$0x7F1]  }
0x1e4: {  	[sflag:s3] =	ssyncset.done $0x0  }
0x1e5: {  	[sflag:s3] =	ssyncadd.s32 $0xFFFFC000  }
0x1e6: {  	[tilespmem:s5], [sflag:$0x2] =	stream.indirect.gather [hbm4b:s4+s8], $0x80, s0, s8, $0xb8;
	[tilespmem:$0x9400] =	vst v63  }
0x1e7: {  	_ =	swait.ge [sflag:s9], $0x4000  }
0x1e8: {  	[sflag:s9] =	ssyncset.done $0x0  }
0x1e9: {  	s0 =	rddreg [dreg:$0x8];
	[sflag:s9] =	ssyncadd.s32 $0xFFFFC000  }
0x1ea: {  	[hbm4b:s0+s2] =	stream.linear.scatter [tilespmem:s6], [sflag:$0x3], $0x4000, $0x38;
	[tilespmem:$0x9400] =	vst v63  }
0x1eb: {  	_ =	swait.ge [sflag:s3], $0x4000  }
0x1ec: {  	s0 =	sld [smem:$0x7F2]  }
0x1ed: {  	[sflag:s3] =	ssyncset.done $0x0  }
0x1ee: {  	[sflag:s3] =	ssyncadd.s32 $0xFFFFC000  }
0x1ef: {  	[tilespmem:s6], [sflag:$0x1] =	stream.indirect.gather [hbm4b:s4+s8], $0x80, s0, s8, $0xb8;
	[tilespmem:$0x9400] =	vst v63  }
0x1f0: {  	_ =	swait.ge [sflag:s7], $0x4000  }
0x1f1: {  	[sflag:s7] =	ssyncset.done $0x0  }
0x1f2: {  	s0 =	rddreg [dreg:$0x9];
	[sflag:s7] =	ssyncadd.s32 $0xFFFFC000  }
0x1f3: {  	[hbm4b:s0+s2] =	stream.linear.scatter [tilespmem:s5], [sflag:$0x3], $0x4000, $0x38;
	[tilespmem:$0x9400] =	vst v63  }
0x1f4: {  	_ =	swait.ge [sflag:s3], $0x4000  }
0x1f5: {  	s0 =	sld [smem:$0x7F3]  }
0x1f6: {  	[sflag:s3] =	ssyncset.done $0x0  }
0x1f7: {  	[sflag:s3] =	ssyncadd.s32 $0xFFFFC000  }
0x1f8: {  	[tilespmem:s5], [sflag:$0x2] =	stream.indirect.gather [hbm4b:s4+s8], $0x80, s0, s8, $0xb8;
	[tilespmem:$0x9400] =	vst v63  }
0x1f9: {  	_ =	swait.ge [sflag:s9], $0x4000  }
0x1fa: {  	[sflag:s9] =	ssyncset.done $0x0  }
0x1fb: {  	s0 =	rddreg [dreg:$0xa];
	[sflag:s9] =	ssyncadd.s32 $0xFFFFC000  }
0x1fc: {  	[hbm4b:s0+s2] =	stream.linear.scatter [tilespmem:s6], [sflag:$0x3], $0x4000, $0x38;
	[tilespmem:$0x9400] =	vst v63  }
0x1fd: {  	_ =	swait.ge [sflag:s3], $0x4000  }
0x1fe: {  	s0 =	sld [smem:$0x7F4]  }
0x1ff: {  	[sflag:s3] =	ssyncset.done $0x0  }
0x200: {  	[sflag:s3] =	ssyncadd.s32 $0xFFFFC000  }
0x201: {  	[tilespmem:s6], [sflag:$0x1] =	stream.indirect.gather [hbm4b:s4+s8], $0x80, s0, s8, $0xb8;
	[tilespmem:$0x9400] =	vst v63  }
0x202: {  	_ =	swait.ge [sflag:s7], $0x4000  }
0x203: {  	[sflag:s7] =	ssyncset.done $0x0  }
0x204: {  	s0 =	rddreg [dreg:$0xb];
	[sflag:s7] =	ssyncadd.s32 $0xFFFFC000  }
0x205: {  	[hbm4b:s0+s2] =	stream.linear.scatter [tilespmem:s5], [sflag:$0x3], $0x4000, $0x38;
	[tilespmem:$0x9400] =	vst v63  }
0x206: {  	_ =	swait.ge [sflag:s3], $0x4000  }
0x207: {  	s0 =	sld [smem:$0x7F5]  }
0x208: {  	[sflag:s3] =	ssyncset.done $0x0  }
0x209: {  	[sflag:s3] =	ssyncadd.s32 $0xFFFFC000  }
0x20a: {  	[tilespmem:s5], [sflag:$0x2] =	stream.indirect.gather [hbm4b:s4+s8], $0x80, s0, s8, $0xb8;
	[tilespmem:$0x9400] =	vst v63  }
0x20b: {  	_ =	swait.ge [sflag:s9], $0x4000  }
0x20c: {  	[sflag:s9] =	ssyncset.done $0x0  }
0x20d: {  	s0 =	rddreg [dreg:$0xc];
	[sflag:s9] =	ssyncadd.s32 $0xFFFFC000  }
0x20e: {  	[hbm4b:s0+s2] =	stream.linear.scatter [tilespmem:s6], [sflag:$0x3], $0x4000, $0x38;
	[tilespmem:$0x9400] =	vst v63  }
0x20f: {  	_ =	swait.ge [sflag:s3], $0x4000  }
0x210: {  	s0 =	sld [smem:$0x7F6]  }
0x211: {  	[sflag:s3] =	ssyncset.done $0x0  }
0x212: {  	[sflag:s3] =	ssyncadd.s32 $0xFFFFC000  }
0x213: {  	[tilespmem:s6], [sflag:$0x1] =	stream.indirect.gather [hbm4b:s4+s8], $0x80, s0, s8, $0xb8;
	[tilespmem:$0x9400] =	vst v63  }
0x214: {  	_ =	swait.ge [sflag:s7], $0x4000  }
0x215: {  	[sflag:s7] =	ssyncset.done $0x0  }
0x216: {  	s0 =	rddreg [dreg:$0xd];
	[sflag:s7] =	ssyncadd.s32 $0xFFFFC000  }
0x217: {  	[hbm4b:s0+s2] =	stream.linear.scatter [tilespmem:s5], [sflag:$0x3], $0x4000, $0x38;
	[tilespmem:$0x9400] =	vst v63  }
0x218: {  	_ =	swait.ge [sflag:s3], $0x4000  }
0x219: {  	s0 =	sld [smem:$0x7F7]  }
0x21a: {  	[sflag:s3] =	ssyncset.done $0x0  }
0x21b: {  	[sflag:s3] =	ssyncadd.s32 $0xFFFFC000  }
0x21c: {  	[tilespmem:s5], [sflag:$0x2] =	stream.indirect.gather [hbm4b:s4+s8], $0x80, s0, s8, $0xb8;
	[tilespmem:$0x9400] =	vst v63  }
0x21d: {  	_ =	swait.ge [sflag:s9], $0x4000  }
0x21e: {  	[sflag:s9] =	ssyncset.done $0x0  }
0x21f: {  	s0 =	rddreg [dreg:$0xe];
	[sflag:s9] =	ssyncadd.s32 $0xFFFFC000  }
0x220: {  	[hbm4b:s0+s2] =	stream.linear.scatter [tilespmem:s6], [sflag:$0x3], $0x4000, $0x38;
	[tilespmem:$0x9400] =	vst v63  }
0x221: {  	_ =	swait.ge [sflag:s3], $0x4000  }
0x222: {  	s0 =	sld [smem:$0x7F8]  }
0x223: {  	[sflag:s3] =	ssyncset.done $0x0  }
0x224: {  	[sflag:s3] =	ssyncadd.s32 $0xFFFFC000  }
0x225: {  	[tilespmem:s6], [sflag:$0x1] =	stream.indirect.gather [hbm4b:s4+s8], $0x80, s0, s8, $0xb8;
	[tilespmem:$0x9400] =	vst v63  }
0x226: {  	_ =	swait.ge [sflag:s7], $0x4000  }
0x227: {  	[sflag:s7] =	ssyncset.done $0x0  }
0x228: {  	s0 =	rddreg [dreg:$0xf];
	[sflag:s7] =	ssyncadd.s32 $0xFFFFC000  }
0x229: {  	[hbm4b:s0+s2] =	stream.linear.scatter [tilespmem:s5], [sflag:$0x3], $0x4000, $0x38;
	[tilespmem:$0x9400] =	vst v63  }
0x22a: {  	_ =	swait.ge [sflag:s3], $0x4000  }
0x22b: {  	s0 =	sld [smem:$0x7F9]  }
0x22c: {  	[sflag:s3] =	ssyncset.done $0x0  }
0x22d: {  	[sflag:s3] =	ssyncadd.s32 $0xFFFFC000  }
0x22e: {  	[tilespmem:s5], [sflag:$0x2] =	stream.indirect.gather [hbm4b:s4+s8], $0x80, s0, s8, $0xb8;
	[tilespmem:$0x9400] =	vst v63  }
0x22f: {  	_ =	swait.ge [sflag:s9], $0x4000  }
0x230: {  	[sflag:s9] =	ssyncset.done $0x0  }
0x231: {  	s0 =	rddreg [dreg:$0x10];
	[sflag:s9] =	ssyncadd.s32 $0xFFFFC000  }
0x232: {  	[hbm4b:s0+s2] =	stream.linear.scatter [tilespmem:s6], [sflag:$0x3], $0x4000, $0x38;
	[tilespmem:$0x9400] =	vst v63  }
0x233: {  	_ =	swait.ge [sflag:s3], $0x4000  }
0x234: {  	s0 =	sld [smem:$0x7FA]  }
0x235: {  	[sflag:s3] =	ssyncset.done $0x0  }
0x236: {  	[sflag:s3] =	ssyncadd.s32 $0xFFFFC000  }
0x237: {  	[tilespmem:s6], [sflag:$0x1] =	stream.indirect.gather [hbm4b:s4+s8], $0x80, s0, s8, $0xb8;
	[tilespmem:$0x9400] =	vst v63  }
0x238: {  	_ =	swait.ge [sflag:s7], $0x4000  }
0x239: {  	[sflag:s7] =	ssyncset.done $0x0  }
0x23a: {  	s0 =	rddreg [dreg:$0x11];
	[sflag:s7] =	ssyncadd.s32 $0xFFFFC000  }
0x23b: {  	[hbm4b:s0+s2] =	stream.linear.scatter [tilespmem:s5], [sflag:$0x3], $0x4000, $0x38;
	[tilespmem:$0x9400] =	vst v63  }
0x23c: {  	_ =	swait.ge [sflag:s3], $0x4000  }
0x23d: {  	s0 =	sld [smem:$0x7FB]  }
0x23e: {  	[sflag:s3] =	ssyncset.done $0x0  }
0x23f: {  	[sflag:s3] =	ssyncadd.s32 $0xFFFFC000  }
0x240: {  	[tilespmem:s5], [sflag:$0x2] =	stream.indirect.gather [hbm4b:s4+s8], $0x80, s0, s8, $0xb8;
	[tilespmem:$0x9400] =	vst v63  }
0x241: {  	_ =	swait.ge [sflag:s9], $0x4000  }
0x242: {  	[sflag:s9] =	ssyncset.done $0x0  }
0x243: {  	s0 =	rddreg [dreg:$0x12];
	[sflag:s9] =	ssyncadd.s32 $0xFFFFC000  }
0x244: {  	[hbm4b:s0+s2] =	stream.linear.scatter [tilespmem:s6], [sflag:$0x3], $0x4000, $0x38;
	[tilespmem:$0x9400] =	vst v63  }
0x245: {  	_ =	swait.ge [sflag:s3], $0x4000  }
0x246: {  	s0 =	sld [smem:$0x7FC]  }
0x247: {  	[sflag:s3] =	ssyncset.done $0x0  }
0x248: {  	[sflag:s3] =	ssyncadd.s32 $0xFFFFC000  }
0x249: {  	[tilespmem:s6], [sflag:$0x1] =	stream.indirect.gather [hbm4b:s4+s8], $0x80, s0, s8, $0xb8;
	[tilespmem:$0x9400] =	vst v63  }
0x24a: {  	_ =	swait.ge [sflag:s7], $0x4000  }
0x24b: {  	[sflag:s7] =	ssyncset.done $0x0  }
0x24c: {  	s0 =	rddreg [dreg:$0x13];
	[sflag:s7] =	ssyncadd.s32 $0xFFFFC000  }
0x24d: {  	[hbm4b:s0+s2] =	stream.linear.scatter [tilespmem:s5], [sflag:$0x3], $0x4000, $0x38;
	[tilespmem:$0x9400] =	vst v63  }
0x24e: {  	_ =	swait.ge [sflag:s3], $0x4000  }
0x24f: {  	s0 =	sld [smem:$0x7FD]  }
0x250: {  	[sflag:s3] =	ssyncset.done $0x0  }
0x251: {  	[sflag:s3] =	ssyncadd.s32 $0xFFFFC000  }
0x252: {  	[tilespmem:s5], [sflag:$0x2] =	stream.indirect.gather [hbm4b:s4+s8], $0x80, s0, s8, $0xb8;
	[tilespmem:$0x9400] =	vst v63  }
0x253: {  	_ =	swait.ge [sflag:s9], $0x4000  }
0x254: {  	[sflag:s9] =	ssyncset.done $0x0  }
0x255: {  	s0 =	rddreg [dreg:$0x14];
	[sflag:s9] =	ssyncadd.s32 $0xFFFFC000  }
0x256: {  	[hbm4b:s0+s2] =	stream.linear.scatter [tilespmem:s6], [sflag:$0x3], $0x4000, $0x38;
	[tilespmem:$0x9400] =	vst v63  }
0x257: {  	_ =	swait.ge [sflag:s3], $0x4000  }
0x258: {  	[sflag:s3] =	ssyncset.done $0x0  }
0x259: {  	[sflag:s3] =	ssyncadd.s32 $0xFFFFC000  }
0x25a: {  	[tilespmem:s6], [sflag:$0x1] =	stream.indirect.gather [hbm4b:s4+s8], $0x80, s30, s8, $0xb8;
	[tilespmem:$0x9400] =	vst v63  }
0x25b: {  	_ =	swait.ge [sflag:s7], $0x4000  }
0x25c: {  	[sflag:s7] =	ssyncset.done $0x0  }
0x25d: {  	s0 =	rddreg [dreg:$0x15];
	[sflag:s7] =	ssyncadd.s32 $0xFFFFC000  }
0x25e: {  	[hbm4b:s0+s2] =	stream.linear.scatter [tilespmem:s5], [sflag:$0x3], $0x4000, $0x38;
	[tilespmem:$0x9400] =	vst v63  }
0x25f: {  	_ =	swait.ge [sflag:s3], $0x4000  }
0x260: {  	[sflag:s3] =	ssyncset.done $0x0  }
0x261: {  	[sflag:s3] =	ssyncadd.s32 $0xFFFFC000  }
0x262: {  	[tilespmem:s5], [sflag:$0x2] =	stream.indirect.gather [hbm4b:s4+s8], $0x80, s29, s8, $0xb8;
	[tilespmem:$0x9400] =	vst v63  }
0x263: {  	_ =	swait.ge [sflag:s9], $0x4000  }
0x264: {  	[sflag:s9] =	ssyncset.done $0x0  }
0x265: {  	s0 =	rddreg [dreg:$0x16];
	[sflag:s9] =	ssyncadd.s32 $0xFFFFC000  }
0x266: {  	[hbm4b:s0+s2] =	stream.linear.scatter [tilespmem:s6], [sflag:$0x3], $0x4000, $0x38;
	[tilespmem:$0x9400] =	vst v63  }
0x267: {  	_ =	swait.ge [sflag:s3], $0x4000  }
0x268: {  	[sflag:s3] =	ssyncset.done $0x0  }
0x269: {  	[sflag:s3] =	ssyncadd.s32 $0xFFFFC000  }
0x26a: {  	[tilespmem:s6], [sflag:$0x1] =	stream.indirect.gather [hbm4b:s4+s8], $0x80, s28, s8, $0xb8;
	[tilespmem:$0x9400] =	vst v63  }
0x26b: {  	_ =	swait.ge [sflag:s7], $0x4000  }
0x26c: {  	[sflag:s7] =	ssyncset.done $0x0  }
0x26d: {  	s0 =	rddreg [dreg:$0x17];
	[sflag:s7] =	ssyncadd.s32 $0xFFFFC000  }
0x26e: {  	[hbm4b:s0+s2] =	stream.linear.scatter [tilespmem:s5], [sflag:$0x3], $0x4000, $0x38;
	[tilespmem:$0x9400] =	vst v63  }
0x26f: {  	_ =	swait.ge [sflag:s3], $0x4000  }
0x270: {  	[sflag:s3] =	ssyncset.done $0x0  }
0x271: {  	[sflag:s3] =	ssyncadd.s32 $0xFFFFC000  }
0x272: {  	[tilespmem:s5], [sflag:$0x2] =	stream.indirect.gather [hbm4b:s4+s8], $0x80, s26, s8, $0xb8;
	[tilespmem:$0x9400] =	vst v63  }
0x273: {  	_ =	swait.ge [sflag:s9], $0x4000  }
0x274: {  	[sflag:s9] =	ssyncset.done $0x0  }
0x275: {  	s0 =	rddreg [dreg:$0x18];
	[sflag:s9] =	ssyncadd.s32 $0xFFFFC000  }
0x276: {  	[hbm4b:s0+s2] =	stream.linear.scatter [tilespmem:s6], [sflag:$0x3], $0x4000, $0x38;
	[tilespmem:$0x9400] =	vst v63  }
0x277: {  	_ =	swait.ge [sflag:s3], $0x4000  }
0x278: {  	[sflag:s3] =	ssyncset.done $0x0  }
0x279: {  	[sflag:s3] =	ssyncadd.s32 $0xFFFFC000  }
0x27a: {  	[tilespmem:s6], [sflag:$0x1] =	stream.indirect.gather [hbm4b:s4+s8], $0x80, s25, s8, $0xb8;
	[tilespmem:$0x9400] =	vst v63  }
0x27b: {  	_ =	swait.ge [sflag:s7], $0x4000  }
0x27c: {  	[sflag:s7] =	ssyncset.done $0x0  }
0x27d: {  	s0 =	rddreg [dreg:$0x19];
	[sflag:s7] =	ssyncadd.s32 $0xFFFFC000  }
0x27e: {  	[hbm4b:s0+s2] =	stream.linear.scatter [tilespmem:s5], [sflag:$0x3], $0x4000, $0x38;
	[tilespmem:$0x9400] =	vst v63  }
0x27f: {  	_ =	swait.ge [sflag:s3], $0x4000  }
0x280: {  	[sflag:s3] =	ssyncset.done $0x0  }
0x281: {  	[sflag:s3] =	ssyncadd.s32 $0xFFFFC000  }
0x282: {  	[tilespmem:s5], [sflag:$0x2] =	stream.indirect.gather [hbm4b:s4+s8], $0x80, s24, s8, $0xb8;
	[tilespmem:$0x9400] =	vst v63  }
0x283: {  	_ =	swait.ge [sflag:s9], $0x4000  }
0x284: {  	[sflag:s9] =	ssyncset.done $0x0  }
0x285: {  	s0 =	rddreg [dreg:$0x1a];
	[sflag:s9] =	ssyncadd.s32 $0xFFFFC000  }
0x286: {  	[hbm4b:s0+s2] =	stream.linear.scatter [tilespmem:s6], [sflag:$0x3], $0x4000, $0x38;
	[tilespmem:$0x9400] =	vst v63  }
0x287: {  	_ =	swait.ge [sflag:s3], $0x4000  }
0x288: {  	[sflag:s3] =	ssyncset.done $0x0  }
0x289: {  	[sflag:s3] =	ssyncadd.s32 $0xFFFFC000  }
0x28a: {  	[tilespmem:s6], [sflag:$0x1] =	stream.indirect.gather [hbm4b:s4+s8], $0x80, s23, s8, $0xb8;
	[tilespmem:$0x9400] =	vst v63  }
0x28b: {  	_ =	swait.ge [sflag:s7], $0x4000  }
0x28c: {  	[sflag:s7] =	ssyncset.done $0x0  }
0x28d: {  	s0 =	rddreg [dreg:$0x1b];
	[sflag:s7] =	ssyncadd.s32 $0xFFFFC000  }
0x28e: {  	[hbm4b:s0+s2] =	stream.linear.scatter [tilespmem:s5], [sflag:$0x3], $0x4000, $0x38;
	[tilespmem:$0x9400] =	vst v63  }
0x28f: {  	_ =	swait.ge [sflag:s3], $0x4000  }
0x290: {  	[sflag:s3] =	ssyncset.done $0x0  }
0x291: {  	[sflag:s3] =	ssyncadd.s32 $0xFFFFC000  }
0x292: {  	[tilespmem:s5], [sflag:$0x2] =	stream.indirect.gather [hbm4b:s4+s8], $0x80, s22, s8, $0xb8;
	[tilespmem:$0x9400] =	vst v63  }
0x293: {  	_ =	swait.ge [sflag:s9], $0x4000  }
0x294: {  	[sflag:s9] =	ssyncset.done $0x0  }
0x295: {  	s0 =	rddreg [dreg:$0x1c];
	[sflag:s9] =	ssyncadd.s32 $0xFFFFC000  }
0x296: {  	[hbm4b:s0+s2] =	stream.linear.scatter [tilespmem:s6], [sflag:$0x3], $0x4000, $0x38;
	[tilespmem:$0x9400] =	vst v63  }
0x297: {  	_ =	swait.ge [sflag:s3], $0x4000  }
0x298: {  	[sflag:s3] =	ssyncset.done $0x0  }
0x299: {  	[sflag:s3] =	ssyncadd.s32 $0xFFFFC000  }
0x29a: {  	[tilespmem:s6], [sflag:$0x1] =	stream.indirect.gather [hbm4b:s4+s8], $0x80, s21, s8, $0xb8;
	[tilespmem:$0x9400] =	vst v63  }
0x29b: {  	_ =	swait.ge [sflag:s7], $0x4000  }
0x29c: {  	[sflag:s7] =	ssyncset.done $0x0  }
0x29d: {  	s0 =	rddreg [dreg:$0x1d];
	[sflag:s7] =	ssyncadd.s32 $0xFFFFC000  }
0x29e: {  	[hbm4b:s0+s2] =	stream.linear.scatter [tilespmem:s5], [sflag:$0x3], $0x4000, $0x38;
	[tilespmem:$0x9400] =	vst v63  }
0x29f: {  	_ =	swait.ge [sflag:s3], $0x4000  }
0x2a0: {  	[sflag:s3] =	ssyncset.done $0x0  }
0x2a1: {  	[sflag:s3] =	ssyncadd.s32 $0xFFFFC000  }
0x2a2: {  	[tilespmem:s5], [sflag:$0x2] =	stream.indirect.gather [hbm4b:s4+s8], $0x80, s20, s8, $0xb8;
	[tilespmem:$0x9400] =	vst v63  }
0x2a3: {  	_ =	swait.ge [sflag:s9], $0x4000  }
0x2a4: {  	[sflag:s9] =	ssyncset.done $0x0  }
0x2a5: {  	s0 =	rddreg [dreg:$0x1e];
	[sflag:s9] =	ssyncadd.s32 $0xFFFFC000  }
0x2a6: {  	[hbm4b:s0+s2] =	stream.linear.scatter [tilespmem:s6], [sflag:$0x3], $0x4000, $0x38;
	[tilespmem:$0x9400] =	vst v63  }
0x2a7: {  	_ =	swait.ge [sflag:s3], $0x4000  }
0x2a8: {  	[sflag:s3] =	ssyncset.done $0x0  }
0x2a9: {  	[sflag:s3] =	ssyncadd.s32 $0xFFFFC000  }
0x2aa: {  	[tilespmem:s6], [sflag:$0x1] =	stream.indirect.gather [hbm4b:s4+s8], $0x80, s19, s8, $0xb8;
	[tilespmem:$0x9400] =	vst v63  }
0x2ab: {  	_ =	swait.ge [sflag:s7], $0x4000  }
0x2ac: {  	[sflag:s7] =	ssyncset.done $0x0  }
0x2ad: {  	s0 =	rddreg [dreg:$0x1f];
	[sflag:s7] =	ssyncadd.s32 $0xFFFFC000  }
0x2ae: {  	[hbm4b:s0+s2] =	stream.linear.scatter [tilespmem:s5], [sflag:$0x3], $0x4000, $0x38;
	[tilespmem:$0x9400] =	vst v63  }
0x2af: {  	_ =	swait.ge [sflag:s3], $0x4000  }
0x2b0: {  	[sflag:s3] =	ssyncset.done $0x0  }
0x2b1: {  	[sflag:s3] =	ssyncadd.s32 $0xFFFFC000  }
0x2b2: {  	[tilespmem:s5], [sflag:$0x2] =	stream.indirect.gather [hbm4b:s4+s8], $0x80, s18, s8, $0xb8;
	[tilespmem:$0x9400] =	vst v63  }
0x2b3: {  	_ =	swait.ge [sflag:s9], $0x4000  }
0x2b4: {  	s0 =	sld [smem:$0x7E2]  }
0x2b5: {  	[sflag:s9] =	ssyncset.done $0x0  }
0x2b6: {  	[sflag:s9] =	ssyncadd.s32 $0xFFFFC000  }
0x2b7: {  	[hbm4b:s0+s2] =	stream.linear.scatter [tilespmem:s6], [sflag:$0x3], $0x4000, $0x38;
	[tilespmem:$0x9400] =	vst v63  }
0x2b8: {  	_ =	swait.ge [sflag:s3], $0x4000  }
0x2b9: {  	[sflag:s3] =	ssyncset.done $0x0  }
0x2ba: {  	[sflag:s3] =	ssyncadd.s32 $0xFFFFC000  }
0x2bb: {  	[tilespmem:s6], [sflag:$0x1] =	stream.indirect.gather [hbm4b:s4+s8], $0x80, s17, s8, $0xb8;
	[tilespmem:$0x9400] =	vst v63  }
0x2bc: {  	_ =	swait.ge [sflag:s7], $0x4000  }
0x2bd: {  	s0 =	sld [smem:$0x7E3]  }
0x2be: {  	[sflag:s7] =	ssyncset.done $0x0  }
0x2bf: {  	[sflag:s7] =	ssyncadd.s32 $0xFFFFC000  }
0x2c0: {  	[hbm4b:s0+s2] =	stream.linear.scatter [tilespmem:s5], [sflag:$0x3], $0x4000, $0x38;
	[tilespmem:$0x9400] =	vst v63  }
0x2c1: {  	_ =	swait.ge [sflag:s3], $0x4000  }
0x2c2: {  	[sflag:s3] =	ssyncset.done $0x0  }
0x2c3: {  	[sflag:s3] =	ssyncadd.s32 $0xFFFFC000  }
0x2c4: {  	[tilespmem:s5], [sflag:$0x2] =	stream.indirect.gather [hbm4b:s4+s8], $0x80, s16, s8, $0xb8;
	[tilespmem:$0x9400] =	vst v63  }
0x2c5: {  	_ =	swait.ge [sflag:s9], $0x4000  }
0x2c6: {  	s0 =	sld [smem:$0x7E4]  }
0x2c7: {  	[sflag:s9] =	ssyncset.done $0x0  }
0x2c8: {  	[sflag:s9] =	ssyncadd.s32 $0xFFFFC000  }
0x2c9: {  	[hbm4b:s0+s2] =	stream.linear.scatter [tilespmem:s6], [sflag:$0x3], $0x4000, $0x38;
	[tilespmem:$0x9400] =	vst v63  }
0x2ca: {  	_ =	swait.ge [sflag:s3], $0x4000  }
0x2cb: {  	[sflag:s3] =	ssyncset.done $0x0  }
0x2cc: {  	[sflag:s3] =	ssyncadd.s32 $0xFFFFC000  }
0x2cd: {  	[tilespmem:s6], [sflag:$0x1] =	stream.indirect.gather [hbm4b:s4+s8], $0x80, s15, s8, $0xb8;
	[tilespmem:$0x9400] =	vst v63  }
0x2ce: {  	_ =	swait.ge [sflag:s7], $0x4000  }
0x2cf: {  	s0 =	sld [smem:$0x7E5]  }
0x2d0: {  	[sflag:s7] =	ssyncset.done $0x0  }
0x2d1: {  	[sflag:s7] =	ssyncadd.s32 $0xFFFFC000  }
0x2d2: {  	[hbm4b:s0+s2] =	stream.linear.scatter [tilespmem:s5], [sflag:$0x3], $0x4000, $0x38;
	[tilespmem:$0x9400] =	vst v63  }
0x2d3: {  	_ =	swait.ge [sflag:s3], $0x4000  }
0x2d4: {  	[sflag:s3] =	ssyncset.done $0x0  }
0x2d5: {  	[sflag:s3] =	ssyncadd.s32 $0xFFFFC000  }
0x2d6: {  	[tilespmem:s5], [sflag:$0x2] =	stream.indirect.gather [hbm4b:s4+s8], $0x80, s14, s8, $0xb8;
	[tilespmem:$0x9400] =	vst v63  }
0x2d7: {  	_ =	swait.ge [sflag:s9], $0x4000  }
0x2d8: {  	s0 =	sld [smem:$0x7E6]  }
0x2d9: {  	[sflag:s9] =	ssyncset.done $0x0  }
0x2da: {  	[sflag:s9] =	ssyncadd.s32 $0xFFFFC000  }
0x2db: {  	[hbm4b:s0+s2] =	stream.linear.scatter [tilespmem:s6], [sflag:$0x3], $0x4000, $0x38;
	[tilespmem:$0x9400] =	vst v63  }
0x2dc: {  	_ =	swait.ge [sflag:s3], $0x4000  }
0x2dd: {  	[sflag:s3] =	ssyncset.done $0x0  }
0x2de: {  	[sflag:s3] =	ssyncadd.s32 $0xFFFFC000  }
0x2df: {  	[tilespmem:s6], [sflag:$0x1] =	stream.indirect.gather [hbm4b:s4+s8], $0x80, s13, s8, $0xb8;
	[tilespmem:$0x9400] =	vst v63  }
0x2e0: {  	_ =	swait.ge [sflag:s7], $0x4000  }
0x2e1: {  	s0 =	sld [smem:$0x7E7]  }
0x2e2: {  	[sflag:s7] =	ssyncset.done $0x0  }
0x2e3: {  	[sflag:s7] =	ssyncadd.s32 $0xFFFFC000  }
0x2e4: {  	[hbm4b:s0+s2] =	stream.linear.scatter [tilespmem:s5], [sflag:$0x3], $0x4000, $0x38;
	[tilespmem:$0x9400] =	vst v63  }
0x2e5: {  	_ =	swait.ge [sflag:s3], $0x4000  }
0x2e6: {  	[sflag:s3] =	ssyncset.done $0x0  }
0x2e7: {  	[sflag:s3] =	ssyncadd.s32 $0xFFFFC000  }
0x2e8: {  	[tilespmem:s5], [sflag:$0x2] =	stream.indirect.gather [hbm4b:s4+s8], $0x80, s12, s8, $0xb8;
	[tilespmem:$0x9400] =	vst v63  }
0x2e9: {  	_ =	swait.ge [sflag:s9], $0x4000  }
0x2ea: {  	s0 =	sld [smem:$0x7E8]  }
0x2eb: {  	[sflag:s9] =	ssyncset.done $0x0  }
0x2ec: {  	[sflag:s9] =	ssyncadd.s32 $0xFFFFC000  }
0x2ed: {  	[hbm4b:s0+s2] =	stream.linear.scatter [tilespmem:s6], [sflag:$0x3], $0x4000, $0x38;
	[tilespmem:$0x9400] =	vst v63  }
0x2ee: {  	_ =	swait.ge [sflag:s3], $0x4000  }
0x2ef: {  	[sflag:s3] =	ssyncset.done $0x0  }
0x2f0: {  	[sflag:s3] =	ssyncadd.s32 $0xFFFFC000  }
0x2f1: {  	[tilespmem:s6], [sflag:$0x1] =	stream.indirect.gather [hbm4b:s4+s8], $0x80, s11, s8, $0xb8;
	[tilespmem:$0x9400] =	vst v63  }
0x2f2: {  	_ =	swait.ge [sflag:s7], $0x4000  }
0x2f3: {  	s0 =	sld [smem:$0x7E9]  }
0x2f4: {  	[sflag:s7] =	ssyncset.done $0x0  }
0x2f5: {  	[sflag:s7] =	ssyncadd.s32 $0xFFFFC000  }
0x2f6: {  	[hbm4b:s0+s2] =	stream.linear.scatter [tilespmem:s5], [sflag:$0x3], $0x4000, $0x38;
	[tilespmem:$0x9400] =	vst v63  }
0x2f7: {  	_ =	swait.ge [sflag:s3], $0x4000  }
0x2f8: {  	[sflag:s3] =	ssyncset.done $0x0  }
0x2f9: {  	[sflag:s3] =	ssyncadd.s32 $0xFFFFC000  }
0x2fa: {  	[tilespmem:s5], [sflag:$0x2] =	stream.indirect.gather [hbm4b:s4+s8], $0x80, s10, s8, $0xb8;
	[tilespmem:$0x9400] =	vst v63  }
0x2fb: {  	_ =	swait.ge [sflag:s9], $0x4000  }
0x2fc: {  	s0 =	sld [smem:$0x7EA]  }
0x2fd: {  	[sflag:s9] =	ssyncset.done $0x0  }
0x2fe: {  	[sflag:s9] =	ssyncadd.s32 $0xFFFFC000  }
0x2ff: {  	[hbm4b:s0+s2] =	stream.linear.scatter [tilespmem:s6], [sflag:$0x3], $0x4000, $0x38;
	[tilespmem:$0x9400] =	vst v63  }
0x300: {  	_ =	swait.ge [sflag:s3], $0x4000  }
0x301: {  	[sflag:s3] =	ssyncset.done $0x0  }
0x302: {  	[sflag:s3] =	ssyncadd.s32 $0xFFFFC000  }
0x303: {  	_ =	swait.ge [sflag:s7], $0x4000  }
0x304: {  	p1 =	sne.s32 s1, $0x1;
	s0 =	sld [smem:$0x7EB]  }
.Ltmp2:
0x305: {  	[sflag:s7] =	ssyncset.done $0x0;
	(pc) =	sbr.rel @p1 .LBB2_2-.Ltmp2, $4  }
0x306: {  	[sflag:s7] =	ssyncadd.s32 $0xFFFFC000  }
0x307: {  	[hbm4b:s0+s2] =	stream.linear.scatter [tilespmem:s5], [sflag:$0x3], $0x4000, $0x38;
	[tilespmem:$0x9400] =	vst v63  }
0x308: {  	_ =	swait.ge [sflag:s3], $0x4000  }
0x309: {  	s1 =	sadd.s32 $0xFFFFFFFF, s1;
	s0 =	rddreg [dreg:$0x2];
	[sflag:s3] =	ssyncset.done $0x0  }
.LBB2_3:
0x30a: {  	[sflag:s3] =	ssyncadd.s32 @p0 $0xFFFFC000  }
0x30b: {  	[tilespmem:s2], [sflag:$0x3] =	stream.linear.gather [hbm4b:s0+s2], $0x1400, $0x38;
	[tilespmem:$0x9400] =	vst v63  }
0x30c: {  	_ =	swait.ge [sflag:s3], $0x1400  }
0x30d: {  	[sflag:s3] =	ssyncset.done $0x0  }
0x30e: {  	[sflag:s3] =	ssyncadd.s32 $0xFFFFEC00  }
0x30f: {  	[tilespmem:s6], [sflag:$0x1] =	stream.indirect.gather [hbm4b:s4+s8], $0x80, s2, s8, $0xb8;
	[tilespmem:$0x9400] =	vst v63  }
0x310: {  	_ = 	snop  }
0x311: {  	[tilespmem:s5], [sflag:$0x2] =	stream.indirect.gather [hbm4b:s4+s8], $0x80, s8, s8, $0xb8;
	[tilespmem:$0x9400] =	vst v63  }
0x312: {  	_ =	swait.ge [sflag:s9], $0x4000  }
0x313: {  	[sflag:s9] =	ssyncset.done $0x0  }
0x314: {  	[sflag:s9] =	ssyncadd.s32 $0xFFFFC000  }
0x315: {  	[hbm4b:s31+s2] =	stream.linear.scatter [tilespmem:s6], [sflag:$0x3], $0x4000, $0x38;
	[tilespmem:$0x9400] =	vst v63  }
0x316: {  	_ =	swait.ge [sflag:s3], $0x4000  }
0x317: {  	s1 =	sld [smem:$0x7EC]  }
0x318: {  	[sflag:s3] =	ssyncset.done $0x0  }
0x319: {  	[sflag:s3] =	ssyncadd.s32 $0xFFFFC000  }
0x31a: {  	[tilespmem:s6], [sflag:$0x1] =	stream.indirect.gather [hbm4b:s4+s8], $0x80, s1, s8, $0xb8;
	[tilespmem:$0x9400] =	vst v63  }
0x31b: {  	_ =	swait.ge [sflag:s7], $0x4000  }
0x31c: {  	[sflag:s7] =	ssyncset.done $0x0  }
0x31d: {  	s31 =	rddreg [dreg:$0x3];
	[sflag:s7] =	ssyncadd.s32 $0xFFFFC000  }
0x31e: {  	[hbm4b:s31+s2] =	stream.linear.scatter [tilespmem:s5], [sflag:$0x3], $0x4000, $0x38;
	[tilespmem:$0x9400] =	vst v63  }
0x31f: {  	_ =	swait.ge [sflag:s3], $0x4000  }
0x320: {  	s1 =	sld [smem:$0x7ED]  }
0x321: {  	[sflag:s3] =	ssyncset.done $0x0  }
0x322: {  	[sflag:s3] =	ssyncadd.s32 $0xFFFFC000  }
0x323: {  	[tilespmem:s5], [sflag:$0x2] =	stream.indirect.gather [hbm4b:s4+s8], $0x80, s1, s8, $0xb8;
	[tilespmem:$0x9400] =	vst v63  }
0x324: {  	_ =	swait.ge [sflag:s9], $0x4000  }
0x325: {  	[sflag:s9] =	ssyncset.done $0x0  }
0x326: {  	s31 =	rddreg [dreg:$0x4];
	[sflag:s9] =	ssyncadd.s32 $0xFFFFC000  }
0x327: {  	[hbm4b:s31+s2] =	stream.linear.scatter [tilespmem:s6], [sflag:$0x3], $0x4000, $0x38;
	[tilespmem:$0x9400] =	vst v63  }
0x328: {  	_ =	swait.ge [sflag:s3], $0x4000  }
0x329: {  	s1 =	sld [smem:$0x7EE]  }
0x32a: {  	[sflag:s3] =	ssyncset.done $0x0  }
0x32b: {  	[sflag:s3] =	ssyncadd.s32 $0xFFFFC000  }
0x32c: {  	[tilespmem:s6], [sflag:$0x1] =	stream.indirect.gather [hbm4b:s4+s8], $0x80, s1, s8, $0xb8;
	[tilespmem:$0x9400] =	vst v63  }
0x32d: {  	_ =	swait.ge [sflag:s7], $0x4000  }
0x32e: {  	[sflag:s7] =	ssyncset.done $0x0  }
0x32f: {  	s31 =	rddreg [dreg:$0x5];
	[sflag:s7] =	ssyncadd.s32 $0xFFFFC000  }
0x330: {  	[hbm4b:s31+s2] =	stream.linear.scatter [tilespmem:s5], [sflag:$0x3], $0x4000, $0x38;
	[tilespmem:$0x9400] =	vst v63  }
0x331: {  	_ =	swait.ge [sflag:s3], $0x4000  }
0x332: {  	s1 =	sld [smem:$0x7EF]  }
0x333: {  	[sflag:s3] =	ssyncset.done $0x0  }
0x334: {  	[sflag:s3] =	ssyncadd.s32 $0xFFFFC000  }
0x335: {  	[tilespmem:s5], [sflag:$0x2] =	stream.indirect.gather [hbm4b:s4+s8], $0x80, s1, s8, $0xb8;
	[tilespmem:$0x9400] =	vst v63  }
0x336: {  	_ =	swait.ge [sflag:s9], $0x4000  }
0x337: {  	[sflag:s9] =	ssyncset.done $0x0  }
0x338: {  	s31 =	rddreg [dreg:$0x6];
	[sflag:s9] =	ssyncadd.s32 $0xFFFFC000  }
0x339: {  	[hbm4b:s31+s2] =	stream.linear.scatter [tilespmem:s6], [sflag:$0x3], $0x4000, $0x38;
	[tilespmem:$0x9400] =	vst v63  }
0x33a: {  	_ =	swait.ge [sflag:s3], $0x4000  }
0x33b: {  	s1 =	sld [smem:$0x7F0]  }
0x33c: {  	[sflag:s3] =	ssyncset.done $0x0  }
0x33d: {  	[sflag:s3] =	ssyncadd.s32 $0xFFFFC000  }
0x33e: {  	[tilespmem:s6], [sflag:$0x1] =	stream.indirect.gather [hbm4b:s4+s8], $0x80, s1, s8, $0xb8;
	[tilespmem:$0x9400] =	vst v63  }
0x33f: {  	_ =	swait.ge [sflag:s7], $0x4000  }
0x340: {  	[sflag:s7] =	ssyncset.done $0x0  }
0x341: {  	s31 =	rddreg [dreg:$0x7];
	[sflag:s7] =	ssyncadd.s32 $0xFFFFC000  }
0x342: {  	[hbm4b:s31+s2] =	stream.linear.scatter [tilespmem:s5], [sflag:$0x3], $0x4000, $0x38;
	[tilespmem:$0x9400] =	vst v63  }
0x343: {  	_ =	swait.ge [sflag:s3], $0x4000  }
0x344: {  	s1 =	sld [smem:$0x7F1]  }
0x345: {  	[sflag:s3] =	ssyncset.done $0x0  }
0x346: {  	[sflag:s3] =	ssyncadd.s32 $0xFFFFC000  }
0x347: {  	[tilespmem:s5], [sflag:$0x2] =	stream.indirect.gather [hbm4b:s4+s8], $0x80, s1, s8, $0xb8;
	[tilespmem:$0x9400] =	vst v63  }
0x348: {  	_ =	swait.ge [sflag:s9], $0x4000  }
0x349: {  	[sflag:s9] =	ssyncset.done $0x0  }
0x34a: {  	s31 =	rddreg [dreg:$0x8];
	[sflag:s9] =	ssyncadd.s32 $0xFFFFC000  }
0x34b: {  	[hbm4b:s31+s2] =	stream.linear.scatter [tilespmem:s6], [sflag:$0x3], $0x4000, $0x38;
	[tilespmem:$0x9400] =	vst v63  }
0x34c: {  	_ =	swait.ge [sflag:s3], $0x4000  }
0x34d: {  	s1 =	sld [smem:$0x7F2]  }
0x34e: {  	[sflag:s3] =	ssyncset.done $0x0  }
0x34f: {  	[sflag:s3] =	ssyncadd.s32 $0xFFFFC000  }
0x350: {  	[tilespmem:s6], [sflag:$0x1] =	stream.indirect.gather [hbm4b:s4+s8], $0x80, s1, s8, $0xb8;
	[tilespmem:$0x9400] =	vst v63  }
0x351: {  	_ =	swait.ge [sflag:s7], $0x4000  }
0x352: {  	[sflag:s7] =	ssyncset.done $0x0  }
0x353: {  	s31 =	rddreg [dreg:$0x9];
	[sflag:s7] =	ssyncadd.s32 $0xFFFFC000  }
0x354: {  	[hbm4b:s31+s2] =	stream.linear.scatter [tilespmem:s5], [sflag:$0x3], $0x4000, $0x38;
	[tilespmem:$0x9400] =	vst v63  }
0x355: {  	_ =	swait.ge [sflag:s3], $0x4000  }
0x356: {  	s1 =	sld [smem:$0x7F3]  }
0x357: {  	[sflag:s3] =	ssyncset.done $0x0  }
0x358: {  	[sflag:s3] =	ssyncadd.s32 $0xFFFFC000  }
0x359: {  	[tilespmem:s5], [sflag:$0x2] =	stream.indirect.gather [hbm4b:s4+s8], $0x80, s1, s8, $0xb8;
	[tilespmem:$0x9400] =	vst v63  }
0x35a: {  	_ =	swait.ge [sflag:s9], $0x4000  }
0x35b: {  	[sflag:s9] =	ssyncset.done $0x0  }
0x35c: {  	s31 =	rddreg [dreg:$0xa];
	[sflag:s9] =	ssyncadd.s32 $0xFFFFC000  }
0x35d: {  	[hbm4b:s31+s2] =	stream.linear.scatter [tilespmem:s6], [sflag:$0x3], $0x4000, $0x38;
	[tilespmem:$0x9400] =	vst v63  }
0x35e: {  	_ =	swait.ge [sflag:s3], $0x4000  }
0x35f: {  	s1 =	sld [smem:$0x7F4]  }
0x360: {  	[sflag:s3] =	ssyncset.done $0x0  }
0x361: {  	[sflag:s3] =	ssyncadd.s32 $0xFFFFC000  }
0x362: {  	[tilespmem:s6], [sflag:$0x1] =	stream.indirect.gather [hbm4b:s4+s8], $0x80, s1, s8, $0xb8;
	[tilespmem:$0x9400] =	vst v63  }
0x363: {  	_ =	swait.ge [sflag:s7], $0x4000  }
0x364: {  	[sflag:s7] =	ssyncset.done $0x0  }
0x365: {  	s31 =	rddreg [dreg:$0xb];
	[sflag:s7] =	ssyncadd.s32 $0xFFFFC000  }
0x366: {  	[hbm4b:s31+s2] =	stream.linear.scatter [tilespmem:s5], [sflag:$0x3], $0x4000, $0x38;
	[tilespmem:$0x9400] =	vst v63  }
0x367: {  	_ =	swait.ge [sflag:s3], $0x4000  }
0x368: {  	s1 =	sld [smem:$0x7F5]  }
0x369: {  	[sflag:s3] =	ssyncset.done $0x0  }
0x36a: {  	[sflag:s3] =	ssyncadd.s32 $0xFFFFC000  }
0x36b: {  	[tilespmem:s5], [sflag:$0x2] =	stream.indirect.gather [hbm4b:s4+s8], $0x80, s1, s8, $0xb8;
	[tilespmem:$0x9400] =	vst v63  }
0x36c: {  	_ =	swait.ge [sflag:s9], $0x4000  }
0x36d: {  	[sflag:s9] =	ssyncset.done $0x0  }
0x36e: {  	s31 =	rddreg [dreg:$0xc];
	[sflag:s9] =	ssyncadd.s32 $0xFFFFC000  }
0x36f: {  	[hbm4b:s31+s2] =	stream.linear.scatter [tilespmem:s6], [sflag:$0x3], $0x4000, $0x38;
	[tilespmem:$0x9400] =	vst v63  }
0x370: {  	_ =	swait.ge [sflag:s3], $0x4000  }
0x371: {  	s1 =	sld [smem:$0x7F6]  }
0x372: {  	[sflag:s3] =	ssyncset.done $0x0  }
0x373: {  	[sflag:s3] =	ssyncadd.s32 $0xFFFFC000  }
0x374: {  	[tilespmem:s6], [sflag:$0x1] =	stream.indirect.gather [hbm4b:s4+s8], $0x80, s1, s8, $0xb8;
	[tilespmem:$0x9400] =	vst v63  }
0x375: {  	_ =	swait.ge [sflag:s7], $0x4000  }
0x376: {  	[sflag:s7] =	ssyncset.done $0x0  }
0x377: {  	s31 =	rddreg [dreg:$0xd];
	[sflag:s7] =	ssyncadd.s32 $0xFFFFC000  }
0x378: {  	[hbm4b:s31+s2] =	stream.linear.scatter [tilespmem:s5], [sflag:$0x3], $0x4000, $0x38;
	[tilespmem:$0x9400] =	vst v63  }
0x379: {  	_ =	swait.ge [sflag:s3], $0x4000  }
0x37a: {  	s1 =	sld [smem:$0x7F7]  }
0x37b: {  	[sflag:s3] =	ssyncset.done $0x0  }
0x37c: {  	[sflag:s3] =	ssyncadd.s32 $0xFFFFC000  }
0x37d: {  	[tilespmem:s5], [sflag:$0x2] =	stream.indirect.gather [hbm4b:s4+s8], $0x80, s1, s8, $0xb8;
	[tilespmem:$0x9400] =	vst v63  }
0x37e: {  	_ =	swait.ge [sflag:s9], $0x4000  }
0x37f: {  	[sflag:s9] =	ssyncset.done $0x0  }
0x380: {  	s31 =	rddreg [dreg:$0xe];
	[sflag:s9] =	ssyncadd.s32 $0xFFFFC000  }
0x381: {  	[hbm4b:s31+s2] =	stream.linear.scatter [tilespmem:s6], [sflag:$0x3], $0x4000, $0x38;
	[tilespmem:$0x9400] =	vst v63  }
0x382: {  	_ =	swait.ge [sflag:s3], $0x4000  }
0x383: {  	s1 =	sld [smem:$0x7F8]  }
0x384: {  	[sflag:s3] =	ssyncset.done $0x0  }
0x385: {  	[sflag:s3] =	ssyncadd.s32 $0xFFFFC000  }
0x386: {  	[tilespmem:s6], [sflag:$0x1] =	stream.indirect.gather [hbm4b:s4+s8], $0x80, s1, s8, $0xb8;
	[tilespmem:$0x9400] =	vst v63  }
0x387: {  	_ =	swait.ge [sflag:s7], $0x4000  }
0x388: {  	[sflag:s7] =	ssyncset.done $0x0  }
0x389: {  	s31 =	rddreg [dreg:$0xf];
	[sflag:s7] =	ssyncadd.s32 $0xFFFFC000  }
0x38a: {  	[hbm4b:s31+s2] =	stream.linear.scatter [tilespmem:s5], [sflag:$0x3], $0x4000, $0x38;
	[tilespmem:$0x9400] =	vst v63  }
0x38b: {  	_ =	swait.ge [sflag:s3], $0x4000  }
0x38c: {  	s1 =	sld [smem:$0x7F9]  }
0x38d: {  	[sflag:s3] =	ssyncset.done $0x0  }
0x38e: {  	[sflag:s3] =	ssyncadd.s32 $0xFFFFC000  }
0x38f: {  	[tilespmem:s5], [sflag:$0x2] =	stream.indirect.gather [hbm4b:s4+s8], $0x80, s1, s8, $0xb8;
	[tilespmem:$0x9400] =	vst v63  }
0x390: {  	_ =	swait.ge [sflag:s9], $0x4000  }
0x391: {  	[sflag:s9] =	ssyncset.done $0x0  }
0x392: {  	s31 =	rddreg [dreg:$0x10];
	[sflag:s9] =	ssyncadd.s32 $0xFFFFC000  }
0x393: {  	[hbm4b:s31+s2] =	stream.linear.scatter [tilespmem:s6], [sflag:$0x3], $0x4000, $0x38;
	[tilespmem:$0x9400] =	vst v63  }
0x394: {  	_ =	swait.ge [sflag:s3], $0x4000  }
0x395: {  	s1 =	sld [smem:$0x7FA]  }
0x396: {  	[sflag:s3] =	ssyncset.done $0x0  }
0x397: {  	[sflag:s3] =	ssyncadd.s32 $0xFFFFC000  }
0x398: {  	[tilespmem:s6], [sflag:$0x1] =	stream.indirect.gather [hbm4b:s4+s8], $0x80, s1, s8, $0xb8;
	[tilespmem:$0x9400] =	vst v63  }
0x399: {  	_ =	swait.ge [sflag:s7], $0x4000  }
0x39a: {  	[sflag:s7] =	ssyncset.done $0x0  }
0x39b: {  	s31 =	rddreg [dreg:$0x11];
	[sflag:s7] =	ssyncadd.s32 $0xFFFFC000  }
0x39c: {  	[hbm4b:s31+s2] =	stream.linear.scatter [tilespmem:s5], [sflag:$0x3], $0x4000, $0x38;
	[tilespmem:$0x9400] =	vst v63  }
0x39d: {  	_ =	swait.ge [sflag:s3], $0x4000  }
0x39e: {  	s1 =	sld [smem:$0x7FB]  }
0x39f: {  	[sflag:s3] =	ssyncset.done $0x0  }
0x3a0: {  	[sflag:s3] =	ssyncadd.s32 $0xFFFFC000  }
0x3a1: {  	[tilespmem:s5], [sflag:$0x2] =	stream.indirect.gather [hbm4b:s4+s8], $0x80, s1, s8, $0xb8;
	[tilespmem:$0x9400] =	vst v63  }
0x3a2: {  	_ =	swait.ge [sflag:s9], $0x4000  }
0x3a3: {  	[sflag:s9] =	ssyncset.done $0x0  }
0x3a4: {  	s31 =	rddreg [dreg:$0x12];
	[sflag:s9] =	ssyncadd.s32 $0xFFFFC000  }
0x3a5: {  	[hbm4b:s31+s2] =	stream.linear.scatter [tilespmem:s6], [sflag:$0x3], $0x4000, $0x38;
	[tilespmem:$0x9400] =	vst v63  }
0x3a6: {  	_ =	swait.ge [sflag:s3], $0x4000  }
0x3a7: {  	s1 =	sld [smem:$0x7FC]  }
0x3a8: {  	[sflag:s3] =	ssyncset.done $0x0  }
0x3a9: {  	[sflag:s3] =	ssyncadd.s32 $0xFFFFC000  }
0x3aa: {  	[tilespmem:s6], [sflag:$0x1] =	stream.indirect.gather [hbm4b:s4+s8], $0x80, s1, s8, $0xb8;
	[tilespmem:$0x9400] =	vst v63  }
0x3ab: {  	_ =	swait.ge [sflag:s7], $0x4000  }
0x3ac: {  	[sflag:s7] =	ssyncset.done $0x0  }
0x3ad: {  	s31 =	rddreg [dreg:$0x13];
	[sflag:s7] =	ssyncadd.s32 $0xFFFFC000  }
0x3ae: {  	[hbm4b:s31+s2] =	stream.linear.scatter [tilespmem:s5], [sflag:$0x3], $0x4000, $0x38;
	[tilespmem:$0x9400] =	vst v63  }
0x3af: {  	_ =	swait.ge [sflag:s3], $0x4000  }
0x3b0: {  	s1 =	sld [smem:$0x7FD]  }
0x3b1: {  	[sflag:s3] =	ssyncset.done $0x0  }
0x3b2: {  	[sflag:s3] =	ssyncadd.s32 $0xFFFFC000  }
0x3b3: {  	[tilespmem:s5], [sflag:$0x2] =	stream.indirect.gather [hbm4b:s4+s8], $0x80, s1, s8, $0xb8;
	[tilespmem:$0x9400] =	vst v63  }
0x3b4: {  	_ =	swait.ge [sflag:s9], $0x4000  }
0x3b5: {  	[sflag:s9] =	ssyncset.done $0x0  }
0x3b6: {  	s31 =	rddreg [dreg:$0x14];
	[sflag:s9] =	ssyncadd.s32 $0xFFFFC000  }
0x3b7: {  	[hbm4b:s31+s2] =	stream.linear.scatter [tilespmem:s6], [sflag:$0x3], $0x4000, $0x38;
	[tilespmem:$0x9400] =	vst v63  }
0x3b8: {  	_ =	swait.ge [sflag:s3], $0x4000  }
0x3b9: {  	[sflag:s3] =	ssyncset.done $0x0  }
0x3ba: {  	[sflag:s3] =	ssyncadd.s32 $0xFFFFC000  }
0x3bb: {  	[tilespmem:s6], [sflag:$0x1] =	stream.indirect.gather [hbm4b:s4+s8], $0x80, s30, s8, $0xb8;
	[tilespmem:$0x9400] =	vst v63  }
0x3bc: {  	_ =	swait.ge [sflag:s7], $0x4000  }
0x3bd: {  	[sflag:s7] =	ssyncset.done $0x0  }
0x3be: {  	s1 =	rddreg [dreg:$0x15];
	[sflag:s7] =	ssyncadd.s32 $0xFFFFC000  }
0x3bf: {  	[hbm4b:s1+s2] =	stream.linear.scatter [tilespmem:s5], [sflag:$0x3], $0x4000, $0x38;
	[tilespmem:$0x9400] =	vst v63  }
0x3c0: {  	_ =	swait.ge [sflag:s3], $0x4000  }
0x3c1: {  	[sflag:s3] =	ssyncset.done $0x0  }
0x3c2: {  	[sflag:s3] =	ssyncadd.s32 $0xFFFFC000  }
0x3c3: {  	[tilespmem:s5], [sflag:$0x2] =	stream.indirect.gather [hbm4b:s4+s8], $0x80, s29, s8, $0xb8;
	[tilespmem:$0x9400] =	vst v63  }
0x3c4: {  	_ =	swait.ge [sflag:s9], $0x4000  }
0x3c5: {  	[sflag:s9] =	ssyncset.done $0x0  }
0x3c6: {  	s30 =	rddreg [dreg:$0x16];
	[sflag:s9] =	ssyncadd.s32 $0xFFFFC000  }
0x3c7: {  	[hbm4b:s30+s2] =	stream.linear.scatter [tilespmem:s6], [sflag:$0x3], $0x4000, $0x38;
	[tilespmem:$0x9400] =	vst v63  }
0x3c8: {  	_ =	swait.ge [sflag:s3], $0x4000  }
0x3c9: {  	[sflag:s3] =	ssyncset.done $0x0  }
0x3ca: {  	[sflag:s3] =	ssyncadd.s32 $0xFFFFC000  }
0x3cb: {  	[tilespmem:s6], [sflag:$0x1] =	stream.indirect.gather [hbm4b:s4+s8], $0x80, s28, s8, $0xb8;
	[tilespmem:$0x9400] =	vst v63  }
0x3cc: {  	_ =	swait.ge [sflag:s7], $0x4000  }
0x3cd: {  	[sflag:s7] =	ssyncset.done $0x0  }
0x3ce: {  	s31 =	rddreg [dreg:$0x17];
	[sflag:s7] =	ssyncadd.s32 $0xFFFFC000  }
0x3cf: {  	[hbm4b:s31+s2] =	stream.linear.scatter [tilespmem:s5], [sflag:$0x3], $0x4000, $0x38;
	[tilespmem:$0x9400] =	vst v63  }
0x3d0: {  	_ =	swait.ge [sflag:s3], $0x4000  }
0x3d1: {  	[sflag:s3] =	ssyncset.done $0x0  }
0x3d2: {  	[sflag:s3] =	ssyncadd.s32 $0xFFFFC000  }
0x3d3: {  	[tilespmem:s5], [sflag:$0x2] =	stream.indirect.gather [hbm4b:s4+s8], $0x80, s26, s8, $0xb8;
	[tilespmem:$0x9400] =	vst v63  }
0x3d4: {  	_ =	swait.ge [sflag:s9], $0x4000  }
0x3d5: {  	[sflag:s9] =	ssyncset.done $0x0  }
0x3d6: {  	s1 =	rddreg [dreg:$0x18];
	[sflag:s9] =	ssyncadd.s32 $0xFFFFC000  }
0x3d7: {  	[hbm4b:s1+s2] =	stream.linear.scatter [tilespmem:s6], [sflag:$0x3], $0x4000, $0x38;
	[tilespmem:$0x9400] =	vst v63  }
0x3d8: {  	_ =	swait.ge [sflag:s3], $0x4000  }
0x3d9: {  	[sflag:s3] =	ssyncset.done $0x0  }
0x3da: {  	[sflag:s3] =	ssyncadd.s32 $0xFFFFC000  }
0x3db: {  	[tilespmem:s6], [sflag:$0x1] =	stream.indirect.gather [hbm4b:s4+s8], $0x80, s25, s8, $0xb8;
	[tilespmem:$0x9400] =	vst v63  }
0x3dc: {  	_ =	swait.ge [sflag:s7], $0x4000  }
0x3dd: {  	[sflag:s7] =	ssyncset.done $0x0  }
0x3de: {  	s26 =	rddreg [dreg:$0x19];
	[sflag:s7] =	ssyncadd.s32 $0xFFFFC000  }
0x3df: {  	[hbm4b:s26+s2] =	stream.linear.scatter [tilespmem:s5], [sflag:$0x3], $0x4000, $0x38;
	[tilespmem:$0x9400] =	vst v63  }
0x3e0: {  	_ =	swait.ge [sflag:s3], $0x4000  }
0x3e1: {  	[sflag:s3] =	ssyncset.done $0x0  }
0x3e2: {  	[sflag:s3] =	ssyncadd.s32 $0xFFFFC000  }
0x3e3: {  	[tilespmem:s5], [sflag:$0x2] =	stream.indirect.gather [hbm4b:s4+s8], $0x80, s24, s8, $0xb8;
	[tilespmem:$0x9400] =	vst v63  }
0x3e4: {  	_ =	swait.ge [sflag:s9], $0x4000  }
0x3e5: {  	[sflag:s9] =	ssyncset.done $0x0  }
0x3e6: {  	s28 =	rddreg [dreg:$0x1a];
	[sflag:s9] =	ssyncadd.s32 $0xFFFFC000  }
0x3e7: {  	[hbm4b:s28+s2] =	stream.linear.scatter [tilespmem:s6], [sflag:$0x3], $0x4000, $0x38;
	[tilespmem:$0x9400] =	vst v63  }
0x3e8: {  	_ =	swait.ge [sflag:s3], $0x4000  }
0x3e9: {  	[sflag:s3] =	ssyncset.done $0x0  }
0x3ea: {  	[sflag:s3] =	ssyncadd.s32 $0xFFFFC000  }
0x3eb: {  	[tilespmem:s6], [sflag:$0x1] =	stream.indirect.gather [hbm4b:s4+s8], $0x80, s23, s8, $0xb8;
	[tilespmem:$0x9400] =	vst v63  }
0x3ec: {  	_ =	swait.ge [sflag:s7], $0x4000  }
0x3ed: {  	[sflag:s7] =	ssyncset.done $0x0  }
0x3ee: {  	s29 =	rddreg [dreg:$0x1b];
	[sflag:s7] =	ssyncadd.s32 $0xFFFFC000  }
0x3ef: {  	[hbm4b:s29+s2] =	stream.linear.scatter [tilespmem:s5], [sflag:$0x3], $0x4000, $0x38;
	[tilespmem:$0x9400] =	vst v63  }
0x3f0: {  	_ =	swait.ge [sflag:s3], $0x4000  }
0x3f1: {  	[sflag:s3] =	ssyncset.done $0x0  }
0x3f2: {  	[sflag:s3] =	ssyncadd.s32 $0xFFFFC000  }
0x3f3: {  	[tilespmem:s5], [sflag:$0x2] =	stream.indirect.gather [hbm4b:s4+s8], $0x80, s22, s8, $0xb8;
	[tilespmem:$0x9400] =	vst v63  }
0x3f4: {  	_ =	swait.ge [sflag:s9], $0x4000  }
0x3f5: {  	[sflag:s9] =	ssyncset.done $0x0  }
0x3f6: {  	s30 =	rddreg [dreg:$0x1c];
	[sflag:s9] =	ssyncadd.s32 $0xFFFFC000  }
0x3f7: {  	[hbm4b:s30+s2] =	stream.linear.scatter [tilespmem:s6], [sflag:$0x3], $0x4000, $0x38;
	[tilespmem:$0x9400] =	vst v63  }
0x3f8: {  	_ =	swait.ge [sflag:s3], $0x4000  }
0x3f9: {  	[sflag:s3] =	ssyncset.done $0x0  }
0x3fa: {  	[sflag:s3] =	ssyncadd.s32 $0xFFFFC000  }
0x3fb: {  	[tilespmem:s6], [sflag:$0x1] =	stream.indirect.gather [hbm4b:s4+s8], $0x80, s21, s8, $0xb8;
	[tilespmem:$0x9400] =	vst v63  }
0x3fc: {  	_ =	swait.ge [sflag:s7], $0x4000  }
0x3fd: {  	[sflag:s7] =	ssyncset.done $0x0  }
0x3fe: {  	s31 =	rddreg [dreg:$0x1d];
	[sflag:s7] =	ssyncadd.s32 $0xFFFFC000  }
0x3ff: {  	[hbm4b:s31+s2] =	stream.linear.scatter [tilespmem:s5], [sflag:$0x3], $0x4000, $0x38;
	[tilespmem:$0x9400] =	vst v63  }
0x400: {  	_ =	swait.ge [sflag:s3], $0x4000  }
0x401: {  	[sflag:s3] =	ssyncset.done $0x0  }
0x402: {  	[sflag:s3] =	ssyncadd.s32 $0xFFFFC000  }
0x403: {  	[tilespmem:s5], [sflag:$0x2] =	stream.indirect.gather [hbm4b:s4+s8], $0x80, s20, s8, $0xb8;
	[tilespmem:$0x9400] =	vst v63  }
0x404: {  	_ =	swait.ge [sflag:s9], $0x4000  }
0x405: {  	[sflag:s9] =	ssyncset.done $0x0  }
0x406: {  	s1 =	rddreg [dreg:$0x1e];
	[sflag:s9] =	ssyncadd.s32 $0xFFFFC000  }
0x407: {  	[hbm4b:s1+s2] =	stream.linear.scatter [tilespmem:s6], [sflag:$0x3], $0x4000, $0x38;
	[tilespmem:$0x9400] =	vst v63  }
0x408: {  	_ =	swait.ge [sflag:s3], $0x4000  }
0x409: {  	[sflag:s3] =	ssyncset.done $0x0  }
0x40a: {  	[sflag:s3] =	ssyncadd.s32 $0xFFFFC000  }
0x40b: {  	[tilespmem:s6], [sflag:$0x1] =	stream.indirect.gather [hbm4b:s4+s8], $0x80, s19, s8, $0xb8;
	[tilespmem:$0x9400] =	vst v63  }
0x40c: {  	_ =	swait.ge [sflag:s7], $0x4000  }
0x40d: {  	[sflag:s7] =	ssyncset.done $0x0  }
0x40e: {  	s19 =	rddreg [dreg:$0x1f];
	[sflag:s7] =	ssyncadd.s32 $0xFFFFC000  }
0x40f: {  	[hbm4b:s19+s2] =	stream.linear.scatter [tilespmem:s5], [sflag:$0x3], $0x4000, $0x38;
	[tilespmem:$0x9400] =	vst v63  }
0x410: {  	_ =	swait.ge [sflag:s3], $0x4000  }
0x411: {  	[sflag:s3] =	ssyncset.done $0x0  }
0x412: {  	[sflag:s3] =	ssyncadd.s32 $0xFFFFC000  }
0x413: {  	[tilespmem:s5], [sflag:$0x2] =	stream.indirect.gather [hbm4b:s4+s8], $0x80, s18, s8, $0xb8;
	[tilespmem:$0x9400] =	vst v63  }
0x414: {  	_ =	swait.ge [sflag:s9], $0x4000  }
0x415: {  	s20 =	sld [smem:$0x7E2]  }
0x416: {  	[sflag:s9] =	ssyncset.done $0x0  }
0x417: {  	[sflag:s9] =	ssyncadd.s32 $0xFFFFC000  }
0x418: {  	[hbm4b:s20+s2] =	stream.linear.scatter [tilespmem:s6], [sflag:$0x3], $0x4000, $0x38;
	[tilespmem:$0x9400] =	vst v63  }
0x419: {  	_ =	swait.ge [sflag:s3], $0x4000  }
0x41a: {  	[sflag:s3] =	ssyncset.done $0x0  }
0x41b: {  	[sflag:s3] =	ssyncadd.s32 $0xFFFFC000  }
0x41c: {  	[tilespmem:s6], [sflag:$0x1] =	stream.indirect.gather [hbm4b:s4+s8], $0x80, s17, s8, $0xb8;
	[tilespmem:$0x9400] =	vst v63  }
0x41d: {  	_ =	swait.ge [sflag:s7], $0x4000  }
0x41e: {  	s21 =	sld [smem:$0x7E3]  }
0x41f: {  	[sflag:s7] =	ssyncset.done $0x0  }
0x420: {  	[sflag:s7] =	ssyncadd.s32 $0xFFFFC000  }
0x421: {  	[hbm4b:s21+s2] =	stream.linear.scatter [tilespmem:s5], [sflag:$0x3], $0x4000, $0x38;
	[tilespmem:$0x9400] =	vst v63  }
0x422: {  	_ =	swait.ge [sflag:s3], $0x4000  }
0x423: {  	[sflag:s3] =	ssyncset.done $0x0  }
0x424: {  	[sflag:s3] =	ssyncadd.s32 $0xFFFFC000  }
0x425: {  	[tilespmem:s5], [sflag:$0x2] =	stream.indirect.gather [hbm4b:s4+s8], $0x80, s16, s8, $0xb8;
	[tilespmem:$0x9400] =	vst v63  }
0x426: {  	_ =	swait.ge [sflag:s9], $0x4000  }
0x427: {  	s22 =	sld [smem:$0x7E4]  }
0x428: {  	[sflag:s9] =	ssyncset.done $0x0  }
0x429: {  	[sflag:s9] =	ssyncadd.s32 $0xFFFFC000  }
0x42a: {  	[hbm4b:s22+s2] =	stream.linear.scatter [tilespmem:s6], [sflag:$0x3], $0x4000, $0x38;
	[tilespmem:$0x9400] =	vst v63  }
0x42b: {  	_ =	swait.ge [sflag:s3], $0x4000  }
0x42c: {  	[sflag:s3] =	ssyncset.done $0x0  }
0x42d: {  	[sflag:s3] =	ssyncadd.s32 $0xFFFFC000  }
0x42e: {  	[tilespmem:s6], [sflag:$0x1] =	stream.indirect.gather [hbm4b:s4+s8], $0x80, s15, s8, $0xb8;
	[tilespmem:$0x9400] =	vst v63  }
0x42f: {  	_ =	swait.ge [sflag:s7], $0x4000  }
0x430: {  	s23 =	sld [smem:$0x7E5]  }
0x431: {  	[sflag:s7] =	ssyncset.done $0x0  }
0x432: {  	[sflag:s7] =	ssyncadd.s32 $0xFFFFC000  }
0x433: {  	[hbm4b:s23+s2] =	stream.linear.scatter [tilespmem:s5], [sflag:$0x3], $0x4000, $0x38;
	[tilespmem:$0x9400] =	vst v63  }
0x434: {  	_ =	swait.ge [sflag:s3], $0x4000  }
0x435: {  	[sflag:s3] =	ssyncset.done $0x0  }
0x436: {  	[sflag:s3] =	ssyncadd.s32 $0xFFFFC000  }
0x437: {  	[tilespmem:s5], [sflag:$0x2] =	stream.indirect.gather [hbm4b:s4+s8], $0x80, s14, s8, $0xb8;
	[tilespmem:$0x9400] =	vst v63  }
0x438: {  	_ =	swait.ge [sflag:s9], $0x4000  }
0x439: {  	s24 =	sld [smem:$0x7E6]  }
0x43a: {  	[sflag:s9] =	ssyncset.done $0x0  }
0x43b: {  	[sflag:s9] =	ssyncadd.s32 $0xFFFFC000  }
0x43c: {  	[hbm4b:s24+s2] =	stream.linear.scatter [tilespmem:s6], [sflag:$0x3], $0x4000, $0x38;
	[tilespmem:$0x9400] =	vst v63  }
0x43d: {  	_ =	swait.ge [sflag:s3], $0x4000  }
0x43e: {  	[sflag:s3] =	ssyncset.done $0x0  }
0x43f: {  	[sflag:s3] =	ssyncadd.s32 $0xFFFFC000  }
0x440: {  	[tilespmem:s6], [sflag:$0x1] =	stream.indirect.gather [hbm4b:s4+s8], $0x80, s13, s8, $0xb8;
	[tilespmem:$0x9400] =	vst v63  }
0x441: {  	_ =	swait.ge [sflag:s7], $0x4000  }
0x442: {  	s25 =	sld [smem:$0x7E7]  }
0x443: {  	[sflag:s7] =	ssyncset.done $0x0  }
0x444: {  	[sflag:s7] =	ssyncadd.s32 $0xFFFFC000  }
0x445: {  	[hbm4b:s25+s2] =	stream.linear.scatter [tilespmem:s5], [sflag:$0x3], $0x4000, $0x38;
	[tilespmem:$0x9400] =	vst v63  }
0x446: {  	_ =	swait.ge [sflag:s3], $0x4000  }
0x447: {  	[sflag:s3] =	ssyncset.done $0x0  }
0x448: {  	[sflag:s3] =	ssyncadd.s32 $0xFFFFC000  }
0x449: {  	[tilespmem:s5], [sflag:$0x2] =	stream.indirect.gather [hbm4b:s4+s8], $0x80, s12, s8, $0xb8;
	[tilespmem:$0x9400] =	vst v63  }
0x44a: {  	_ =	swait.ge [sflag:s9], $0x4000  }
0x44b: {  	s26 =	sld [smem:$0x7E8]  }
0x44c: {  	[sflag:s9] =	ssyncset.done $0x0  }
0x44d: {  	[sflag:s9] =	ssyncadd.s32 $0xFFFFC000  }
0x44e: {  	[hbm4b:s26+s2] =	stream.linear.scatter [tilespmem:s6], [sflag:$0x3], $0x4000, $0x38;
	[tilespmem:$0x9400] =	vst v63  }
0x44f: {  	_ =	swait.ge [sflag:s3], $0x4000  }
0x450: {  	[sflag:s3] =	ssyncset.done $0x0  }
0x451: {  	[sflag:s3] =	ssyncadd.s32 $0xFFFFC000  }
0x452: {  	[tilespmem:s6], [sflag:$0x1] =	stream.indirect.gather [hbm4b:s4+s8], $0x80, s11, s8, $0xb8;
	[tilespmem:$0x9400] =	vst v63  }
0x453: {  	_ =	swait.ge [sflag:s7], $0x4000  }
0x454: {  	s28 =	sld [smem:$0x7E9]  }
0x455: {  	[sflag:s7] =	ssyncset.done $0x0  }
0x456: {  	[sflag:s7] =	ssyncadd.s32 $0xFFFFC000  }
0x457: {  	[hbm4b:s28+s2] =	stream.linear.scatter [tilespmem:s5], [sflag:$0x3], $0x4000, $0x38;
	[tilespmem:$0x9400] =	vst v63  }
0x458: {  	_ =	swait.ge [sflag:s3], $0x4000  }
0x459: {  	[sflag:s3] =	ssyncset.done $0x0  }
0x45a: {  	[sflag:s3] =	ssyncadd.s32 $0xFFFFC000  }
0x45b: {  	[tilespmem:s5], [sflag:$0x2] =	stream.indirect.gather [hbm4b:s4+s8], $0x80, s10, s8, $0xb8;
	[tilespmem:$0x9400] =	vst v63  }
0x45c: {  	_ =	swait.ge [sflag:s9], $0x4000  }
0x45d: {  	s29 =	sld [smem:$0x7EA]  }
0x45e: {  	[sflag:s9] =	ssyncset.done $0x0  }
0x45f: {  	[sflag:s9] =	ssyncadd.s32 $0xFFFFC000  }
0x460: {  	[hbm4b:s29+s2] =	stream.linear.scatter [tilespmem:s6], [sflag:$0x3], $0x4000, $0x38;
	[tilespmem:$0x9400] =	vst v63  }
0x461: {  	_ =	swait.ge [sflag:s3], $0x4000  }
0x462: {  	[sflag:s3] =	ssyncset.done $0x0  }
0x463: {  	[sflag:s3] =	ssyncadd.s32 $0xFFFFC000  }
0x464: {  	_ =	swait.ge [sflag:s7], $0x4000  }
0x465: {  	s30 =	sld [smem:$0x7EB]  }
0x466: {  	[sflag:s7] =	ssyncset.done $0x0  }
0x467: {  	[sflag:s7] =	ssyncadd.s32 $0xFFFFC000  }
0x468: {  	[hbm4b:s30+s2] =	stream.linear.scatter [tilespmem:s5], [sflag:$0x3], $0x4000, $0x38;
	[tilespmem:$0x9400] =	vst v63  }
0x469: {  	_ =	swait.ge [sflag:s3], $0x4000  }
0x46a: {  	[sflag:s3] =	ssyncset.done $0x0  }
0x46b: {  	[sflag:s3] =	ssyncadd.s32 $0xFFFFC000  }
0x46c: {  	_ =	sfence.sel $0x180000  }
0x46d: {  	[bflag:$0x0] =	sbarrier.arrive $0xFFFF  }
0x46e: {  	_ =	strace $0x9000004A  }
0x46f: {  	s31 =	stileid.u32;
	[bflag:$0x2] =	sbarrier.arrive $0xFFFF  }
0x470: {  	p0 =	sne.s32 s31, $0x0;
	s0 =	rddreg [dreg:$0x1]  }
0x471: {  	s0 =	sadd.s32 @!p0 $0x100000, s0  }
0x472: {  	[sflag:s0] =	ssyncadd.tile.s32 @!p0 $0x1;
	_ =	shalt  }
.Lfunc_end2:
_tile_overlayer_lowered:
.L_overlay_start_2:
0x473: {  	(tag) =	ssettag $0x2  }
0x474: {  	s0 =	rddreg [dreg:$0x0];
	s2 =	stileid.u32  }
0x475: {  	s1 =	rddreg [dreg:$0x1];
	p0 =	sne.s32 s2, $0x0  }
0x476: {  	s3 =	rddreg [dreg:$0x2];
	[bflag:$0x3] =	sbarrier.arrive $0xFFFF;
	s2 =	simm.s32 @!p0 $0x1C03  }
0x477: {  	[timem:s3], [sflag:s2] =	dma.local @!p0 [hbm:s0], s1  }
0x478: {  	s0 =	simm.s32 @!p0 $0x3  }
0x479: {  	_ =	swait.ge @!p0 [sflag:s0], s1  }
0x47a: {  	s1 =	ssub.s32 @!p0 $0x0, s1;
	[sflag:s0] =	ssyncset.done @!p0 $0x0  }
0x47b: {  	[sflag:s0] =	ssyncadd.s32 @!p0 s1  }
0x47c: {  	[bflag:$0x3] =	sbarrier.arrive $0xFFFF  }
0x47d: {  	_ =	shalt  }

</sc_bundles>
